<compile_context>
chip_gen: v7x
topology: tpu7x:2x2x1
jax: 0.10.2.dev20260603
libtpu: 0.0.44.dev20260713+nightly
codegen_flags: <defaults>
</compile_context>

<pallas_src>
import functools
import math

import jax
import jax.numpy as jnp
from jax import lax
from jax.experimental import pallas as pl
from jax.experimental.pallas import tpu as pltpu
from jax.experimental.pallas import tpu_sc as plsc

NS = 1
NR = 8
KR = 2
D_MODEL = 1024
D_FF = 1024
N_TOKENS = 2048

ROW_TILE = 256
N_TILES = 24
P_ROWS = N_TILES * ROW_TILE

NW = 32
TPW = N_TOKENS // NW
CHUNK = 16


def _routing_body(x_ref, c_ref, b_ref, s0_ref, s1_ref, g0_ref, g1_ref, tm_ref):
    x = x_ref[...]
    c = c_ref[...]
    n = x.shape[0]
    scores = jax.nn.sigmoid(
        jnp.dot(x, c.T, preferred_element_type=jnp.float32)) + b_ref[...]
    lane = lax.broadcasted_iota(jnp.int32, scores.shape, 1)
    valid = lane < NR
    neg = jnp.float32(-1e30)
    s = jnp.where(valid, scores, neg)
    m1 = jnp.max(s, axis=1, keepdims=True)
    idx1 = jnp.min(jnp.where(s == m1, lane, 99), axis=1, keepdims=True)
    sel1 = lane == idx1
    s2 = jnp.where(sel1, neg, s)
    m2 = jnp.max(s2, axis=1, keepdims=True)
    idx2 = jnp.min(jnp.where(s2 == m2, lane, 99), axis=1, keepdims=True)
    sel2 = lane == idx2
    denom = jnp.clip(m1 + m2, 1e-8, None)

    m = jnp.where(sel1 | sel2, 1.0, 0.0)
    r_i = lax.broadcasted_iota(jnp.int32, (n, n), 0)
    c_i = lax.broadcasted_iota(jnp.int32, (n, n), 1)
    ltri = jnp.where(c_i < r_i, 1.0, 0.0)
    pos = jnp.dot(ltri, m, preferred_element_type=jnp.float32)

    counts = jnp.sum(m, axis=0, keepdims=True)
    ctiles = jnp.floor((counts + float(ROW_TILE - 1)) / float(ROW_TILE))
    u_i = lax.broadcasted_iota(jnp.int32, (16, 16), 0)
    v_i = lax.broadcasted_iota(jnp.int32, (16, 16), 1)
    utri = jnp.where(u_i < v_i, 1.0, 0.0)
    ts = jnp.dot(ctiles, utri, preferred_element_type=jnp.float32)
    start_row = float(ROW_TILE) * ts

    srow = start_row + pos
    s0 = jnp.sum(jnp.where(sel1, srow, 0.0), axis=1, keepdims=True)
    s1 = jnp.sum(jnp.where(sel2, srow, 0.0), axis=1, keepdims=True)
    s0_ref[...] = s0.astype(jnp.int32)
    s1_ref[...] = s1.astype(jnp.int32)
    g0_ref[...] = jnp.broadcast_to(m1 / denom, (n, 16))
    g1_ref[...] = jnp.broadcast_to(m2 / denom, (n, 16))

    ident = jnp.where(u_i == v_i, 1.0, 0.0)
    ts_col = jnp.sum(jnp.broadcast_to(ts, (16, 16)) * ident, axis=1,
                     keepdims=True)
    ti = lax.broadcasted_iota(jnp.int32, (16, 64), 1).astype(jnp.float32)
    tm = jnp.sum(jnp.where(ti >= ts_col, 1.0, 0.0), axis=0, keepdims=True) - 1.0
    tm = jnp.clip(tm, 0.0, float(NR - 1))
    tile_i = lax.broadcasted_iota(jnp.int32, (1, 64), 1)
    tm_ref[...] = jnp.where(tile_i >= N_TILES, float(NR), tm).astype(jnp.int32)


def _routing(flat, c16, b16):
    n = flat.shape[0]
    return pl.pallas_call(
        _routing_body,
        out_shape=(
            jax.ShapeDtypeStruct((n, 1), jnp.int32),
            jax.ShapeDtypeStruct((n, 1), jnp.int32),
            jax.ShapeDtypeStruct((n, 16), jnp.float32),
            jax.ShapeDtypeStruct((n, 16), jnp.float32),
            jax.ShapeDtypeStruct((1, 64), jnp.int32),
        ),
    )(flat, c16, b16)


def _dispatch_body(flat_h, s0_h, s1_h, x_h, idx0, idx1, rows, sem0, sem1):
    wid = lax.axis_index("s") * 2 + lax.axis_index("c")
    base = wid * TPW
    pltpu.sync_copy(s0_h.at[wid], idx0)
    pltpu.sync_copy(s1_h.at[wid], idx1)
    pltpu.sync_copy(flat_h.at[pl.ds(base, TPW)], rows)
    a = pltpu.async_copy(rows, x_h.at[idx0], sem0)
    b = pltpu.async_copy(rows, x_h.at[idx1], sem1)
    a.wait()
    b.wait()


def _dispatch(flat, s0w, s1w):
    mesh = plsc.VectorSubcoreMesh(core_axis_name="c", subcore_axis_name="s")
    f = pl.kernel(
        _dispatch_body,
        out_type=jax.ShapeDtypeStruct((P_ROWS, D_MODEL), jnp.float32),
        mesh=mesh,
        scratch_types=[
            pltpu.VMEM((TPW,), jnp.int32),
            pltpu.VMEM((TPW,), jnp.int32),
            pltpu.VMEM((TPW, D_MODEL), jnp.float32),
            pltpu.SemaphoreType.DMA,
            pltpu.SemaphoreType.DMA,
        ],
    )
    return f(flat, s0w, s1w)


def _ffn_body(tm_ref, x_ref, w1_ref, b1_ref, w2_ref, b2_ref, y_ref, w1b, w2b):
    i = pl.program_id(0)
    new_exp = jnp.logical_or(i == 0,
                             tm_ref[i] != tm_ref[jnp.maximum(i - 1, 0)])

    @pl.when(new_exp)
    def _():
        w1b[...] = w1_ref[0].astype(jnp.bfloat16)
        w2b[...] = w2_ref[0].astype(jnp.bfloat16)

    x = x_ref[...]
    h = jnp.maximum(
        jnp.dot(x.astype(jnp.bfloat16), w1b[...],
                preferred_element_type=jnp.float32)
        + b1_ref[0, 0][None, :], 0.0)
    y_ref[...] = (jnp.dot(h.astype(jnp.bfloat16), w2b[...],
                          preferred_element_type=jnp.float32)
                  + b2_ref[0, 0][None, :])


def _grouped_ffn(tmap, x_sorted, w1, b1, w2, b2):
    grid_spec = pltpu.PrefetchScalarGridSpec(
        num_scalar_prefetch=1,
        grid=(N_TILES,),
        in_specs=[
            pl.BlockSpec((ROW_TILE, D_MODEL), lambda i, tm: (i, 0)),
            pl.BlockSpec((1, D_MODEL, D_FF), lambda i, tm: (tm[i], 0, 0)),
            pl.BlockSpec((1, 1, D_FF), lambda i, tm: (tm[i], 0, 0)),
            pl.BlockSpec((1, D_FF, D_MODEL), lambda i, tm: (tm[i], 0, 0)),
            pl.BlockSpec((1, 1, D_MODEL), lambda i, tm: (tm[i], 0, 0)),
        ],
        out_specs=pl.BlockSpec((ROW_TILE, D_MODEL), lambda i, tm: (i, 0)),
        scratch_shapes=[
            pltpu.VMEM((D_MODEL, D_FF), jnp.bfloat16),
            pltpu.VMEM((D_FF, D_MODEL), jnp.bfloat16),
        ],
    )
    return pl.pallas_call(
        _ffn_body,
        grid_spec=grid_spec,
        out_shape=jax.ShapeDtypeStruct((P_ROWS, D_MODEL), jnp.float32),
    )(tmap, x_sorted, w1, b1, w2, b2)


def _shared_body(x_ref, w1_ref, b1_ref, w2_ref, b2_ref, o_ref, w1b, w2b):
    i = pl.program_id(0)

    @pl.when(i == 0)
    def _():
        w1b[...] = w1_ref[...].astype(jnp.bfloat16)
        w2b[...] = w2_ref[...].astype(jnp.bfloat16)

    x = x_ref[...]
    h = jnp.maximum(
        jnp.dot(x.astype(jnp.bfloat16), w1b[...],
                preferred_element_type=jnp.float32)
        + b1_ref[...], 0.0)
    o_ref[...] = x + (jnp.dot(h.astype(jnp.bfloat16), w2b[...],
                              preferred_element_type=jnp.float32)
                      + b2_ref[...])


def _shared(flat, w1, b1, w2, b2):
    n = flat.shape[0]
    blk = n // 4
    return pl.pallas_call(
        _shared_body,
        grid=(4,),
        in_specs=[
            pl.BlockSpec((blk, D_MODEL), lambda i: (i, 0)),
            pl.BlockSpec((D_MODEL, D_FF), lambda i: (0, 0)),
            pl.BlockSpec((1, D_FF), lambda i: (0, 0)),
            pl.BlockSpec((D_FF, D_MODEL), lambda i: (0, 0)),
            pl.BlockSpec((1, D_MODEL), lambda i: (0, 0)),
        ],
        out_specs=pl.BlockSpec((blk, D_MODEL), lambda i: (i, 0)),
        out_shape=jax.ShapeDtypeStruct((n, D_MODEL), jnp.float32),
        scratch_shapes=[
            pltpu.VMEM((D_MODEL, D_FF), jnp.bfloat16),
            pltpu.VMEM((D_FF, D_MODEL), jnp.bfloat16),
        ],
    )(flat, w1, b1, w2, b2)


def _combine_body(y_h, sh_h, s0_h, s1_h, g0_h, g1_h, out_h,
                  idx0, idx1, gv0, gv1, ya, yb, acc, semg0, semg1,
                  semo0, semo1):
    wid = lax.axis_index("s") * 2 + lax.axis_index("c")
    base = wid * TPW
    nchunk = TPW // CHUNK
    semg = (semg0, semg1)
    semo = (semo0, semo1)
    pltpu.sync_copy(s0_h.at[wid], idx0)
    pltpu.sync_copy(s1_h.at[wid], idx1)
    pltpu.sync_copy(g0_h.at[pl.ds(base, TPW)], gv0)
    pltpu.sync_copy(g1_h.at[pl.ds(base, TPW)], gv1)

    def start(c, buf):
        off = c * CHUNK
        pltpu.async_copy(y_h.at[idx0.at[pl.ds(off, CHUNK)]], ya.at[buf],
                         semg[buf])
        pltpu.async_copy(y_h.at[idx1.at[pl.ds(off, CHUNK)]], yb.at[buf],
                         semg[buf])
        pltpu.async_copy(sh_h.at[pl.ds(base + off, CHUNK)],
                         acc.at[buf], semg[buf])

    def drain_gathers(buf):
        for _ in range(3):
            pltpu.make_async_copy(sh_h.at[pl.ds(base, CHUNK)], acc.at[buf],
                                  semg[buf]).wait()

    def drain_store(buf):
        pltpu.make_async_copy(acc.at[buf], out_h.at[pl.ds(base, CHUNK)],
                              semo[buf]).wait()

    start(0, 0)
    for c in range(nchunk):
        buf = c % 2
        if c + 1 < nchunk:
            if c >= 1:
                drain_store(1 - buf)
            start(c + 1, 1 - buf)
        drain_gathers(buf)
        coff = c * CHUNK

        @pl.loop(0, CHUNK)
        def _row(r):
            ra, rb, rc = ya.at[buf].at[r], yb.at[buf].at[r], acc.at[buf].at[r]
            g0s = gv0.at[coff + r][...]
            g1s = gv1.at[coff + r][...]

            @pl.loop(0, D_MODEL // 16, unroll=8)
            def _lane(i):
                sl = pl.ds(i * 16, 16)
                rc[sl] = rc[sl] + g0s * ra[sl] + g1s * rb[sl]

        pltpu.async_copy(acc.at[buf], out_h.at[pl.ds(base + c * CHUNK, CHUNK)],
                         semo[buf])
    drain_store((nchunk - 1) % 2)
    drain_store(nchunk % 2)


def _combine(y, sh, s0w, s1w, g0w, g1w):
    mesh = plsc.VectorSubcoreMesh(core_axis_name="c", subcore_axis_name="s")
    f = pl.kernel(
        _combine_body,
        out_type=jax.ShapeDtypeStruct((N_TOKENS, D_MODEL), jnp.float32),
        mesh=mesh,
        scratch_types=[
            pltpu.VMEM((TPW,), jnp.int32),
            pltpu.VMEM((TPW,), jnp.int32),
            pltpu.VMEM((TPW, 16), jnp.float32),
            pltpu.VMEM((TPW, 16), jnp.float32),
            pltpu.VMEM((2, CHUNK, D_MODEL), jnp.float32),
            pltpu.VMEM((2, CHUNK, D_MODEL), jnp.float32),
            pltpu.VMEM((2, CHUNK, D_MODEL), jnp.float32),
            pltpu.SemaphoreType.DMA,
            pltpu.SemaphoreType.DMA,
            pltpu.SemaphoreType.DMA,
            pltpu.SemaphoreType.DMA,
        ],
    )
    return f(y, sh, s0w, s1w, g0w, g1w)


def kernel(u, centroids, bias, shared_W1, shared_b1, shared_W2, shared_b2,
           routed_W1, routed_b1, routed_W2, routed_b2):
    Bq, Sq, D = u.shape
    flat = u.reshape(-1, D)
    n = flat.shape[0]

    c16 = jnp.zeros((16, D), jnp.float32).at[:NR].set(centroids)
    b16 = jnp.zeros((1, 16), jnp.float32).at[0, :NR].set(bias)

    s0, s1, g0, g1, tmap = _routing(flat, c16, b16)
    s0w = s0.reshape(NW, TPW)
    s1w = s1.reshape(NW, TPW)

    x_sorted = _dispatch(flat, s0w, s1w)

    y = _grouped_ffn(tmap.reshape(64), x_sorted,
                     routed_W1, routed_b1.reshape(NR, 1, D_FF),
                     routed_W2, routed_b2.reshape(NR, 1, D_MODEL))

    sh = _shared(flat, shared_W1[0], shared_b1.reshape(1, D_FF),
                 shared_W2[0], shared_b2.reshape(1, D_MODEL))

    out = _combine(y, sh, s0w, s1w, g0, g1)
    return out.reshape(Bq, Sq, D)

# --- scband reference (transcript-rebuilt; emitter-appended) ---
"""Pipeline reference for scband-deep-seek-mo-e-75771813036401 (READ-ONLY COPY).

The authoritative reference and input builder live on the scoring server;
editing this copy changes nothing except your own understanding.
"""

import jax, jax.numpy as jnp
import numpy as np
import math

NS = 1
NR = 8
KR = 2
D_MODEL = 1024
D_FF = 1024
B, S = 1, 2048


def _ffn(x, W1, b1, W2, b2):
    # BasicFFN assumed: Linear(d_model->d_ff) -> ReLU -> Linear(d_ff->d_model)
    return jnp.maximum(x @ W1 + b1, 0.0) @ W2 + b2


def setup_inputs(seed: int = 0) -> dict:
    key = jax.random.key(seed)
    ks = [jax.random.fold_in(key, i) for i in range(12)]
    u = jax.random.normal(ks[0], (B, S, D_MODEL), dtype=jnp.float32)
    centroids = jax.random.normal(ks[1], (NR, D_MODEL), dtype=jnp.float32) / math.sqrt(D_MODEL)
    bias = jnp.zeros((NR,), dtype=jnp.float32)
    shared_W1 = jax.random.normal(ks[2], (NS, D_MODEL, D_FF), dtype=jnp.float32) * 0.02
    shared_b1 = jnp.zeros((NS, D_FF), dtype=jnp.float32)
    shared_W2 = jax.random.normal(ks[3], (NS, D_FF, D_MODEL), dtype=jnp.float32) * 0.02
    shared_b2 = jnp.zeros((NS, D_MODEL), dtype=jnp.float32)
    routed_W1 = jax.random.normal(ks[4], (NR, D_MODEL, D_FF), dtype=jnp.float32) * 0.02
    routed_b1 = jnp.zeros((NR, D_FF), dtype=jnp.float32)
    routed_W2 = jax.random.normal(ks[5], (NR, D_FF, D_MODEL), dtype=jnp.float32) * 0.02
    routed_b2 = jnp.zeros((NR, D_MODEL), dtype=jnp.float32)
    return {
        "u": u,
        "centroids": centroids,
        "bias": bias,
        "shared_W1": shared_W1,
        "shared_b1": shared_b1,
        "shared_W2": shared_W2,
        "shared_b2": shared_b2,
        "routed_W1": routed_W1,
        "routed_b1": routed_b1,
        "routed_W2": routed_W2,
        "routed_b2": routed_b2,
    }


def reference(u, centroids, bias, shared_W1, shared_b1, shared_W2, shared_b2,
              routed_W1, routed_b1, routed_W2, routed_b2):
    Bq, Sq, D = u.shape
    flat = u.reshape(-1, D)
    N = flat.shape[0]
    # shared experts (always-on)
    out = u
    for i in range(NS):
        out = out + _ffn(u, shared_W1[i], shared_b1[i], shared_W2[i], shared_b2[i])
    # routing scores (training=True path: add bias buffer)
    scores = jax.nn.sigmoid(flat @ centroids.T) + bias
    values, idx = jax.lax.top_k(scores, KR)
    idx = jnp.clip(idx, 0, NR - 1)
    # scatter gating values into dense [N, NR] gating matrix
    rows = jnp.arange(N)[:, None]
    gating = jnp.zeros_like(scores).at[rows, idx].set(values)
    gating_sum = jnp.clip(jnp.sum(gating, axis=-1, keepdims=True), 1e-8, None)
    gating = gating / gating_sum
    # routed experts: gating is exactly zero for non-selected experts, so the
    # dense per-expert compute is mathematically identical to the masked gather
    rout = jnp.zeros_like(flat)
    for j in range(NR):
        fo = _ffn(flat, routed_W1[j], routed_b1[j], routed_W2[j], routed_b2[j])
        rout = rout + fo * gating[:, j:j + 1]
    return out + rout.reshape(Bq, Sq, D)

if __name__ == "__main__":
    import jax
    _d = setup_inputs()
    print(jax.jit(kernel)(*tuple(_d.values())))

</pallas_src>

<mosaic_0001>
#map = affine_map<(d0, d1) -> (0, 0)>
module attributes {stable_mosaic.version = 14 : i64} {
  func.func @_combine_body(%arg0: i32, %arg1: i32, %arg2: memref<6144x1024xf32, #tpu.memory_space<hbm>>, %arg3: memref<2048x1024xf32, #tpu.memory_space<hbm>>, %arg4: memref<32x64xi32, #tpu.memory_space<hbm>>, %arg5: memref<32x64xi32, #tpu.memory_space<hbm>>, %arg6: memref<2048x16xf32, #tpu.memory_space<hbm>>, %arg7: memref<2048x16xf32, #tpu.memory_space<hbm>>, %arg8: memref<2048x1024xf32, #tpu.memory_space<hbm>>, %arg9: memref<64xi32, #tpu.memory_space<vmem>>, %arg10: memref<64xi32, #tpu.memory_space<vmem>>, %arg11: memref<64x16xf32, #tpu.memory_space<vmem>>, %arg12: memref<64x16xf32, #tpu.memory_space<vmem>>, %arg13: memref<2x16x1024xf32, #tpu.memory_space<vmem>>, %arg14: memref<2x16x1024xf32, #tpu.memory_space<vmem>>, %arg15: memref<2x16x1024xf32, #tpu.memory_space<vmem>>, %arg16: memref<!tpu.dma_semaphore, #tpu.memory_space<semaphore_mem>>, %arg17: memref<!tpu.dma_semaphore, #tpu.memory_space<semaphore_mem>>, %arg18: memref<!tpu.dma_semaphore, #tpu.memory_space<semaphore_mem>>, %arg19: memref<!tpu.dma_semaphore, #tpu.memory_space<semaphore_mem>>) attributes {dimension_semantics = [#tpu.dimension_semantics<core_parallel>, #tpu.dimension_semantics<subcore_parallel>], iteration_bounds = array<i64: 2, 16>, scalar_prefetch = 0 : i64, scratch_operands = 11 : i64, tpu.core_type = #tpu.core_type<sc_vector_subcore>, window_params = [{transform_indices = #map}, {transform_indices = #map}, {transform_indices = #map}, {transform_indices = #map}, {transform_indices = #map}, {transform_indices = #map}, {transform_indices = #map}]} {
    %mul3A = arith.constant 2 : i32
    %mul3A_0 = arith.muli %arg1, %mul3A : i32
    %add3A = arith.addi %mul3A_0, %arg0 : i32
    %mul3A_1 = arith.constant 64 : i32
    %mul3A_2 = arith.muli %add3A, %mul3A_1 : i32
    "tpu.region"() ({
      %run_scoped3A = tpu.sem_alloc : memref<!tpu.dma_semaphore, #tpu.memory_space<semaphore_mem>>
      %dma_start3A_428 = arith.constant 0 : i32
      %dma_start3A_429 = tpu.memref_slice %arg4[%add3A, %dma_start3A_428] : memref<32x64xi32, #tpu.memory_space<hbm>> -> memref<1x64xi32, #tpu.memory_space<hbm>>
      %dma_start3A_430 = tpu.memref_squeeze %dma_start3A_429 : memref<1x64xi32, #tpu.memory_space<hbm>> -> memref<64xi32, #tpu.memory_space<hbm>>
      %dma_start3A_431 = arith.constant 0 : i32
      %dma_start3A_432 = tpu.memref_slice %arg4[%add3A, %dma_start3A_431] : memref<32x64xi32, #tpu.memory_space<hbm>> -> memref<1x64xi32, #tpu.memory_space<hbm>>
      %dma_start3A_433 = tpu.memref_squeeze %dma_start3A_432 : memref<1x64xi32, #tpu.memory_space<hbm>> -> memref<64xi32, #tpu.memory_space<hbm>>
      tpu.enqueue_dma source(%dma_start3A_433 : memref<64xi32, #tpu.memory_space<hbm>>) target(%arg9 : memref<64xi32, #tpu.memory_space<vmem>>) target_semaphore(%run_scoped3A : memref<!tpu.dma_semaphore, #tpu.memory_space<semaphore_mem>>)
      %dma_wait3A_434 = arith.constant 0 : i32
      %dma_wait3A_435 = tpu.memref_slice %arg4[%add3A, %dma_wait3A_434] : memref<32x64xi32, #tpu.memory_space<hbm>> -> memref<1x64xi32, #tpu.memory_space<hbm>>
      %dma_wait3A_436 = tpu.memref_squeeze %dma_wait3A_435 : memref<1x64xi32, #tpu.memory_space<hbm>> -> memref<64xi32, #tpu.memory_space<hbm>>
      %dma_wait3A_437 = arith.constant 0 : i32
      %dma_wait3A_438 = tpu.memref_slice %arg4[%add3A, %dma_wait3A_437] : memref<32x64xi32, #tpu.memory_space<hbm>> -> memref<1x64xi32, #tpu.memory_space<hbm>>
      %dma_wait3A_439 = tpu.memref_squeeze %dma_wait3A_438 : memref<1x64xi32, #tpu.memory_space<hbm>> -> memref<64xi32, #tpu.memory_space<hbm>>
      tpu.wait_dma2 semaphore(%run_scoped3A : memref<!tpu.dma_semaphore, #tpu.memory_space<semaphore_mem>>) src(%dma_wait3A_439 : memref<64xi32, #tpu.memory_space<hbm>>) dst(%arg9 : memref<64xi32, #tpu.memory_space<vmem>>)
      tpu.yield
    }) : () -> ()
    "tpu.region"() ({
      %run_scoped3A = tpu.sem_alloc : memref<!tpu.dma_semaphore, #tpu.memory_space<semaphore_mem>>
      %dma_start3A_428 = arith.constant 0 : i32
      %dma_start3A_429 = tpu.memref_slice %arg5[%add3A, %dma_start3A_428] : memref<32x64xi32, #tpu.memory_space<hbm>> -> memref<1x64xi32, #tpu.memory_space<hbm>>
      %dma_start3A_430 = tpu.memref_squeeze %dma_start3A_429 : memref<1x64xi32, #tpu.memory_space<hbm>> -> memref<64xi32, #tpu.memory_space<hbm>>
      %dma_start3A_431 = arith.constant 0 : i32
      %dma_start3A_432 = tpu.memref_slice %arg5[%add3A, %dma_start3A_431] : memref<32x64xi32, #tpu.memory_space<hbm>> -> memref<1x64xi32, #tpu.memory_space<hbm>>
      %dma_start3A_433 = tpu.memref_squeeze %dma_start3A_432 : memref<1x64xi32, #tpu.memory_space<hbm>> -> memref<64xi32, #tpu.memory_space<hbm>>
      tpu.enqueue_dma source(%dma_start3A_433 : memref<64xi32, #tpu.memory_space<hbm>>) target(%arg10 : memref<64xi32, #tpu.memory_space<vmem>>) target_semaphore(%run_scoped3A : memref<!tpu.dma_semaphore, #tpu.memory_space<semaphore_mem>>)
      %dma_wait3A_434 = arith.constant 0 : i32
      %dma_wait3A_435 = tpu.memref_slice %arg5[%add3A, %dma_wait3A_434] : memref<32x64xi32, #tpu.memory_space<hbm>> -> memref<1x64xi32, #tpu.memory_space<hbm>>
      %dma_wait3A_436 = tpu.memref_squeeze %dma_wait3A_435 : memref<1x64xi32, #tpu.memory_space<hbm>> -> memref<64xi32, #tpu.memory_space<hbm>>
      %dma_wait3A_437 = arith.constant 0 : i32
      %dma_wait3A_438 = tpu.memref_slice %arg5[%add3A, %dma_wait3A_437] : memref<32x64xi32, #tpu.memory_space<hbm>> -> memref<1x64xi32, #tpu.memory_space<hbm>>
      %dma_wait3A_439 = tpu.memref_squeeze %dma_wait3A_438 : memref<1x64xi32, #tpu.memory_space<hbm>> -> memref<64xi32, #tpu.memory_space<hbm>>
      tpu.wait_dma2 semaphore(%run_scoped3A : memref<!tpu.dma_semaphore, #tpu.memory_space<semaphore_mem>>) src(%dma_wait3A_439 : memref<64xi32, #tpu.memory_space<hbm>>) dst(%arg10 : memref<64xi32, #tpu.memory_space<vmem>>)
      tpu.yield
    }) : () -> ()
    "tpu.region"() ({
      %run_scoped3A = tpu.sem_alloc : memref<!tpu.dma_semaphore, #tpu.memory_space<semaphore_mem>>
      %dma_start3A_428 = arith.constant 0 : i32
      %dma_start3A_429 = tpu.memref_slice %arg6[%mul3A_2, %dma_start3A_428] : memref<2048x16xf32, #tpu.memory_space<hbm>> -> memref<64x16xf32, #tpu.memory_space<hbm>>
      %dma_start3A_430 = arith.constant 0 : i32
      %dma_start3A_431 = tpu.memref_slice %arg6[%mul3A_2, %dma_start3A_430] : memref<2048x16xf32, #tpu.memory_space<hbm>> -> memref<64x16xf32, #tpu.memory_space<hbm>>
      tpu.enqueue_dma source(%dma_start3A_431 : memref<64x16xf32, #tpu.memory_space<hbm>>) target(%arg11 : memref<64x16xf32, #tpu.memory_space<vmem>>) target_semaphore(%run_scoped3A : memref<!tpu.dma_semaphore, #tpu.memory_space<semaphore_mem>>)
      %dma_wait3A_432 = arith.constant 0 : i32
      %dma_wait3A_433 = tpu.memref_slice %arg6[%mul3A_2, %dma_wait3A_432] : memref<2048x16xf32, #tpu.memory_space<hbm>> -> memref<64x16xf32, #tpu.memory_space<hbm>>
      %dma_wait3A_434 = arith.constant 0 : i32
      %dma_wait3A_435 = tpu.memref_slice %arg6[%mul3A_2, %dma_wait3A_434] : memref<2048x16xf32, #tpu.memory_space<hbm>> -> memref<64x16xf32, #tpu.memory_space<hbm>>
      tpu.wait_dma2 semaphore(%run_scoped3A : memref<!tpu.dma_semaphore, #tpu.memory_space<semaphore_mem>>) src(%dma_wait3A_435 : memref<64x16xf32, #tpu.memory_space<hbm>>) dst(%arg11 : memref<64x16xf32, #tpu.memory_space<vmem>>)
      tpu.yield
    }) : () -> ()
    "tpu.region"() ({
      %run_scoped3A = tpu.sem_alloc : memref<!tpu.dma_semaphore, #tpu.memory_space<semaphore_mem>>
      %dma_start3A_428 = arith.constant 0 : i32
      %dma_start3A_429 = tpu.memref_slice %arg7[%mul3A_2, %dma_start3A_428] : memref<2048x16xf32, #tpu.memory_space<hbm>> -> memref<64x16xf32, #tpu.memory_space<hbm>>
      %dma_start3A_430 = arith.constant 0 : i32
      %dma_start3A_431 = tpu.memref_slice %arg7[%mul3A_2, %dma_start3A_430] : memref<2048x16xf32, #tpu.memory_space<hbm>> -> memref<64x16xf32, #tpu.memory_space<hbm>>
      tpu.enqueue_dma source(%dma_start3A_431 : memref<64x16xf32, #tpu.memory_space<hbm>>) target(%arg12 : memref<64x16xf32, #tpu.memory_space<vmem>>) target_semaphore(%run_scoped3A : memref<!tpu.dma_semaphore, #tpu.memory_space<semaphore_mem>>)
      %dma_wait3A_432 = arith.constant 0 : i32
      %dma_wait3A_433 = tpu.memref_slice %arg7[%mul3A_2, %dma_wait3A_432] : memref<2048x16xf32, #tpu.memory_space<hbm>> -> memref<64x16xf32, #tpu.memory_space<hbm>>
      %dma_wait3A_434 = arith.constant 0 : i32
      %dma_wait3A_435 = tpu.memref_slice %arg7[%mul3A_2, %dma_wait3A_434] : memref<2048x16xf32, #tpu.memory_space<hbm>> -> memref<64x16xf32, #tpu.memory_space<hbm>>
      tpu.wait_dma2 semaphore(%run_scoped3A : memref<!tpu.dma_semaphore, #tpu.memory_space<semaphore_mem>>) src(%dma_wait3A_435 : memref<64x16xf32, #tpu.memory_space<hbm>>) dst(%arg12 : memref<64x16xf32, #tpu.memory_space<vmem>>)
      tpu.yield
    }) : () -> ()
    %dma_start3A = arith.constant 0 : i32
    %dma_start3A_3 = arith.constant 0 : i32
    %dma_start3A_4 = arith.constant 0 : i32
    %dma_start3A_5 = tpu.memref_slice %arg13[%dma_start3A, %dma_start3A_3, %dma_start3A_4] : memref<2x16x1024xf32, #tpu.memory_space<vmem>> -> memref<1x16x1024xf32, #tpu.memory_space<vmem>>
    %dma_start3A_6 = tpu.memref_squeeze %dma_start3A_5 : memref<1x16x1024xf32, #tpu.memory_space<vmem>> -> memref<16x1024xf32, #tpu.memory_space<vmem>>
    %dma_start3A_7 = arith.constant 0 : i32
    %dma_start3A_8 = tpu.memref_slice %arg9[%dma_start3A_7] : memref<64xi32, #tpu.memory_space<vmem>> -> memref<16xi32, #tpu.memory_space<vmem>>
    %dma_start3A_9 = arith.constant 0 : i32
    %dma_start3A_10 = arith.constant 0 : i32
    %dma_start3A_11 = tpu.memref_slice %arg2[%dma_start3A_9, %dma_start3A_10] : memref<6144x1024xf32, #tpu.memory_space<hbm>> -> memref<6144x1024xf32, #tpu.memory_space<hbm>>
    tpu.enqueue_indirect_dma source(%dma_start3A_11 : memref<6144x1024xf32, #tpu.memory_space<hbm>>) target(%dma_start3A_6 : memref<16x1024xf32, #tpu.memory_space<vmem>>) offsets(%dma_start3A_8 : memref<16xi32, #tpu.memory_space<vmem>>) semaphore(%arg16 : memref<!tpu.dma_semaphore, #tpu.memory_space<semaphore_mem>>)
    %dma_start3A_12 = arith.constant 0 : i32
    %dma_start3A_13 = arith.constant 0 : i32
    %dma_start3A_14 = arith.constant 0 : i32
    %dma_start3A_15 = tpu.memref_slice %arg14[%dma_start3A_12, %dma_start3A_13, %dma_start3A_14] : memref<2x16x1024xf32, #tpu.memory_space<vmem>> -> memref<1x16x1024xf32, #tpu.memory_space<vmem>>
    %dma_start3A_16 = tpu.memref_squeeze %dma_start3A_15 : memref<1x16x1024xf32, #tpu.memory_space<vmem>> -> memref<16x1024xf32, #tpu.memory_space<vmem>>
    %dma_start3A_17 = arith.constant 0 : i32
    %dma_start3A_18 = tpu.memref_slice %arg10[%dma_start3A_17] : memref<64xi32, #tpu.memory_space<vmem>> -> memref<16xi32, #tpu.memory_space<vmem>>
    %dma_start3A_19 = arith.constant 0 : i32
    %dma_start3A_20 = arith.constant 0 : i32
    %dma_start3A_21 = tpu.memref_slice %arg2[%dma_start3A_19, %dma_start3A_20] : memref<6144x1024xf32, #tpu.memory_space<hbm>> -> memref<6144x1024xf32, #tpu.memory_space<hbm>>
    tpu.enqueue_indirect_dma source(%dma_start3A_21 : memref<6144x1024xf32, #tpu.memory_space<hbm>>) target(%dma_start3A_16 : memref<16x1024xf32, #tpu.memory_space<vmem>>) offsets(%dma_start3A_18 : memref<16xi32, #tpu.memory_space<vmem>>) semaphore(%arg16 : memref<!tpu.dma_semaphore, #tpu.memory_space<semaphore_mem>>)
    %add3A_22 = arith.constant 0 : i32
    %add3A_23 = arith.addi %mul3A_2, %add3A_22 : i32
    %dma_start3A_24 = arith.constant 0 : i32
    %dma_start3A_25 = arith.constant 0 : i32
    %dma_start3A_26 = arith.constant 0 : i32
    %dma_start3A_27 = tpu.memref_slice %arg15[%dma_start3A_24, %dma_start3A_25, %dma_start3A_26] : memref<2x16x1024xf32, #tpu.memory_space<vmem>> -> memref<1x16x1024xf32, #tpu.memory_space<vmem>>
    %dma_start3A_28 = tpu.memref_squeeze %dma_start3A_27 : memref<1x16x1024xf32, #tpu.memory_space<vmem>> -> memref<16x1024xf32, #tpu.memory_space<vmem>>
    %dma_start3A_29 = arith.constant 0 : i32
    %dma_start3A_30 = tpu.memref_slice %arg3[%add3A_23, %dma_start3A_29] : memref<2048x1024xf32, #tpu.memory_space<hbm>> -> memref<16x1024xf32, #tpu.memory_space<hbm>>
    %dma_start3A_31 = arith.constant 0 : i32
    %dma_start3A_32 = arith.constant 0 : i32
    %dma_start3A_33 = tpu.memref_slice %arg15[%dma_start3A_24, %dma_start3A_31, %dma_start3A_32] : memref<2x16x1024xf32, #tpu.memory_space<vmem>> -> memref<1x16x1024xf32, #tpu.memory_space<vmem>>
    %dma_start3A_34 = tpu.memref_squeeze %dma_start3A_33 : memref<1x16x1024xf32, #tpu.memory_space<vmem>> -> memref<16x1024xf32, #tpu.memory_space<vmem>>
    %dma_start3A_35 = arith.constant 0 : i32
    %dma_start3A_36 = tpu.memref_slice %arg3[%add3A_23, %dma_start3A_35] : memref<2048x1024xf32, #tpu.memory_space<hbm>> -> memref<16x1024xf32, #tpu.memory_space<hbm>>
    tpu.enqueue_dma source(%dma_start3A_36 : memref<16x1024xf32, #tpu.memory_space<hbm>>) target(%dma_start3A_34 : memref<16x1024xf32, #tpu.memory_space<vmem>>) target_semaphore(%arg16 : memref<!tpu.dma_semaphore, #tpu.memory_space<semaphore_mem>>)
    %dma_start3A_37 = arith.constant 1 : i32
    %dma_start3A_38 = arith.constant 0 : i32
    %dma_start3A_39 = arith.constant 0 : i32
    %dma_start3A_40 = tpu.memref_slice %arg13[%dma_start3A_37, %dma_start3A_38, %dma_start3A_39] : memref<2x16x1024xf32, #tpu.memory_space<vmem>> -> memref<1x16x1024xf32, #tpu.memory_space<vmem>>
    %dma_start3A_41 = tpu.memref_squeeze %dma_start3A_40 : memref<1x16x1024xf32, #tpu.memory_space<vmem>> -> memref<16x1024xf32, #tpu.memory_space<vmem>>
    %dma_start3A_42 = arith.constant 16 : i32
    %dma_start3A_43 = tpu.memref_slice %arg9[%dma_start3A_42] : memref<64xi32, #tpu.memory_space<vmem>> -> memref<16xi32, #tpu.memory_space<vmem>>
    %dma_start3A_44 = arith.constant 0 : i32
    %dma_start3A_45 = arith.constant 0 : i32
    %dma_start3A_46 = tpu.memref_slice %arg2[%dma_start3A_44, %dma_start3A_45] : memref<6144x1024xf32, #tpu.memory_space<hbm>> -> memref<6144x1024xf32, #tpu.memory_space<hbm>>
    tpu.enqueue_indirect_dma source(%dma_start3A_46 : memref<6144x1024xf32, #tpu.memory_space<hbm>>) target(%dma_start3A_41 : memref<16x1024xf32, #tpu.memory_space<vmem>>) offsets(%dma_start3A_43 : memref<16xi32, #tpu.memory_space<vmem>>) semaphore(%arg17 : memref<!tpu.dma_semaphore, #tpu.memory_space<semaphore_mem>>)
    %dma_start3A_47 = arith.constant 1 : i32
    %dma_start3A_48 = arith.constant 0 : i32
    %dma_start3A_49 = arith.constant 0 : i32
    %dma_start3A_50 = tpu.memref_slice %arg14[%dma_start3A_47, %dma_start3A_48, %dma_start3A_49] : memref<2x16x1024xf32, #tpu.memory_space<vmem>> -> memref<1x16x1024xf32, #tpu.memory_space<vmem>>
    %dma_start3A_51 = tpu.memref_squeeze %dma_start3A_50 : memref<1x16x1024xf32, #tpu.memory_space<vmem>> -> memref<16x1024xf32, #tpu.memory_space<vmem>>
    %dma_start3A_52 = arith.constant 16 : i32
    %dma_start3A_53 = tpu.memref_slice %arg10[%dma_start3A_52] : memref<64xi32, #tpu.memory_space<vmem>> -> memref<16xi32, #tpu.memory_space<vmem>>
    %dma_start3A_54 = arith.constant 0 : i32
    %dma_start3A_55 = arith.constant 0 : i32
    %dma_start3A_56 = tpu.memref_slice %arg2[%dma_start3A_54, %dma_start3A_55] : memref<6144x1024xf32, #tpu.memory_space<hbm>> -> memref<6144x1024xf32, #tpu.memory_space<hbm>>
    tpu.enqueue_indirect_dma source(%dma_start3A_56 : memref<6144x1024xf32, #tpu.memory_space<hbm>>) target(%dma_start3A_51 : memref<16x1024xf32, #tpu.memory_space<vmem>>) offsets(%dma_start3A_53 : memref<16xi32, #tpu.memory_space<vmem>>) semaphore(%arg17 : memref<!tpu.dma_semaphore, #tpu.memory_space<semaphore_mem>>)
    %add3A_57 = arith.constant 16 : i32
    %add3A_58 = arith.addi %mul3A_2, %add3A_57 : i32
    %dma_start3A_59 = arith.constant 1 : i32
    %dma_start3A_60 = arith.constant 0 : i32
    %dma_start3A_61 = arith.constant 0 : i32
    %dma_start3A_62 = tpu.memref_slice %arg15[%dma_start3A_59, %dma_start3A_60, %dma_start3A_61] : memref<2x16x1024xf32, #tpu.memory_space<vmem>> -> memref<1x16x1024xf32, #tpu.memory_space<vmem>>
    %dma_start3A_63 = tpu.memref_squeeze %dma_start3A_62 : memref<1x16x1024xf32, #tpu.memory_space<vmem>> -> memref<16x1024xf32, #tpu.memory_space<vmem>>
    %dma_start3A_64 = arith.constant 0 : i32
    %dma_start3A_65 = tpu.memref_slice %arg3[%add3A_58, %dma_start3A_64] : memref<2048x1024xf32, #tpu.memory_space<hbm>> -> memref<16x1024xf32, #tpu.memory_space<hbm>>
    %dma_start3A_66 = arith.constant 0 : i32
    %dma_start3A_67 = arith.constant 0 : i32
    %dma_start3A_68 = tpu.memref_slice %arg15[%dma_start3A_59, %dma_start3A_66, %dma_start3A_67] : memref<2x16x1024xf32, #tpu.memory_space<vmem>> -> memref<1x16x1024xf32, #tpu.memory_space<vmem>>
    %dma_start3A_69 = tpu.memref_squeeze %dma_start3A_68 : memref<1x16x1024xf32, #tpu.memory_space<vmem>> -> memref<16x1024xf32, #tpu.memory_space<vmem>>
    %dma_start3A_70 = arith.constant 0 : i32
    %dma_start3A_71 = tpu.memref_slice %arg3[%add3A_58, %dma_start3A_70] : memref<2048x1024xf32, #tpu.memory_space<hbm>> -> memref<16x1024xf32, #tpu.memory_space<hbm>>
    tpu.enqueue_dma source(%dma_start3A_71 : memref<16x1024xf32, #tpu.memory_space<hbm>>) target(%dma_start3A_69 : memref<16x1024xf32, #tpu.memory_space<vmem>>) target_semaphore(%arg17 : memref<!tpu.dma_semaphore, #tpu.memory_space<semaphore_mem>>)
    %dma_wait3A = arith.constant 0 : i32
    %dma_wait3A_72 = arith.constant 0 : i32
    %dma_wait3A_73 = arith.constant 0 : i32
    %dma_wait3A_74 = tpu.memref_slice %arg15[%dma_wait3A, %dma_wait3A_72, %dma_wait3A_73] : memref<2x16x1024xf32, #tpu.memory_space<vmem>> -> memref<1x16x1024xf32, #tpu.memory_space<vmem>>
    %dma_wait3A_75 = tpu.memref_squeeze %dma_wait3A_74 : memref<1x16x1024xf32, #tpu.memory_space<vmem>> -> memref<16x1024xf32, #tpu.memory_space<vmem>>
    %dma_wait3A_76 = arith.constant 0 : i32
    %dma_wait3A_77 = tpu.memref_slice %arg3[%mul3A_2, %dma_wait3A_76] : memref<2048x1024xf32, #tpu.memory_space<hbm>> -> memref<16x1024xf32, #tpu.memory_space<hbm>>
    %dma_wait3A_78 = arith.constant 0 : i32
    %dma_wait3A_79 = arith.constant 0 : i32
    %dma_wait3A_80 = tpu.memref_slice %arg15[%dma_wait3A, %dma_wait3A_78, %dma_wait3A_79] : memref<2x16x1024xf32, #tpu.memory_space<vmem>> -> memref<1x16x1024xf32, #tpu.memory_space<vmem>>
    %dma_wait3A_81 = tpu.memref_squeeze %dma_wait3A_80 : memref<1x16x1024xf32, #tpu.memory_space<vmem>> -> memref<16x1024xf32, #tpu.memory_space<vmem>>
    %dma_wait3A_82 = arith.constant 0 : i32
    %dma_wait3A_83 = tpu.memref_slice %arg3[%mul3A_2, %dma_wait3A_82] : memref<2048x1024xf32, #tpu.memory_space<hbm>> -> memref<16x1024xf32, #tpu.memory_space<hbm>>
    tpu.wait_dma2 semaphore(%arg16 : memref<!tpu.dma_semaphore, #tpu.memory_space<semaphore_mem>>) src(%dma_wait3A_83 : memref<16x1024xf32, #tpu.memory_space<hbm>>) dst(%dma_wait3A_81 : memref<16x1024xf32, #tpu.memory_space<vmem>>)
    %dma_wait3A_84 = arith.constant 0 : i32
    %dma_wait3A_85 = arith.constant 0 : i32
    %dma_wait3A_86 = arith.constant 0 : i32
    %dma_wait3A_87 = tpu.memref_slice %arg15[%dma_wait3A_84, %dma_wait3A_85, %dma_wait3A_86] : memref<2x16x1024xf32, #tpu.memory_space<vmem>> -> memref<1x16x1024xf32, #tpu.memory_space<vmem>>
    %dma_wait3A_88 = tpu.memref_squeeze %dma_wait3A_87 : memref<1x16x1024xf32, #tpu.memory_space<vmem>> -> memref<16x1024xf32, #tpu.memory_space<vmem>>
    %dma_wait3A_89 = arith.constant 0 : i32
    %dma_wait3A_90 = tpu.memref_slice %arg3[%mul3A_2, %dma_wait3A_89] : memref<2048x1024xf32, #tpu.memory_space<hbm>> -> memref<16x1024xf32, #tpu.memory_space<hbm>>
    %dma_wait3A_91 = arith.constant 0 : i32
    %dma_wait3A_92 = arith.constant 0 : i32
    %dma_wait3A_93 = tpu.memref_slice %arg15[%dma_wait3A_84, %dma_wait3A_91, %dma_wait3A_92] : memref<2x16x1024xf32, #tpu.memory_space<vmem>> -> memref<1x16x1024xf32, #tpu.memory_space<vmem>>
    %dma_wait3A_94 = tpu.memref_squeeze %dma_wait3A_93 : memref<1x16x1024xf32, #tpu.memory_space<vmem>> -> memref<16x1024xf32, #tpu.memory_space<vmem>>
    %dma_wait3A_95 = arith.constant 0 : i32
    %dma_wait3A_96 = tpu.memref_slice %arg3[%mul3A_2, %dma_wait3A_95] : memref<2048x1024xf32, #tpu.memory_space<hbm>> -> memref<16x1024xf32, #tpu.memory_space<hbm>>
    tpu.wait_dma2 semaphore(%arg16 : memref<!tpu.dma_semaphore, #tpu.memory_space<semaphore_mem>>) src(%dma_wait3A_96 : memref<16x1024xf32, #tpu.memory_space<hbm>>) dst(%dma_wait3A_94 : memref<16x1024xf32, #tpu.memory_space<vmem>>)
    %dma_wait3A_97 = arith.constant 0 : i32
    %dma_wait3A_98 = arith.constant 0 : i32
    %dma_wait3A_99 = arith.constant 0 : i32
    %dma_wait3A_100 = tpu.memref_slice %arg15[%dma_wait3A_97, %dma_wait3A_98, %dma_wait3A_99] : memref<2x16x1024xf32, #tpu.memory_space<vmem>> -> memref<1x16x1024xf32, #tpu.memory_space<vmem>>
    %dma_wait3A_101 = tpu.memref_squeeze %dma_wait3A_100 : memref<1x16x1024xf32, #tpu.memory_space<vmem>> -> memref<16x1024xf32, #tpu.memory_space<vmem>>
    %dma_wait3A_102 = arith.constant 0 : i32
    %dma_wait3A_103 = tpu.memref_slice %arg3[%mul3A_2, %dma_wait3A_102] : memref<2048x1024xf32, #tpu.memory_space<hbm>> -> memref<16x1024xf32, #tpu.memory_space<hbm>>
    %dma_wait3A_104 = arith.constant 0 : i32
    %dma_wait3A_105 = arith.constant 0 : i32
    %dma_wait3A_106 = tpu.memref_slice %arg15[%dma_wait3A_97, %dma_wait3A_104, %dma_wait3A_105] : memref<2x16x1024xf32, #tpu.memory_space<vmem>> -> memref<1x16x1024xf32, #tpu.memory_space<vmem>>
    %dma_wait3A_107 = tpu.memref_squeeze %dma_wait3A_106 : memref<1x16x1024xf32, #tpu.memory_space<vmem>> -> memref<16x1024xf32, #tpu.memory_space<vmem>>
    %dma_wait3A_108 = arith.constant 0 : i32
    %dma_wait3A_109 = tpu.memref_slice %arg3[%mul3A_2, %dma_wait3A_108] : memref<2048x1024xf32, #tpu.memory_space<hbm>> -> memref<16x1024xf32, #tpu.memory_space<hbm>>
    tpu.wait_dma2 semaphore(%arg16 : memref<!tpu.dma_semaphore, #tpu.memory_space<semaphore_mem>>) src(%dma_wait3A_109 : memref<16x1024xf32, #tpu.memory_space<hbm>>) dst(%dma_wait3A_107 : memref<16x1024xf32, #tpu.memory_space<vmem>>)
    %scan3A = arith.constant 0 : i32
    %scan3A_110 = arith.constant 16 : i32
    %scan3A_111 = arith.addi %scan3A, %scan3A_110 : i32
    %scan3A_112 = arith.constant 1 : i32
    scf.for %scan3A_428 = %scan3A to %scan3A_111 step %scan3A_112  : i32 {
      %mul3A_429 = arith.constant 1 : i32
      %mul3A_430 = arith.muli %scan3A_428, %mul3A_429 : i32
      %add3A_431 = arith.constant 0 : i32
      %add3A_432 = arith.addi %add3A_431, %mul3A_430 : i32
      %add3A_433 = arith.constant 0 : i32
      %add3A_434 = arith.addi %add3A_433, %add3A_432 : i32
      %get3A = arith.index_cast %add3A_434 : i32 to index
      %get3A_435 = arith.constant 0 : index
      %get3A_436 = tpu.vector_load %arg11[%get3A, %get3A_435] {strides = array<i32>} : memref<64x16xf32, #tpu.memory_space<vmem>>, vector<1x16xf32>,
      %get3A_437 = vector.shape_cast %get3A_436 : vector<1x16xf32> to vector<16xf32>
      %add3A_438 = arith.constant 0 : i32
      %add3A_439 = arith.addi %add3A_438, %add3A_432 : i32
      %get3A_440 = arith.index_cast %add3A_439 : i32 to index
      %get3A_441 = arith.constant 0 : index
      %get3A_442 = tpu.vector_load %arg12[%get3A_440, %get3A_441] {strides = array<i32>} : memref<64x16xf32, #tpu.memory_space<vmem>>, vector<1x16xf32>,
      %get3A_443 = vector.shape_cast %get3A_442 : vector<1x16xf32> to vector<16xf32>
      %scan3A_444 = arith.constant 0 : i32
      %scan3A_445 = arith.constant 0 : i32
      %scan3A_446 = arith.constant 0 : i32
      %scan3A_447 = arith.constant 0 : i32
      %scan3A_448 = arith.constant 64 : i32
      %scan3A_449 = arith.addi %scan3A_447, %scan3A_448 : i32
      %scan3A_450 = arith.constant 8 : i32
      scf.for %scan3A_452 = %scan3A_447 to %scan3A_449 step %scan3A_450  : i32 {
        %mul3A_453 = arith.constant 1 : i32
        %mul3A_454 = arith.muli %scan3A_452, %mul3A_453 : i32
        %add3A_455 = arith.constant 0 : i32
        %add3A_456 = arith.addi %add3A_455, %mul3A_454 : i32
        %mul3A_457 = arith.constant 16 : i32
        %mul3A_458 = arith.muli %add3A_456, %mul3A_457 : i32
        %get3A_459 = arith.constant 0 : i32
        %get3A_460 = arith.constant 0 : i32
        %get3A_461 = tpu.memref_slice %arg15[%scan3A_444, %get3A_459, %get3A_460] : memref<2x16x1024xf32, #tpu.memory_space<vmem>> -> memref<1x16x1024xf32, #tpu.memory_space<vmem>>
        %get3A_462 = tpu.memref_squeeze %get3A_461 : memref<1x16x1024xf32, #tpu.memory_space<vmem>> -> memref<16x1024xf32, #tpu.memory_space<vmem>>
        %get3A_463 = arith.constant 0 : i32
        %get3A_464 = tpu.memref_slice %get3A_462[%add3A_432, %get3A_463] : memref<16x1024xf32, #tpu.memory_space<vmem>> -> memref<1x1024xf32, #tpu.memory_space<vmem>>
        %get3A_465 = tpu.memref_squeeze %get3A_464 : memref<1x1024xf32, #tpu.memory_space<vmem>> -> memref<1024xf32, #tpu.memory_space<vmem>>
        %get3A_466 = arith.index_cast %mul3A_458 : i32 to index
        %get3A_467 = tpu.vector_load %get3A_465[%get3A_466] {strides = array<i32>} : memref<1024xf32, #tpu.memory_space<vmem>>, vector<16xf32>,
        %get3A_468 = vector.shape_cast %get3A_467 : vector<16xf32> to vector<16xf32>
        %get3A_469 = arith.constant 0 : i32
        %get3A_470 = arith.constant 0 : i32
        %get3A_471 = tpu.memref_slice %arg13[%scan3A_445, %get3A_469, %get3A_470] : memref<2x16x1024xf32, #tpu.memory_space<vmem>> -> memref<1x16x1024xf32, #tpu.memory_space<vmem>>
        %get3A_472 = tpu.memref_squeeze %get3A_471 : memref<1x16x1024xf32, #tpu.memory_space<vmem>> -> memref<16x1024xf32, #tpu.memory_space<vmem>>
        %get3A_473 = arith.constant 0 : i32
        %get3A_474 = tpu.memref_slice %get3A_472[%add3A_432, %get3A_473] : memref<16x1024xf32, #tpu.memory_space<vmem>> -> memref<1x1024xf32, #tpu.memory_space<vmem>>
        %get3A_475 = tpu.memref_squeeze %get3A_474 : memref<1x1024xf32, #tpu.memory_space<vmem>> -> memref<1024xf32, #tpu.memory_space<vmem>>
        %get3A_476 = arith.index_cast %mul3A_458 : i32 to index
        %get3A_477 = tpu.vector_load %get3A_475[%get3A_476] {strides = array<i32>} : memref<1024xf32, #tpu.memory_space<vmem>>, vector<16xf32>,
        %get3A_478 = vector.shape_cast %get3A_477 : vector<16xf32> to vector<16xf32>
        %mul3A_479 = arith.mulf %get3A_437, %get3A_478 : vector<16xf32>
        %add3A_480 = arith.addf %get3A_468, %mul3A_479 : vector<16xf32>
        %get3A_481 = arith.constant 0 : i32
        %get3A_482 = arith.constant 0 : i32
        %get3A_483 = tpu.memref_slice %arg14[%scan3A_446, %get3A_481, %get3A_482] : memref<2x16x1024xf32, #tpu.memory_space<vmem>> -> memref<1x16x1024xf32, #tpu.memory_space<vmem>>
        %get3A_484 = tpu.memref_squeeze %get3A_483 : memref<1x16x1024xf32, #tpu.memory_space<vmem>> -> memref<16x1024xf32, #tpu.memory_space<vmem>>
        %get3A_485 = arith.constant 0 : i32
        %get3A_486 = tpu.memref_slice %get3A_484[%add3A_432, %get3A_485] : memref<16x1024xf32, #tpu.memory_space<vmem>> -> memref<1x1024xf32, #tpu.memory_space<vmem>>
        %get3A_487 = tpu.memref_squeeze %get3A_486 : memref<1x1024xf32, #tpu.memory_space<vmem>> -> memref<1024xf32, #tpu.memory_space<vmem>>
        %get3A_488 = arith.index_cast %mul3A_458 : i32 to index
        %get3A_489 = tpu.vector_load %get3A_487[%get3A_488] {strides = array<i32>} : memref<1024xf32, #tpu.memory_space<vmem>>, vector<16xf32>,
        %get3A_490 = vector.shape_cast %get3A_489 : vector<16xf32> to vector<16xf32>
        %mul3A_491 = arith.mulf %get3A_443, %get3A_490 : vector<16xf32>
        %add3A_492 = arith.addf %add3A_480, %mul3A_491 : vector<16xf32>
        %swap3A = arith.constant 0 : i32
        %swap3A_493 = arith.constant 0 : i32
        %swap3A_494 = tpu.memref_slice %arg15[%scan3A_444, %swap3A, %swap3A_493] : memref<2x16x1024xf32, #tpu.memory_space<vmem>> -> memref<1x16x1024xf32, #tpu.memory_space<vmem>>
        %swap3A_495 = tpu.memref_squeeze %swap3A_494 : memref<1x16x1024xf32, #tpu.memory_space<vmem>> -> memref<16x1024xf32, #tpu.memory_space<vmem>>
        %swap3A_496 = arith.constant 0 : i32
        %swap3A_497 = tpu.memref_slice %swap3A_495[%add3A_432, %swap3A_496] : memref<16x1024xf32, #tpu.memory_space<vmem>> -> memref<1x1024xf32, #tpu.memory_space<vmem>>
        %swap3A_498 = tpu.memref_squeeze %swap3A_497 : memref<1x1024xf32, #tpu.memory_space<vmem>> -> memref<1024xf32, #tpu.memory_space<vmem>>
        %swap3A_499 = arith.index_cast %mul3A_458 : i32 to index
        %swap3A_500 = tpu.vector_load %swap3A_498[%swap3A_499] {strides = array<i32>} : memref<1024xf32, #tpu.memory_space<vmem>>, vector<16xf32>,
        %swap3A_501 = vector.shape_cast %swap3A_500 : vector<16xf32> to vector<16xf32>
        %swap3A_502 = vector.shape_cast %add3A_492 : vector<16xf32> to vector<16xf32>
        tpu.vector_store %swap3A_498[%swap3A_499], %swap3A_502 {strides = array<i32>} : memref<1024xf32, #tpu.memory_space<vmem>>, vector<16xf32>,
        %scan3A_503 = arith.constant 1 : i32
        %scan3A_504 = arith.addi %scan3A_452, %scan3A_503 : i32
        %mul3A_505 = arith.constant 1 : i32
        %mul3A_506 = arith.muli %scan3A_504, %mul3A_505 : i32
        %add3A_507 = arith.constant 0 : i32
        %add3A_508 = arith.addi %add3A_507, %mul3A_506 : i32
        %mul3A_509 = arith.constant 16 : i32
        %mul3A_510 = arith.muli %add3A_508, %mul3A_509 : i32
        %get3A_511 = arith.constant 0 : i32
        %get3A_512 = arith.constant 0 : i32
        %get3A_513 = tpu.memref_slice %arg15[%scan3A_444, %get3A_511, %get3A_512] : memref<2x16x1024xf32, #tpu.memory_space<vmem>> -> memref<1x16x1024xf32, #tpu.memory_space<vmem>>
        %get3A_514 = tpu.memref_squeeze %get3A_513 : memref<1x16x1024xf32, #tpu.memory_space<vmem>> -> memref<16x1024xf32, #tpu.memory_space<vmem>>
        %get3A_515 = arith.constant 0 : i32
        %get3A_516 = tpu.memref_slice %get3A_514[%add3A_432, %get3A_515] : memref<16x1024xf32, #tpu.memory_space<vmem>> -> memref<1x1024xf32, #tpu.memory_space<vmem>>
        %get3A_517 = tpu.memref_squeeze %get3A_516 : memref<1x1024xf32, #tpu.memory_space<vmem>> -> memref<1024xf32, #tpu.memory_space<vmem>>
        %get3A_518 = arith.index_cast %mul3A_510 : i32 to index
        %get3A_519 = tpu.vector_load %get3A_517[%get3A_518] {strides = array<i32>} : memref<1024xf32, #tpu.memory_space<vmem>>, vector<16xf32>,
        %get3A_520 = vector.shape_cast %get3A_519 : vector<16xf32> to vector<16xf32>
        %get3A_521 = arith.constant 0 : i32
        %get3A_522 = arith.constant 0 : i32
        %get3A_523 = tpu.memref_slice %arg13[%scan3A_445, %get3A_521, %get3A_522] : memref<2x16x1024xf32, #tpu.memory_space<vmem>> -> memref<1x16x1024xf32, #tpu.memory_space<vmem>>
        %get3A_524 = tpu.memref_squeeze %get3A_523 : memref<1x16x1024xf32, #tpu.memory_space<vmem>> -> memref<16x1024xf32, #tpu.memory_space<vmem>>
        %get3A_525 = arith.constant 0 : i32
        %get3A_526 = tpu.memref_slice %get3A_524[%add3A_432, %get3A_525] : memref<16x1024xf32, #tpu.memory_space<vmem>> -> memref<1x1024xf32, #tpu.memory_space<vmem>>
        %get3A_527 = tpu.memref_squeeze %get3A_526 : memref<1x1024xf32, #tpu.memory_space<vmem>> -> memref<1024xf32, #tpu.memory_space<vmem>>
        %get3A_528 = arith.index_cast %mul3A_510 : i32 to index
        %get3A_529 = tpu.vector_load %get3A_527[%get3A_528] {strides = array<i32>} : memref<1024xf32, #tpu.memory_space<vmem>>, vector<16xf32>,
        %get3A_530 = vector.shape_cast %get3A_529 : vector<16xf32> to vector<16xf32>
        %mul3A_531 = arith.mulf %get3A_437, %get3A_530 : vector<16xf32>
        %add3A_532 = arith.addf %get3A_520, %mul3A_531 : vector<16xf32>
        %get3A_533 = arith.constant 0 : i32
        %get3A_534 = arith.constant 0 : i32
        %get3A_535 = tpu.memref_slice %arg14[%scan3A_446, %get3A_533, %get3A_534] : memref<2x16x1024xf32, #tpu.memory_space<vmem>> -> memref<1x16x1024xf32, #tpu.memory_space<vmem>>
        %get3A_536 = tpu.memref_squeeze %get3A_535 : memref<1x16x1024xf32, #tpu.memory_space<vmem>> -> memref<16x1024xf32, #tpu.memory_space<vmem>>
        %get3A_537 = arith.constant 0 : i32
        %get3A_538 = tpu.memref_slice %get3A_536[%add3A_432, %get3A_537] : memref<16x1024xf32, #tpu.memory_space<vmem>> -> memref<1x1024xf32, #tpu.memory_space<vmem>>
        %get3A_539 = tpu.memref_squeeze %get3A_538 : memref<1x1024xf32, #tpu.memory_space<vmem>> -> memref<1024xf32, #tpu.memory_space<vmem>>
        %get3A_540 = arith.index_cast %mul3A_510 : i32 to index
        %get3A_541 = tpu.vector_load %get3A_539[%get3A_540] {strides = array<i32>} : memref<1024xf32, #tpu.memory_space<vmem>>, vector<16xf32>,
        %get3A_542 = vector.shape_cast %get3A_541 : vector<16xf32> to vector<16xf32>
        %mul3A_543 = arith.mulf %get3A_443, %get3A_542 : vector<16xf32>
        %add3A_544 = arith.addf %add3A_532, %mul3A_543 : vector<16xf32>
        %swap3A_545 = arith.constant 0 : i32
        %swap3A_546 = arith.constant 0 : i32
        %swap3A_547 = tpu.memref_slice %arg15[%scan3A_444, %swap3A_545, %swap3A_546] : memref<2x16x1024xf32, #tpu.memory_space<vmem>> -> memref<1x16x1024xf32, #tpu.memory_space<vmem>>
        %swap3A_548 = tpu.memref_squeeze %swap3A_547 : memref<1x16x1024xf32, #tpu.memory_space<vmem>> -> memref<16x1024xf32, #tpu.memory_space<vmem>>
        %swap3A_549 = arith.constant 0 : i32
        %swap3A_550 = tpu.memref_slice %swap3A_548[%add3A_432, %swap3A_549] : memref<16x1024xf32, #tpu.memory_space<vmem>> -> memref<1x1024xf32, #tpu.memory_space<vmem>>
        %swap3A_551 = tpu.memref_squeeze %swap3A_550 : memref<1x1024xf32, #tpu.memory_space<vmem>> -> memref<1024xf32, #tpu.memory_space<vmem>>
        %swap3A_552 = arith.index_cast %mul3A_510 : i32 to index
        %swap3A_553 = tpu.vector_load %swap3A_551[%swap3A_552] {strides = array<i32>} : memref<1024xf32, #tpu.memory_space<vmem>>, vector<16xf32>,
        %swap3A_554 = vector.shape_cast %swap3A_553 : vector<16xf32> to vector<16xf32>
        %swap3A_555 = vector.shape_cast %add3A_544 : vector<16xf32> to vector<16xf32>
        tpu.vector_store %swap3A_551[%swap3A_552], %swap3A_555 {strides = array<i32>} : memref<1024xf32, #tpu.memory_space<vmem>>, vector<16xf32>,
        %scan3A_556 = arith.constant 2 : i32
        %scan3A_557 = arith.addi %scan3A_452, %scan3A_556 : i32
        %mul3A_558 = arith.constant 1 : i32
        %mul3A_559 = arith.muli %scan3A_557, %mul3A_558 : i32
        %add3A_560 = arith.constant 0 : i32
        %add3A_561 = arith.addi %add3A_560, %mul3A_559 : i32
        %mul3A_562 = arith.constant 16 : i32
        %mul3A_563 = arith.muli %add3A_561, %mul3A_562 : i32
        %get3A_564 = arith.constant 0 : i32
        %get3A_565 = arith.constant 0 : i32
        %get3A_566 = tpu.memref_slice %arg15[%scan3A_444, %get3A_564, %get3A_565] : memref<2x16x1024xf32, #tpu.memory_space<vmem>> -> memref<1x16x1024xf32, #tpu.memory_space<vmem>>
        %get3A_567 = tpu.memref_squeeze %get3A_566 : memref<1x16x1024xf32, #tpu.memory_space<vmem>> -> memref<16x1024xf32, #tpu.memory_space<vmem>>
        %get3A_568 = arith.constant 0 : i32
        %get3A_569 = tpu.memref_slice %get3A_567[%add3A_432, %get3A_568] : memref<16x1024xf32, #tpu.memory_space<vmem>> -> memref<1x1024xf32, #tpu.memory_space<vmem>>
        %get3A_570 = tpu.memref_squeeze %get3A_569 : memref<1x1024xf32, #tpu.memory_space<vmem>> -> memref<1024xf32, #tpu.memory_space<vmem>>
        %get3A_571 = arith.index_cast %mul3A_563 : i32 to index
        %get3A_572 = tpu.vector_load %get3A_570[%get3A_571] {strides = array<i32>} : memref<1024xf32, #tpu.memory_space<vmem>>, vector<16xf32>,
        %get3A_573 = vector.shape_cast %get3A_572 : vector<16xf32> to vector<16xf32>
        %get3A_574 = arith.constant 0 : i32
        %get3A_575 = arith.constant 0 : i32
        %get3A_576 = tpu.memref_slice %arg13[%scan3A_445, %get3A_574, %get3A_575] : memref<2x16x1024xf32, #tpu.memory_space<vmem>> -> memref<1x16x1024xf32, #tpu.memory_space<vmem>>
        %get3A_577 = tpu.memref_squeeze %get3A_576 : memref<1x16x1024xf32, #tpu.memory_space<vmem>> -> memref<16x1024xf32, #tpu.memory_space<vmem>>
        %get3A_578 = arith.constant 0 : i32
        %get3A_579 = tpu.memref_slice %get3A_577[%add3A_432, %get3A_578] : memref<16x1024xf32, #tpu.memory_space<vmem>> -> memref<1x1024xf32, #tpu.memory_space<vmem>>
        %get3A_580 = tpu.memref_squeeze %get3A_579 : memref<1x1024xf32, #tpu.memory_space<vmem>> -> memref<1024xf32, #tpu.memory_space<vmem>>
        %get3A_581 = arith.index_cast %mul3A_563 : i32 to index
        %get3A_582 = tpu.vector_load %get3A_580[%get3A_581] {strides = array<i32>} : memref<1024xf32, #tpu.memory_space<vmem>>, vector<16xf32>,
        %get3A_583 = vector.shape_cast %get3A_582 : vector<16xf32> to vector<16xf32>
        %mul3A_584 = arith.mulf %get3A_437, %get3A_583 : vector<16xf32>
        %add3A_585 = arith.addf %get3A_573, %mul3A_584 : vector<16xf32>
        %get3A_586 = arith.constant 0 : i32
        %get3A_587 = arith.constant 0 : i32
        %get3A_588 = tpu.memref_slice %arg14[%scan3A_446, %get3A_586, %get3A_587] : memref<2x16x1024xf32, #tpu.memory_space<vmem>> -> memref<1x16x1024xf32, #tpu.memory_space<vmem>>
        %get3A_589 = tpu.memref_squeeze %get3A_588 : memref<1x16x1024xf32, #tpu.memory_space<vmem>> -> memref<16x1024xf32, #tpu.memory_space<vmem>>
        %get3A_590 = arith.constant 0 : i32
        %get3A_591 = tpu.memref_slice %get3A_589[%add3A_432, %get3A_590] : memref<16x1024xf32, #tpu.memory_space<vmem>> -> memref<1x1024xf32, #tpu.memory_space<vmem>>
        %get3A_592 = tpu.memref_squeeze %get3A_591 : memref<1x1024xf32, #tpu.memory_space<vmem>> -> memref<1024xf32, #tpu.memory_space<vmem>>
        %get3A_593 = arith.index_cast %mul3A_563 : i32 to index
        %get3A_594 = tpu.vector_load %get3A_592[%get3A_593] {strides = array<i32>} : memref<1024xf32, #tpu.memory_space<vmem>>, vector<16xf32>,
        %get3A_595 = vector.shape_cast %get3A_594 : vector<16xf32> to vector<16xf32>
        %mul3A_596 = arith.mulf %get3A_443, %get3A_595 : vector<16xf32>
        %add3A_597 = arith.addf %add3A_585, %mul3A_596 : vector<16xf32>
        %swap3A_598 = arith.constant 0 : i32
        %swap3A_599 = arith.constant 0 : i32
        %swap3A_600 = tpu.memref_slice %arg15[%scan3A_444, %swap3A_598, %swap3A_599] : memref<2x16x1024xf32, #tpu.memory_space<vmem>> -> memref<1x16x1024xf32, #tpu.memory_space<vmem>>
        %swap3A_601 = tpu.memref_squeeze %swap3A_600 : memref<1x16x1024xf32, #tpu.memory_space<vmem>> -> memref<16x1024xf32, #tpu.memory_space<vmem>>
        %swap3A_602 = arith.constant 0 : i32
        %swap3A_603 = tpu.memref_slice %swap3A_601[%add3A_432, %swap3A_602] : memref<16x1024xf32, #tpu.memory_space<vmem>> -> memref<1x1024xf32, #tpu.memory_space<vmem>>
        %swap3A_604 = tpu.memref_squeeze %swap3A_603 : memref<1x1024xf32, #tpu.memory_space<vmem>> -> memref<1024xf32, #tpu.memory_space<vmem>>
        %swap3A_605 = arith.index_cast %mul3A_563 : i32 to index
        %swap3A_606 = tpu.vector_load %swap3A_604[%swap3A_605] {strides = array<i32>} : memref<1024xf32, #tpu.memory_space<vmem>>, vector<16xf32>,
        %swap3A_607 = vector.shape_cast %swap3A_606 : vector<16xf32> to vector<16xf32>
        %swap3A_608 = vector.shape_cast %add3A_597 : vector<16xf32> to vector<16xf32>
        tpu.vector_store %swap3A_604[%swap3A_605], %swap3A_608 {strides = array<i32>} : memref<1024xf32, #tpu.memory_space<vmem>>, vector<16xf32>,
        %scan3A_609 = arith.constant 3 : i32
        %scan3A_610 = arith.addi %scan3A_452, %scan3A_609 : i32
        %mul3A_611 = arith.constant 1 : i32
        %mul3A_612 = arith.muli %scan3A_610, %mul3A_611 : i32
        %add3A_613 = arith.constant 0 : i32
        %add3A_614 = arith.addi %add3A_613, %mul3A_612 : i32
        %mul3A_615 = arith.constant 16 : i32
        %mul3A_616 = arith.muli %add3A_614, %mul3A_615 : i32
        %get3A_617 = arith.constant 0 : i32
        %get3A_618 = arith.constant 0 : i32
        %get3A_619 = tpu.memref_slice %arg15[%scan3A_444, %get3A_617, %get3A_618] : memref<2x16x1024xf32, #tpu.memory_space<vmem>> -> memref<1x16x1024xf32, #tpu.memory_space<vmem>>
        %get3A_620 = tpu.memref_squeeze %get3A_619 : memref<1x16x1024xf32, #tpu.memory_space<vmem>> -> memref<16x1024xf32, #tpu.memory_space<vmem>>
        %get3A_621 = arith.constant 0 : i32
        %get3A_622 = tpu.memref_slice %get3A_620[%add3A_432, %get3A_621] : memref<16x1024xf32, #tpu.memory_space<vmem>> -> memref<1x1024xf32, #tpu.memory_space<vmem>>
        %get3A_623 = tpu.memref_squeeze %get3A_622 : memref<1x1024xf32, #tpu.memory_space<vmem>> -> memref<1024xf32, #tpu.memory_space<vmem>>
        %get3A_624 = arith.index_cast %mul3A_616 : i32 to index
        %get3A_625 = tpu.vector_load %get3A_623[%get3A_624] {strides = array<i32>} : memref<1024xf32, #tpu.memory_space<vmem>>, vector<16xf32>,
        %get3A_626 = vector.shape_cast %get3A_625 : vector<16xf32> to vector<16xf32>
        %get3A_627 = arith.constant 0 : i32
        %get3A_628 = arith.constant 0 : i32
        %get3A_629 = tpu.memref_slice %arg13[%scan3A_445, %get3A_627, %get3A_628] : memref<2x16x1024xf32, #tpu.memory_space<vmem>> -> memref<1x16x1024xf32, #tpu.memory_space<vmem>>
        %get3A_630 = tpu.memref_squeeze %get3A_629 : memref<1x16x1024xf32, #tpu.memory_space<vmem>> -> memref<16x1024xf32, #tpu.memory_space<vmem>>
        %get3A_631 = arith.constant 0 : i32
        %get3A_632 = tpu.memref_slice %get3A_630[%add3A_432, %get3A_631] : memref<16x1024xf32, #tpu.memory_space<vmem>> -> memref<1x1024xf32, #tpu.memory_space<vmem>>
        %get3A_633 = tpu.memref_squeeze %get3A_632 : memref<1x1024xf32, #tpu.memory_space<vmem>> -> memref<1024xf32, #tpu.memory_space<vmem>>
        %get3A_634 = arith.index_cast %mul3A_616 : i32 to index
        %get3A_635 = tpu.vector_load %get3A_633[%get3A_634] {strides = array<i32>} : memref<1024xf32, #tpu.memory_space<vmem>>, vector<16xf32>,
        %get3A_636 = vector.shape_cast %get3A_635 : vector<16xf32> to vector<16xf32>
        %mul3A_637 = arith.mulf %get3A_437, %get3A_636 : vector<16xf32>
        %add3A_638 = arith.addf %get3A_626, %mul3A_637 : vector<16xf32>
        %get3A_639 = arith.constant 0 : i32
        %get3A_640 = arith.constant 0 : i32
        %get3A_641 = tpu.memref_slice %arg14[%scan3A_446, %get3A_639, %get3A_640] : memref<2x16x1024xf32, #tpu.memory_space<vmem>> -> memref<1x16x1024xf32, #tpu.memory_space<vmem>>
        %get3A_642 = tpu.memref_squeeze %get3A_641 : memref<1x16x1024xf32, #tpu.memory_space<vmem>> -> memref<16x1024xf32, #tpu.memory_space<vmem>>
        %get3A_643 = arith.constant 0 : i32
        %get3A_644 = tpu.memref_slice %get3A_642[%add3A_432, %get3A_643] : memref<16x1024xf32, #tpu.memory_space<vmem>> -> memref<1x1024xf32, #tpu.memory_space<vmem>>
        %get3A_645 = tpu.memref_squeeze %get3A_644 : memref<1x1024xf32, #tpu.memory_space<vmem>> -> memref<1024xf32, #tpu.memory_space<vmem>>
        %get3A_646 = arith.index_cast %mul3A_616 : i32 to index
        %get3A_647 = tpu.vector_load %get3A_645[%get3A_646] {strides = array<i32>} : memref<1024xf32, #tpu.memory_space<vmem>>, vector<16xf32>,
        %get3A_648 = vector.shape_cast %get3A_647 : vector<16xf32> to vector<16xf32>
        %mul3A_649 = arith.mulf %get3A_443, %get3A_648 : vector<16xf32>
        %add3A_650 = arith.addf %add3A_638, %mul3A_649 : vector<16xf32>
        %swap3A_651 = arith.constant 0 : i32
        %swap3A_652 = arith.constant 0 : i32
        %swap3A_653 = tpu.memref_slice %arg15[%scan3A_444, %swap3A_651, %swap3A_652] : memref<2x16x1024xf32, #tpu.memory_space<vmem>> -> memref<1x16x1024xf32, #tpu.memory_space<vmem>>
        %swap3A_654 = tpu.memref_squeeze %swap3A_653 : memref<1x16x1024xf32, #tpu.memory_space<vmem>> -> memref<16x1024xf32, #tpu.memory_space<vmem>>
        %swap3A_655 = arith.constant 0 : i32
        %swap3A_656 = tpu.memref_slice %swap3A_654[%add3A_432, %swap3A_655] : memref<16x1024xf32, #tpu.memory_space<vmem>> -> memref<1x1024xf32, #tpu.memory_space<vmem>>
        %swap3A_657 = tpu.memref_squeeze %swap3A_656 : memref<1x1024xf32, #tpu.memory_space<vmem>> -> memref<1024xf32, #tpu.memory_space<vmem>>
        %swap3A_658 = arith.index_cast %mul3A_616 : i32 to index
        %swap3A_659 = tpu.vector_load %swap3A_657[%swap3A_658] {strides = array<i32>} : memref<1024xf32, #tpu.memory_space<vmem>>, vector<16xf32>,
        %swap3A_660 = vector.shape_cast %swap3A_659 : vector<16xf32> to vector<16xf32>
        %swap3A_661 = vector.shape_cast %add3A_650 : vector<16xf32> to vector<16xf32>
        tpu.vector_store %swap3A_657[%swap3A_658], %swap3A_661 {strides = array<i32>} : memref<1024xf32, #tpu.memory_space<vmem>>, vector<16xf32>,
        %scan3A_662 = arith.constant 4 : i32
        %scan3A_663 = arith.addi %scan3A_452, %scan3A_662 : i32
        %mul3A_664 = arith.constant 1 : i32
        %mul3A_665 = arith.muli %scan3A_663, %mul3A_664 : i32
        %add3A_666 = arith.constant 0 : i32
        %add3A_667 = arith.addi %add3A_666, %mul3A_665 : i32
        %mul3A_668 = arith.constant 16 : i32
        %mul3A_669 = arith.muli %add3A_667, %mul3A_668 : i32
        %get3A_670 = arith.constant 0 : i32
        %get3A_671 = arith.constant 0 : i32
        %get3A_672 = tpu.memref_slice %arg15[%scan3A_444, %get3A_670, %get3A_671] : memref<2x16x1024xf32, #tpu.memory_space<vmem>> -> memref<1x16x1024xf32, #tpu.memory_space<vmem>>
        %get3A_673 = tpu.memref_squeeze %get3A_672 : memref<1x16x1024xf32, #tpu.memory_space<vmem>> -> memref<16x1024xf32, #tpu.memory_space<vmem>>
        %get3A_674 = arith.constant 0 : i32
        %get3A_675 = tpu.memref_slice %get3A_673[%add3A_432, %get3A_674] : memref<16x1024xf32, #tpu.memory_space<vmem>> -> memref<1x1024xf32, #tpu.memory_space<vmem>>
        %get3A_676 = tpu.memref_squeeze %get3A_675 : memref<1x1024xf32, #tpu.memory_space<vmem>> -> memref<1024xf32, #tpu.memory_space<vmem>>
        %get3A_677 = arith.index_cast %mul3A_669 : i32 to index
        %get3A_678 = tpu.vector_load %get3A_676[%get3A_677] {strides = array<i32>} : memref<1024xf32, #tpu.memory_space<vmem>>, vector<16xf32>,
        %get3A_679 = vector.shape_cast %get3A_678 : vector<16xf32> to vector<16xf32>
        %get3A_680 = arith.constant 0 : i32
        %get3A_681 = arith.constant 0 : i32
        %get3A_682 = tpu.memref_slice %arg13[%scan3A_445, %get3A_680, %get3A_681] : memref<2x16x1024xf32, #tpu.memory_space<vmem>> -> memref<1x16x1024xf32, #tpu.memory_space<vmem>>
        %get3A_683 = tpu.memref_squeeze %get3A_682 : memref<1x16x1024xf32, #tpu.memory_space<vmem>> -> memref<16x1024xf32, #tpu.memory_space<vmem>>
        %get3A_684 = arith.constant 0 : i32
        %get3A_685 = tpu.memref_slice %get3A_683[%add3A_432, %get3A_684] : memref<16x1024xf32, #tpu.memory_space<vmem>> -> memref<1x1024xf32, #tpu.memory_space<vmem>>
        %get3A_686 = tpu.memref_squeeze %get3A_685 : memref<1x1024xf32, #tpu.memory_space<vmem>> -> memref<1024xf32, #tpu.memory_space<vmem>>
        %get3A_687 = arith.index_cast %mul3A_669 : i32 to index
        %get3A_688 = tpu.vector_load %get3A_686[%get3A_687] {strides = array<i32>} : memref<1024xf32, #tpu.memory_space<vmem>>, vector<16xf32>,
        %get3A_689 = vector.shape_cast %get3A_688 : vector<16xf32> to vector<16xf32>
        %mul3A_690 = arith.mulf %get3A_437, %get3A_689 : vector<16xf32>
        %add3A_691 = arith.addf %get3A_679, %mul3A_690 : vector<16xf32>
        %get3A_692 = arith.constant 0 : i32
        %get3A_693 = arith.constant 0 : i32
        %get3A_694 = tpu.memref_slice %arg14[%scan3A_446, %get3A_692, %get3A_693] : memref<2x16x1024xf32, #tpu.memory_space<vmem>> -> memref<1x16x1024xf32, #tpu.memory_space<vmem>>
        %get3A_695 = tpu.memref_squeeze %get3A_694 : memref<1x16x1024xf32, #tpu.memory_space<vmem>> -> memref<16x1024xf32, #tpu.memory_space<vmem>>
        %get3A_696 = arith.constant 0 : i32
        %get3A_697 = tpu.memref_slice %get3A_695[%add3A_432, %get3A_696] : memref<16x1024xf32, #tpu.memory_space<vmem>> -> memref<1x1024xf32, #tpu.memory_space<vmem>>
        %get3A_698 = tpu.memref_squeeze %get3A_697 : memref<1x1024xf32, #tpu.memory_space<vmem>> -> memref<1024xf32, #tpu.memory_space<vmem>>
        %get3A_699 = arith.index_cast %mul3A_669 : i32 to index
        %get3A_700 = tpu.vector_load %get3A_698[%get3A_699] {strides = array<i32>} : memref<1024xf32, #tpu.memory_space<vmem>>, vector<16xf32>,
        %get3A_701 = vector.shape_cast %get3A_700 : vector<16xf32> to vector<16xf32>
        %mul3A_702 = arith.mulf %get3A_443, %get3A_701 : vector<16xf32>
        %add3A_703 = arith.addf %add3A_691, %mul3A_702 : vector<16xf32>
        %swap3A_704 = arith.constant 0 : i32
        %swap3A_705 = arith.constant 0 : i32
        %swap3A_706 = tpu.memref_slice %arg15[%scan3A_444, %swap3A_704, %swap3A_705] : memref<2x16x1024xf32, #tpu.memory_space<vmem>> -> memref<1x16x1024xf32, #tpu.memory_space<vmem>>
        %swap3A_707 = tpu.memref_squeeze %swap3A_706 : memref<1x16x1024xf32, #tpu.memory_space<vmem>> -> memref<16x1024xf32, #tpu.memory_space<vmem>>
        %swap3A_708 = arith.constant 0 : i32
        %swap3A_709 = tpu.memref_slice %swap3A_707[%add3A_432, %swap3A_708] : memref<16x1024xf32, #tpu.memory_space<vmem>> -> memref<1x1024xf32, #tpu.memory_space<vmem>>
        %swap3A_710 = tpu.memref_squeeze %swap3A_709 : memref<1x1024xf32, #tpu.memory_space<vmem>> -> memref<1024xf32, #tpu.memory_space<vmem>>
        %swap3A_711 = arith.index_cast %mul3A_669 : i32 to index
        %swap3A_712 = tpu.vector_load %swap3A_710[%swap3A_711] {strides = array<i32>} : memref<1024xf32, #tpu.memory_space<vmem>>, vector<16xf32>,
        %swap3A_713 = vector.shape_cast %swap3A_712 : vector<16xf32> to vector<16xf32>
        %swap3A_714 = vector.shape_cast %add3A_703 : vector<16xf32> to vector<16xf32>
        tpu.vector_store %swap3A_710[%swap3A_711], %swap3A_714 {strides = array<i32>} : memref<1024xf32, #tpu.memory_space<vmem>>, vector<16xf32>,
        %scan3A_715 = arith.constant 5 : i32
        %scan3A_716 = arith.addi %scan3A_452, %scan3A_715 : i32
        %mul3A_717 = arith.constant 1 : i32
        %mul3A_718 = arith.muli %scan3A_716, %mul3A_717 : i32
        %add3A_719 = arith.constant 0 : i32
        %add3A_720 = arith.addi %add3A_719, %mul3A_718 : i32
        %mul3A_721 = arith.constant 16 : i32
        %mul3A_722 = arith.muli %add3A_720, %mul3A_721 : i32
        %get3A_723 = arith.constant 0 : i32
        %get3A_724 = arith.constant 0 : i32
        %get3A_725 = tpu.memref_slice %arg15[%scan3A_444, %get3A_723, %get3A_724] : memref<2x16x1024xf32, #tpu.memory_space<vmem>> -> memref<1x16x1024xf32, #tpu.memory_space<vmem>>
        %get3A_726 = tpu.memref_squeeze %get3A_725 : memref<1x16x1024xf32, #tpu.memory_space<vmem>> -> memref<16x1024xf32, #tpu.memory_space<vmem>>
        %get3A_727 = arith.constant 0 : i32
        %get3A_728 = tpu.memref_slice %get3A_726[%add3A_432, %get3A_727] : memref<16x1024xf32, #tpu.memory_space<vmem>> -> memref<1x1024xf32, #tpu.memory_space<vmem>>
        %get3A_729 = tpu.memref_squeeze %get3A_728 : memref<1x1024xf32, #tpu.memory_space<vmem>> -> memref<1024xf32, #tpu.memory_space<vmem>>
        %get3A_730 = arith.index_cast %mul3A_722 : i32 to index
        %get3A_731 = tpu.vector_load %get3A_729[%get3A_730] {strides = array<i32>} : memref<1024xf32, #tpu.memory_space<vmem>>, vector<16xf32>,
        %get3A_732 = vector.shape_cast %get3A_731 : vector<16xf32> to vector<16xf32>
        %get3A_733 = arith.constant 0 : i32
        %get3A_734 = arith.constant 0 : i32
        %get3A_735 = tpu.memref_slice %arg13[%scan3A_445, %get3A_733, %get3A_734] : memref<2x16x1024xf32, #tpu.memory_space<vmem>> -> memref<1x16x1024xf32, #tpu.memory_space<vmem>>
        %get3A_736 = tpu.memref_squeeze %get3A_735 : memref<1x16x1024xf32, #tpu.memory_space<vmem>> -> memref<16x1024xf32, #tpu.memory_space<vmem>>
        %get3A_737 = arith.constant 0 : i32
        %get3A_738 = tpu.memref_slice %get3A_736[%add3A_432, %get3A_737] : memref<16x1024xf32, #tpu.memory_space<vmem>> -> memref<1x1024xf32, #tpu.memory_space<vmem>>
        %get3A_739 = tpu.memref_squeeze %get3A_738 : memref<1x1024xf32, #tpu.memory_space<vmem>> -> memref<1024xf32, #tpu.memory_space<vmem>>
        %get3A_740 = arith.index_cast %mul3A_722 : i32 to index
        %get3A_741 = tpu.vector_load %get3A_739[%get3A_740] {strides = array<i32>} : memref<1024xf32, #tpu.memory_space<vmem>>, vector<16xf32>,
        %get3A_742 = vector.shape_cast %get3A_741 : vector<16xf32> to vector<16xf32>
        %mul3A_743 = arith.mulf %get3A_437, %get3A_742 : vector<16xf32>
        %add3A_744 = arith.addf %get3A_732, %mul3A_743 : vector<16xf32>
        %get3A_745 = arith.constant 0 : i32
        %get3A_746 = arith.constant 0 : i32
        %get3A_747 = tpu.memref_slice %arg14[%scan3A_446, %get3A_745, %get3A_746] : memref<2x16x1024xf32, #tpu.memory_space<vmem>> -> memref<1x16x1024xf32, #tpu.memory_space<vmem>>
        %get3A_748 = tpu.memref_squeeze %get3A_747 : memref<1x16x1024xf32, #tpu.memory_space<vmem>> -> memref<16x1024xf32, #tpu.memory_space<vmem>>
        %get3A_749 = arith.constant 0 : i32
        %get3A_750 = tpu.memref_slice %get3A_748[%add3A_432, %get3A_749] : memref<16x1024xf32, #tpu.memory_space<vmem>> -> memref<1x1024xf32, #tpu.memory_space<vmem>>
        %get3A_751 = tpu.memref_squeeze %get3A_750 : memref<1x1024xf32, #tpu.memory_space<vmem>> -> memref<1024xf32, #tpu.memory_space<vmem>>
        %get3A_752 = arith.index_cast %mul3A_722 : i32 to index
        %get3A_753 = tpu.vector_load %get3A_751[%get3A_752] {strides = array<i32>} : memref<1024xf32, #tpu.memory_space<vmem>>, vector<16xf32>,
        %get3A_754 = vector.shape_cast %get3A_753 : vector<16xf32> to vector<16xf32>
        %mul3A_755 = arith.mulf %get3A_443, %get3A_754 : vector<16xf32>
        %add3A_756 = arith.addf %add3A_744, %mul3A_755 : vector<16xf32>
        %swap3A_757 = arith.constant 0 : i32
        %swap3A_758 = arith.constant 0 : i32
        %swap3A_759 = tpu.memref_slice %arg15[%scan3A_444, %swap3A_757, %swap3A_758] : memref<2x16x1024xf32, #tpu.memory_space<vmem>> -> memref<1x16x1024xf32, #tpu.memory_space<vmem>>
        %swap3A_760 = tpu.memref_squeeze %swap3A_759 : memref<1x16x1024xf32, #tpu.memory_space<vmem>> -> memref<16x1024xf32, #tpu.memory_space<vmem>>
        %swap3A_761 = arith.constant 0 : i32
        %swap3A_762 = tpu.memref_slice %swap3A_760[%add3A_432, %swap3A_761] : memref<16x1024xf32, #tpu.memory_space<vmem>> -> memref<1x1024xf32, #tpu.memory_space<vmem>>
        %swap3A_763 = tpu.memref_squeeze %swap3A_762 : memref<1x1024xf32, #tpu.memory_space<vmem>> -> memref<1024xf32, #tpu.memory_space<vmem>>
        %swap3A_764 = arith.index_cast %mul3A_722 : i32 to index
        %swap3A_765 = tpu.vector_load %swap3A_763[%swap3A_764] {strides = array<i32>} : memref<1024xf32, #tpu.memory_space<vmem>>, vector<16xf32>,
        %swap3A_766 = vector.shape_cast %swap3A_765 : vector<16xf32> to vector<16xf32>
        %swap3A_767 = vector.shape_cast %add3A_756 : vector<16xf32> to vector<16xf32>
        tpu.vector_store %swap3A_763[%swap3A_764], %swap3A_767 {strides = array<i32>} : memref<1024xf32, #tpu.memory_space<vmem>>, vector<16xf32>,
        %scan3A_768 = arith.constant 6 : i32
        %scan3A_769 = arith.addi %scan3A_452, %scan3A_768 : i32
        %mul3A_770 = arith.constant 1 : i32
        %mul3A_771 = arith.muli %scan3A_769, %mul3A_770 : i32
        %add3A_772 = arith.constant 0 : i32
        %add3A_773 = arith.addi %add3A_772, %mul3A_771 : i32
        %mul3A_774 = arith.constant 16 : i32
        %mul3A_775 = arith.muli %add3A_773, %mul3A_774 : i32
        %get3A_776 = arith.constant 0 : i32
        %get3A_777 = arith.constant 0 : i32
        %get3A_778 = tpu.memref_slice %arg15[%scan3A_444, %get3A_776, %get3A_777] : memref<2x16x1024xf32, #tpu.memory_space<vmem>> -> memref<1x16x1024xf32, #tpu.memory_space<vmem>>
        %get3A_779 = tpu.memref_squeeze %get3A_778 : memref<1x16x1024xf32, #tpu.memory_space<vmem>> -> memref<16x1024xf32, #tpu.memory_space<vmem>>
        %get3A_780 = arith.constant 0 : i32
        %get3A_781 = tpu.memref_slice %get3A_779[%add3A_432, %get3A_780] : memref<16x1024xf32, #tpu.memory_space<vmem>> -> memref<1x1024xf32, #tpu.memory_space<vmem>>
        %get3A_782 = tpu.memref_squeeze %get3A_781 : memref<1x1024xf32, #tpu.memory_space<vmem>> -> memref<1024xf32, #tpu.memory_space<vmem>>
        %get3A_783 = arith.index_cast %mul3A_775 : i32 to index
        %get3A_784 = tpu.vector_load %get3A_782[%get3A_783] {strides = array<i32>} : memref<1024xf32, #tpu.memory_space<vmem>>, vector<16xf32>,
        %get3A_785 = vector.shape_cast %get3A_784 : vector<16xf32> to vector<16xf32>
        %get3A_786 = arith.constant 0 : i32
        %get3A_787 = arith.constant 0 : i32
        %get3A_788 = tpu.memref_slice %arg13[%scan3A_445, %get3A_786, %get3A_787] : memref<2x16x1024xf32, #tpu.memory_space<vmem>> -> memref<1x16x1024xf32, #tpu.memory_space<vmem>>
        %get3A_789 = tpu.memref_squeeze %get3A_788 : memref<1x16x1024xf32, #tpu.memory_space<vmem>> -> memref<16x1024xf32, #tpu.memory_space<vmem>>
        %get3A_790 = arith.constant 0 : i32
        %get3A_791 = tpu.memref_slice %get3A_789[%add3A_432, %get3A_790] : memref<16x1024xf32, #tpu.memory_space<vmem>> -> memref<1x1024xf32, #tpu.memory_space<vmem>>
        %get3A_792 = tpu.memref_squeeze %get3A_791 : memref<1x1024xf32, #tpu.memory_space<vmem>> -> memref<1024xf32, #tpu.memory_space<vmem>>
        %get3A_793 = arith.index_cast %mul3A_775 : i32 to index
        %get3A_794 = tpu.vector_load %get3A_792[%get3A_793] {strides = array<i32>} : memref<1024xf32, #tpu.memory_space<vmem>>, vector<16xf32>,
        %get3A_795 = vector.shape_cast %get3A_794 : vector<16xf32> to vector<16xf32>
        %mul3A_796 = arith.mulf %get3A_437, %get3A_795 : vector<16xf32>
        %add3A_797 = arith.addf %get3A_785, %mul3A_796 : vector<16xf32>
        %get3A_798 = arith.constant 0 : i32
        %get3A_799 = arith.constant 0 : i32
        %get3A_800 = tpu.memref_slice %arg14[%scan3A_446, %get3A_798, %get3A_799] : memref<2x16x1024xf32, #tpu.memory_space<vmem>> -> memref<1x16x1024xf32, #tpu.memory_space<vmem>>
        %get3A_801 = tpu.memref_squeeze %get3A_800 : memref<1x16x1024xf32, #tpu.memory_space<vmem>> -> memref<16x1024xf32, #tpu.memory_space<vmem>>
        %get3A_802 = arith.constant 0 : i32
        %get3A_803 = tpu.memref_slice %get3A_801[%add3A_432, %get3A_802] : memref<16x1024xf32, #tpu.memory_space<vmem>> -> memref<1x1024xf32, #tpu.memory_space<vmem>>
        %get3A_804 = tpu.memref_squeeze %get3A_803 : memref<1x1024xf32, #tpu.memory_space<vmem>> -> memref<1024xf32, #tpu.memory_space<vmem>>
        %get3A_805 = arith.index_cast %mul3A_775 : i32 to index
        %get3A_806 = tpu.vector_load %get3A_804[%get3A_805] {strides = array<i32>} : memref<1024xf32, #tpu.memory_space<vmem>>, vector<16xf32>,
        %get3A_807 = vector.shape_cast %get3A_806 : vector<16xf32> to vector<16xf32>
        %mul3A_808 = arith.mulf %get3A_443, %get3A_807 : vector<16xf32>
        %add3A_809 = arith.addf %add3A_797, %mul3A_808 : vector<16xf32>
        %swap3A_810 = arith.constant 0 : i32
        %swap3A_811 = arith.constant 0 : i32
        %swap3A_812 = tpu.memref_slice %arg15[%scan3A_444, %swap3A_810, %swap3A_811] : memref<2x16x1024xf32, #tpu.memory_space<vmem>> -> memref<1x16x1024xf32, #tpu.memory_space<vmem>>
        %swap3A_813 = tpu.memref_squeeze %swap3A_812 : memref<1x16x1024xf32, #tpu.memory_space<vmem>> -> memref<16x1024xf32, #tpu.memory_space<vmem>>
        %swap3A_814 = arith.constant 0 : i32
        %swap3A_815 = tpu.memref_slice %swap3A_813[%add3A_432, %swap3A_814] : memref<16x1024xf32, #tpu.memory_space<vmem>> -> memref<1x1024xf32, #tpu.memory_space<vmem>>
        %swap3A_816 = tpu.memref_squeeze %swap3A_815 : memref<1x1024xf32, #tpu.memory_space<vmem>> -> memref<1024xf32, #tpu.memory_space<vmem>>
        %swap3A_817 = arith.index_cast %mul3A_775 : i32 to index
        %swap3A_818 = tpu.vector_load %swap3A_816[%swap3A_817] {strides = array<i32>} : memref<1024xf32, #tpu.memory_space<vmem>>, vector<16xf32>,
        %swap3A_819 = vector.shape_cast %swap3A_818 : vector<16xf32> to vector<16xf32>
        %swap3A_820 = vector.shape_cast %add3A_809 : vector<16xf32> to vector<16xf32>
        tpu.vector_store %swap3A_816[%swap3A_817], %swap3A_820 {strides = array<i32>} : memref<1024xf32, #tpu.memory_space<vmem>>, vector<16xf32>,
        %scan3A_821 = arith.constant 7 : i32
        %scan3A_822 = arith.addi %scan3A_452, %scan3A_821 : i32
        %mul3A_823 = arith.constant 1 : i32
        %mul3A_824 = arith.muli %scan3A_822, %mul3A_823 : i32
        %add3A_825 = arith.constant 0 : i32
        %add3A_826 = arith.addi %add3A_825, %mul3A_824 : i32
        %mul3A_827 = arith.constant 16 : i32
        %mul3A_828 = arith.muli %add3A_826, %mul3A_827 : i32
        %get3A_829 = arith.constant 0 : i32
        %get3A_830 = arith.constant 0 : i32
        %get3A_831 = tpu.memref_slice %arg15[%scan3A_444, %get3A_829, %get3A_830] : memref<2x16x1024xf32, #tpu.memory_space<vmem>> -> memref<1x16x1024xf32, #tpu.memory_space<vmem>>
        %get3A_832 = tpu.memref_squeeze %get3A_831 : memref<1x16x1024xf32, #tpu.memory_space<vmem>> -> memref<16x1024xf32, #tpu.memory_space<vmem>>
        %get3A_833 = arith.constant 0 : i32
        %get3A_834 = tpu.memref_slice %get3A_832[%add3A_432, %get3A_833] : memref<16x1024xf32, #tpu.memory_space<vmem>> -> memref<1x1024xf32, #tpu.memory_space<vmem>>
        %get3A_835 = tpu.memref_squeeze %get3A_834 : memref<1x1024xf32, #tpu.memory_space<vmem>> -> memref<1024xf32, #tpu.memory_space<vmem>>
        %get3A_836 = arith.index_cast %mul3A_828 : i32 to index
        %get3A_837 = tpu.vector_load %get3A_835[%get3A_836] {strides = array<i32>} : memref<1024xf32, #tpu.memory_space<vmem>>, vector<16xf32>,
        %get3A_838 = vector.shape_cast %get3A_837 : vector<16xf32> to vector<16xf32>
        %get3A_839 = arith.constant 0 : i32
        %get3A_840 = arith.constant 0 : i32
        %get3A_841 = tpu.memref_slice %arg13[%scan3A_445, %get3A_839, %get3A_840] : memref<2x16x1024xf32, #tpu.memory_space<vmem>> -> memref<1x16x1024xf32, #tpu.memory_space<vmem>>
        %get3A_842 = tpu.memref_squeeze %get3A_841 : memref<1x16x1024xf32, #tpu.memory_space<vmem>> -> memref<16x1024xf32, #tpu.memory_space<vmem>>
        %get3A_843 = arith.constant 0 : i32
        %get3A_844 = tpu.memref_slice %get3A_842[%add3A_432, %get3A_843] : memref<16x1024xf32, #tpu.memory_space<vmem>> -> memref<1x1024xf32, #tpu.memory_space<vmem>>
        %get3A_845 = tpu.memref_squeeze %get3A_844 : memref<1x1024xf32, #tpu.memory_space<vmem>> -> memref<1024xf32, #tpu.memory_space<vmem>>
        %get3A_846 = arith.index_cast %mul3A_828 : i32 to index
        %get3A_847 = tpu.vector_load %get3A_845[%get3A_846] {strides = array<i32>} : memref<1024xf32, #tpu.memory_space<vmem>>, vector<16xf32>,
        %get3A_848 = vector.shape_cast %get3A_847 : vector<16xf32> to vector<16xf32>
        %mul3A_849 = arith.mulf %get3A_437, %get3A_848 : vector<16xf32>
        %add3A_850 = arith.addf %get3A_838, %mul3A_849 : vector<16xf32>
        %get3A_851 = arith.constant 0 : i32
        %get3A_852 = arith.constant 0 : i32
        %get3A_853 = tpu.memref_slice %arg14[%scan3A_446, %get3A_851, %get3A_852] : memref<2x16x1024xf32, #tpu.memory_space<vmem>> -> memref<1x16x1024xf32, #tpu.memory_space<vmem>>
        %get3A_854 = tpu.memref_squeeze %get3A_853 : memref<1x16x1024xf32, #tpu.memory_space<vmem>> -> memref<16x1024xf32, #tpu.memory_space<vmem>>
        %get3A_855 = arith.constant 0 : i32
        %get3A_856 = tpu.memref_slice %get3A_854[%add3A_432, %get3A_855] : memref<16x1024xf32, #tpu.memory_space<vmem>> -> memref<1x1024xf32, #tpu.memory_space<vmem>>
        %get3A_857 = tpu.memref_squeeze %get3A_856 : memref<1x1024xf32, #tpu.memory_space<vmem>> -> memref<1024xf32, #tpu.memory_space<vmem>>
        %get3A_858 = arith.index_cast %mul3A_828 : i32 to index
        %get3A_859 = tpu.vector_load %get3A_857[%get3A_858] {strides = array<i32>} : memref<1024xf32, #tpu.memory_space<vmem>>, vector<16xf32>,
        %get3A_860 = vector.shape_cast %get3A_859 : vector<16xf32> to vector<16xf32>
        %mul3A_861 = arith.mulf %get3A_443, %get3A_860 : vector<16xf32>
        %add3A_862 = arith.addf %add3A_850, %mul3A_861 : vector<16xf32>
        %swap3A_863 = arith.constant 0 : i32
        %swap3A_864 = arith.constant 0 : i32
        %swap3A_865 = tpu.memref_slice %arg15[%scan3A_444, %swap3A_863, %swap3A_864] : memref<2x16x1024xf32, #tpu.memory_space<vmem>> -> memref<1x16x1024xf32, #tpu.memory_space<vmem>>
        %swap3A_866 = tpu.memref_squeeze %swap3A_865 : memref<1x16x1024xf32, #tpu.memory_space<vmem>> -> memref<16x1024xf32, #tpu.memory_space<vmem>>
        %swap3A_867 = arith.constant 0 : i32
        %swap3A_868 = tpu.memref_slice %swap3A_866[%add3A_432, %swap3A_867] : memref<16x1024xf32, #tpu.memory_space<vmem>> -> memref<1x1024xf32, #tpu.memory_space<vmem>>
        %swap3A_869 = tpu.memref_squeeze %swap3A_868 : memref<1x1024xf32, #tpu.memory_space<vmem>> -> memref<1024xf32, #tpu.memory_space<vmem>>
        %swap3A_870 = arith.index_cast %mul3A_828 : i32 to index
        %swap3A_871 = tpu.vector_load %swap3A_869[%swap3A_870] {strides = array<i32>} : memref<1024xf32, #tpu.memory_space<vmem>>, vector<16xf32>,
        %swap3A_872 = vector.shape_cast %swap3A_871 : vector<16xf32> to vector<16xf32>
        %swap3A_873 = vector.shape_cast %add3A_862 : vector<16xf32> to vector<16xf32>
        tpu.vector_store %swap3A_869[%swap3A_870], %swap3A_873 {strides = array<i32>} : memref<1024xf32, #tpu.memory_space<vmem>>, vector<16xf32>,
      }
      %scan3A_451 = arith.constant 64 : i32
    }
    %scan3A_113 = arith.constant 16 : i32
    %add3A_114 = arith.constant 0 : i32
    %add3A_115 = arith.addi %mul3A_2, %add3A_114 : i32
    %dma_start3A_116 = arith.constant 0 : i32
    %dma_start3A_117 = arith.constant 0 : i32
    %dma_start3A_118 = arith.constant 0 : i32
    %dma_start3A_119 = tpu.memref_slice %arg15[%dma_start3A_116, %dma_start3A_117, %dma_start3A_118] : memref<2x16x1024xf32, #tpu.memory_space<vmem>> -> memref<1x16x1024xf32, #tpu.memory_space<vmem>>
    %dma_start3A_120 = tpu.memref_squeeze %dma_start3A_119 : memref<1x16x1024xf32, #tpu.memory_space<vmem>> -> memref<16x1024xf32, #tpu.memory_space<vmem>>
    %dma_start3A_121 = arith.constant 0 : i32
    %dma_start3A_122 = tpu.memref_slice %arg8[%add3A_115, %dma_start3A_121] : memref<2048x1024xf32, #tpu.memory_space<hbm>> -> memref<16x1024xf32, #tpu.memory_space<hbm>>
    %dma_start3A_123 = arith.constant 0 : i32
    %dma_start3A_124 = tpu.memref_slice %arg8[%add3A_115, %dma_start3A_123] : memref<2048x1024xf32, #tpu.memory_space<hbm>> -> memref<16x1024xf32, #tpu.memory_space<hbm>>
    %dma_start3A_125 = arith.constant 0 : i32
    %dma_start3A_126 = arith.constant 0 : i32
    %dma_start3A_127 = tpu.memref_slice %arg15[%dma_start3A_116, %dma_start3A_125, %dma_start3A_126] : memref<2x16x1024xf32, #tpu.memory_space<vmem>> -> memref<1x16x1024xf32, #tpu.memory_space<vmem>>
    %dma_start3A_128 = tpu.memref_squeeze %dma_start3A_127 : memref<1x16x1024xf32, #tpu.memory_space<vmem>> -> memref<16x1024xf32, #tpu.memory_space<vmem>>
    tpu.enqueue_dma source(%dma_start3A_128 : memref<16x1024xf32, #tpu.memory_space<vmem>>) target(%dma_start3A_124 : memref<16x1024xf32, #tpu.memory_space<hbm>>) target_semaphore(%arg18 : memref<!tpu.dma_semaphore, #tpu.memory_space<semaphore_mem>>)
    %dma_wait3A_129 = arith.constant 0 : i32
    %dma_wait3A_130 = arith.constant 0 : i32
    %dma_wait3A_131 = arith.constant 0 : i32
    %dma_wait3A_132 = tpu.memref_slice %arg15[%dma_wait3A_129, %dma_wait3A_130, %dma_wait3A_131] : memref<2x16x1024xf32, #tpu.memory_space<vmem>> -> memref<1x16x1024xf32, #tpu.memory_space<vmem>>
    %dma_wait3A_133 = tpu.memref_squeeze %dma_wait3A_132 : memref<1x16x1024xf32, #tpu.memory_space<vmem>> -> memref<16x1024xf32, #tpu.memory_space<vmem>>
    %dma_wait3A_134 = arith.constant 0 : i32
    %dma_wait3A_135 = tpu.memref_slice %arg8[%mul3A_2, %dma_wait3A_134] : memref<2048x1024xf32, #tpu.memory_space<hbm>> -> memref<16x1024xf32, #tpu.memory_space<hbm>>
    %dma_wait3A_136 = arith.constant 0 : i32
    %dma_wait3A_137 = tpu.memref_slice %arg8[%mul3A_2, %dma_wait3A_136] : memref<2048x1024xf32, #tpu.memory_space<hbm>> -> memref<16x1024xf32, #tpu.memory_space<hbm>>
    %dma_wait3A_138 = arith.constant 0 : i32
    %dma_wait3A_139 = arith.constant 0 : i32
    %dma_wait3A_140 = tpu.memref_slice %arg15[%dma_wait3A_129, %dma_wait3A_138, %dma_wait3A_139] : memref<2x16x1024xf32, #tpu.memory_space<vmem>> -> memref<1x16x1024xf32, #tpu.memory_space<vmem>>
    %dma_wait3A_141 = tpu.memref_squeeze %dma_wait3A_140 : memref<1x16x1024xf32, #tpu.memory_space<vmem>> -> memref<16x1024xf32, #tpu.memory_space<vmem>>
    tpu.wait_dma2 semaphore(%arg18 : memref<!tpu.dma_semaphore, #tpu.memory_space<semaphore_mem>>) src(%dma_wait3A_141 : memref<16x1024xf32, #tpu.memory_space<vmem>>) dst(%dma_wait3A_137 : memref<16x1024xf32, #tpu.memory_space<hbm>>)
    %dma_start3A_142 = arith.constant 0 : i32
    %dma_start3A_143 = arith.constant 0 : i32
    %dma_start3A_144 = arith.constant 0 : i32
    %dma_start3A_145 = tpu.memref_slice %arg13[%dma_start3A_142, %dma_start3A_143, %dma_start3A_144] : memref<2x16x1024xf32, #tpu.memory_space<vmem>> -> memref<1x16x1024xf32, #tpu.memory_space<vmem>>
    %dma_start3A_146 = tpu.memref_squeeze %dma_start3A_145 : memref<1x16x1024xf32, #tpu.memory_space<vmem>> -> memref<16x1024xf32, #tpu.memory_space<vmem>>
    %dma_start3A_147 = arith.constant 32 : i32
    %dma_start3A_148 = tpu.memref_slice %arg9[%dma_start3A_147] : memref<64xi32, #tpu.memory_space<vmem>> -> memref<16xi32, #tpu.memory_space<vmem>>
    %dma_start3A_149 = arith.constant 0 : i32
    %dma_start3A_150 = arith.constant 0 : i32
    %dma_start3A_151 = tpu.memref_slice %arg2[%dma_start3A_149, %dma_start3A_150] : memref<6144x1024xf32, #tpu.memory_space<hbm>> -> memref<6144x1024xf32, #tpu.memory_space<hbm>>
    tpu.enqueue_indirect_dma source(%dma_start3A_151 : memref<6144x1024xf32, #tpu.memory_space<hbm>>) target(%dma_start3A_146 : memref<16x1024xf32, #tpu.memory_space<vmem>>) offsets(%dma_start3A_148 : memref<16xi32, #tpu.memory_space<vmem>>) semaphore(%arg16 : memref<!tpu.dma_semaphore, #tpu.memory_space<semaphore_mem>>)
    %dma_start3A_152 = arith.constant 0 : i32
    %dma_start3A_153 = arith.constant 0 : i32
    %dma_start3A_154 = arith.constant 0 : i32
    %dma_start3A_155 = tpu.memref_slice %arg14[%dma_start3A_152, %dma_start3A_153, %dma_start3A_154] : memref<2x16x1024xf32, #tpu.memory_space<vmem>> -> memref<1x16x1024xf32, #tpu.memory_space<vmem>>
    %dma_start3A_156 = tpu.memref_squeeze %dma_start3A_155 : memref<1x16x1024xf32, #tpu.memory_space<vmem>> -> memref<16x1024xf32, #tpu.memory_space<vmem>>
    %dma_start3A_157 = arith.constant 32 : i32
    %dma_start3A_158 = tpu.memref_slice %arg10[%dma_start3A_157] : memref<64xi32, #tpu.memory_space<vmem>> -> memref<16xi32, #tpu.memory_space<vmem>>
    %dma_start3A_159 = arith.constant 0 : i32
    %dma_start3A_160 = arith.constant 0 : i32
    %dma_start3A_161 = tpu.memref_slice %arg2[%dma_start3A_159, %dma_start3A_160] : memref<6144x1024xf32, #tpu.memory_space<hbm>> -> memref<6144x1024xf32, #tpu.memory_space<hbm>>
    tpu.enqueue_indirect_dma source(%dma_start3A_161 : memref<6144x1024xf32, #tpu.memory_space<hbm>>) target(%dma_start3A_156 : memref<16x1024xf32, #tpu.memory_space<vmem>>) offsets(%dma_start3A_158 : memref<16xi32, #tpu.memory_space<vmem>>) semaphore(%arg16 : memref<!tpu.dma_semaphore, #tpu.memory_space<semaphore_mem>>)
    %add3A_162 = arith.constant 32 : i32
    %add3A_163 = arith.addi %mul3A_2, %add3A_162 : i32
    %dma_start3A_164 = arith.constant 0 : i32
    %dma_start3A_165 = arith.constant 0 : i32
    %dma_start3A_166 = arith.constant 0 : i32
    %dma_start3A_167 = tpu.memref_slice %arg15[%dma_start3A_164, %dma_start3A_165, %dma_start3A_166] : memref<2x16x1024xf32, #tpu.memory_space<vmem>> -> memref<1x16x1024xf32, #tpu.memory_space<vmem>>
    %dma_start3A_168 = tpu.memref_squeeze %dma_start3A_167 : memref<1x16x1024xf32, #tpu.memory_space<vmem>> -> memref<16x1024xf32, #tpu.memory_space<vmem>>
    %dma_start3A_169 = arith.constant 0 : i32
    %dma_start3A_170 = tpu.memref_slice %arg3[%add3A_163, %dma_start3A_169] : memref<2048x1024xf32, #tpu.memory_space<hbm>> -> memref<16x1024xf32, #tpu.memory_space<hbm>>
    %dma_start3A_171 = arith.constant 0 : i32
    %dma_start3A_172 = arith.constant 0 : i32
    %dma_start3A_173 = tpu.memref_slice %arg15[%dma_start3A_164, %dma_start3A_171, %dma_start3A_172] : memref<2x16x1024xf32, #tpu.memory_space<vmem>> -> memref<1x16x1024xf32, #tpu.memory_space<vmem>>
    %dma_start3A_174 = tpu.memref_squeeze %dma_start3A_173 : memref<1x16x1024xf32, #tpu.memory_space<vmem>> -> memref<16x1024xf32, #tpu.memory_space<vmem>>
    %dma_start3A_175 = arith.constant 0 : i32
    %dma_start3A_176 = tpu.memref_slice %arg3[%add3A_163, %dma_start3A_175] : memref<2048x1024xf32, #tpu.memory_space<hbm>> -> memref<16x1024xf32, #tpu.memory_space<hbm>>
    tpu.enqueue_dma source(%dma_start3A_176 : memref<16x1024xf32, #tpu.memory_space<hbm>>) target(%dma_start3A_174 : memref<16x1024xf32, #tpu.memory_space<vmem>>) target_semaphore(%arg16 : memref<!tpu.dma_semaphore, #tpu.memory_space<semaphore_mem>>)
    %dma_wait3A_177 = arith.constant 1 : i32
    %dma_wait3A_178 = arith.constant 0 : i32
    %dma_wait3A_179 = arith.constant 0 : i32
    %dma_wait3A_180 = tpu.memref_slice %arg15[%dma_wait3A_177, %dma_wait3A_178, %dma_wait3A_179] : memref<2x16x1024xf32, #tpu.memory_space<vmem>> -> memref<1x16x1024xf32, #tpu.memory_space<vmem>>
    %dma_wait3A_181 = tpu.memref_squeeze %dma_wait3A_180 : memref<1x16x1024xf32, #tpu.memory_space<vmem>> -> memref<16x1024xf32, #tpu.memory_space<vmem>>
    %dma_wait3A_182 = arith.constant 0 : i32
    %dma_wait3A_183 = tpu.memref_slice %arg3[%mul3A_2, %dma_wait3A_182] : memref<2048x1024xf32, #tpu.memory_space<hbm>> -> memref<16x1024xf32, #tpu.memory_space<hbm>>
    %dma_wait3A_184 = arith.constant 0 : i32
    %dma_wait3A_185 = arith.constant 0 : i32
    %dma_wait3A_186 = tpu.memref_slice %arg15[%dma_wait3A_177, %dma_wait3A_184, %dma_wait3A_185] : memref<2x16x1024xf32, #tpu.memory_space<vmem>> -> memref<1x16x1024xf32, #tpu.memory_space<vmem>>
    %dma_wait3A_187 = tpu.memref_squeeze %dma_wait3A_186 : memref<1x16x1024xf32, #tpu.memory_space<vmem>> -> memref<16x1024xf32, #tpu.memory_space<vmem>>
    %dma_wait3A_188 = arith.constant 0 : i32
    %dma_wait3A_189 = tpu.memref_slice %arg3[%mul3A_2, %dma_wait3A_188] : memref<2048x1024xf32, #tpu.memory_space<hbm>> -> memref<16x1024xf32, #tpu.memory_space<hbm>>
    tpu.wait_dma2 semaphore(%arg17 : memref<!tpu.dma_semaphore, #tpu.memory_space<semaphore_mem>>) src(%dma_wait3A_189 : memref<16x1024xf32, #tpu.memory_space<hbm>>) dst(%dma_wait3A_187 : memref<16x1024xf32, #tpu.memory_space<vmem>>)
    %dma_wait3A_190 = arith.constant 1 : i32
    %dma_wait3A_191 = arith.constant 0 : i32
    %dma_wait3A_192 = arith.constant 0 : i32
    %dma_wait3A_193 = tpu.memref_slice %arg15[%dma_wait3A_190, %dma_wait3A_191, %dma_wait3A_192] : memref<2x16x1024xf32, #tpu.memory_space<vmem>> -> memref<1x16x1024xf32, #tpu.memory_space<vmem>>
    %dma_wait3A_194 = tpu.memref_squeeze %dma_wait3A_193 : memref<1x16x1024xf32, #tpu.memory_space<vmem>> -> memref<16x1024xf32, #tpu.memory_space<vmem>>
    %dma_wait3A_195 = arith.constant 0 : i32
    %dma_wait3A_196 = tpu.memref_slice %arg3[%mul3A_2, %dma_wait3A_195] : memref<2048x1024xf32, #tpu.memory_space<hbm>> -> memref<16x1024xf32, #tpu.memory_space<hbm>>
    %dma_wait3A_197 = arith.constant 0 : i32
    %dma_wait3A_198 = arith.constant 0 : i32
    %dma_wait3A_199 = tpu.memref_slice %arg15[%dma_wait3A_190, %dma_wait3A_197, %dma_wait3A_198] : memref<2x16x1024xf32, #tpu.memory_space<vmem>> -> memref<1x16x1024xf32, #tpu.memory_space<vmem>>
    %dma_wait3A_200 = tpu.memref_squeeze %dma_wait3A_199 : memref<1x16x1024xf32, #tpu.memory_space<vmem>> -> memref<16x1024xf32, #tpu.memory_space<vmem>>
    %dma_wait3A_201 = arith.constant 0 : i32
    %dma_wait3A_202 = tpu.memref_slice %arg3[%mul3A_2, %dma_wait3A_201] : memref<2048x1024xf32, #tpu.memory_space<hbm>> -> memref<16x1024xf32, #tpu.memory_space<hbm>>
    tpu.wait_dma2 semaphore(%arg17 : memref<!tpu.dma_semaphore, #tpu.memory_space<semaphore_mem>>) src(%dma_wait3A_202 : memref<16x1024xf32, #tpu.memory_space<hbm>>) dst(%dma_wait3A_200 : memref<16x1024xf32, #tpu.memory_space<vmem>>)
    %dma_wait3A_203 = arith.constant 1 : i32
    %dma_wait3A_204 = arith.constant 0 : i32
    %dma_wait3A_205 = arith.constant 0 : i32
    %dma_wait3A_206 = tpu.memref_slice %arg15[%dma_wait3A_203, %dma_wait3A_204, %dma_wait3A_205] : memref<2x16x1024xf32, #tpu.memory_space<vmem>> -> memref<1x16x1024xf32, #tpu.memory_space<vmem>>
    %dma_wait3A_207 = tpu.memref_squeeze %dma_wait3A_206 : memref<1x16x1024xf32, #tpu.memory_space<vmem>> -> memref<16x1024xf32, #tpu.memory_space<vmem>>
    %dma_wait3A_208 = arith.constant 0 : i32
    %dma_wait3A_209 = tpu.memref_slice %arg3[%mul3A_2, %dma_wait3A_208] : memref<2048x1024xf32, #tpu.memory_space<hbm>> -> memref<16x1024xf32, #tpu.memory_space<hbm>>
    %dma_wait3A_210 = arith.constant 0 : i32
    %dma_wait3A_211 = arith.constant 0 : i32
    %dma_wait3A_212 = tpu.memref_slice %arg15[%dma_wait3A_203, %dma_wait3A_210, %dma_wait3A_211] : memref<2x16x1024xf32, #tpu.memory_space<vmem>> -> memref<1x16x1024xf32, #tpu.memory_space<vmem>>
    %dma_wait3A_213 = tpu.memref_squeeze %dma_wait3A_212 : memref<1x16x1024xf32, #tpu.memory_space<vmem>> -> memref<16x1024xf32, #tpu.memory_space<vmem>>
    %dma_wait3A_214 = arith.constant 0 : i32
    %dma_wait3A_215 = tpu.memref_slice %arg3[%mul3A_2, %dma_wait3A_214] : memref<2048x1024xf32, #tpu.memory_space<hbm>> -> memref<16x1024xf32, #tpu.memory_space<hbm>>
    tpu.wait_dma2 semaphore(%arg17 : memref<!tpu.dma_semaphore, #tpu.memory_space<semaphore_mem>>) src(%dma_wait3A_215 : memref<16x1024xf32, #tpu.memory_space<hbm>>) dst(%dma_wait3A_213 : memref<16x1024xf32, #tpu.memory_space<vmem>>)
    %scan3A_216 = arith.constant 0 : i32
    %scan3A_217 = arith.constant 16 : i32
    %scan3A_218 = arith.addi %scan3A_216, %scan3A_217 : i32
    %scan3A_219 = arith.constant 1 : i32
    scf.for %scan3A_428 = %scan3A_216 to %scan3A_218 step %scan3A_219  : i32 {
      %mul3A_429 = arith.constant 1 : i32
      %mul3A_430 = arith.muli %scan3A_428, %mul3A_429 : i32
      %add3A_431 = arith.constant 0 : i32
      %add3A_432 = arith.addi %add3A_431, %mul3A_430 : i32
      %add3A_433 = arith.constant 16 : i32
      %add3A_434 = arith.addi %add3A_433, %add3A_432 : i32
      %get3A = arith.index_cast %add3A_434 : i32 to index
      %get3A_435 = arith.constant 0 : index
      %get3A_436 = tpu.vector_load %arg11[%get3A, %get3A_435] {strides = array<i32>} : memref<64x16xf32, #tpu.memory_space<vmem>>, vector<1x16xf32>,
      %get3A_437 = vector.shape_cast %get3A_436 : vector<1x16xf32> to vector<16xf32>
      %add3A_438 = arith.constant 16 : i32
      %add3A_439 = arith.addi %add3A_438, %add3A_432 : i32
      %get3A_440 = arith.index_cast %add3A_439 : i32 to index
      %get3A_441 = arith.constant 0 : index
      %get3A_442 = tpu.vector_load %arg12[%get3A_440, %get3A_441] {strides = array<i32>} : memref<64x16xf32, #tpu.memory_space<vmem>>, vector<1x16xf32>,
      %get3A_443 = vector.shape_cast %get3A_442 : vector<1x16xf32> to vector<16xf32>
      %scan3A_444 = arith.constant 1 : i32
      %scan3A_445 = arith.constant 1 : i32
      %scan3A_446 = arith.constant 1 : i32
      %scan3A_447 = arith.constant 0 : i32
      %scan3A_448 = arith.constant 64 : i32
      %scan3A_449 = arith.addi %scan3A_447, %scan3A_448 : i32
      %scan3A_450 = arith.constant 8 : i32
      scf.for %scan3A_452 = %scan3A_447 to %scan3A_449 step %scan3A_450  : i32 {
        %mul3A_453 = arith.constant 1 : i32
        %mul3A_454 = arith.muli %scan3A_452, %mul3A_453 : i32
        %add3A_455 = arith.constant 0 : i32
        %add3A_456 = arith.addi %add3A_455, %mul3A_454 : i32
        %mul3A_457 = arith.constant 16 : i32
        %mul3A_458 = arith.muli %add3A_456, %mul3A_457 : i32
        %get3A_459 = arith.constant 0 : i32
        %get3A_460 = arith.constant 0 : i32
        %get3A_461 = tpu.memref_slice %arg15[%scan3A_444, %get3A_459, %get3A_460] : memref<2x16x1024xf32, #tpu.memory_space<vmem>> -> memref<1x16x1024xf32, #tpu.memory_space<vmem>>
        %get3A_462 = tpu.memref_squeeze %get3A_461 : memref<1x16x1024xf32, #tpu.memory_space<vmem>> -> memref<16x1024xf32, #tpu.memory_space<vmem>>
        %get3A_463 = arith.constant 0 : i32
        %get3A_464 = tpu.memref_slice %get3A_462[%add3A_432, %get3A_463] : memref<16x1024xf32, #tpu.memory_space<vmem>> -> memref<1x1024xf32, #tpu.memory_space<vmem>>
        %get3A_465 = tpu.memref_squeeze %get3A_464 : memref<1x1024xf32, #tpu.memory_space<vmem>> -> memref<1024xf32, #tpu.memory_space<vmem>>
        %get3A_466 = arith.index_cast %mul3A_458 : i32 to index
        %get3A_467 = tpu.vector_load %get3A_465[%get3A_466] {strides = array<i32>} : memref<1024xf32, #tpu.memory_space<vmem>>, vector<16xf32>,
        %get3A_468 = vector.shape_cast %get3A_467 : vector<16xf32> to vector<16xf32>
        %get3A_469 = arith.constant 0 : i32
        %get3A_470 = arith.constant 0 : i32
        %get3A_471 = tpu.memref_slice %arg13[%scan3A_445, %get3A_469, %get3A_470] : memref<2x16x1024xf32, #tpu.memory_space<vmem>> -> memref<1x16x1024xf32, #tpu.memory_space<vmem>>
        %get3A_472 = tpu.memref_squeeze %get3A_471 : memref<1x16x1024xf32, #tpu.memory_space<vmem>> -> memref<16x1024xf32, #tpu.memory_space<vmem>>
        %get3A_473 = arith.constant 0 : i32
        %get3A_474 = tpu.memref_slice %get3A_472[%add3A_432, %get3A_473] : memref<16x1024xf32, #tpu.memory_space<vmem>> -> memref<1x1024xf32, #tpu.memory_space<vmem>>
        %get3A_475 = tpu.memref_squeeze %get3A_474 : memref<1x1024xf32, #tpu.memory_space<vmem>> -> memref<1024xf32, #tpu.memory_space<vmem>>
        %get3A_476 = arith.index_cast %mul3A_458 : i32 to index
        %get3A_477 = tpu.vector_load %get3A_475[%get3A_476] {strides = array<i32>} : memref<1024xf32, #tpu.memory_space<vmem>>, vector<16xf32>,
        %get3A_478 = vector.shape_cast %get3A_477 : vector<16xf32> to vector<16xf32>
        %mul3A_479 = arith.mulf %get3A_437, %get3A_478 : vector<16xf32>
        %add3A_480 = arith.addf %get3A_468, %mul3A_479 : vector<16xf32>
        %get3A_481 = arith.constant 0 : i32
        %get3A_482 = arith.constant 0 : i32
        %get3A_483 = tpu.memref_slice %arg14[%scan3A_446, %get3A_481, %get3A_482] : memref<2x16x1024xf32, #tpu.memory_space<vmem>> -> memref<1x16x1024xf32, #tpu.memory_space<vmem>>
        %get3A_484 = tpu.memref_squeeze %get3A_483 : memref<1x16x1024xf32, #tpu.memory_space<vmem>> -> memref<16x1024xf32, #tpu.memory_space<vmem>>
        %get3A_485 = arith.constant 0 : i32
        %get3A_486 = tpu.memref_slice %get3A_484[%add3A_432, %get3A_485] : memref<16x1024xf32, #tpu.memory_space<vmem>> -> memref<1x1024xf32, #tpu.memory_space<vmem>>
        %get3A_487 = tpu.memref_squeeze %get3A_486 : memref<1x1024xf32, #tpu.memory_space<vmem>> -> memref<1024xf32, #tpu.memory_space<vmem>>
        %get3A_488 = arith.index_cast %mul3A_458 : i32 to index
        %get3A_489 = tpu.vector_load %get3A_487[%get3A_488] {strides = array<i32>} : memref<1024xf32, #tpu.memory_space<vmem>>, vector<16xf32>,
        %get3A_490 = vector.shape_cast %get3A_489 : vector<16xf32> to vector<16xf32>
        %mul3A_491 = arith.mulf %get3A_443, %get3A_490 : vector<16xf32>
        %add3A_492 = arith.addf %add3A_480, %mul3A_491 : vector<16xf32>
        %swap3A = arith.constant 0 : i32
        %swap3A_493 = arith.constant 0 : i32
        %swap3A_494 = tpu.memref_slice %arg15[%scan3A_444, %swap3A, %swap3A_493] : memref<2x16x1024xf32, #tpu.memory_space<vmem>> -> memref<1x16x1024xf32, #tpu.memory_space<vmem>>
        %swap3A_495 = tpu.memref_squeeze %swap3A_494 : memref<1x16x1024xf32, #tpu.memory_space<vmem>> -> memref<16x1024xf32, #tpu.memory_space<vmem>>
        %swap3A_496 = arith.constant 0 : i32
        %swap3A_497 = tpu.memref_slice %swap3A_495[%add3A_432, %swap3A_496] : memref<16x1024xf32, #tpu.memory_space<vmem>> -> memref<1x1024xf32, #tpu.memory_space<vmem>>
        %swap3A_498 = tpu.memref_squeeze %swap3A_497 : memref<1x1024xf32, #tpu.memory_space<vmem>> -> memref<1024xf32, #tpu.memory_space<vmem>>
        %swap3A_499 = arith.index_cast %mul3A_458 : i32 to index
        %swap3A_500 = tpu.vector_load %swap3A_498[%swap3A_499] {strides = array<i32>} : memref<1024xf32, #tpu.memory_space<vmem>>, vector<16xf32>,
        %swap3A_501 = vector.shape_cast %swap3A_500 : vector<16xf32> to vector<16xf32>
        %swap3A_502 = vector.shape_cast %add3A_492 : vector<16xf32> to vector<16xf32>
        tpu.vector_store %swap3A_498[%swap3A_499], %swap3A_502 {strides = array<i32>} : memref<1024xf32, #tpu.memory_space<vmem>>, vector<16xf32>,
        %scan3A_503 = arith.constant 1 : i32
        %scan3A_504 = arith.addi %scan3A_452, %scan3A_503 : i32
        %mul3A_505 = arith.constant 1 : i32
        %mul3A_506 = arith.muli %scan3A_504, %mul3A_505 : i32
        %add3A_507 = arith.constant 0 : i32
        %add3A_508 = arith.addi %add3A_507, %mul3A_506 : i32
        %mul3A_509 = arith.constant 16 : i32
        %mul3A_510 = arith.muli %add3A_508, %mul3A_509 : i32
        %get3A_511 = arith.constant 0 : i32
        %get3A_512 = arith.constant 0 : i32
        %get3A_513 = tpu.memref_slice %arg15[%scan3A_444, %get3A_511, %get3A_512] : memref<2x16x1024xf32, #tpu.memory_space<vmem>> -> memref<1x16x1024xf32, #tpu.memory_space<vmem>>
        %get3A_514 = tpu.memref_squeeze %get3A_513 : memref<1x16x1024xf32, #tpu.memory_space<vmem>> -> memref<16x1024xf32, #tpu.memory_space<vmem>>
        %get3A_515 = arith.constant 0 : i32
        %get3A_516 = tpu.memref_slice %get3A_514[%add3A_432, %get3A_515] : memref<16x1024xf32, #tpu.memory_space<vmem>> -> memref<1x1024xf32, #tpu.memory_space<vmem>>
        %get3A_517 = tpu.memref_squeeze %get3A_516 : memref<1x1024xf32, #tpu.memory_space<vmem>> -> memref<1024xf32, #tpu.memory_space<vmem>>
        %get3A_518 = arith.index_cast %mul3A_510 : i32 to index
        %get3A_519 = tpu.vector_load %get3A_517[%get3A_518] {strides = array<i32>} : memref<1024xf32, #tpu.memory_space<vmem>>, vector<16xf32>,
        %get3A_520 = vector.shape_cast %get3A_519 : vector<16xf32> to vector<16xf32>
        %get3A_521 = arith.constant 0 : i32
        %get3A_522 = arith.constant 0 : i32
        %get3A_523 = tpu.memref_slice %arg13[%scan3A_445, %get3A_521, %get3A_522] : memref<2x16x1024xf32, #tpu.memory_space<vmem>> -> memref<1x16x1024xf32, #tpu.memory_space<vmem>>
        %get3A_524 = tpu.memref_squeeze %get3A_523 : memref<1x16x1024xf32, #tpu.memory_space<vmem>> -> memref<16x1024xf32, #tpu.memory_space<vmem>>
        %get3A_525 = arith.constant 0 : i32
        %get3A_526 = tpu.memref_slice %get3A_524[%add3A_432, %get3A_525] : memref<16x1024xf32, #tpu.memory_space<vmem>> -> memref<1x1024xf32, #tpu.memory_space<vmem>>
        %get3A_527 = tpu.memref_squeeze %get3A_526 : memref<1x1024xf32, #tpu.memory_space<vmem>> -> memref<1024xf32, #tpu.memory_space<vmem>>
        %get3A_528 = arith.index_cast %mul3A_510 : i32 to index
        %get3A_529 = tpu.vector_load %get3A_527[%get3A_528] {strides = array<i32>} : memref<1024xf32, #tpu.memory_space<vmem>>, vector<16xf32>,
        %get3A_530 = vector.shape_cast %get3A_529 : vector<16xf32> to vector<16xf32>
        %mul3A_531 = arith.mulf %get3A_437, %get3A_530 : vector<16xf32>
        %add3A_532 = arith.addf %get3A_520, %mul3A_531 : vector<16xf32>
        %get3A_533 = arith.constant 0 : i32
        %get3A_534 = arith.constant 0 : i32
        %get3A_535 = tpu.memref_slice %arg14[%scan3A_446, %get3A_533, %get3A_534] : memref<2x16x1024xf32, #tpu.memory_space<vmem>> -> memref<1x16x1024xf32, #tpu.memory_space<vmem>>
        %get3A_536 = tpu.memref_squeeze %get3A_535 : memref<1x16x1024xf32, #tpu.memory_space<vmem>> -> memref<16x1024xf32, #tpu.memory_space<vmem>>
        %get3A_537 = arith.constant 0 : i32
        %get3A_538 = tpu.memref_slice %get3A_536[%add3A_432, %get3A_537] : memref<16x1024xf32, #tpu.memory_space<vmem>> -> memref<1x1024xf32, #tpu.memory_space<vmem>>
        %get3A_539 = tpu.memref_squeeze %get3A_538 : memref<1x1024xf32, #tpu.memory_space<vmem>> -> memref<1024xf32, #tpu.memory_space<vmem>>
        %get3A_540 = arith.index_cast %mul3A_510 : i32 to index
        %get3A_541 = tpu.vector_load %get3A_539[%get3A_540] {strides = array<i32>} : memref<1024xf32, #tpu.memory_space<vmem>>, vector<16xf32>,
        %get3A_542 = vector.shape_cast %get3A_541 : vector<16xf32> to vector<16xf32>
        %mul3A_543 = arith.mulf %get3A_443, %get3A_542 : vector<16xf32>
        %add3A_544 = arith.addf %add3A_532, %mul3A_543 : vector<16xf32>
        %swap3A_545 = arith.constant 0 : i32
        %swap3A_546 = arith.constant 0 : i32
        %swap3A_547 = tpu.memref_slice %arg15[%scan3A_444, %swap3A_545, %swap3A_546] : memref<2x16x1024xf32, #tpu.memory_space<vmem>> -> memref<1x16x1024xf32, #tpu.memory_space<vmem>>
        %swap3A_548 = tpu.memref_squeeze %swap3A_547 : memref<1x16x1024xf32, #tpu.memory_space<vmem>> -> memref<16x1024xf32, #tpu.memory_space<vmem>>
        %swap3A_549 = arith.constant 0 : i32
        %swap3A_550 = tpu.memref_slice %swap3A_548[%add3A_432, %swap3A_549] : memref<16x1024xf32, #tpu.memory_space<vmem>> -> memref<1x1024xf32, #tpu.memory_space<vmem>>
        %swap3A_551 = tpu.memref_squeeze %swap3A_550 : memref<1x1024xf32, #tpu.memory_space<vmem>> -> memref<1024xf32, #tpu.memory_space<vmem>>
        %swap3A_552 = arith.index_cast %mul3A_510 : i32 to index
        %swap3A_553 = tpu.vector_load %swap3A_551[%swap3A_552] {strides = array<i32>} : memref<1024xf32, #tpu.memory_space<vmem>>, vector<16xf32>,
        %swap3A_554 = vector.shape_cast %swap3A_553 : vector<16xf32> to vector<16xf32>
        %swap3A_555 = vector.shape_cast %add3A_544 : vector<16xf32> to vector<16xf32>
        tpu.vector_store %swap3A_551[%swap3A_552], %swap3A_555 {strides = array<i32>} : memref<1024xf32, #tpu.memory_space<vmem>>, vector<16xf32>,
        %scan3A_556 = arith.constant 2 : i32
        %scan3A_557 = arith.addi %scan3A_452, %scan3A_556 : i32
        %mul3A_558 = arith.constant 1 : i32
        %mul3A_559 = arith.muli %scan3A_557, %mul3A_558 : i32
        %add3A_560 = arith.constant 0 : i32
        %add3A_561 = arith.addi %add3A_560, %mul3A_559 : i32
        %mul3A_562 = arith.constant 16 : i32
        %mul3A_563 = arith.muli %add3A_561, %mul3A_562 : i32
        %get3A_564 = arith.constant 0 : i32
        %get3A_565 = arith.constant 0 : i32
        %get3A_566 = tpu.memref_slice %arg15[%scan3A_444, %get3A_564, %get3A_565] : memref<2x16x1024xf32, #tpu.memory_space<vmem>> -> memref<1x16x1024xf32, #tpu.memory_space<vmem>>
        %get3A_567 = tpu.memref_squeeze %get3A_566 : memref<1x16x1024xf32, #tpu.memory_space<vmem>> -> memref<16x1024xf32, #tpu.memory_space<vmem>>
        %get3A_568 = arith.constant 0 : i32
        %get3A_569 = tpu.memref_slice %get3A_567[%add3A_432, %get3A_568] : memref<16x1024xf32, #tpu.memory_space<vmem>> -> memref<1x1024xf32, #tpu.memory_space<vmem>>
        %get3A_570 = tpu.memref_squeeze %get3A_569 : memref<1x1024xf32, #tpu.memory_space<vmem>> -> memref<1024xf32, #tpu.memory_space<vmem>>
        %get3A_571 = arith.index_cast %mul3A_563 : i32 to index
        %get3A_572 = tpu.vector_load %get3A_570[%get3A_571] {strides = array<i32>} : memref<1024xf32, #tpu.memory_space<vmem>>, vector<16xf32>,
        %get3A_573 = vector.shape_cast %get3A_572 : vector<16xf32> to vector<16xf32>
        %get3A_574 = arith.constant 0 : i32
        %get3A_575 = arith.constant 0 : i32
        %get3A_576 = tpu.memref_slice %arg13[%scan3A_445, %get3A_574, %get3A_575] : memref<2x16x1024xf32, #tpu.memory_space<vmem>> -> memref<1x16x1024xf32, #tpu.memory_space<vmem>>
        %get3A_577 = tpu.memref_squeeze %get3A_576 : memref<1x16x1024xf32, #tpu.memory_space<vmem>> -> memref<16x1024xf32, #tpu.memory_space<vmem>>
        %get3A_578 = arith.constant 0 : i32
        %get3A_579 = tpu.memref_slice %get3A_577[%add3A_432, %get3A_578] : memref<16x1024xf32, #tpu.memory_space<vmem>> -> memref<1x1024xf32, #tpu.memory_space<vmem>>
        %get3A_580 = tpu.memref_squeeze %get3A_579 : memref<1x1024xf32, #tpu.memory_space<vmem>> -> memref<1024xf32, #tpu.memory_space<vmem>>
        %get3A_581 = arith.index_cast %mul3A_563 : i32 to index
        %get3A_582 = tpu.vector_load %get3A_580[%get3A_581] {strides = array<i32>} : memref<1024xf32, #tpu.memory_space<vmem>>, vector<16xf32>,
        %get3A_583 = vector.shape_cast %get3A_582 : vector<16xf32> to vector<16xf32>
        %mul3A_584 = arith.mulf %get3A_437, %get3A_583 : vector<16xf32>
        %add3A_585 = arith.addf %get3A_573, %mul3A_584 : vector<16xf32>
        %get3A_586 = arith.constant 0 : i32
        %get3A_587 = arith.constant 0 : i32
        %get3A_588 = tpu.memref_slice %arg14[%scan3A_446, %get3A_586, %get3A_587] : memref<2x16x1024xf32, #tpu.memory_space<vmem>> -> memref<1x16x1024xf32, #tpu.memory_space<vmem>>
        %get3A_589 = tpu.memref_squeeze %get3A_588 : memref<1x16x1024xf32, #tpu.memory_space<vmem>> -> memref<16x1024xf32, #tpu.memory_space<vmem>>
        %get3A_590 = arith.constant 0 : i32
        %get3A_591 = tpu.memref_slice %get3A_589[%add3A_432, %get3A_590] : memref<16x1024xf32, #tpu.memory_space<vmem>> -> memref<1x1024xf32, #tpu.memory_space<vmem>>
        %get3A_592 = tpu.memref_squeeze %get3A_591 : memref<1x1024xf32, #tpu.memory_space<vmem>> -> memref<1024xf32, #tpu.memory_space<vmem>>
        %get3A_593 = arith.index_cast %mul3A_563 : i32 to index
        %get3A_594 = tpu.vector_load %get3A_592[%get3A_593] {strides = array<i32>} : memref<1024xf32, #tpu.memory_space<vmem>>, vector<16xf32>,
        %get3A_595 = vector.shape_cast %get3A_594 : vector<16xf32> to vector<16xf32>
        %mul3A_596 = arith.mulf %get3A_443, %get3A_595 : vector<16xf32>
        %add3A_597 = arith.addf %add3A_585, %mul3A_596 : vector<16xf32>
        %swap3A_598 = arith.constant 0 : i32
        %swap3A_599 = arith.constant 0 : i32
        %swap3A_600 = tpu.memref_slice %arg15[%scan3A_444, %swap3A_598, %swap3A_599] : memref<2x16x1024xf32, #tpu.memory_space<vmem>> -> memref<1x16x1024xf32, #tpu.memory_space<vmem>>
        %swap3A_601 = tpu.memref_squeeze %swap3A_600 : memref<1x16x1024xf32, #tpu.memory_space<vmem>> -> memref<16x1024xf32, #tpu.memory_space<vmem>>
        %swap3A_602 = arith.constant 0 : i32
        %swap3A_603 = tpu.memref_slice %swap3A_601[%add3A_432, %swap3A_602] : memref<16x1024xf32, #tpu.memory_space<vmem>> -> memref<1x1024xf32, #tpu.memory_space<vmem>>
        %swap3A_604 = tpu.memref_squeeze %swap3A_603 : memref<1x1024xf32, #tpu.memory_space<vmem>> -> memref<1024xf32, #tpu.memory_space<vmem>>
        %swap3A_605 = arith.index_cast %mul3A_563 : i32 to index
        %swap3A_606 = tpu.vector_load %swap3A_604[%swap3A_605] {strides = array<i32>} : memref<1024xf32, #tpu.memory_space<vmem>>, vector<16xf32>,
        %swap3A_607 = vector.shape_cast %swap3A_606 : vector<16xf32> to vector<16xf32>
        %swap3A_608 = vector.shape_cast %add3A_597 : vector<16xf32> to vector<16xf32>
        tpu.vector_store %swap3A_604[%swap3A_605], %swap3A_608 {strides = array<i32>} : memref<1024xf32, #tpu.memory_space<vmem>>, vector<16xf32>,
        %scan3A_609 = arith.constant 3 : i32
        %scan3A_610 = arith.addi %scan3A_452, %scan3A_609 : i32
        %mul3A_611 = arith.constant 1 : i32
        %mul3A_612 = arith.muli %scan3A_610, %mul3A_611 : i32
        %add3A_613 = arith.constant 0 : i32
        %add3A_614 = arith.addi %add3A_613, %mul3A_612 : i32
        %mul3A_615 = arith.constant 16 : i32
        %mul3A_616 = arith.muli %add3A_614, %mul3A_615 : i32
        %get3A_617 = arith.constant 0 : i32
        %get3A_618 = arith.constant 0 : i32
        %get3A_619 = tpu.memref_slice %arg15[%scan3A_444, %get3A_617, %get3A_618] : memref<2x16x1024xf32, #tpu.memory_space<vmem>> -> memref<1x16x1024xf32, #tpu.memory_space<vmem>>
        %get3A_620 = tpu.memref_squeeze %get3A_619 : memref<1x16x1024xf32, #tpu.memory_space<vmem>> -> memref<16x1024xf32, #tpu.memory_space<vmem>>
        %get3A_621 = arith.constant 0 : i32
        %get3A_622 = tpu.memref_slice %get3A_620[%add3A_432, %get3A_621] : memref<16x1024xf32, #tpu.memory_space<vmem>> -> memref<1x1024xf32, #tpu.memory_space<vmem>>
        %get3A_623 = tpu.memref_squeeze %get3A_622 : memref<1x1024xf32, #tpu.memory_space<vmem>> -> memref<1024xf32, #tpu.memory_space<vmem>>
        %get3A_624 = arith.index_cast %mul3A_616 : i32 to index
        %get3A_625 = tpu.vector_load %get3A_623[%get3A_624] {strides = array<i32>} : memref<1024xf32, #tpu.memory_space<vmem>>, vector<16xf32>,
        %get3A_626 = vector.shape_cast %get3A_625 : vector<16xf32> to vector<16xf32>
        %get3A_627 = arith.constant 0 : i32
        %get3A_628 = arith.constant 0 : i32
        %get3A_629 = tpu.memref_slice %arg13[%scan3A_445, %get3A_627, %get3A_628] : memref<2x16x1024xf32, #tpu.memory_space<vmem>> -> memref<1x16x1024xf32, #tpu.memory_space<vmem>>
        %get3A_630 = tpu.memref_squeeze %get3A_629 : memref<1x16x1024xf32, #tpu.memory_space<vmem>> -> memref<16x1024xf32, #tpu.memory_space<vmem>>
        %get3A_631 = arith.constant 0 : i32
        %get3A_632 = tpu.memref_slice %get3A_630[%add3A_432, %get3A_631] : memref<16x1024xf32, #tpu.memory_space<vmem>> -> memref<1x1024xf32, #tpu.memory_space<vmem>>
        %get3A_633 = tpu.memref_squeeze %get3A_632 : memref<1x1024xf32, #tpu.memory_space<vmem>> -> memref<1024xf32, #tpu.memory_space<vmem>>
        %get3A_634 = arith.index_cast %mul3A_616 : i32 to index
        %get3A_635 = tpu.vector_load %get3A_633[%get3A_634] {strides = array<i32>} : memref<1024xf32, #tpu.memory_space<vmem>>, vector<16xf32>,
        %get3A_636 = vector.shape_cast %get3A_635 : vector<16xf32> to vector<16xf32>
        %mul3A_637 = arith.mulf %get3A_437, %get3A_636 : vector<16xf32>
        %add3A_638 = arith.addf %get3A_626, %mul3A_637 : vector<16xf32>
        %get3A_639 = arith.constant 0 : i32
        %get3A_640 = arith.constant 0 : i32
        %get3A_641 = tpu.memref_slice %arg14[%scan3A_446, %get3A_639, %get3A_640] : memref<2x16x1024xf32, #tpu.memory_space<vmem>> -> memref<1x16x1024xf32, #tpu.memory_space<vmem>>
        %get3A_642 = tpu.memref_squeeze %get3A_641 : memref<1x16x1024xf32, #tpu.memory_space<vmem>> -> memref<16x1024xf32, #tpu.memory_space<vmem>>
        %get3A_643 = arith.constant 0 : i32
        %get3A_644 = tpu.memref_slice %get3A_642[%add3A_432, %get3A_643] : memref<16x1024xf32, #tpu.memory_space<vmem>> -> memref<1x1024xf32, #tpu.memory_space<vmem>>
        %get3A_645 = tpu.memref_squeeze %get3A_644 : memref<1x1024xf32, #tpu.memory_space<vmem>> -> memref<1024xf32, #tpu.memory_space<vmem>>
        %get3A_646 = arith.index_cast %mul3A_616 : i32 to index
        %get3A_647 = tpu.vector_load %get3A_645[%get3A_646] {strides = array<i32>} : memref<1024xf32, #tpu.memory_space<vmem>>, vector<16xf32>,
        %get3A_648 = vector.shape_cast %get3A_647 : vector<16xf32> to vector<16xf32>
        %mul3A_649 = arith.mulf %get3A_443, %get3A_648 : vector<16xf32>
        %add3A_650 = arith.addf %add3A_638, %mul3A_649 : vector<16xf32>
        %swap3A_651 = arith.constant 0 : i32
        %swap3A_652 = arith.constant 0 : i32
        %swap3A_653 = tpu.memref_slice %arg15[%scan3A_444, %swap3A_651, %swap3A_652] : memref<2x16x1024xf32, #tpu.memory_space<vmem>> -> memref<1x16x1024xf32, #tpu.memory_space<vmem>>
        %swap3A_654 = tpu.memref_squeeze %swap3A_653 : memref<1x16x1024xf32, #tpu.memory_space<vmem>> -> memref<16x1024xf32, #tpu.memory_space<vmem>>
        %swap3A_655 = arith.constant 0 : i32
        %swap3A_656 = tpu.memref_slice %swap3A_654[%add3A_432, %swap3A_655] : memref<16x1024xf32, #tpu.memory_space<vmem>> -> memref<1x1024xf32, #tpu.memory_space<vmem>>
        %swap3A_657 = tpu.memref_squeeze %swap3A_656 : memref<1x1024xf32, #tpu.memory_space<vmem>> -> memref<1024xf32, #tpu.memory_space<vmem>>
        %swap3A_658 = arith.index_cast %mul3A_616 : i32 to index
        %swap3A_659 = tpu.vector_load %swap3A_657[%swap3A_658] {strides = array<i32>} : memref<1024xf32, #tpu.memory_space<vmem>>, vector<16xf32>,
        %swap3A_660 = vector.shape_cast %swap3A_659 : vector<16xf32> to vector<16xf32>
        %swap3A_661 = vector.shape_cast %add3A_650 : vector<16xf32> to vector<16xf32>
        tpu.vector_store %swap3A_657[%swap3A_658], %swap3A_661 {strides = array<i32>} : memref<1024xf32, #tpu.memory_space<vmem>>, vector<16xf32>,
        %scan3A_662 = arith.constant 4 : i32
        %scan3A_663 = arith.addi %scan3A_452, %scan3A_662 : i32
        %mul3A_664 = arith.constant 1 : i32
        %mul3A_665 = arith.muli %scan3A_663, %mul3A_664 : i32
        %add3A_666 = arith.constant 0 : i32
        %add3A_667 = arith.addi %add3A_666, %mul3A_665 : i32
        %mul3A_668 = arith.constant 16 : i32
        %mul3A_669 = arith.muli %add3A_667, %mul3A_668 : i32
        %get3A_670 = arith.constant 0 : i32
        %get3A_671 = arith.constant 0 : i32
        %get3A_672 = tpu.memref_slice %arg15[%scan3A_444, %get3A_670, %get3A_671] : memref<2x16x1024xf32, #tpu.memory_space<vmem>> -> memref<1x16x1024xf32, #tpu.memory_space<vmem>>
        %get3A_673 = tpu.memref_squeeze %get3A_672 : memref<1x16x1024xf32, #tpu.memory_space<vmem>> -> memref<16x1024xf32, #tpu.memory_space<vmem>>
        %get3A_674 = arith.constant 0 : i32
        %get3A_675 = tpu.memref_slice %get3A_673[%add3A_432, %get3A_674] : memref<16x1024xf32, #tpu.memory_space<vmem>> -> memref<1x1024xf32, #tpu.memory_space<vmem>>
        %get3A_676 = tpu.memref_squeeze %get3A_675 : memref<1x1024xf32, #tpu.memory_space<vmem>> -> memref<1024xf32, #tpu.memory_space<vmem>>
        %get3A_677 = arith.index_cast %mul3A_669 : i32 to index
        %get3A_678 = tpu.vector_load %get3A_676[%get3A_677] {strides = array<i32>} : memref<1024xf32, #tpu.memory_space<vmem>>, vector<16xf32>,
        %get3A_679 = vector.shape_cast %get3A_678 : vector<16xf32> to vector<16xf32>
        %get3A_680 = arith.constant 0 : i32
        %get3A_681 = arith.constant 0 : i32
        %get3A_682 = tpu.memref_slice %arg13[%scan3A_445, %get3A_680, %get3A_681] : memref<2x16x1024xf32, #tpu.memory_space<vmem>> -> memref<1x16x1024xf32, #tpu.memory_space<vmem>>
        %get3A_683 = tpu.memref_squeeze %get3A_682 : memref<1x16x1024xf32, #tpu.memory_space<vmem>> -> memref<16x1024xf32, #tpu.memory_space<vmem>>
        %get3A_684 = arith.constant 0 : i32
        %get3A_685 = tpu.memref_slice %get3A_683[%add3A_432, %get3A_684] : memref<16x1024xf32, #tpu.memory_space<vmem>> -> memref<1x1024xf32, #tpu.memory_space<vmem>>
        %get3A_686 = tpu.memref_squeeze %get3A_685 : memref<1x1024xf32, #tpu.memory_space<vmem>> -> memref<1024xf32, #tpu.memory_space<vmem>>
        %get3A_687 = arith.index_cast %mul3A_669 : i32 to index
        %get3A_688 = tpu.vector_load %get3A_686[%get3A_687] {strides = array<i32>} : memref<1024xf32, #tpu.memory_space<vmem>>, vector<16xf32>,
        %get3A_689 = vector.shape_cast %get3A_688 : vector<16xf32> to vector<16xf32>
        %mul3A_690 = arith.mulf %get3A_437, %get3A_689 : vector<16xf32>
        %add3A_691 = arith.addf %get3A_679, %mul3A_690 : vector<16xf32>
        %get3A_692 = arith.constant 0 : i32
        %get3A_693 = arith.constant 0 : i32
        %get3A_694 = tpu.memref_slice %arg14[%scan3A_446, %get3A_692, %get3A_693] : memref<2x16x1024xf32, #tpu.memory_space<vmem>> -> memref<1x16x1024xf32, #tpu.memory_space<vmem>>
        %get3A_695 = tpu.memref_squeeze %get3A_694 : memref<1x16x1024xf32, #tpu.memory_space<vmem>> -> memref<16x1024xf32, #tpu.memory_space<vmem>>
        %get3A_696 = arith.constant 0 : i32
        %get3A_697 = tpu.memref_slice %get3A_695[%add3A_432, %get3A_696] : memref<16x1024xf32, #tpu.memory_space<vmem>> -> memref<1x1024xf32, #tpu.memory_space<vmem>>
        %get3A_698 = tpu.memref_squeeze %get3A_697 : memref<1x1024xf32, #tpu.memory_space<vmem>> -> memref<1024xf32, #tpu.memory_space<vmem>>
        %get3A_699 = arith.index_cast %mul3A_669 : i32 to index
        %get3A_700 = tpu.vector_load %get3A_698[%get3A_699] {strides = array<i32>} : memref<1024xf32, #tpu.memory_space<vmem>>, vector<16xf32>,
        %get3A_701 = vector.shape_cast %get3A_700 : vector<16xf32> to vector<16xf32>
        %mul3A_702 = arith.mulf %get3A_443, %get3A_701 : vector<16xf32>
        %add3A_703 = arith.addf %add3A_691, %mul3A_702 : vector<16xf32>
        %swap3A_704 = arith.constant 0 : i32
        %swap3A_705 = arith.constant 0 : i32
        %swap3A_706 = tpu.memref_slice %arg15[%scan3A_444, %swap3A_704, %swap3A_705] : memref<2x16x1024xf32, #tpu.memory_space<vmem>> -> memref<1x16x1024xf32, #tpu.memory_space<vmem>>
        %swap3A_707 = tpu.memref_squeeze %swap3A_706 : memref<1x16x1024xf32, #tpu.memory_space<vmem>> -> memref<16x1024xf32, #tpu.memory_space<vmem>>
        %swap3A_708 = arith.constant 0 : i32
        %swap3A_709 = tpu.memref_slice %swap3A_707[%add3A_432, %swap3A_708] : memref<16x1024xf32, #tpu.memory_space<vmem>> -> memref<1x1024xf32, #tpu.memory_space<vmem>>
        %swap3A_710 = tpu.memref_squeeze %swap3A_709 : memref<1x1024xf32, #tpu.memory_space<vmem>> -> memref<1024xf32, #tpu.memory_space<vmem>>
        %swap3A_711 = arith.index_cast %mul3A_669 : i32 to index
        %swap3A_712 = tpu.vector_load %swap3A_710[%swap3A_711] {strides = array<i32>} : memref<1024xf32, #tpu.memory_space<vmem>>, vector<16xf32>,
        %swap3A_713 = vector.shape_cast %swap3A_712 : vector<16xf32> to vector<16xf32>
        %swap3A_714 = vector.shape_cast %add3A_703 : vector<16xf32> to vector<16xf32>
        tpu.vector_store %swap3A_710[%swap3A_711], %swap3A_714 {strides = array<i32>} : memref<1024xf32, #tpu.memory_space<vmem>>, vector<16xf32>,
        %scan3A_715 = arith.constant 5 : i32
        %scan3A_716 = arith.addi %scan3A_452, %scan3A_715 : i32
        %mul3A_717 = arith.constant 1 : i32
        %mul3A_718 = arith.muli %scan3A_716, %mul3A_717 : i32
        %add3A_719 = arith.constant 0 : i32
        %add3A_720 = arith.addi %add3A_719, %mul3A_718 : i32
        %mul3A_721 = arith.constant 16 : i32
        %mul3A_722 = arith.muli %add3A_720, %mul3A_721 : i32
        %get3A_723 = arith.constant 0 : i32
        %get3A_724 = arith.constant 0 : i32
        %get3A_725 = tpu.memref_slice %arg15[%scan3A_444, %get3A_723, %get3A_724] : memref<2x16x1024xf32, #tpu.memory_space<vmem>> -> memref<1x16x1024xf32, #tpu.memory_space<vmem>>
        %get3A_726 = tpu.memref_squeeze %get3A_725 : memref<1x16x1024xf32, #tpu.memory_space<vmem>> -> memref<16x1024xf32, #tpu.memory_space<vmem>>
        %get3A_727 = arith.constant 0 : i32
        %get3A_728 = tpu.memref_slice %get3A_726[%add3A_432, %get3A_727] : memref<16x1024xf32, #tpu.memory_space<vmem>> -> memref<1x1024xf32, #tpu.memory_space<vmem>>
        %get3A_729 = tpu.memref_squeeze %get3A_728 : memref<1x1024xf32, #tpu.memory_space<vmem>> -> memref<1024xf32, #tpu.memory_space<vmem>>
        %get3A_730 = arith.index_cast %mul3A_722 : i32 to index
        %get3A_731 = tpu.vector_load %get3A_729[%get3A_730] {strides = array<i32>} : memref<1024xf32, #tpu.memory_space<vmem>>, vector<16xf32>,
        %get3A_732 = vector.shape_cast %get3A_731 : vector<16xf32> to vector<16xf32>
        %get3A_733 = arith.constant 0 : i32
        %get3A_734 = arith.constant 0 : i32
        %get3A_735 = tpu.memref_slice %arg13[%scan3A_445, %get3A_733, %get3A_734] : memref<2x16x1024xf32, #tpu.memory_space<vmem>> -> memref<1x16x1024xf32, #tpu.memory_space<vmem>>
        %get3A_736 = tpu.memref_squeeze %get3A_735 : memref<1x16x1024xf32, #tpu.memory_space<vmem>> -> memref<16x1024xf32, #tpu.memory_space<vmem>>
        %get3A_737 = arith.constant 0 : i32
        %get3A_738 = tpu.memref_slice %get3A_736[%add3A_432, %get3A_737] : memref<16x1024xf32, #tpu.memory_space<vmem>> -> memref<1x1024xf32, #tpu.memory_space<vmem>>
        %get3A_739 = tpu.memref_squeeze %get3A_738 : memref<1x1024xf32, #tpu.memory_space<vmem>> -> memref<1024xf32, #tpu.memory_space<vmem>>
        %get3A_740 = arith.index_cast %mul3A_722 : i32 to index
        %get3A_741 = tpu.vector_load %get3A_739[%get3A_740] {strides = array<i32>} : memref<1024xf32, #tpu.memory_space<vmem>>, vector<16xf32>,
        %get3A_742 = vector.shape_cast %get3A_741 : vector<16xf32> to vector<16xf32>
        %mul3A_743 = arith.mulf %get3A_437, %get3A_742 : vector<16xf32>
        %add3A_744 = arith.addf %get3A_732, %mul3A_743 : vector<16xf32>
        %get3A_745 = arith.constant 0 : i32
        %get3A_746 = arith.constant 0 : i32
        %get3A_747 = tpu.memref_slice %arg14[%scan3A_446, %get3A_745, %get3A_746] : memref<2x16x1024xf32, #tpu.memory_space<vmem>> -> memref<1x16x1024xf32, #tpu.memory_space<vmem>>
        %get3A_748 = tpu.memref_squeeze %get3A_747 : memref<1x16x1024xf32, #tpu.memory_space<vmem>> -> memref<16x1024xf32, #tpu.memory_space<vmem>>
        %get3A_749 = arith.constant 0 : i32
        %get3A_750 = tpu.memref_slice %get3A_748[%add3A_432, %get3A_749] : memref<16x1024xf32, #tpu.memory_space<vmem>> -> memref<1x1024xf32, #tpu.memory_space<vmem>>
        %get3A_751 = tpu.memref_squeeze %get3A_750 : memref<1x1024xf32, #tpu.memory_space<vmem>> -> memref<1024xf32, #tpu.memory_space<vmem>>
        %get3A_752 = arith.index_cast %mul3A_722 : i32 to index
        %get3A_753 = tpu.vector_load %get3A_751[%get3A_752] {strides = array<i32>} : memref<1024xf32, #tpu.memory_space<vmem>>, vector<16xf32>,
        %get3A_754 = vector.shape_cast %get3A_753 : vector<16xf32> to vector<16xf32>
        %mul3A_755 = arith.mulf %get3A_443, %get3A_754 : vector<16xf32>
        %add3A_756 = arith.addf %add3A_744, %mul3A_755 : vector<16xf32>
        %swap3A_757 = arith.constant 0 : i32
        %swap3A_758 = arith.constant 0 : i32
        %swap3A_759 = tpu.memref_slice %arg15[%scan3A_444, %swap3A_757, %swap3A_758] : memref<2x16x1024xf32, #tpu.memory_space<vmem>> -> memref<1x16x1024xf32, #tpu.memory_space<vmem>>
        %swap3A_760 = tpu.memref_squeeze %swap3A_759 : memref<1x16x1024xf32, #tpu.memory_space<vmem>> -> memref<16x1024xf32, #tpu.memory_space<vmem>>
        %swap3A_761 = arith.constant 0 : i32
        %swap3A_762 = tpu.memref_slice %swap3A_760[%add3A_432, %swap3A_761] : memref<16x1024xf32, #tpu.memory_space<vmem>> -> memref<1x1024xf32, #tpu.memory_space<vmem>>
        %swap3A_763 = tpu.memref_squeeze %swap3A_762 : memref<1x1024xf32, #tpu.memory_space<vmem>> -> memref<1024xf32, #tpu.memory_space<vmem>>
        %swap3A_764 = arith.index_cast %mul3A_722 : i32 to index
        %swap3A_765 = tpu.vector_load %swap3A_763[%swap3A_764] {strides = array<i32>} : memref<1024xf32, #tpu.memory_space<vmem>>, vector<16xf32>,
        %swap3A_766 = vector.shape_cast %swap3A_765 : vector<16xf32> to vector<16xf32>
        %swap3A_767 = vector.shape_cast %add3A_756 : vector<16xf32> to vector<16xf32>
        tpu.vector_store %swap3A_763[%swap3A_764], %swap3A_767 {strides = array<i32>} : memref<1024xf32, #tpu.memory_space<vmem>>, vector<16xf32>,
        %scan3A_768 = arith.constant 6 : i32
        %scan3A_769 = arith.addi %scan3A_452, %scan3A_768 : i32
        %mul3A_770 = arith.constant 1 : i32
        %mul3A_771 = arith.muli %scan3A_769, %mul3A_770 : i32
        %add3A_772 = arith.constant 0 : i32
        %add3A_773 = arith.addi %add3A_772, %mul3A_771 : i32
        %mul3A_774 = arith.constant 16 : i32
        %mul3A_775 = arith.muli %add3A_773, %mul3A_774 : i32
        %get3A_776 = arith.constant 0 : i32
        %get3A_777 = arith.constant 0 : i32
        %get3A_778 = tpu.memref_slice %arg15[%scan3A_444, %get3A_776, %get3A_777] : memref<2x16x1024xf32, #tpu.memory_space<vmem>> -> memref<1x16x1024xf32, #tpu.memory_space<vmem>>
        %get3A_779 = tpu.memref_squeeze %get3A_778 : memref<1x16x1024xf32, #tpu.memory_space<vmem>> -> memref<16x1024xf32, #tpu.memory_space<vmem>>
        %get3A_780 = arith.constant 0 : i32
        %get3A_781 = tpu.memref_slice %get3A_779[%add3A_432, %get3A_780] : memref<16x1024xf32, #tpu.memory_space<vmem>> -> memref<1x1024xf32, #tpu.memory_space<vmem>>
        %get3A_782 = tpu.memref_squeeze %get3A_781 : memref<1x1024xf32, #tpu.memory_space<vmem>> -> memref<1024xf32, #tpu.memory_space<vmem>>
        %get3A_783 = arith.index_cast %mul3A_775 : i32 to index
        %get3A_784 = tpu.vector_load %get3A_782[%get3A_783] {strides = array<i32>} : memref<1024xf32, #tpu.memory_space<vmem>>, vector<16xf32>,
        %get3A_785 = vector.shape_cast %get3A_784 : vector<16xf32> to vector<16xf32>
        %get3A_786 = arith.constant 0 : i32
        %get3A_787 = arith.constant 0 : i32
        %get3A_788 = tpu.memref_slice %arg13[%scan3A_445, %get3A_786, %get3A_787] : memref<2x16x1024xf32, #tpu.memory_space<vmem>> -> memref<1x16x1024xf32, #tpu.memory_space<vmem>>
        %get3A_789 = tpu.memref_squeeze %get3A_788 : memref<1x16x1024xf32, #tpu.memory_space<vmem>> -> memref<16x1024xf32, #tpu.memory_space<vmem>>
        %get3A_790 = arith.constant 0 : i32
        %get3A_791 = tpu.memref_slice %get3A_789[%add3A_432, %get3A_790] : memref<16x1024xf32, #tpu.memory_space<vmem>> -> memref<1x1024xf32, #tpu.memory_space<vmem>>
        %get3A_792 = tpu.memref_squeeze %get3A_791 : memref<1x1024xf32, #tpu.memory_space<vmem>> -> memref<1024xf32, #tpu.memory_space<vmem>>
        %get3A_793 = arith.index_cast %mul3A_775 : i32 to index
        %get3A_794 = tpu.vector_load %get3A_792[%get3A_793] {strides = array<i32>} : memref<1024xf32, #tpu.memory_space<vmem>>, vector<16xf32>,
        %get3A_795 = vector.shape_cast %get3A_794 : vector<16xf32> to vector<16xf32>
        %mul3A_796 = arith.mulf %get3A_437, %get3A_795 : vector<16xf32>
        %add3A_797 = arith.addf %get3A_785, %mul3A_796 : vector<16xf32>
        %get3A_798 = arith.constant 0 : i32
        %get3A_799 = arith.constant 0 : i32
        %get3A_800 = tpu.memref_slice %arg14[%scan3A_446, %get3A_798, %get3A_799] : memref<2x16x1024xf32, #tpu.memory_space<vmem>> -> memref<1x16x1024xf32, #tpu.memory_space<vmem>>
        %get3A_801 = tpu.memref_squeeze %get3A_800 : memref<1x16x1024xf32, #tpu.memory_space<vmem>> -> memref<16x1024xf32, #tpu.memory_space<vmem>>
        %get3A_802 = arith.constant 0 : i32
        %get3A_803 = tpu.memref_slice %get3A_801[%add3A_432, %get3A_802] : memref<16x1024xf32, #tpu.memory_space<vmem>> -> memref<1x1024xf32, #tpu.memory_space<vmem>>
        %get3A_804 = tpu.memref_squeeze %get3A_803 : memref<1x1024xf32, #tpu.memory_space<vmem>> -> memref<1024xf32, #tpu.memory_space<vmem>>
        %get3A_805 = arith.index_cast %mul3A_775 : i32 to index
        %get3A_806 = tpu.vector_load %get3A_804[%get3A_805] {strides = array<i32>} : memref<1024xf32, #tpu.memory_space<vmem>>, vector<16xf32>,
        %get3A_807 = vector.shape_cast %get3A_806 : vector<16xf32> to vector<16xf32>
        %mul3A_808 = arith.mulf %get3A_443, %get3A_807 : vector<16xf32>
        %add3A_809 = arith.addf %add3A_797, %mul3A_808 : vector<16xf32>
        %swap3A_810 = arith.constant 0 : i32
        %swap3A_811 = arith.constant 0 : i32
        %swap3A_812 = tpu.memref_slice %arg15[%scan3A_444, %swap3A_810, %swap3A_811] : memref<2x16x1024xf32, #tpu.memory_space<vmem>> -> memref<1x16x1024xf32, #tpu.memory_space<vmem>>
        %swap3A_813 = tpu.memref_squeeze %swap3A_812 : memref<1x16x1024xf32, #tpu.memory_space<vmem>> -> memref<16x1024xf32, #tpu.memory_space<vmem>>
        %swap3A_814 = arith.constant 0 : i32
        %swap3A_815 = tpu.memref_slice %swap3A_813[%add3A_432, %swap3A_814] : memref<16x1024xf32, #tpu.memory_space<vmem>> -> memref<1x1024xf32, #tpu.memory_space<vmem>>
        %swap3A_816 = tpu.memref_squeeze %swap3A_815 : memref<1x1024xf32, #tpu.memory_space<vmem>> -> memref<1024xf32, #tpu.memory_space<vmem>>
        %swap3A_817 = arith.index_cast %mul3A_775 : i32 to index
        %swap3A_818 = tpu.vector_load %swap3A_816[%swap3A_817] {strides = array<i32>} : memref<1024xf32, #tpu.memory_space<vmem>>, vector<16xf32>,
        %swap3A_819 = vector.shape_cast %swap3A_818 : vector<16xf32> to vector<16xf32>
        %swap3A_820 = vector.shape_cast %add3A_809 : vector<16xf32> to vector<16xf32>
        tpu.vector_store %swap3A_816[%swap3A_817], %swap3A_820 {strides = array<i32>} : memref<1024xf32, #tpu.memory_space<vmem>>, vector<16xf32>,
        %scan3A_821 = arith.constant 7 : i32
        %scan3A_822 = arith.addi %scan3A_452, %scan3A_821 : i32
        %mul3A_823 = arith.constant 1 : i32
        %mul3A_824 = arith.muli %scan3A_822, %mul3A_823 : i32
        %add3A_825 = arith.constant 0 : i32
        %add3A_826 = arith.addi %add3A_825, %mul3A_824 : i32
        %mul3A_827 = arith.constant 16 : i32
        %mul3A_828 = arith.muli %add3A_826, %mul3A_827 : i32
        %get3A_829 = arith.constant 0 : i32
        %get3A_830 = arith.constant 0 : i32
        %get3A_831 = tpu.memref_slice %arg15[%scan3A_444, %get3A_829, %get3A_830] : memref<2x16x1024xf32, #tpu.memory_space<vmem>> -> memref<1x16x1024xf32, #tpu.memory_space<vmem>>
        %get3A_832 = tpu.memref_squeeze %get3A_831 : memref<1x16x1024xf32, #tpu.memory_space<vmem>> -> memref<16x1024xf32, #tpu.memory_space<vmem>>
        %get3A_833 = arith.constant 0 : i32
        %get3A_834 = tpu.memref_slice %get3A_832[%add3A_432, %get3A_833] : memref<16x1024xf32, #tpu.memory_space<vmem>> -> memref<1x1024xf32, #tpu.memory_space<vmem>>
        %get3A_835 = tpu.memref_squeeze %get3A_834 : memref<1x1024xf32, #tpu.memory_space<vmem>> -> memref<1024xf32, #tpu.memory_space<vmem>>
        %get3A_836 = arith.index_cast %mul3A_828 : i32 to index
        %get3A_837 = tpu.vector_load %get3A_835[%get3A_836] {strides = array<i32>} : memref<1024xf32, #tpu.memory_space<vmem>>, vector<16xf32>,
        %get3A_838 = vector.shape_cast %get3A_837 : vector<16xf32> to vector<16xf32>
        %get3A_839 = arith.constant 0 : i32
        %get3A_840 = arith.constant 0 : i32
        %get3A_841 = tpu.memref_slice %arg13[%scan3A_445, %get3A_839, %get3A_840] : memref<2x16x1024xf32, #tpu.memory_space<vmem>> -> memref<1x16x1024xf32, #tpu.memory_space<vmem>>
        %get3A_842 = tpu.memref_squeeze %get3A_841 : memref<1x16x1024xf32, #tpu.memory_space<vmem>> -> memref<16x1024xf32, #tpu.memory_space<vmem>>
        %get3A_843 = arith.constant 0 : i32
        %get3A_844 = tpu.memref_slice %get3A_842[%add3A_432, %get3A_843] : memref<16x1024xf32, #tpu.memory_space<vmem>> -> memref<1x1024xf32, #tpu.memory_space<vmem>>
        %get3A_845 = tpu.memref_squeeze %get3A_844 : memref<1x1024xf32, #tpu.memory_space<vmem>> -> memref<1024xf32, #tpu.memory_space<vmem>>
        %get3A_846 = arith.index_cast %mul3A_828 : i32 to index
        %get3A_847 = tpu.vector_load %get3A_845[%get3A_846] {strides = array<i32>} : memref<1024xf32, #tpu.memory_space<vmem>>, vector<16xf32>,
        %get3A_848 = vector.shape_cast %get3A_847 : vector<16xf32> to vector<16xf32>
        %mul3A_849 = arith.mulf %get3A_437, %get3A_848 : vector<16xf32>
        %add3A_850 = arith.addf %get3A_838, %mul3A_849 : vector<16xf32>
        %get3A_851 = arith.constant 0 : i32
        %get3A_852 = arith.constant 0 : i32
        %get3A_853 = tpu.memref_slice %arg14[%scan3A_446, %get3A_851, %get3A_852] : memref<2x16x1024xf32, #tpu.memory_space<vmem>> -> memref<1x16x1024xf32, #tpu.memory_space<vmem>>
        %get3A_854 = tpu.memref_squeeze %get3A_853 : memref<1x16x1024xf32, #tpu.memory_space<vmem>> -> memref<16x1024xf32, #tpu.memory_space<vmem>>
        %get3A_855 = arith.constant 0 : i32
        %get3A_856 = tpu.memref_slice %get3A_854[%add3A_432, %get3A_855] : memref<16x1024xf32, #tpu.memory_space<vmem>> -> memref<1x1024xf32, #tpu.memory_space<vmem>>
        %get3A_857 = tpu.memref_squeeze %get3A_856 : memref<1x1024xf32, #tpu.memory_space<vmem>> -> memref<1024xf32, #tpu.memory_space<vmem>>
        %get3A_858 = arith.index_cast %mul3A_828 : i32 to index
        %get3A_859 = tpu.vector_load %get3A_857[%get3A_858] {strides = array<i32>} : memref<1024xf32, #tpu.memory_space<vmem>>, vector<16xf32>,
        %get3A_860 = vector.shape_cast %get3A_859 : vector<16xf32> to vector<16xf32>
        %mul3A_861 = arith.mulf %get3A_443, %get3A_860 : vector<16xf32>
        %add3A_862 = arith.addf %add3A_850, %mul3A_861 : vector<16xf32>
        %swap3A_863 = arith.constant 0 : i32
        %swap3A_864 = arith.constant 0 : i32
        %swap3A_865 = tpu.memref_slice %arg15[%scan3A_444, %swap3A_863, %swap3A_864] : memref<2x16x1024xf32, #tpu.memory_space<vmem>> -> memref<1x16x1024xf32, #tpu.memory_space<vmem>>
        %swap3A_866 = tpu.memref_squeeze %swap3A_865 : memref<1x16x1024xf32, #tpu.memory_space<vmem>> -> memref<16x1024xf32, #tpu.memory_space<vmem>>
        %swap3A_867 = arith.constant 0 : i32
        %swap3A_868 = tpu.memref_slice %swap3A_866[%add3A_432, %swap3A_867] : memref<16x1024xf32, #tpu.memory_space<vmem>> -> memref<1x1024xf32, #tpu.memory_space<vmem>>
        %swap3A_869 = tpu.memref_squeeze %swap3A_868 : memref<1x1024xf32, #tpu.memory_space<vmem>> -> memref<1024xf32, #tpu.memory_space<vmem>>
        %swap3A_870 = arith.index_cast %mul3A_828 : i32 to index
        %swap3A_871 = tpu.vector_load %swap3A_869[%swap3A_870] {strides = array<i32>} : memref<1024xf32, #tpu.memory_space<vmem>>, vector<16xf32>,
        %swap3A_872 = vector.shape_cast %swap3A_871 : vector<16xf32> to vector<16xf32>
        %swap3A_873 = vector.shape_cast %add3A_862 : vector<16xf32> to vector<16xf32>
        tpu.vector_store %swap3A_869[%swap3A_870], %swap3A_873 {strides = array<i32>} : memref<1024xf32, #tpu.memory_space<vmem>>, vector<16xf32>,
      }
      %scan3A_451 = arith.constant 64 : i32
    }
    %scan3A_220 = arith.constant 16 : i32
    %add3A_221 = arith.constant 16 : i32
    %add3A_222 = arith.addi %mul3A_2, %add3A_221 : i32
    %dma_start3A_223 = arith.constant 1 : i32
    %dma_start3A_224 = arith.constant 0 : i32
    %dma_start3A_225 = arith.constant 0 : i32
    %dma_start3A_226 = tpu.memref_slice %arg15[%dma_start3A_223, %dma_start3A_224, %dma_start3A_225] : memref<2x16x1024xf32, #tpu.memory_space<vmem>> -> memref<1x16x1024xf32, #tpu.memory_space<vmem>>
    %dma_start3A_227 = tpu.memref_squeeze %dma_start3A_226 : memref<1x16x1024xf32, #tpu.memory_space<vmem>> -> memref<16x1024xf32, #tpu.memory_space<vmem>>
    %dma_start3A_228 = arith.constant 0 : i32
    %dma_start3A_229 = tpu.memref_slice %arg8[%add3A_222, %dma_start3A_228] : memref<2048x1024xf32, #tpu.memory_space<hbm>> -> memref<16x1024xf32, #tpu.memory_space<hbm>>
    %dma_start3A_230 = arith.constant 0 : i32
    %dma_start3A_231 = tpu.memref_slice %arg8[%add3A_222, %dma_start3A_230] : memref<2048x1024xf32, #tpu.memory_space<hbm>> -> memref<16x1024xf32, #tpu.memory_space<hbm>>
    %dma_start3A_232 = arith.constant 0 : i32
    %dma_start3A_233 = arith.constant 0 : i32
    %dma_start3A_234 = tpu.memref_slice %arg15[%dma_start3A_223, %dma_start3A_232, %dma_start3A_233] : memref<2x16x1024xf32, #tpu.memory_space<vmem>> -> memref<1x16x1024xf32, #tpu.memory_space<vmem>>
    %dma_start3A_235 = tpu.memref_squeeze %dma_start3A_234 : memref<1x16x1024xf32, #tpu.memory_space<vmem>> -> memref<16x1024xf32, #tpu.memory_space<vmem>>
    tpu.enqueue_dma source(%dma_start3A_235 : memref<16x1024xf32, #tpu.memory_space<vmem>>) target(%dma_start3A_231 : memref<16x1024xf32, #tpu.memory_space<hbm>>) target_semaphore(%arg19 : memref<!tpu.dma_semaphore, #tpu.memory_space<semaphore_mem>>)
    %dma_wait3A_236 = arith.constant 1 : i32
    %dma_wait3A_237 = arith.constant 0 : i32
    %dma_wait3A_238 = arith.constant 0 : i32
    %dma_wait3A_239 = tpu.memref_slice %arg15[%dma_wait3A_236, %dma_wait3A_237, %dma_wait3A_238] : memref<2x16x1024xf32, #tpu.memory_space<vmem>> -> memref<1x16x1024xf32, #tpu.memory_space<vmem>>
    %dma_wait3A_240 = tpu.memref_squeeze %dma_wait3A_239 : memref<1x16x1024xf32, #tpu.memory_space<vmem>> -> memref<16x1024xf32, #tpu.memory_space<vmem>>
    %dma_wait3A_241 = arith.constant 0 : i32
    %dma_wait3A_242 = tpu.memref_slice %arg8[%mul3A_2, %dma_wait3A_241] : memref<2048x1024xf32, #tpu.memory_space<hbm>> -> memref<16x1024xf32, #tpu.memory_space<hbm>>
    %dma_wait3A_243 = arith.constant 0 : i32
    %dma_wait3A_244 = tpu.memref_slice %arg8[%mul3A_2, %dma_wait3A_243] : memref<2048x1024xf32, #tpu.memory_space<hbm>> -> memref<16x1024xf32, #tpu.memory_space<hbm>>
    %dma_wait3A_245 = arith.constant 0 : i32
    %dma_wait3A_246 = arith.constant 0 : i32
    %dma_wait3A_247 = tpu.memref_slice %arg15[%dma_wait3A_236, %dma_wait3A_245, %dma_wait3A_246] : memref<2x16x1024xf32, #tpu.memory_space<vmem>> -> memref<1x16x1024xf32, #tpu.memory_space<vmem>>
    %dma_wait3A_248 = tpu.memref_squeeze %dma_wait3A_247 : memref<1x16x1024xf32, #tpu.memory_space<vmem>> -> memref<16x1024xf32, #tpu.memory_space<vmem>>
    tpu.wait_dma2 semaphore(%arg19 : memref<!tpu.dma_semaphore, #tpu.memory_space<semaphore_mem>>) src(%dma_wait3A_248 : memref<16x1024xf32, #tpu.memory_space<vmem>>) dst(%dma_wait3A_244 : memref<16x1024xf32, #tpu.memory_space<hbm>>)
    %dma_start3A_249 = arith.constant 1 : i32
    %dma_start3A_250 = arith.constant 0 : i32
    %dma_start3A_251 = arith.constant 0 : i32
    %dma_start3A_252 = tpu.memref_slice %arg13[%dma_start3A_249, %dma_start3A_250, %dma_start3A_251] : memref<2x16x1024xf32, #tpu.memory_space<vmem>> -> memref<1x16x1024xf32, #tpu.memory_space<vmem>>
    %dma_start3A_253 = tpu.memref_squeeze %dma_start3A_252 : memref<1x16x1024xf32, #tpu.memory_space<vmem>> -> memref<16x1024xf32, #tpu.memory_space<vmem>>
    %dma_start3A_254 = arith.constant 48 : i32
    %dma_start3A_255 = tpu.memref_slice %arg9[%dma_start3A_254] : memref<64xi32, #tpu.memory_space<vmem>> -> memref<16xi32, #tpu.memory_space<vmem>>
    %dma_start3A_256 = arith.constant 0 : i32
    %dma_start3A_257 = arith.constant 0 : i32
    %dma_start3A_258 = tpu.memref_slice %arg2[%dma_start3A_256, %dma_start3A_257] : memref<6144x1024xf32, #tpu.memory_space<hbm>> -> memref<6144x1024xf32, #tpu.memory_space<hbm>>
    tpu.enqueue_indirect_dma source(%dma_start3A_258 : memref<6144x1024xf32, #tpu.memory_space<hbm>>) target(%dma_start3A_253 : memref<16x1024xf32, #tpu.memory_space<vmem>>) offsets(%dma_start3A_255 : memref<16xi32, #tpu.memory_space<vmem>>) semaphore(%arg17 : memref<!tpu.dma_semaphore, #tpu.memory_space<semaphore_mem>>)
    %dma_start3A_259 = arith.constant 1 : i32
    %dma_start3A_260 = arith.constant 0 : i32
    %dma_start3A_261 = arith.constant 0 : i32
    %dma_start3A_262 = tpu.memref_slice %arg14[%dma_start3A_259, %dma_start3A_260, %dma_start3A_261] : memref<2x16x1024xf32, #tpu.memory_space<vmem>> -> memref<1x16x1024xf32, #tpu.memory_space<vmem>>
    %dma_start3A_263 = tpu.memref_squeeze %dma_start3A_262 : memref<1x16x1024xf32, #tpu.memory_space<vmem>> -> memref<16x1024xf32, #tpu.memory_space<vmem>>
    %dma_start3A_264 = arith.constant 48 : i32
    %dma_start3A_265 = tpu.memref_slice %arg10[%dma_start3A_264] : memref<64xi32, #tpu.memory_space<vmem>> -> memref<16xi32, #tpu.memory_space<vmem>>
    %dma_start3A_266 = arith.constant 0 : i32
    %dma_start3A_267 = arith.constant 0 : i32
    %dma_start3A_268 = tpu.memref_slice %arg2[%dma_start3A_266, %dma_start3A_267] : memref<6144x1024xf32, #tpu.memory_space<hbm>> -> memref<6144x1024xf32, #tpu.memory_space<hbm>>
    tpu.enqueue_indirect_dma source(%dma_start3A_268 : memref<6144x1024xf32, #tpu.memory_space<hbm>>) target(%dma_start3A_263 : memref<16x1024xf32, #tpu.memory_space<vmem>>) offsets(%dma_start3A_265 : memref<16xi32, #tpu.memory_space<vmem>>) semaphore(%arg17 : memref<!tpu.dma_semaphore, #tpu.memory_space<semaphore_mem>>)
    %add3A_269 = arith.constant 48 : i32
    %add3A_270 = arith.addi %mul3A_2, %add3A_269 : i32
    %dma_start3A_271 = arith.constant 1 : i32
    %dma_start3A_272 = arith.constant 0 : i32
    %dma_start3A_273 = arith.constant 0 : i32
    %dma_start3A_274 = tpu.memref_slice %arg15[%dma_start3A_271, %dma_start3A_272, %dma_start3A_273] : memref<2x16x1024xf32, #tpu.memory_space<vmem>> -> memref<1x16x1024xf32, #tpu.memory_space<vmem>>
    %dma_start3A_275 = tpu.memref_squeeze %dma_start3A_274 : memref<1x16x1024xf32, #tpu.memory_space<vmem>> -> memref<16x1024xf32, #tpu.memory_space<vmem>>
    %dma_start3A_276 = arith.constant 0 : i32
    %dma_start3A_277 = tpu.memref_slice %arg3[%add3A_270, %dma_start3A_276] : memref<2048x1024xf32, #tpu.memory_space<hbm>> -> memref<16x1024xf32, #tpu.memory_space<hbm>>
    %dma_start3A_278 = arith.constant 0 : i32
    %dma_start3A_279 = arith.constant 0 : i32
    %dma_start3A_280 = tpu.memref_slice %arg15[%dma_start3A_271, %dma_start3A_278, %dma_start3A_279] : memref<2x16x1024xf32, #tpu.memory_space<vmem>> -> memref<1x16x1024xf32, #tpu.memory_space<vmem>>
    %dma_start3A_281 = tpu.memref_squeeze %dma_start3A_280 : memref<1x16x1024xf32, #tpu.memory_space<vmem>> -> memref<16x1024xf32, #tpu.memory_space<vmem>>
    %dma_start3A_282 = arith.constant 0 : i32
    %dma_start3A_283 = tpu.memref_slice %arg3[%add3A_270, %dma_start3A_282] : memref<2048x1024xf32, #tpu.memory_space<hbm>> -> memref<16x1024xf32, #tpu.memory_space<hbm>>
    tpu.enqueue_dma source(%dma_start3A_283 : memref<16x1024xf32, #tpu.memory_space<hbm>>) target(%dma_start3A_281 : memref<16x1024xf32, #tpu.memory_space<vmem>>) target_semaphore(%arg17 : memref<!tpu.dma_semaphore, #tpu.memory_space<semaphore_mem>>)
    %dma_wait3A_284 = arith.constant 0 : i32
    %dma_wait3A_285 = arith.constant 0 : i32
    %dma_wait3A_286 = arith.constant 0 : i32
    %dma_wait3A_287 = tpu.memref_slice %arg15[%dma_wait3A_284, %dma_wait3A_285, %dma_wait3A_286] : memref<2x16x1024xf32, #tpu.memory_space<vmem>> -> memref<1x16x1024xf32, #tpu.memory_space<vmem>>
    %dma_wait3A_288 = tpu.memref_squeeze %dma_wait3A_287 : memref<1x16x1024xf32, #tpu.memory_space<vmem>> -> memref<16x1024xf32, #tpu.memory_space<vmem>>
    %dma_wait3A_289 = arith.constant 0 : i32
    %dma_wait3A_290 = tpu.memref_slice %arg3[%mul3A_2, %dma_wait3A_289] : memref<2048x1024xf32, #tpu.memory_space<hbm>> -> memref<16x1024xf32, #tpu.memory_space<hbm>>
    %dma_wait3A_291 = arith.constant 0 : i32
    %dma_wait3A_292 = arith.constant 0 : i32
    %dma_wait3A_293 = tpu.memref_slice %arg15[%dma_wait3A_284, %dma_wait3A_291, %dma_wait3A_292] : memref<2x16x1024xf32, #tpu.memory_space<vmem>> -> memref<1x16x1024xf32, #tpu.memory_space<vmem>>
    %dma_wait3A_294 = tpu.memref_squeeze %dma_wait3A_293 : memref<1x16x1024xf32, #tpu.memory_space<vmem>> -> memref<16x1024xf32, #tpu.memory_space<vmem>>
    %dma_wait3A_295 = arith.constant 0 : i32
    %dma_wait3A_296 = tpu.memref_slice %arg3[%mul3A_2, %dma_wait3A_295] : memref<2048x1024xf32, #tpu.memory_space<hbm>> -> memref<16x1024xf32, #tpu.memory_space<hbm>>
    tpu.wait_dma2 semaphore(%arg16 : memref<!tpu.dma_semaphore, #tpu.memory_space<semaphore_mem>>) src(%dma_wait3A_296 : memref<16x1024xf32, #tpu.memory_space<hbm>>) dst(%dma_wait3A_294 : memref<16x1024xf32, #tpu.memory_space<vmem>>)
    %dma_wait3A_297 = arith.constant 0 : i32
    %dma_wait3A_298 = arith.constant 0 : i32
    %dma_wait3A_299 = arith.constant 0 : i32
    %dma_wait3A_300 = tpu.memref_slice %arg15[%dma_wait3A_297, %dma_wait3A_298, %dma_wait3A_299] : memref<2x16x1024xf32, #tpu.memory_space<vmem>> -> memref<1x16x1024xf32, #tpu.memory_space<vmem>>
    %dma_wait3A_301 = tpu.memref_squeeze %dma_wait3A_300 : memref<1x16x1024xf32, #tpu.memory_space<vmem>> -> memref<16x1024xf32, #tpu.memory_space<vmem>>
    %dma_wait3A_302 = arith.constant 0 : i32
    %dma_wait3A_303 = tpu.memref_slice %arg3[%mul3A_2, %dma_wait3A_302] : memref<2048x1024xf32, #tpu.memory_space<hbm>> -> memref<16x1024xf32, #tpu.memory_space<hbm>>
    %dma_wait3A_304 = arith.constant 0 : i32
    %dma_wait3A_305 = arith.constant 0 : i32
    %dma_wait3A_306 = tpu.memref_slice %arg15[%dma_wait3A_297, %dma_wait3A_304, %dma_wait3A_305] : memref<2x16x1024xf32, #tpu.memory_space<vmem>> -> memref<1x16x1024xf32, #tpu.memory_space<vmem>>
    %dma_wait3A_307 = tpu.memref_squeeze %dma_wait3A_306 : memref<1x16x1024xf32, #tpu.memory_space<vmem>> -> memref<16x1024xf32, #tpu.memory_space<vmem>>
    %dma_wait3A_308 = arith.constant 0 : i32
    %dma_wait3A_309 = tpu.memref_slice %arg3[%mul3A_2, %dma_wait3A_308] : memref<2048x1024xf32, #tpu.memory_space<hbm>> -> memref<16x1024xf32, #tpu.memory_space<hbm>>
    tpu.wait_dma2 semaphore(%arg16 : memref<!tpu.dma_semaphore, #tpu.memory_space<semaphore_mem>>) src(%dma_wait3A_309 : memref<16x1024xf32, #tpu.memory_space<hbm>>) dst(%dma_wait3A_307 : memref<16x1024xf32, #tpu.memory_space<vmem>>)
    %dma_wait3A_310 = arith.constant 0 : i32
    %dma_wait3A_311 = arith.constant 0 : i32
    %dma_wait3A_312 = arith.constant 0 : i32
    %dma_wait3A_313 = tpu.memref_slice %arg15[%dma_wait3A_310, %dma_wait3A_311, %dma_wait3A_312] : memref<2x16x1024xf32, #tpu.memory_space<vmem>> -> memref<1x16x1024xf32, #tpu.memory_space<vmem>>
    %dma_wait3A_314 = tpu.memref_squeeze %dma_wait3A_313 : memref<1x16x1024xf32, #tpu.memory_space<vmem>> -> memref<16x1024xf32, #tpu.memory_space<vmem>>
    %dma_wait3A_315 = arith.constant 0 : i32
    %dma_wait3A_316 = tpu.memref_slice %arg3[%mul3A_2, %dma_wait3A_315] : memref<2048x1024xf32, #tpu.memory_space<hbm>> -> memref<16x1024xf32, #tpu.memory_space<hbm>>
    %dma_wait3A_317 = arith.constant 0 : i32
    %dma_wait3A_318 = arith.constant 0 : i32
    %dma_wait3A_319 = tpu.memref_slice %arg15[%dma_wait3A_310, %dma_wait3A_317, %dma_wait3A_318] : memref<2x16x1024xf32, #tpu.memory_space<vmem>> -> memref<1x16x1024xf32, #tpu.memory_space<vmem>>
    %dma_wait3A_320 = tpu.memref_squeeze %dma_wait3A_319 : memref<1x16x1024xf32, #tpu.memory_space<vmem>> -> memref<16x1024xf32, #tpu.memory_space<vmem>>
    %dma_wait3A_321 = arith.constant 0 : i32
    %dma_wait3A_322 = tpu.memref_slice %arg3[%mul3A_2, %dma_wait3A_321] : memref<2048x1024xf32, #tpu.memory_space<hbm>> -> memref<16x1024xf32, #tpu.memory_space<hbm>>
    tpu.wait_dma2 semaphore(%arg16 : memref<!tpu.dma_semaphore, #tpu.memory_space<semaphore_mem>>) src(%dma_wait3A_322 : memref<16x1024xf32, #tpu.memory_space<hbm>>) dst(%dma_wait3A_320 : memref<16x1024xf32, #tpu.memory_space<vmem>>)
    %scan3A_323 = arith.constant 0 : i32
    %scan3A_324 = arith.constant 16 : i32
    %scan3A_325 = arith.addi %scan3A_323, %scan3A_324 : i32
    %scan3A_326 = arith.constant 1 : i32
    scf.for %scan3A_428 = %scan3A_323 to %scan3A_325 step %scan3A_326  : i32 {
      %mul3A_429 = arith.constant 1 : i32
      %mul3A_430 = arith.muli %scan3A_428, %mul3A_429 : i32
      %add3A_431 = arith.constant 0 : i32
      %add3A_432 = arith.addi %add3A_431, %mul3A_430 : i32
      %add3A_433 = arith.constant 32 : i32
      %add3A_434 = arith.addi %add3A_433, %add3A_432 : i32
      %get3A = arith.index_cast %add3A_434 : i32 to index
      %get3A_435 = arith.constant 0 : index
      %get3A_436 = tpu.vector_load %arg11[%get3A, %get3A_435] {strides = array<i32>} : memref<64x16xf32, #tpu.memory_space<vmem>>, vector<1x16xf32>,
      %get3A_437 = vector.shape_cast %get3A_436 : vector<1x16xf32> to vector<16xf32>
      %add3A_438 = arith.constant 32 : i32
      %add3A_439 = arith.addi %add3A_438, %add3A_432 : i32
      %get3A_440 = arith.index_cast %add3A_439 : i32 to index
      %get3A_441 = arith.constant 0 : index
      %get3A_442 = tpu.vector_load %arg12[%get3A_440, %get3A_441] {strides = array<i32>} : memref<64x16xf32, #tpu.memory_space<vmem>>, vector<1x16xf32>,
      %get3A_443 = vector.shape_cast %get3A_442 : vector<1x16xf32> to vector<16xf32>
      %scan3A_444 = arith.constant 0 : i32
      %scan3A_445 = arith.constant 0 : i32
      %scan3A_446 = arith.constant 0 : i32
      %scan3A_447 = arith.constant 0 : i32
      %scan3A_448 = arith.constant 64 : i32
      %scan3A_449 = arith.addi %scan3A_447, %scan3A_448 : i32
      %scan3A_450 = arith.constant 8 : i32
      scf.for %scan3A_452 = %scan3A_447 to %scan3A_449 step %scan3A_450  : i32 {
        %mul3A_453 = arith.constant 1 : i32
        %mul3A_454 = arith.muli %scan3A_452, %mul3A_453 : i32
        %add3A_455 = arith.constant 0 : i32
        %add3A_456 = arith.addi %add3A_455, %mul3A_454 : i32
        %mul3A_457 = arith.constant 16 : i32
        %mul3A_458 = arith.muli %add3A_456, %mul3A_457 : i32
        %get3A_459 = arith.constant 0 : i32
        %get3A_460 = arith.constant 0 : i32
        %get3A_461 = tpu.memref_slice %arg15[%scan3A_444, %get3A_459, %get3A_460] : memref<2x16x1024xf32, #tpu.memory_space<vmem>> -> memref<1x16x1024xf32, #tpu.memory_space<vmem>>
        %get3A_462 = tpu.memref_squeeze %get3A_461 : memref<1x16x1024xf32, #tpu.memory_space<vmem>> -> memref<16x1024xf32, #tpu.memory_space<vmem>>
        %get3A_463 = arith.constant 0 : i32
        %get3A_464 = tpu.memref_slice %get3A_462[%add3A_432, %get3A_463] : memref<16x1024xf32, #tpu.memory_space<vmem>> -> memref<1x1024xf32, #tpu.memory_space<vmem>>
        %get3A_465 = tpu.memref_squeeze %get3A_464 : memref<1x1024xf32, #tpu.memory_space<vmem>> -> memref<1024xf32, #tpu.memory_space<vmem>>
        %get3A_466 = arith.index_cast %mul3A_458 : i32 to index
        %get3A_467 = tpu.vector_load %get3A_465[%get3A_466] {strides = array<i32>} : memref<1024xf32, #tpu.memory_space<vmem>>, vector<16xf32>,
        %get3A_468 = vector.shape_cast %get3A_467 : vector<16xf32> to vector<16xf32>
        %get3A_469 = arith.constant 0 : i32
        %get3A_470 = arith.constant 0 : i32
        %get3A_471 = tpu.memref_slice %arg13[%scan3A_445, %get3A_469, %get3A_470] : memref<2x16x1024xf32, #tpu.memory_space<vmem>> -> memref<1x16x1024xf32, #tpu.memory_space<vmem>>
        %get3A_472 = tpu.memref_squeeze %get3A_471 : memref<1x16x1024xf32, #tpu.memory_space<vmem>> -> memref<16x1024xf32, #tpu.memory_space<vmem>>
        %get3A_473 = arith.constant 0 : i32
        %get3A_474 = tpu.memref_slice %get3A_472[%add3A_432, %get3A_473] : memref<16x1024xf32, #tpu.memory_space<vmem>> -> memref<1x1024xf32, #tpu.memory_space<vmem>>
        %get3A_475 = tpu.memref_squeeze %get3A_474 : memref<1x1024xf32, #tpu.memory_space<vmem>> -> memref<1024xf32, #tpu.memory_space<vmem>>
        %get3A_476 = arith.index_cast %mul3A_458 : i32 to index
        %get3A_477 = tpu.vector_load %get3A_475[%get3A_476] {strides = array<i32>} : memref<1024xf32, #tpu.memory_space<vmem>>, vector<16xf32>,
        %get3A_478 = vector.shape_cast %get3A_477 : vector<16xf32> to vector<16xf32>
        %mul3A_479 = arith.mulf %get3A_437, %get3A_478 : vector<16xf32>
        %add3A_480 = arith.addf %get3A_468, %mul3A_479 : vector<16xf32>
        %get3A_481 = arith.constant 0 : i32
        %get3A_482 = arith.constant 0 : i32
        %get3A_483 = tpu.memref_slice %arg14[%scan3A_446, %get3A_481, %get3A_482] : memref<2x16x1024xf32, #tpu.memory_space<vmem>> -> memref<1x16x1024xf32, #tpu.memory_space<vmem>>
        %get3A_484 = tpu.memref_squeeze %get3A_483 : memref<1x16x1024xf32, #tpu.memory_space<vmem>> -> memref<16x1024xf32, #tpu.memory_space<vmem>>
        %get3A_485 = arith.constant 0 : i32
        %get3A_486 = tpu.memref_slice %get3A_484[%add3A_432, %get3A_485] : memref<16x1024xf32, #tpu.memory_space<vmem>> -> memref<1x1024xf32, #tpu.memory_space<vmem>>
        %get3A_487 = tpu.memref_squeeze %get3A_486 : memref<1x1024xf32, #tpu.memory_space<vmem>> -> memref<1024xf32, #tpu.memory_space<vmem>>
        %get3A_488 = arith.index_cast %mul3A_458 : i32 to index
        %get3A_489 = tpu.vector_load %get3A_487[%get3A_488] {strides = array<i32>} : memref<1024xf32, #tpu.memory_space<vmem>>, vector<16xf32>,
        %get3A_490 = vector.shape_cast %get3A_489 : vector<16xf32> to vector<16xf32>
        %mul3A_491 = arith.mulf %get3A_443, %get3A_490 : vector<16xf32>
        %add3A_492 = arith.addf %add3A_480, %mul3A_491 : vector<16xf32>
        %swap3A = arith.constant 0 : i32
        %swap3A_493 = arith.constant 0 : i32
        %swap3A_494 = tpu.memref_slice %arg15[%scan3A_444, %swap3A, %swap3A_493] : memref<2x16x1024xf32, #tpu.memory_space<vmem>> -> memref<1x16x1024xf32, #tpu.memory_space<vmem>>
        %swap3A_495 = tpu.memref_squeeze %swap3A_494 : memref<1x16x1024xf32, #tpu.memory_space<vmem>> -> memref<16x1024xf32, #tpu.memory_space<vmem>>
        %swap3A_496 = arith.constant 0 : i32
        %swap3A_497 = tpu.memref_slice %swap3A_495[%add3A_432, %swap3A_496] : memref<16x1024xf32, #tpu.memory_space<vmem>> -> memref<1x1024xf32, #tpu.memory_space<vmem>>
        %swap3A_498 = tpu.memref_squeeze %swap3A_497 : memref<1x1024xf32, #tpu.memory_space<vmem>> -> memref<1024xf32, #tpu.memory_space<vmem>>
        %swap3A_499 = arith.index_cast %mul3A_458 : i32 to index
        %swap3A_500 = tpu.vector_load %swap3A_498[%swap3A_499] {strides = array<i32>} : memref<1024xf32, #tpu.memory_space<vmem>>, vector<16xf32>,
        %swap3A_501 = vector.shape_cast %swap3A_500 : vector<16xf32> to vector<16xf32>
        %swap3A_502 = vector.shape_cast %add3A_492 : vector<16xf32> to vector<16xf32>
        tpu.vector_store %swap3A_498[%swap3A_499], %swap3A_502 {strides = array<i32>} : memref<1024xf32, #tpu.memory_space<vmem>>, vector<16xf32>,
        %scan3A_503 = arith.constant 1 : i32
        %scan3A_504 = arith.addi %scan3A_452, %scan3A_503 : i32
        %mul3A_505 = arith.constant 1 : i32
        %mul3A_506 = arith.muli %scan3A_504, %mul3A_505 : i32
        %add3A_507 = arith.constant 0 : i32
        %add3A_508 = arith.addi %add3A_507, %mul3A_506 : i32
        %mul3A_509 = arith.constant 16 : i32
        %mul3A_510 = arith.muli %add3A_508, %mul3A_509 : i32
        %get3A_511 = arith.constant 0 : i32
        %get3A_512 = arith.constant 0 : i32
        %get3A_513 = tpu.memref_slice %arg15[%scan3A_444, %get3A_511, %get3A_512] : memref<2x16x1024xf32, #tpu.memory_space<vmem>> -> memref<1x16x1024xf32, #tpu.memory_space<vmem>>
        %get3A_514 = tpu.memref_squeeze %get3A_513 : memref<1x16x1024xf32, #tpu.memory_space<vmem>> -> memref<16x1024xf32, #tpu.memory_space<vmem>>
        %get3A_515 = arith.constant 0 : i32
        %get3A_516 = tpu.memref_slice %get3A_514[%add3A_432, %get3A_515] : memref<16x1024xf32, #tpu.memory_space<vmem>> -> memref<1x1024xf32, #tpu.memory_space<vmem>>
        %get3A_517 = tpu.memref_squeeze %get3A_516 : memref<1x1024xf32, #tpu.memory_space<vmem>> -> memref<1024xf32, #tpu.memory_space<vmem>>
        %get3A_518 = arith.index_cast %mul3A_510 : i32 to index
        %get3A_519 = tpu.vector_load %get3A_517[%get3A_518] {strides = array<i32>} : memref<1024xf32, #tpu.memory_space<vmem>>, vector<16xf32>,
        %get3A_520 = vector.shape_cast %get3A_519 : vector<16xf32> to vector<16xf32>
        %get3A_521 = arith.constant 0 : i32
        %get3A_522 = arith.constant 0 : i32
        %get3A_523 = tpu.memref_slice %arg13[%scan3A_445, %get3A_521, %get3A_522] : memref<2x16x1024xf32, #tpu.memory_space<vmem>> -> memref<1x16x1024xf32, #tpu.memory_space<vmem>>
        %get3A_524 = tpu.memref_squeeze %get3A_523 : memref<1x16x1024xf32, #tpu.memory_space<vmem>> -> memref<16x1024xf32, #tpu.memory_space<vmem>>
        %get3A_525 = arith.constant 0 : i32
        %get3A_526 = tpu.memref_slice %get3A_524[%add3A_432, %get3A_525] : memref<16x1024xf32, #tpu.memory_space<vmem>> -> memref<1x1024xf32, #tpu.memory_space<vmem>>
        %get3A_527 = tpu.memref_squeeze %get3A_526 : memref<1x1024xf32, #tpu.memory_space<vmem>> -> memref<1024xf32, #tpu.memory_space<vmem>>
        %get3A_528 = arith.index_cast %mul3A_510 : i32 to index
        %get3A_529 = tpu.vector_load %get3A_527[%get3A_528] {strides = array<i32>} : memref<1024xf32, #tpu.memory_space<vmem>>, vector<16xf32>,
        %get3A_530 = vector.shape_cast %get3A_529 : vector<16xf32> to vector<16xf32>
        %mul3A_531 = arith.mulf %get3A_437, %get3A_530 : vector<16xf32>
        %add3A_532 = arith.addf %get3A_520, %mul3A_531 : vector<16xf32>
        %get3A_533 = arith.constant 0 : i32
        %get3A_534 = arith.constant 0 : i32
        %get3A_535 = tpu.memref_slice %arg14[%scan3A_446, %get3A_533, %get3A_534] : memref<2x16x1024xf32, #tpu.memory_space<vmem>> -> memref<1x16x1024xf32, #tpu.memory_space<vmem>>
        %get3A_536 = tpu.memref_squeeze %get3A_535 : memref<1x16x1024xf32, #tpu.memory_space<vmem>> -> memref<16x1024xf32, #tpu.memory_space<vmem>>
        %get3A_537 = arith.constant 0 : i32
        %get3A_538 = tpu.memref_slice %get3A_536[%add3A_432, %get3A_537] : memref<16x1024xf32, #tpu.memory_space<vmem>> -> memref<1x1024xf32, #tpu.memory_space<vmem>>
        %get3A_539 = tpu.memref_squeeze %get3A_538 : memref<1x1024xf32, #tpu.memory_space<vmem>> -> memref<1024xf32, #tpu.memory_space<vmem>>
        %get3A_540 = arith.index_cast %mul3A_510 : i32 to index
        %get3A_541 = tpu.vector_load %get3A_539[%get3A_540] {strides = array<i32>} : memref<1024xf32, #tpu.memory_space<vmem>>, vector<16xf32>,
        %get3A_542 = vector.shape_cast %get3A_541 : vector<16xf32> to vector<16xf32>
        %mul3A_543 = arith.mulf %get3A_443, %get3A_542 : vector<16xf32>
        %add3A_544 = arith.addf %add3A_532, %mul3A_543 : vector<16xf32>
        %swap3A_545 = arith.constant 0 : i32
        %swap3A_546 = arith.constant 0 : i32
        %swap3A_547 = tpu.memref_slice %arg15[%scan3A_444, %swap3A_545, %swap3A_546] : memref<2x16x1024xf32, #tpu.memory_space<vmem>> -> memref<1x16x1024xf32, #tpu.memory_space<vmem>>
        %swap3A_548 = tpu.memref_squeeze %swap3A_547 : memref<1x16x1024xf32, #tpu.memory_space<vmem>> -> memref<16x1024xf32, #tpu.memory_space<vmem>>
        %swap3A_549 = arith.constant 0 : i32
        %swap3A_550 = tpu.memref_slice %swap3A_548[%add3A_432, %swap3A_549] : memref<16x1024xf32, #tpu.memory_space<vmem>> -> memref<1x1024xf32, #tpu.memory_space<vmem>>
        %swap3A_551 = tpu.memref_squeeze %swap3A_550 : memref<1x1024xf32, #tpu.memory_space<vmem>> -> memref<1024xf32, #tpu.memory_space<vmem>>
        %swap3A_552 = arith.index_cast %mul3A_510 : i32 to index
        %swap3A_553 = tpu.vector_load %swap3A_551[%swap3A_552] {strides = array<i32>} : memref<1024xf32, #tpu.memory_space<vmem>>, vector<16xf32>,
        %swap3A_554 = vector.shape_cast %swap3A_553 : vector<16xf32> to vector<16xf32>
        %swap3A_555 = vector.shape_cast %add3A_544 : vector<16xf32> to vector<16xf32>
        tpu.vector_store %swap3A_551[%swap3A_552], %swap3A_555 {strides = array<i32>} : memref<1024xf32, #tpu.memory_space<vmem>>, vector<16xf32>,
        %scan3A_556 = arith.constant 2 : i32
        %scan3A_557 = arith.addi %scan3A_452, %scan3A_556 : i32
        %mul3A_558 = arith.constant 1 : i32
        %mul3A_559 = arith.muli %scan3A_557, %mul3A_558 : i32
        %add3A_560 = arith.constant 0 : i32
        %add3A_561 = arith.addi %add3A_560, %mul3A_559 : i32
        %mul3A_562 = arith.constant 16 : i32
        %mul3A_563 = arith.muli %add3A_561, %mul3A_562 : i32
        %get3A_564 = arith.constant 0 : i32
        %get3A_565 = arith.constant 0 : i32
        %get3A_566 = tpu.memref_slice %arg15[%scan3A_444, %get3A_564, %get3A_565] : memref<2x16x1024xf32, #tpu.memory_space<vmem>> -> memref<1x16x1024xf32, #tpu.memory_space<vmem>>
        %get3A_567 = tpu.memref_squeeze %get3A_566 : memref<1x16x1024xf32, #tpu.memory_space<vmem>> -> memref<16x1024xf32, #tpu.memory_space<vmem>>
        %get3A_568 = arith.constant 0 : i32
        %get3A_569 = tpu.memref_slice %get3A_567[%add3A_432, %get3A_568] : memref<16x1024xf32, #tpu.memory_space<vmem>> -> memref<1x1024xf32, #tpu.memory_space<vmem>>
        %get3A_570 = tpu.memref_squeeze %get3A_569 : memref<1x1024xf32, #tpu.memory_space<vmem>> -> memref<1024xf32, #tpu.memory_space<vmem>>
        %get3A_571 = arith.index_cast %mul3A_563 : i32 to index
        %get3A_572 = tpu.vector_load %get3A_570[%get3A_571] {strides = array<i32>} : memref<1024xf32, #tpu.memory_space<vmem>>, vector<16xf32>,
        %get3A_573 = vector.shape_cast %get3A_572 : vector<16xf32> to vector<16xf32>
        %get3A_574 = arith.constant 0 : i32
        %get3A_575 = arith.constant 0 : i32
        %get3A_576 = tpu.memref_slice %arg13[%scan3A_445, %get3A_574, %get3A_575] : memref<2x16x1024xf32, #tpu.memory_space<vmem>> -> memref<1x16x1024xf32, #tpu.memory_space<vmem>>
        %get3A_577 = tpu.memref_squeeze %get3A_576 : memref<1x16x1024xf32, #tpu.memory_space<vmem>> -> memref<16x1024xf32, #tpu.memory_space<vmem>>
        %get3A_578 = arith.constant 0 : i32
        %get3A_579 = tpu.memref_slice %get3A_577[%add3A_432, %get3A_578] : memref<16x1024xf32, #tpu.memory_space<vmem>> -> memref<1x1024xf32, #tpu.memory_space<vmem>>
        %get3A_580 = tpu.memref_squeeze %get3A_579 : memref<1x1024xf32, #tpu.memory_space<vmem>> -> memref<1024xf32, #tpu.memory_space<vmem>>
        %get3A_581 = arith.index_cast %mul3A_563 : i32 to index
        %get3A_582 = tpu.vector_load %get3A_580[%get3A_581] {strides = array<i32>} : memref<1024xf32, #tpu.memory_space<vmem>>, vector<16xf32>,
        %get3A_583 = vector.shape_cast %get3A_582 : vector<16xf32> to vector<16xf32>
        %mul3A_584 = arith.mulf %get3A_437, %get3A_583 : vector<16xf32>
        %add3A_585 = arith.addf %get3A_573, %mul3A_584 : vector<16xf32>
        %get3A_586 = arith.constant 0 : i32
        %get3A_587 = arith.constant 0 : i32
        %get3A_588 = tpu.memref_slice %arg14[%scan3A_446, %get3A_586, %get3A_587] : memref<2x16x1024xf32, #tpu.memory_space<vmem>> -> memref<1x16x1024xf32, #tpu.memory_space<vmem>>
        %get3A_589 = tpu.memref_squeeze %get3A_588 : memref<1x16x1024xf32, #tpu.memory_space<vmem>> -> memref<16x1024xf32, #tpu.memory_space<vmem>>
        %get3A_590 = arith.constant 0 : i32
        %get3A_591 = tpu.memref_slice %get3A_589[%add3A_432, %get3A_590] : memref<16x1024xf32, #tpu.memory_space<vmem>> -> memref<1x1024xf32, #tpu.memory_space<vmem>>
        %get3A_592 = tpu.memref_squeeze %get3A_591 : memref<1x1024xf32, #tpu.memory_space<vmem>> -> memref<1024xf32, #tpu.memory_space<vmem>>
        %get3A_593 = arith.index_cast %mul3A_563 : i32 to index
        %get3A_594 = tpu.vector_load %get3A_592[%get3A_593] {strides = array<i32>} : memref<1024xf32, #tpu.memory_space<vmem>>, vector<16xf32>,
        %get3A_595 = vector.shape_cast %get3A_594 : vector<16xf32> to vector<16xf32>
        %mul3A_596 = arith.mulf %get3A_443, %get3A_595 : vector<16xf32>
        %add3A_597 = arith.addf %add3A_585, %mul3A_596 : vector<16xf32>
        %swap3A_598 = arith.constant 0 : i32
        %swap3A_599 = arith.constant 0 : i32
        %swap3A_600 = tpu.memref_slice %arg15[%scan3A_444, %swap3A_598, %swap3A_599] : memref<2x16x1024xf32, #tpu.memory_space<vmem>> -> memref<1x16x1024xf32, #tpu.memory_space<vmem>>
        %swap3A_601 = tpu.memref_squeeze %swap3A_600 : memref<1x16x1024xf32, #tpu.memory_space<vmem>> -> memref<16x1024xf32, #tpu.memory_space<vmem>>
        %swap3A_602 = arith.constant 0 : i32
        %swap3A_603 = tpu.memref_slice %swap3A_601[%add3A_432, %swap3A_602] : memref<16x1024xf32, #tpu.memory_space<vmem>> -> memref<1x1024xf32, #tpu.memory_space<vmem>>
        %swap3A_604 = tpu.memref_squeeze %swap3A_603 : memref<1x1024xf32, #tpu.memory_space<vmem>> -> memref<1024xf32, #tpu.memory_space<vmem>>
        %swap3A_605 = arith.index_cast %mul3A_563 : i32 to index
        %swap3A_606 = tpu.vector_load %swap3A_604[%swap3A_605] {strides = array<i32>} : memref<1024xf32, #tpu.memory_space<vmem>>, vector<16xf32>,
        %swap3A_607 = vector.shape_cast %swap3A_606 : vector<16xf32> to vector<16xf32>
        %swap3A_608 = vector.shape_cast %add3A_597 : vector<16xf32> to vector<16xf32>
        tpu.vector_store %swap3A_604[%swap3A_605], %swap3A_608 {strides = array<i32>} : memref<1024xf32, #tpu.memory_space<vmem>>, vector<16xf32>,
        %scan3A_609 = arith.constant 3 : i32
        %scan3A_610 = arith.addi %scan3A_452, %scan3A_609 : i32
        %mul3A_611 = arith.constant 1 : i32
        %mul3A_612 = arith.muli %scan3A_610, %mul3A_611 : i32
        %add3A_613 = arith.constant 0 : i32
        %add3A_614 = arith.addi %add3A_613, %mul3A_612 : i32
        %mul3A_615 = arith.constant 16 : i32
        %mul3A_616 = arith.muli %add3A_614, %mul3A_615 : i32
        %get3A_617 = arith.constant 0 : i32
        %get3A_618 = arith.constant 0 : i32
        %get3A_619 = tpu.memref_slice %arg15[%scan3A_444, %get3A_617, %get3A_618] : memref<2x16x1024xf32, #tpu.memory_space<vmem>> -> memref<1x16x1024xf32, #tpu.memory_space<vmem>>
        %get3A_620 = tpu.memref_squeeze %get3A_619 : memref<1x16x1024xf32, #tpu.memory_space<vmem>> -> memref<16x1024xf32, #tpu.memory_space<vmem>>
        %get3A_621 = arith.constant 0 : i32
        %get3A_622 = tpu.memref_slice %get3A_620[%add3A_432, %get3A_621] : memref<16x1024xf32, #tpu.memory_space<vmem>> -> memref<1x1024xf32, #tpu.memory_space<vmem>>
        %get3A_623 = tpu.memref_squeeze %get3A_622 : memref<1x1024xf32, #tpu.memory_space<vmem>> -> memref<1024xf32, #tpu.memory_space<vmem>>
        %get3A_624 = arith.index_cast %mul3A_616 : i32 to index
        %get3A_625 = tpu.vector_load %get3A_623[%get3A_624] {strides = array<i32>} : memref<1024xf32, #tpu.memory_space<vmem>>, vector<16xf32>,
        %get3A_626 = vector.shape_cast %get3A_625 : vector<16xf32> to vector<16xf32>
        %get3A_627 = arith.constant 0 : i32
        %get3A_628 = arith.constant 0 : i32
        %get3A_629 = tpu.memref_slice %arg13[%scan3A_445, %get3A_627, %get3A_628] : memref<2x16x1024xf32, #tpu.memory_space<vmem>> -> memref<1x16x1024xf32, #tpu.memory_space<vmem>>
        %get3A_630 = tpu.memref_squeeze %get3A_629 : memref<1x16x1024xf32, #tpu.memory_space<vmem>> -> memref<16x1024xf32, #tpu.memory_space<vmem>>
        %get3A_631 = arith.constant 0 : i32
        %get3A_632 = tpu.memref_slice %get3A_630[%add3A_432, %get3A_631] : memref<16x1024xf32, #tpu.memory_space<vmem>> -> memref<1x1024xf32, #tpu.memory_space<vmem>>
        %get3A_633 = tpu.memref_squeeze %get3A_632 : memref<1x1024xf32, #tpu.memory_space<vmem>> -> memref<1024xf32, #tpu.memory_space<vmem>>
        %get3A_634 = arith.index_cast %mul3A_616 : i32 to index
        %get3A_635 = tpu.vector_load %get3A_633[%get3A_634] {strides = array<i32>} : memref<1024xf32, #tpu.memory_space<vmem>>, vector<16xf32>,
        %get3A_636 = vector.shape_cast %get3A_635 : vector<16xf32> to vector<16xf32>
        %mul3A_637 = arith.mulf %get3A_437, %get3A_636 : vector<16xf32>
        %add3A_638 = arith.addf %get3A_626, %mul3A_637 : vector<16xf32>
        %get3A_639 = arith.constant 0 : i32
        %get3A_640 = arith.constant 0 : i32
        %get3A_641 = tpu.memref_slice %arg14[%scan3A_446, %get3A_639, %get3A_640] : memref<2x16x1024xf32, #tpu.memory_space<vmem>> -> memref<1x16x1024xf32, #tpu.memory_space<vmem>>
        %get3A_642 = tpu.memref_squeeze %get3A_641 : memref<1x16x1024xf32, #tpu.memory_space<vmem>> -> memref<16x1024xf32, #tpu.memory_space<vmem>>
        %get3A_643 = arith.constant 0 : i32
        %get3A_644 = tpu.memref_slice %get3A_642[%add3A_432, %get3A_643] : memref<16x1024xf32, #tpu.memory_space<vmem>> -> memref<1x1024xf32, #tpu.memory_space<vmem>>
        %get3A_645 = tpu.memref_squeeze %get3A_644 : memref<1x1024xf32, #tpu.memory_space<vmem>> -> memref<1024xf32, #tpu.memory_space<vmem>>
        %get3A_646 = arith.index_cast %mul3A_616 : i32 to index
        %get3A_647 = tpu.vector_load %get3A_645[%get3A_646] {strides = array<i32>} : memref<1024xf32, #tpu.memory_space<vmem>>, vector<16xf32>,
        %get3A_648 = vector.shape_cast %get3A_647 : vector<16xf32> to vector<16xf32>
        %mul3A_649 = arith.mulf %get3A_443, %get3A_648 : vector<16xf32>
        %add3A_650 = arith.addf %add3A_638, %mul3A_649 : vector<16xf32>
        %swap3A_651 = arith.constant 0 : i32
        %swap3A_652 = arith.constant 0 : i32
        %swap3A_653 = tpu.memref_slice %arg15[%scan3A_444, %swap3A_651, %swap3A_652] : memref<2x16x1024xf32, #tpu.memory_space<vmem>> -> memref<1x16x1024xf32, #tpu.memory_space<vmem>>
        %swap3A_654 = tpu.memref_squeeze %swap3A_653 : memref<1x16x1024xf32, #tpu.memory_space<vmem>> -> memref<16x1024xf32, #tpu.memory_space<vmem>>
        %swap3A_655 = arith.constant 0 : i32
        %swap3A_656 = tpu.memref_slice %swap3A_654[%add3A_432, %swap3A_655] : memref<16x1024xf32, #tpu.memory_space<vmem>> -> memref<1x1024xf32, #tpu.memory_space<vmem>>
        %swap3A_657 = tpu.memref_squeeze %swap3A_656 : memref<1x1024xf32, #tpu.memory_space<vmem>> -> memref<1024xf32, #tpu.memory_space<vmem>>
        %swap3A_658 = arith.index_cast %mul3A_616 : i32 to index
        %swap3A_659 = tpu.vector_load %swap3A_657[%swap3A_658] {strides = array<i32>} : memref<1024xf32, #tpu.memory_space<vmem>>, vector<16xf32>,
        %swap3A_660 = vector.shape_cast %swap3A_659 : vector<16xf32> to vector<16xf32>
        %swap3A_661 = vector.shape_cast %add3A_650 : vector<16xf32> to vector<16xf32>
        tpu.vector_store %swap3A_657[%swap3A_658], %swap3A_661 {strides = array<i32>} : memref<1024xf32, #tpu.memory_space<vmem>>, vector<16xf32>,
        %scan3A_662 = arith.constant 4 : i32
        %scan3A_663 = arith.addi %scan3A_452, %scan3A_662 : i32
        %mul3A_664 = arith.constant 1 : i32
        %mul3A_665 = arith.muli %scan3A_663, %mul3A_664 : i32
        %add3A_666 = arith.constant 0 : i32
        %add3A_667 = arith.addi %add3A_666, %mul3A_665 : i32
        %mul3A_668 = arith.constant 16 : i32
        %mul3A_669 = arith.muli %add3A_667, %mul3A_668 : i32
        %get3A_670 = arith.constant 0 : i32
        %get3A_671 = arith.constant 0 : i32
        %get3A_672 = tpu.memref_slice %arg15[%scan3A_444, %get3A_670, %get3A_671] : memref<2x16x1024xf32, #tpu.memory_space<vmem>> -> memref<1x16x1024xf32, #tpu.memory_space<vmem>>
        %get3A_673 = tpu.memref_squeeze %get3A_672 : memref<1x16x1024xf32, #tpu.memory_space<vmem>> -> memref<16x1024xf32, #tpu.memory_space<vmem>>
        %get3A_674 = arith.constant 0 : i32
        %get3A_675 = tpu.memref_slice %get3A_673[%add3A_432, %get3A_674] : memref<16x1024xf32, #tpu.memory_space<vmem>> -> memref<1x1024xf32, #tpu.memory_space<vmem>>
        %get3A_676 = tpu.memref_squeeze %get3A_675 : memref<1x1024xf32, #tpu.memory_space<vmem>> -> memref<1024xf32, #tpu.memory_space<vmem>>
        %get3A_677 = arith.index_cast %mul3A_669 : i32 to index
        %get3A_678 = tpu.vector_load %get3A_676[%get3A_677] {strides = array<i32>} : memref<1024xf32, #tpu.memory_space<vmem>>, vector<16xf32>,
        %get3A_679 = vector.shape_cast %get3A_678 : vector<16xf32> to vector<16xf32>
        %get3A_680 = arith.constant 0 : i32
        %get3A_681 = arith.constant 0 : i32
        %get3A_682 = tpu.memref_slice %arg13[%scan3A_445, %get3A_680, %get3A_681] : memref<2x16x1024xf32, #tpu.memory_space<vmem>> -> memref<1x16x1024xf32, #tpu.memory_space<vmem>>
        %get3A_683 = tpu.memref_squeeze %get3A_682 : memref<1x16x1024xf32, #tpu.memory_space<vmem>> -> memref<16x1024xf32, #tpu.memory_space<vmem>>
        %get3A_684 = arith.constant 0 : i32
        %get3A_685 = tpu.memref_slice %get3A_683[%add3A_432, %get3A_684] : memref<16x1024xf32, #tpu.memory_space<vmem>> -> memref<1x1024xf32, #tpu.memory_space<vmem>>
        %get3A_686 = tpu.memref_squeeze %get3A_685 : memref<1x1024xf32, #tpu.memory_space<vmem>> -> memref<1024xf32, #tpu.memory_space<vmem>>
        %get3A_687 = arith.index_cast %mul3A_669 : i32 to index
        %get3A_688 = tpu.vector_load %get3A_686[%get3A_687] {strides = array<i32>} : memref<1024xf32, #tpu.memory_space<vmem>>, vector<16xf32>,
        %get3A_689 = vector.shape_cast %get3A_688 : vector<16xf32> to vector<16xf32>
        %mul3A_690 = arith.mulf %get3A_437, %get3A_689 : vector<16xf32>
        %add3A_691 = arith.addf %get3A_679, %mul3A_690 : vector<16xf32>
        %get3A_692 = arith.constant 0 : i32
        %get3A_693 = arith.constant 0 : i32
        %get3A_694 = tpu.memref_slice %arg14[%scan3A_446, %get3A_692, %get3A_693] : memref<2x16x1024xf32, #tpu.memory_space<vmem>> -> memref<1x16x1024xf32, #tpu.memory_space<vmem>>
        %get3A_695 = tpu.memref_squeeze %get3A_694 : memref<1x16x1024xf32, #tpu.memory_space<vmem>> -> memref<16x1024xf32, #tpu.memory_space<vmem>>
        %get3A_696 = arith.constant 0 : i32
        %get3A_697 = tpu.memref_slice %get3A_695[%add3A_432, %get3A_696] : memref<16x1024xf32, #tpu.memory_space<vmem>> -> memref<1x1024xf32, #tpu.memory_space<vmem>>
        %get3A_698 = tpu.memref_squeeze %get3A_697 : memref<1x1024xf32, #tpu.memory_space<vmem>> -> memref<1024xf32, #tpu.memory_space<vmem>>
        %get3A_699 = arith.index_cast %mul3A_669 : i32 to index
        %get3A_700 = tpu.vector_load %get3A_698[%get3A_699] {strides = array<i32>} : memref<1024xf32, #tpu.memory_space<vmem>>, vector<16xf32>,
        %get3A_701 = vector.shape_cast %get3A_700 : vector<16xf32> to vector<16xf32>
        %mul3A_702 = arith.mulf %get3A_443, %get3A_701 : vector<16xf32>
        %add3A_703 = arith.addf %add3A_691, %mul3A_702 : vector<16xf32>
        %swap3A_704 = arith.constant 0 : i32
        %swap3A_705 = arith.constant 0 : i32
        %swap3A_706 = tpu.memref_slice %arg15[%scan3A_444, %swap3A_704, %swap3A_705] : memref<2x16x1024xf32, #tpu.memory_space<vmem>> -> memref<1x16x1024xf32, #tpu.memory_space<vmem>>
        %swap3A_707 = tpu.memref_squeeze %swap3A_706 : memref<1x16x1024xf32, #tpu.memory_space<vmem>> -> memref<16x1024xf32, #tpu.memory_space<vmem>>
        %swap3A_708 = arith.constant 0 : i32
        %swap3A_709 = tpu.memref_slice %swap3A_707[%add3A_432, %swap3A_708] : memref<16x1024xf32, #tpu.memory_space<vmem>> -> memref<1x1024xf32, #tpu.memory_space<vmem>>
        %swap3A_710 = tpu.memref_squeeze %swap3A_709 : memref<1x1024xf32, #tpu.memory_space<vmem>> -> memref<1024xf32, #tpu.memory_space<vmem>>
        %swap3A_711 = arith.index_cast %mul3A_669 : i32 to index
        %swap3A_712 = tpu.vector_load %swap3A_710[%swap3A_711] {strides = array<i32>} : memref<1024xf32, #tpu.memory_space<vmem>>, vector<16xf32>,
        %swap3A_713 = vector.shape_cast %swap3A_712 : vector<16xf32> to vector<16xf32>
        %swap3A_714 = vector.shape_cast %add3A_703 : vector<16xf32> to vector<16xf32>
        tpu.vector_store %swap3A_710[%swap3A_711], %swap3A_714 {strides = array<i32>} : memref<1024xf32, #tpu.memory_space<vmem>>, vector<16xf32>,
        %scan3A_715 = arith.constant 5 : i32
        %scan3A_716 = arith.addi %scan3A_452, %scan3A_715 : i32
        %mul3A_717 = arith.constant 1 : i32
        %mul3A_718 = arith.muli %scan3A_716, %mul3A_717 : i32
        %add3A_719 = arith.constant 0 : i32
        %add3A_720 = arith.addi %add3A_719, %mul3A_718 : i32
        %mul3A_721 = arith.constant 16 : i32
        %mul3A_722 = arith.muli %add3A_720, %mul3A_721 : i32
        %get3A_723 = arith.constant 0 : i32
        %get3A_724 = arith.constant 0 : i32
        %get3A_725 = tpu.memref_slice %arg15[%scan3A_444, %get3A_723, %get3A_724] : memref<2x16x1024xf32, #tpu.memory_space<vmem>> -> memref<1x16x1024xf32, #tpu.memory_space<vmem>>
        %get3A_726 = tpu.memref_squeeze %get3A_725 : memref<1x16x1024xf32, #tpu.memory_space<vmem>> -> memref<16x1024xf32, #tpu.memory_space<vmem>>
        %get3A_727 = arith.constant 0 : i32
        %get3A_728 = tpu.memref_slice %get3A_726[%add3A_432, %get3A_727] : memref<16x1024xf32, #tpu.memory_space<vmem>> -> memref<1x1024xf32, #tpu.memory_space<vmem>>
        %get3A_729 = tpu.memref_squeeze %get3A_728 : memref<1x1024xf32, #tpu.memory_space<vmem>> -> memref<1024xf32, #tpu.memory_space<vmem>>
        %get3A_730 = arith.index_cast %mul3A_722 : i32 to index
        %get3A_731 = tpu.vector_load %get3A_729[%get3A_730] {strides = array<i32>} : memref<1024xf32, #tpu.memory_space<vmem>>, vector<16xf32>,
        %get3A_732 = vector.shape_cast %get3A_731 : vector<16xf32> to vector<16xf32>
        %get3A_733 = arith.constant 0 : i32
        %get3A_734 = arith.constant 0 : i32
        %get3A_735 = tpu.memref_slice %arg13[%scan3A_445, %get3A_733, %get3A_734] : memref<2x16x1024xf32, #tpu.memory_space<vmem>> -> memref<1x16x1024xf32, #tpu.memory_space<vmem>>
        %get3A_736 = tpu.memref_squeeze %get3A_735 : memref<1x16x1024xf32, #tpu.memory_space<vmem>> -> memref<16x1024xf32, #tpu.memory_space<vmem>>
        %get3A_737 = arith.constant 0 : i32
        %get3A_738 = tpu.memref_slice %get3A_736[%add3A_432, %get3A_737] : memref<16x1024xf32, #tpu.memory_space<vmem>> -> memref<1x1024xf32, #tpu.memory_space<vmem>>
        %get3A_739 = tpu.memref_squeeze %get3A_738 : memref<1x1024xf32, #tpu.memory_space<vmem>> -> memref<1024xf32, #tpu.memory_space<vmem>>
        %get3A_740 = arith.index_cast %mul3A_722 : i32 to index
        %get3A_741 = tpu.vector_load %get3A_739[%get3A_740] {strides = array<i32>} : memref<1024xf32, #tpu.memory_space<vmem>>, vector<16xf32>,
        %get3A_742 = vector.shape_cast %get3A_741 : vector<16xf32> to vector<16xf32>
        %mul3A_743 = arith.mulf %get3A_437, %get3A_742 : vector<16xf32>
        %add3A_744 = arith.addf %get3A_732, %mul3A_743 : vector<16xf32>
        %get3A_745 = arith.constant 0 : i32
        %get3A_746 = arith.constant 0 : i32
        %get3A_747 = tpu.memref_slice %arg14[%scan3A_446, %get3A_745, %get3A_746] : memref<2x16x1024xf32, #tpu.memory_space<vmem>> -> memref<1x16x1024xf32, #tpu.memory_space<vmem>>
        %get3A_748 = tpu.memref_squeeze %get3A_747 : memref<1x16x1024xf32, #tpu.memory_space<vmem>> -> memref<16x1024xf32, #tpu.memory_space<vmem>>
        %get3A_749 = arith.constant 0 : i32
        %get3A_750 = tpu.memref_slice %get3A_748[%add3A_432, %get3A_749] : memref<16x1024xf32, #tpu.memory_space<vmem>> -> memref<1x1024xf32, #tpu.memory_space<vmem>>
        %get3A_751 = tpu.memref_squeeze %get3A_750 : memref<1x1024xf32, #tpu.memory_space<vmem>> -> memref<1024xf32, #tpu.memory_space<vmem>>
        %get3A_752 = arith.index_cast %mul3A_722 : i32 to index
        %get3A_753 = tpu.vector_load %get3A_751[%get3A_752] {strides = array<i32>} : memref<1024xf32, #tpu.memory_space<vmem>>, vector<16xf32>,
        %get3A_754 = vector.shape_cast %get3A_753 : vector<16xf32> to vector<16xf32>
        %mul3A_755 = arith.mulf %get3A_443, %get3A_754 : vector<16xf32>
        %add3A_756 = arith.addf %add3A_744, %mul3A_755 : vector<16xf32>
        %swap3A_757 = arith.constant 0 : i32
        %swap3A_758 = arith.constant 0 : i32
        %swap3A_759 = tpu.memref_slice %arg15[%scan3A_444, %swap3A_757, %swap3A_758] : memref<2x16x1024xf32, #tpu.memory_space<vmem>> -> memref<1x16x1024xf32, #tpu.memory_space<vmem>>
        %swap3A_760 = tpu.memref_squeeze %swap3A_759 : memref<1x16x1024xf32, #tpu.memory_space<vmem>> -> memref<16x1024xf32, #tpu.memory_space<vmem>>
        %swap3A_761 = arith.constant 0 : i32
        %swap3A_762 = tpu.memref_slice %swap3A_760[%add3A_432, %swap3A_761] : memref<16x1024xf32, #tpu.memory_space<vmem>> -> memref<1x1024xf32, #tpu.memory_space<vmem>>
        %swap3A_763 = tpu.memref_squeeze %swap3A_762 : memref<1x1024xf32, #tpu.memory_space<vmem>> -> memref<1024xf32, #tpu.memory_space<vmem>>
        %swap3A_764 = arith.index_cast %mul3A_722 : i32 to index
        %swap3A_765 = tpu.vector_load %swap3A_763[%swap3A_764] {strides = array<i32>} : memref<1024xf32, #tpu.memory_space<vmem>>, vector<16xf32>,
        %swap3A_766 = vector.shape_cast %swap3A_765 : vector<16xf32> to vector<16xf32>
        %swap3A_767 = vector.shape_cast %add3A_756 : vector<16xf32> to vector<16xf32>
        tpu.vector_store %swap3A_763[%swap3A_764], %swap3A_767 {strides = array<i32>} : memref<1024xf32, #tpu.memory_space<vmem>>, vector<16xf32>,
        %scan3A_768 = arith.constant 6 : i32
        %scan3A_769 = arith.addi %scan3A_452, %scan3A_768 : i32
        %mul3A_770 = arith.constant 1 : i32
        %mul3A_771 = arith.muli %scan3A_769, %mul3A_770 : i32
        %add3A_772 = arith.constant 0 : i32
        %add3A_773 = arith.addi %add3A_772, %mul3A_771 : i32
        %mul3A_774 = arith.constant 16 : i32
        %mul3A_775 = arith.muli %add3A_773, %mul3A_774 : i32
        %get3A_776 = arith.constant 0 : i32
        %get3A_777 = arith.constant 0 : i32
        %get3A_778 = tpu.memref_slice %arg15[%scan3A_444, %get3A_776, %get3A_777] : memref<2x16x1024xf32, #tpu.memory_space<vmem>> -> memref<1x16x1024xf32, #tpu.memory_space<vmem>>
        %get3A_779 = tpu.memref_squeeze %get3A_778 : memref<1x16x1024xf32, #tpu.memory_space<vmem>> -> memref<16x1024xf32, #tpu.memory_space<vmem>>
        %get3A_780 = arith.constant 0 : i32
        %get3A_781 = tpu.memref_slice %get3A_779[%add3A_432, %get3A_780] : memref<16x1024xf32, #tpu.memory_space<vmem>> -> memref<1x1024xf32, #tpu.memory_space<vmem>>
        %get3A_782 = tpu.memref_squeeze %get3A_781 : memref<1x1024xf32, #tpu.memory_space<vmem>> -> memref<1024xf32, #tpu.memory_space<vmem>>
        %get3A_783 = arith.index_cast %mul3A_775 : i32 to index
        %get3A_784 = tpu.vector_load %get3A_782[%get3A_783] {strides = array<i32>} : memref<1024xf32, #tpu.memory_space<vmem>>, vector<16xf32>,
        %get3A_785 = vector.shape_cast %get3A_784 : vector<16xf32> to vector<16xf32>
        %get3A_786 = arith.constant 0 : i32
        %get3A_787 = arith.constant 0 : i32
        %get3A_788 = tpu.memref_slice %arg13[%scan3A_445, %get3A_786, %get3A_787] : memref<2x16x1024xf32, #tpu.memory_space<vmem>> -> memref<1x16x1024xf32, #tpu.memory_space<vmem>>
        %get3A_789 = tpu.memref_squeeze %get3A_788 : memref<1x16x1024xf32, #tpu.memory_space<vmem>> -> memref<16x1024xf32, #tpu.memory_space<vmem>>
        %get3A_790 = arith.constant 0 : i32
        %get3A_791 = tpu.memref_slice %get3A_789[%add3A_432, %get3A_790] : memref<16x1024xf32, #tpu.memory_space<vmem>> -> memref<1x1024xf32, #tpu.memory_space<vmem>>
        %get3A_792 = tpu.memref_squeeze %get3A_791 : memref<1x1024xf32, #tpu.memory_space<vmem>> -> memref<1024xf32, #tpu.memory_space<vmem>>
        %get3A_793 = arith.index_cast %mul3A_775 : i32 to index
        %get3A_794 = tpu.vector_load %get3A_792[%get3A_793] {strides = array<i32>} : memref<1024xf32, #tpu.memory_space<vmem>>, vector<16xf32>,
        %get3A_795 = vector.shape_cast %get3A_794 : vector<16xf32> to vector<16xf32>
        %mul3A_796 = arith.mulf %get3A_437, %get3A_795 : vector<16xf32>
        %add3A_797 = arith.addf %get3A_785, %mul3A_796 : vector<16xf32>
        %get3A_798 = arith.constant 0 : i32
        %get3A_799 = arith.constant 0 : i32
        %get3A_800 = tpu.memref_slice %arg14[%scan3A_446, %get3A_798, %get3A_799] : memref<2x16x1024xf32, #tpu.memory_space<vmem>> -> memref<1x16x1024xf32, #tpu.memory_space<vmem>>
        %get3A_801 = tpu.memref_squeeze %get3A_800 : memref<1x16x1024xf32, #tpu.memory_space<vmem>> -> memref<16x1024xf32, #tpu.memory_space<vmem>>
        %get3A_802 = arith.constant 0 : i32
        %get3A_803 = tpu.memref_slice %get3A_801[%add3A_432, %get3A_802] : memref<16x1024xf32, #tpu.memory_space<vmem>> -> memref<1x1024xf32, #tpu.memory_space<vmem>>
        %get3A_804 = tpu.memref_squeeze %get3A_803 : memref<1x1024xf32, #tpu.memory_space<vmem>> -> memref<1024xf32, #tpu.memory_space<vmem>>
        %get3A_805 = arith.index_cast %mul3A_775 : i32 to index
        %get3A_806 = tpu.vector_load %get3A_804[%get3A_805] {strides = array<i32>} : memref<1024xf32, #tpu.memory_space<vmem>>, vector<16xf32>,
        %get3A_807 = vector.shape_cast %get3A_806 : vector<16xf32> to vector<16xf32>
        %mul3A_808 = arith.mulf %get3A_443, %get3A_807 : vector<16xf32>
        %add3A_809 = arith.addf %add3A_797, %mul3A_808 : vector<16xf32>
        %swap3A_810 = arith.constant 0 : i32
        %swap3A_811 = arith.constant 0 : i32
        %swap3A_812 = tpu.memref_slice %arg15[%scan3A_444, %swap3A_810, %swap3A_811] : memref<2x16x1024xf32, #tpu.memory_space<vmem>> -> memref<1x16x1024xf32, #tpu.memory_space<vmem>>
        %swap3A_813 = tpu.memref_squeeze %swap3A_812 : memref<1x16x1024xf32, #tpu.memory_space<vmem>> -> memref<16x1024xf32, #tpu.memory_space<vmem>>
        %swap3A_814 = arith.constant 0 : i32
        %swap3A_815 = tpu.memref_slice %swap3A_813[%add3A_432, %swap3A_814] : memref<16x1024xf32, #tpu.memory_space<vmem>> -> memref<1x1024xf32, #tpu.memory_space<vmem>>
        %swap3A_816 = tpu.memref_squeeze %swap3A_815 : memref<1x1024xf32, #tpu.memory_space<vmem>> -> memref<1024xf32, #tpu.memory_space<vmem>>
        %swap3A_817 = arith.index_cast %mul3A_775 : i32 to index
        %swap3A_818 = tpu.vector_load %swap3A_816[%swap3A_817] {strides = array<i32>} : memref<1024xf32, #tpu.memory_space<vmem>>, vector<16xf32>,
        %swap3A_819 = vector.shape_cast %swap3A_818 : vector<16xf32> to vector<16xf32>
        %swap3A_820 = vector.shape_cast %add3A_809 : vector<16xf32> to vector<16xf32>
        tpu.vector_store %swap3A_816[%swap3A_817], %swap3A_820 {strides = array<i32>} : memref<1024xf32, #tpu.memory_space<vmem>>, vector<16xf32>,
        %scan3A_821 = arith.constant 7 : i32
        %scan3A_822 = arith.addi %scan3A_452, %scan3A_821 : i32
        %mul3A_823 = arith.constant 1 : i32
        %mul3A_824 = arith.muli %scan3A_822, %mul3A_823 : i32
        %add3A_825 = arith.constant 0 : i32
        %add3A_826 = arith.addi %add3A_825, %mul3A_824 : i32
        %mul3A_827 = arith.constant 16 : i32
        %mul3A_828 = arith.muli %add3A_826, %mul3A_827 : i32
        %get3A_829 = arith.constant 0 : i32
        %get3A_830 = arith.constant 0 : i32
        %get3A_831 = tpu.memref_slice %arg15[%scan3A_444, %get3A_829, %get3A_830] : memref<2x16x1024xf32, #tpu.memory_space<vmem>> -> memref<1x16x1024xf32, #tpu.memory_space<vmem>>
        %get3A_832 = tpu.memref_squeeze %get3A_831 : memref<1x16x1024xf32, #tpu.memory_space<vmem>> -> memref<16x1024xf32, #tpu.memory_space<vmem>>
        %get3A_833 = arith.constant 0 : i32
        %get3A_834 = tpu.memref_slice %get3A_832[%add3A_432, %get3A_833] : memref<16x1024xf32, #tpu.memory_space<vmem>> -> memref<1x1024xf32, #tpu.memory_space<vmem>>
        %get3A_835 = tpu.memref_squeeze %get3A_834 : memref<1x1024xf32, #tpu.memory_space<vmem>> -> memref<1024xf32, #tpu.memory_space<vmem>>
        %get3A_836 = arith.index_cast %mul3A_828 : i32 to index
        %get3A_837 = tpu.vector_load %get3A_835[%get3A_836] {strides = array<i32>} : memref<1024xf32, #tpu.memory_space<vmem>>, vector<16xf32>,
        %get3A_838 = vector.shape_cast %get3A_837 : vector<16xf32> to vector<16xf32>
        %get3A_839 = arith.constant 0 : i32
        %get3A_840 = arith.constant 0 : i32
        %get3A_841 = tpu.memref_slice %arg13[%scan3A_445, %get3A_839, %get3A_840] : memref<2x16x1024xf32, #tpu.memory_space<vmem>> -> memref<1x16x1024xf32, #tpu.memory_space<vmem>>
        %get3A_842 = tpu.memref_squeeze %get3A_841 : memref<1x16x1024xf32, #tpu.memory_space<vmem>> -> memref<16x1024xf32, #tpu.memory_space<vmem>>
        %get3A_843 = arith.constant 0 : i32
        %get3A_844 = tpu.memref_slice %get3A_842[%add3A_432, %get3A_843] : memref<16x1024xf32, #tpu.memory_space<vmem>> -> memref<1x1024xf32, #tpu.memory_space<vmem>>
        %get3A_845 = tpu.memref_squeeze %get3A_844 : memref<1x1024xf32, #tpu.memory_space<vmem>> -> memref<1024xf32, #tpu.memory_space<vmem>>
        %get3A_846 = arith.index_cast %mul3A_828 : i32 to index
        %get3A_847 = tpu.vector_load %get3A_845[%get3A_846] {strides = array<i32>} : memref<1024xf32, #tpu.memory_space<vmem>>, vector<16xf32>,
        %get3A_848 = vector.shape_cast %get3A_847 : vector<16xf32> to vector<16xf32>
        %mul3A_849 = arith.mulf %get3A_437, %get3A_848 : vector<16xf32>
        %add3A_850 = arith.addf %get3A_838, %mul3A_849 : vector<16xf32>
        %get3A_851 = arith.constant 0 : i32
        %get3A_852 = arith.constant 0 : i32
        %get3A_853 = tpu.memref_slice %arg14[%scan3A_446, %get3A_851, %get3A_852] : memref<2x16x1024xf32, #tpu.memory_space<vmem>> -> memref<1x16x1024xf32, #tpu.memory_space<vmem>>
        %get3A_854 = tpu.memref_squeeze %get3A_853 : memref<1x16x1024xf32, #tpu.memory_space<vmem>> -> memref<16x1024xf32, #tpu.memory_space<vmem>>
        %get3A_855 = arith.constant 0 : i32
        %get3A_856 = tpu.memref_slice %get3A_854[%add3A_432, %get3A_855] : memref<16x1024xf32, #tpu.memory_space<vmem>> -> memref<1x1024xf32, #tpu.memory_space<vmem>>
        %get3A_857 = tpu.memref_squeeze %get3A_856 : memref<1x1024xf32, #tpu.memory_space<vmem>> -> memref<1024xf32, #tpu.memory_space<vmem>>
        %get3A_858 = arith.index_cast %mul3A_828 : i32 to index
        %get3A_859 = tpu.vector_load %get3A_857[%get3A_858] {strides = array<i32>} : memref<1024xf32, #tpu.memory_space<vmem>>, vector<16xf32>,
        %get3A_860 = vector.shape_cast %get3A_859 : vector<16xf32> to vector<16xf32>
        %mul3A_861 = arith.mulf %get3A_443, %get3A_860 : vector<16xf32>
        %add3A_862 = arith.addf %add3A_850, %mul3A_861 : vector<16xf32>
        %swap3A_863 = arith.constant 0 : i32
        %swap3A_864 = arith.constant 0 : i32
        %swap3A_865 = tpu.memref_slice %arg15[%scan3A_444, %swap3A_863, %swap3A_864] : memref<2x16x1024xf32, #tpu.memory_space<vmem>> -> memref<1x16x1024xf32, #tpu.memory_space<vmem>>
        %swap3A_866 = tpu.memref_squeeze %swap3A_865 : memref<1x16x1024xf32, #tpu.memory_space<vmem>> -> memref<16x1024xf32, #tpu.memory_space<vmem>>
        %swap3A_867 = arith.constant 0 : i32
        %swap3A_868 = tpu.memref_slice %swap3A_866[%add3A_432, %swap3A_867] : memref<16x1024xf32, #tpu.memory_space<vmem>> -> memref<1x1024xf32, #tpu.memory_space<vmem>>
        %swap3A_869 = tpu.memref_squeeze %swap3A_868 : memref<1x1024xf32, #tpu.memory_space<vmem>> -> memref<1024xf32, #tpu.memory_space<vmem>>
        %swap3A_870 = arith.index_cast %mul3A_828 : i32 to index
        %swap3A_871 = tpu.vector_load %swap3A_869[%swap3A_870] {strides = array<i32>} : memref<1024xf32, #tpu.memory_space<vmem>>, vector<16xf32>,
        %swap3A_872 = vector.shape_cast %swap3A_871 : vector<16xf32> to vector<16xf32>
        %swap3A_873 = vector.shape_cast %add3A_862 : vector<16xf32> to vector<16xf32>
        tpu.vector_store %swap3A_869[%swap3A_870], %swap3A_873 {strides = array<i32>} : memref<1024xf32, #tpu.memory_space<vmem>>, vector<16xf32>,
      }
      %scan3A_451 = arith.constant 64 : i32
    }
    %scan3A_327 = arith.constant 16 : i32
    %add3A_328 = arith.constant 32 : i32
    %add3A_329 = arith.addi %mul3A_2, %add3A_328 : i32
    %dma_start3A_330 = arith.constant 0 : i32
    %dma_start3A_331 = arith.constant 0 : i32
    %dma_start3A_332 = arith.constant 0 : i32
    %dma_start3A_333 = tpu.memref_slice %arg15[%dma_start3A_330, %dma_start3A_331, %dma_start3A_332] : memref<2x16x1024xf32, #tpu.memory_space<vmem>> -> memref<1x16x1024xf32, #tpu.memory_space<vmem>>
    %dma_start3A_334 = tpu.memref_squeeze %dma_start3A_333 : memref<1x16x1024xf32, #tpu.memory_space<vmem>> -> memref<16x1024xf32, #tpu.memory_space<vmem>>
    %dma_start3A_335 = arith.constant 0 : i32
    %dma_start3A_336 = tpu.memref_slice %arg8[%add3A_329, %dma_start3A_335] : memref<2048x1024xf32, #tpu.memory_space<hbm>> -> memref<16x1024xf32, #tpu.memory_space<hbm>>
    %dma_start3A_337 = arith.constant 0 : i32
    %dma_start3A_338 = tpu.memref_slice %arg8[%add3A_329, %dma_start3A_337] : memref<2048x1024xf32, #tpu.memory_space<hbm>> -> memref<16x1024xf32, #tpu.memory_space<hbm>>
    %dma_start3A_339 = arith.constant 0 : i32
    %dma_start3A_340 = arith.constant 0 : i32
    %dma_start3A_341 = tpu.memref_slice %arg15[%dma_start3A_330, %dma_start3A_339, %dma_start3A_340] : memref<2x16x1024xf32, #tpu.memory_space<vmem>> -> memref<1x16x1024xf32, #tpu.memory_space<vmem>>
    %dma_start3A_342 = tpu.memref_squeeze %dma_start3A_341 : memref<1x16x1024xf32, #tpu.memory_space<vmem>> -> memref<16x1024xf32, #tpu.memory_space<vmem>>
    tpu.enqueue_dma source(%dma_start3A_342 : memref<16x1024xf32, #tpu.memory_space<vmem>>) target(%dma_start3A_338 : memref<16x1024xf32, #tpu.memory_space<hbm>>) target_semaphore(%arg18 : memref<!tpu.dma_semaphore, #tpu.memory_space<semaphore_mem>>)
    %dma_wait3A_343 = arith.constant 1 : i32
    %dma_wait3A_344 = arith.constant 0 : i32
    %dma_wait3A_345 = arith.constant 0 : i32
    %dma_wait3A_346 = tpu.memref_slice %arg15[%dma_wait3A_343, %dma_wait3A_344, %dma_wait3A_345] : memref<2x16x1024xf32, #tpu.memory_space<vmem>> -> memref<1x16x1024xf32, #tpu.memory_space<vmem>>
    %dma_wait3A_347 = tpu.memref_squeeze %dma_wait3A_346 : memref<1x16x1024xf32, #tpu.memory_space<vmem>> -> memref<16x1024xf32, #tpu.memory_space<vmem>>
    %dma_wait3A_348 = arith.constant 0 : i32
    %dma_wait3A_349 = tpu.memref_slice %arg3[%mul3A_2, %dma_wait3A_348] : memref<2048x1024xf32, #tpu.memory_space<hbm>> -> memref<16x1024xf32, #tpu.memory_space<hbm>>
    %dma_wait3A_350 = arith.constant 0 : i32
    %dma_wait3A_351 = arith.constant 0 : i32
    %dma_wait3A_352 = tpu.memref_slice %arg15[%dma_wait3A_343, %dma_wait3A_350, %dma_wait3A_351] : memref<2x16x1024xf32, #tpu.memory_space<vmem>> -> memref<1x16x1024xf32, #tpu.memory_space<vmem>>
    %dma_wait3A_353 = tpu.memref_squeeze %dma_wait3A_352 : memref<1x16x1024xf32, #tpu.memory_space<vmem>> -> memref<16x1024xf32, #tpu.memory_space<vmem>>
    %dma_wait3A_354 = arith.constant 0 : i32
    %dma_wait3A_355 = tpu.memref_slice %arg3[%mul3A_2, %dma_wait3A_354] : memref<2048x1024xf32, #tpu.memory_space<hbm>> -> memref<16x1024xf32, #tpu.memory_space<hbm>>
    tpu.wait_dma2 semaphore(%arg17 : memref<!tpu.dma_semaphore, #tpu.memory_space<semaphore_mem>>) src(%dma_wait3A_355 : memref<16x1024xf32, #tpu.memory_space<hbm>>) dst(%dma_wait3A_353 : memref<16x1024xf32, #tpu.memory_space<vmem>>)
    %dma_wait3A_356 = arith.constant 1 : i32
    %dma_wait3A_357 = arith.constant 0 : i32
    %dma_wait3A_358 = arith.constant 0 : i32
    %dma_wait3A_359 = tpu.memref_slice %arg15[%dma_wait3A_356, %dma_wait3A_357, %dma_wait3A_358] : memref<2x16x1024xf32, #tpu.memory_space<vmem>> -> memref<1x16x1024xf32, #tpu.memory_space<vmem>>
    %dma_wait3A_360 = tpu.memref_squeeze %dma_wait3A_359 : memref<1x16x1024xf32, #tpu.memory_space<vmem>> -> memref<16x1024xf32, #tpu.memory_space<vmem>>
    %dma_wait3A_361 = arith.constant 0 : i32
    %dma_wait3A_362 = tpu.memref_slice %arg3[%mul3A_2, %dma_wait3A_361] : memref<2048x1024xf32, #tpu.memory_space<hbm>> -> memref<16x1024xf32, #tpu.memory_space<hbm>>
    %dma_wait3A_363 = arith.constant 0 : i32
    %dma_wait3A_364 = arith.constant 0 : i32
    %dma_wait3A_365 = tpu.memref_slice %arg15[%dma_wait3A_356, %dma_wait3A_363, %dma_wait3A_364] : memref<2x16x1024xf32, #tpu.memory_space<vmem>> -> memref<1x16x1024xf32, #tpu.memory_space<vmem>>
    %dma_wait3A_366 = tpu.memref_squeeze %dma_wait3A_365 : memref<1x16x1024xf32, #tpu.memory_space<vmem>> -> memref<16x1024xf32, #tpu.memory_space<vmem>>
    %dma_wait3A_367 = arith.constant 0 : i32
    %dma_wait3A_368 = tpu.memref_slice %arg3[%mul3A_2, %dma_wait3A_367] : memref<2048x1024xf32, #tpu.memory_space<hbm>> -> memref<16x1024xf32, #tpu.memory_space<hbm>>
    tpu.wait_dma2 semaphore(%arg17 : memref<!tpu.dma_semaphore, #tpu.memory_space<semaphore_mem>>) src(%dma_wait3A_368 : memref<16x1024xf32, #tpu.memory_space<hbm>>) dst(%dma_wait3A_366 : memref<16x1024xf32, #tpu.memory_space<vmem>>)
    %dma_wait3A_369 = arith.constant 1 : i32
    %dma_wait3A_370 = arith.constant 0 : i32
    %dma_wait3A_371 = arith.constant 0 : i32
    %dma_wait3A_372 = tpu.memref_slice %arg15[%dma_wait3A_369, %dma_wait3A_370, %dma_wait3A_371] : memref<2x16x1024xf32, #tpu.memory_space<vmem>> -> memref<1x16x1024xf32, #tpu.memory_space<vmem>>
    %dma_wait3A_373 = tpu.memref_squeeze %dma_wait3A_372 : memref<1x16x1024xf32, #tpu.memory_space<vmem>> -> memref<16x1024xf32, #tpu.memory_space<vmem>>
    %dma_wait3A_374 = arith.constant 0 : i32
    %dma_wait3A_375 = tpu.memref_slice %arg3[%mul3A_2, %dma_wait3A_374] : memref<2048x1024xf32, #tpu.memory_space<hbm>> -> memref<16x1024xf32, #tpu.memory_space<hbm>>
    %dma_wait3A_376 = arith.constant 0 : i32
    %dma_wait3A_377 = arith.constant 0 : i32
    %dma_wait3A_378 = tpu.memref_slice %arg15[%dma_wait3A_369, %dma_wait3A_376, %dma_wait3A_377] : memref<2x16x1024xf32, #tpu.memory_space<vmem>> -> memref<1x16x1024xf32, #tpu.memory_space<vmem>>
    %dma_wait3A_379 = tpu.memref_squeeze %dma_wait3A_378 : memref<1x16x1024xf32, #tpu.memory_space<vmem>> -> memref<16x1024xf32, #tpu.memory_space<vmem>>
    %dma_wait3A_380 = arith.constant 0 : i32
    %dma_wait3A_381 = tpu.memref_slice %arg3[%mul3A_2, %dma_wait3A_380] : memref<2048x1024xf32, #tpu.memory_space<hbm>> -> memref<16x1024xf32, #tpu.memory_space<hbm>>
    tpu.wait_dma2 semaphore(%arg17 : memref<!tpu.dma_semaphore, #tpu.memory_space<semaphore_mem>>) src(%dma_wait3A_381 : memref<16x1024xf32, #tpu.memory_space<hbm>>) dst(%dma_wait3A_379 : memref<16x1024xf32, #tpu.memory_space<vmem>>)
    %scan3A_382 = arith.constant 0 : i32
    %scan3A_383 = arith.constant 16 : i32
    %scan3A_384 = arith.addi %scan3A_382, %scan3A_383 : i32
    %scan3A_385 = arith.constant 1 : i32
    scf.for %scan3A_428 = %scan3A_382 to %scan3A_384 step %scan3A_385  : i32 {
      %mul3A_429 = arith.constant 1 : i32
      %mul3A_430 = arith.muli %scan3A_428, %mul3A_429 : i32
      %add3A_431 = arith.constant 0 : i32
      %add3A_432 = arith.addi %add3A_431, %mul3A_430 : i32
      %add3A_433 = arith.constant 48 : i32
      %add3A_434 = arith.addi %add3A_433, %add3A_432 : i32
      %get3A = arith.index_cast %add3A_434 : i32 to index
      %get3A_435 = arith.constant 0 : index
      %get3A_436 = tpu.vector_load %arg11[%get3A, %get3A_435] {strides = array<i32>} : memref<64x16xf32, #tpu.memory_space<vmem>>, vector<1x16xf32>,
      %get3A_437 = vector.shape_cast %get3A_436 : vector<1x16xf32> to vector<16xf32>
      %add3A_438 = arith.constant 48 : i32
      %add3A_439 = arith.addi %add3A_438, %add3A_432 : i32
      %get3A_440 = arith.index_cast %add3A_439 : i32 to index
      %get3A_441 = arith.constant 0 : index
      %get3A_442 = tpu.vector_load %arg12[%get3A_440, %get3A_441] {strides = array<i32>} : memref<64x16xf32, #tpu.memory_space<vmem>>, vector<1x16xf32>,
      %get3A_443 = vector.shape_cast %get3A_442 : vector<1x16xf32> to vector<16xf32>
      %scan3A_444 = arith.constant 1 : i32
      %scan3A_445 = arith.constant 1 : i32
      %scan3A_446 = arith.constant 1 : i32
      %scan3A_447 = arith.constant 0 : i32
      %scan3A_448 = arith.constant 64 : i32
      %scan3A_449 = arith.addi %scan3A_447, %scan3A_448 : i32
      %scan3A_450 = arith.constant 8 : i32
      scf.for %scan3A_452 = %scan3A_447 to %scan3A_449 step %scan3A_450  : i32 {
        %mul3A_453 = arith.constant 1 : i32
        %mul3A_454 = arith.muli %scan3A_452, %mul3A_453 : i32
        %add3A_455 = arith.constant 0 : i32
        %add3A_456 = arith.addi %add3A_455, %mul3A_454 : i32
        %mul3A_457 = arith.constant 16 : i32
        %mul3A_458 = arith.muli %add3A_456, %mul3A_457 : i32
        %get3A_459 = arith.constant 0 : i32
        %get3A_460 = arith.constant 0 : i32
        %get3A_461 = tpu.memref_slice %arg15[%scan3A_444, %get3A_459, %get3A_460] : memref<2x16x1024xf32, #tpu.memory_space<vmem>> -> memref<1x16x1024xf32, #tpu.memory_space<vmem>>
        %get3A_462 = tpu.memref_squeeze %get3A_461 : memref<1x16x1024xf32, #tpu.memory_space<vmem>> -> memref<16x1024xf32, #tpu.memory_space<vmem>>
        %get3A_463 = arith.constant 0 : i32
        %get3A_464 = tpu.memref_slice %get3A_462[%add3A_432, %get3A_463] : memref<16x1024xf32, #tpu.memory_space<vmem>> -> memref<1x1024xf32, #tpu.memory_space<vmem>>
        %get3A_465 = tpu.memref_squeeze %get3A_464 : memref<1x1024xf32, #tpu.memory_space<vmem>> -> memref<1024xf32, #tpu.memory_space<vmem>>
        %get3A_466 = arith.index_cast %mul3A_458 : i32 to index
        %get3A_467 = tpu.vector_load %get3A_465[%get3A_466] {strides = array<i32>} : memref<1024xf32, #tpu.memory_space<vmem>>, vector<16xf32>,
        %get3A_468 = vector.shape_cast %get3A_467 : vector<16xf32> to vector<16xf32>
        %get3A_469 = arith.constant 0 : i32
        %get3A_470 = arith.constant 0 : i32
        %get3A_471 = tpu.memref_slice %arg13[%scan3A_445, %get3A_469, %get3A_470] : memref<2x16x1024xf32, #tpu.memory_space<vmem>> -> memref<1x16x1024xf32, #tpu.memory_space<vmem>>
        %get3A_472 = tpu.memref_squeeze %get3A_471 : memref<1x16x1024xf32, #tpu.memory_space<vmem>> -> memref<16x1024xf32, #tpu.memory_space<vmem>>
        %get3A_473 = arith.constant 0 : i32
        %get3A_474 = tpu.memref_slice %get3A_472[%add3A_432, %get3A_473] : memref<16x1024xf32, #tpu.memory_space<vmem>> -> memref<1x1024xf32, #tpu.memory_space<vmem>>
        %get3A_475 = tpu.memref_squeeze %get3A_474 : memref<1x1024xf32, #tpu.memory_space<vmem>> -> memref<1024xf32, #tpu.memory_space<vmem>>
        %get3A_476 = arith.index_cast %mul3A_458 : i32 to index
        %get3A_477 = tpu.vector_load %get3A_475[%get3A_476] {strides = array<i32>} : memref<1024xf32, #tpu.memory_space<vmem>>, vector<16xf32>,
        %get3A_478 = vector.shape_cast %get3A_477 : vector<16xf32> to vector<16xf32>
        %mul3A_479 = arith.mulf %get3A_437, %get3A_478 : vector<16xf32>
        %add3A_480 = arith.addf %get3A_468, %mul3A_479 : vector<16xf32>
        %get3A_481 = arith.constant 0 : i32
        %get3A_482 = arith.constant 0 : i32
        %get3A_483 = tpu.memref_slice %arg14[%scan3A_446, %get3A_481, %get3A_482] : memref<2x16x1024xf32, #tpu.memory_space<vmem>> -> memref<1x16x1024xf32, #tpu.memory_space<vmem>>
        %get3A_484 = tpu.memref_squeeze %get3A_483 : memref<1x16x1024xf32, #tpu.memory_space<vmem>> -> memref<16x1024xf32, #tpu.memory_space<vmem>>
        %get3A_485 = arith.constant 0 : i32
        %get3A_486 = tpu.memref_slice %get3A_484[%add3A_432, %get3A_485] : memref<16x1024xf32, #tpu.memory_space<vmem>> -> memref<1x1024xf32, #tpu.memory_space<vmem>>
        %get3A_487 = tpu.memref_squeeze %get3A_486 : memref<1x1024xf32, #tpu.memory_space<vmem>> -> memref<1024xf32, #tpu.memory_space<vmem>>
        %get3A_488 = arith.index_cast %mul3A_458 : i32 to index
        %get3A_489 = tpu.vector_load %get3A_487[%get3A_488] {strides = array<i32>} : memref<1024xf32, #tpu.memory_space<vmem>>, vector<16xf32>,
        %get3A_490 = vector.shape_cast %get3A_489 : vector<16xf32> to vector<16xf32>
        %mul3A_491 = arith.mulf %get3A_443, %get3A_490 : vector<16xf32>
        %add3A_492 = arith.addf %add3A_480, %mul3A_491 : vector<16xf32>
        %swap3A = arith.constant 0 : i32
        %swap3A_493 = arith.constant 0 : i32
        %swap3A_494 = tpu.memref_slice %arg15[%scan3A_444, %swap3A, %swap3A_493] : memref<2x16x1024xf32, #tpu.memory_space<vmem>> -> memref<1x16x1024xf32, #tpu.memory_space<vmem>>
        %swap3A_495 = tpu.memref_squeeze %swap3A_494 : memref<1x16x1024xf32, #tpu.memory_space<vmem>> -> memref<16x1024xf32, #tpu.memory_space<vmem>>
        %swap3A_496 = arith.constant 0 : i32
        %swap3A_497 = tpu.memref_slice %swap3A_495[%add3A_432, %swap3A_496] : memref<16x1024xf32, #tpu.memory_space<vmem>> -> memref<1x1024xf32, #tpu.memory_space<vmem>>
        %swap3A_498 = tpu.memref_squeeze %swap3A_497 : memref<1x1024xf32, #tpu.memory_space<vmem>> -> memref<1024xf32, #tpu.memory_space<vmem>>
        %swap3A_499 = arith.index_cast %mul3A_458 : i32 to index
        %swap3A_500 = tpu.vector_load %swap3A_498[%swap3A_499] {strides = array<i32>} : memref<1024xf32, #tpu.memory_space<vmem>>, vector<16xf32>,
        %swap3A_501 = vector.shape_cast %swap3A_500 : vector<16xf32> to vector<16xf32>
        %swap3A_502 = vector.shape_cast %add3A_492 : vector<16xf32> to vector<16xf32>
        tpu.vector_store %swap3A_498[%swap3A_499], %swap3A_502 {strides = array<i32>} : memref<1024xf32, #tpu.memory_space<vmem>>, vector<16xf32>,
        %scan3A_503 = arith.constant 1 : i32
        %scan3A_504 = arith.addi %scan3A_452, %scan3A_503 : i32
        %mul3A_505 = arith.constant 1 : i32
        %mul3A_506 = arith.muli %scan3A_504, %mul3A_505 : i32
        %add3A_507 = arith.constant 0 : i32
        %add3A_508 = arith.addi %add3A_507, %mul3A_506 : i32
        %mul3A_509 = arith.constant 16 : i32
        %mul3A_510 = arith.muli %add3A_508, %mul3A_509 : i32
        %get3A_511 = arith.constant 0 : i32
        %get3A_512 = arith.constant 0 : i32
        %get3A_513 = tpu.memref_slice %arg15[%scan3A_444, %get3A_511, %get3A_512] : memref<2x16x1024xf32, #tpu.memory_space<vmem>> -> memref<1x16x1024xf32, #tpu.memory_space<vmem>>
        %get3A_514 = tpu.memref_squeeze %get3A_513 : memref<1x16x1024xf32, #tpu.memory_space<vmem>> -> memref<16x1024xf32, #tpu.memory_space<vmem>>
        %get3A_515 = arith.constant 0 : i32
        %get3A_516 = tpu.memref_slice %get3A_514[%add3A_432, %get3A_515] : memref<16x1024xf32, #tpu.memory_space<vmem>> -> memref<1x1024xf32, #tpu.memory_space<vmem>>
        %get3A_517 = tpu.memref_squeeze %get3A_516 : memref<1x1024xf32, #tpu.memory_space<vmem>> -> memref<1024xf32, #tpu.memory_space<vmem>>
        %get3A_518 = arith.index_cast %mul3A_510 : i32 to index
        %get3A_519 = tpu.vector_load %get3A_517[%get3A_518] {strides = array<i32>} : memref<1024xf32, #tpu.memory_space<vmem>>, vector<16xf32>,
        %get3A_520 = vector.shape_cast %get3A_519 : vector<16xf32> to vector<16xf32>
        %get3A_521 = arith.constant 0 : i32
        %get3A_522 = arith.constant 0 : i32
        %get3A_523 = tpu.memref_slice %arg13[%scan3A_445, %get3A_521, %get3A_522] : memref<2x16x1024xf32, #tpu.memory_space<vmem>> -> memref<1x16x1024xf32, #tpu.memory_space<vmem>>
        %get3A_524 = tpu.memref_squeeze %get3A_523 : memref<1x16x1024xf32, #tpu.memory_space<vmem>> -> memref<16x1024xf32, #tpu.memory_space<vmem>>
        %get3A_525 = arith.constant 0 : i32
        %get3A_526 = tpu.memref_slice %get3A_524[%add3A_432, %get3A_525] : memref<16x1024xf32, #tpu.memory_space<vmem>> -> memref<1x1024xf32, #tpu.memory_space<vmem>>
        %get3A_527 = tpu.memref_squeeze %get3A_526 : memref<1x1024xf32, #tpu.memory_space<vmem>> -> memref<1024xf32, #tpu.memory_space<vmem>>
        %get3A_528 = arith.index_cast %mul3A_510 : i32 to index
        %get3A_529 = tpu.vector_load %get3A_527[%get3A_528] {strides = array<i32>} : memref<1024xf32, #tpu.memory_space<vmem>>, vector<16xf32>,
        %get3A_530 = vector.shape_cast %get3A_529 : vector<16xf32> to vector<16xf32>
        %mul3A_531 = arith.mulf %get3A_437, %get3A_530 : vector<16xf32>
        %add3A_532 = arith.addf %get3A_520, %mul3A_531 : vector<16xf32>
        %get3A_533 = arith.constant 0 : i32
        %get3A_534 = arith.constant 0 : i32
        %get3A_535 = tpu.memref_slice %arg14[%scan3A_446, %get3A_533, %get3A_534] : memref<2x16x1024xf32, #tpu.memory_space<vmem>> -> memref<1x16x1024xf32, #tpu.memory_space<vmem>>
        %get3A_536 = tpu.memref_squeeze %get3A_535 : memref<1x16x1024xf32, #tpu.memory_space<vmem>> -> memref<16x1024xf32, #tpu.memory_space<vmem>>
        %get3A_537 = arith.constant 0 : i32
        %get3A_538 = tpu.memref_slice %get3A_536[%add3A_432, %get3A_537] : memref<16x1024xf32, #tpu.memory_space<vmem>> -> memref<1x1024xf32, #tpu.memory_space<vmem>>
        %get3A_539 = tpu.memref_squeeze %get3A_538 : memref<1x1024xf32, #tpu.memory_space<vmem>> -> memref<1024xf32, #tpu.memory_space<vmem>>
        %get3A_540 = arith.index_cast %mul3A_510 : i32 to index
        %get3A_541 = tpu.vector_load %get3A_539[%get3A_540] {strides = array<i32>} : memref<1024xf32, #tpu.memory_space<vmem>>, vector<16xf32>,
        %get3A_542 = vector.shape_cast %get3A_541 : vector<16xf32> to vector<16xf32>
        %mul3A_543 = arith.mulf %get3A_443, %get3A_542 : vector<16xf32>
        %add3A_544 = arith.addf %add3A_532, %mul3A_543 : vector<16xf32>
        %swap3A_545 = arith.constant 0 : i32
        %swap3A_546 = arith.constant 0 : i32
        %swap3A_547 = tpu.memref_slice %arg15[%scan3A_444, %swap3A_545, %swap3A_546] : memref<2x16x1024xf32, #tpu.memory_space<vmem>> -> memref<1x16x1024xf32, #tpu.memory_space<vmem>>
        %swap3A_548 = tpu.memref_squeeze %swap3A_547 : memref<1x16x1024xf32, #tpu.memory_space<vmem>> -> memref<16x1024xf32, #tpu.memory_space<vmem>>
        %swap3A_549 = arith.constant 0 : i32
        %swap3A_550 = tpu.memref_slice %swap3A_548[%add3A_432, %swap3A_549] : memref<16x1024xf32, #tpu.memory_space<vmem>> -> memref<1x1024xf32, #tpu.memory_space<vmem>>
        %swap3A_551 = tpu.memref_squeeze %swap3A_550 : memref<1x1024xf32, #tpu.memory_space<vmem>> -> memref<1024xf32, #tpu.memory_space<vmem>>
        %swap3A_552 = arith.index_cast %mul3A_510 : i32 to index
        %swap3A_553 = tpu.vector_load %swap3A_551[%swap3A_552] {strides = array<i32>} : memref<1024xf32, #tpu.memory_space<vmem>>, vector<16xf32>,
        %swap3A_554 = vector.shape_cast %swap3A_553 : vector<16xf32> to vector<16xf32>
        %swap3A_555 = vector.shape_cast %add3A_544 : vector<16xf32> to vector<16xf32>
        tpu.vector_store %swap3A_551[%swap3A_552], %swap3A_555 {strides = array<i32>} : memref<1024xf32, #tpu.memory_space<vmem>>, vector<16xf32>,
        %scan3A_556 = arith.constant 2 : i32
        %scan3A_557 = arith.addi %scan3A_452, %scan3A_556 : i32
        %mul3A_558 = arith.constant 1 : i32
        %mul3A_559 = arith.muli %scan3A_557, %mul3A_558 : i32
        %add3A_560 = arith.constant 0 : i32
        %add3A_561 = arith.addi %add3A_560, %mul3A_559 : i32
        %mul3A_562 = arith.constant 16 : i32
        %mul3A_563 = arith.muli %add3A_561, %mul3A_562 : i32
        %get3A_564 = arith.constant 0 : i32
        %get3A_565 = arith.constant 0 : i32
        %get3A_566 = tpu.memref_slice %arg15[%scan3A_444, %get3A_564, %get3A_565] : memref<2x16x1024xf32, #tpu.memory_space<vmem>> -> memref<1x16x1024xf32, #tpu.memory_space<vmem>>
        %get3A_567 = tpu.memref_squeeze %get3A_566 : memref<1x16x1024xf32, #tpu.memory_space<vmem>> -> memref<16x1024xf32, #tpu.memory_space<vmem>>
        %get3A_568 = arith.constant 0 : i32
        %get3A_569 = tpu.memref_slice %get3A_567[%add3A_432, %get3A_568] : memref<16x1024xf32, #tpu.memory_space<vmem>> -> memref<1x1024xf32, #tpu.memory_space<vmem>>
        %get3A_570 = tpu.memref_squeeze %get3A_569 : memref<1x1024xf32, #tpu.memory_space<vmem>> -> memref<1024xf32, #tpu.memory_space<vmem>>
        %get3A_571 = arith.index_cast %mul3A_563 : i32 to index
        %get3A_572 = tpu.vector_load %get3A_570[%get3A_571] {strides = array<i32>} : memref<1024xf32, #tpu.memory_space<vmem>>, vector<16xf32>,
        %get3A_573 = vector.shape_cast %get3A_572 : vector<16xf32> to vector<16xf32>
        %get3A_574 = arith.constant 0 : i32
        %get3A_575 = arith.constant 0 : i32
        %get3A_576 = tpu.memref_slice %arg13[%scan3A_445, %get3A_574, %get3A_575] : memref<2x16x1024xf32, #tpu.memory_space<vmem>> -> memref<1x16x1024xf32, #tpu.memory_space<vmem>>
        %get3A_577 = tpu.memref_squeeze %get3A_576 : memref<1x16x1024xf32, #tpu.memory_space<vmem>> -> memref<16x1024xf32, #tpu.memory_space<vmem>>
        %get3A_578 = arith.constant 0 : i32
        %get3A_579 = tpu.memref_slice %get3A_577[%add3A_432, %get3A_578] : memref<16x1024xf32, #tpu.memory_space<vmem>> -> memref<1x1024xf32, #tpu.memory_space<vmem>>
        %get3A_580 = tpu.memref_squeeze %get3A_579 : memref<1x1024xf32, #tpu.memory_space<vmem>> -> memref<1024xf32, #tpu.memory_space<vmem>>
        %get3A_581 = arith.index_cast %mul3A_563 : i32 to index
        %get3A_582 = tpu.vector_load %get3A_580[%get3A_581] {strides = array<i32>} : memref<1024xf32, #tpu.memory_space<vmem>>, vector<16xf32>,
        %get3A_583 = vector.shape_cast %get3A_582 : vector<16xf32> to vector<16xf32>
        %mul3A_584 = arith.mulf %get3A_437, %get3A_583 : vector<16xf32>
        %add3A_585 = arith.addf %get3A_573, %mul3A_584 : vector<16xf32>
        %get3A_586 = arith.constant 0 : i32
        %get3A_587 = arith.constant 0 : i32
        %get3A_588 = tpu.memref_slice %arg14[%scan3A_446, %get3A_586, %get3A_587] : memref<2x16x1024xf32, #tpu.memory_space<vmem>> -> memref<1x16x1024xf32, #tpu.memory_space<vmem>>
        %get3A_589 = tpu.memref_squeeze %get3A_588 : memref<1x16x1024xf32, #tpu.memory_space<vmem>> -> memref<16x1024xf32, #tpu.memory_space<vmem>>
        %get3A_590 = arith.constant 0 : i32
        %get3A_591 = tpu.memref_slice %get3A_589[%add3A_432, %get3A_590] : memref<16x1024xf32, #tpu.memory_space<vmem>> -> memref<1x1024xf32, #tpu.memory_space<vmem>>
        %get3A_592 = tpu.memref_squeeze %get3A_591 : memref<1x1024xf32, #tpu.memory_space<vmem>> -> memref<1024xf32, #tpu.memory_space<vmem>>
        %get3A_593 = arith.index_cast %mul3A_563 : i32 to index
        %get3A_594 = tpu.vector_load %get3A_592[%get3A_593] {strides = array<i32>} : memref<1024xf32, #tpu.memory_space<vmem>>, vector<16xf32>,
        %get3A_595 = vector.shape_cast %get3A_594 : vector<16xf32> to vector<16xf32>
        %mul3A_596 = arith.mulf %get3A_443, %get3A_595 : vector<16xf32>
        %add3A_597 = arith.addf %add3A_585, %mul3A_596 : vector<16xf32>
        %swap3A_598 = arith.constant 0 : i32
        %swap3A_599 = arith.constant 0 : i32
        %swap3A_600 = tpu.memref_slice %arg15[%scan3A_444, %swap3A_598, %swap3A_599] : memref<2x16x1024xf32, #tpu.memory_space<vmem>> -> memref<1x16x1024xf32, #tpu.memory_space<vmem>>
        %swap3A_601 = tpu.memref_squeeze %swap3A_600 : memref<1x16x1024xf32, #tpu.memory_space<vmem>> -> memref<16x1024xf32, #tpu.memory_space<vmem>>
        %swap3A_602 = arith.constant 0 : i32
        %swap3A_603 = tpu.memref_slice %swap3A_601[%add3A_432, %swap3A_602] : memref<16x1024xf32, #tpu.memory_space<vmem>> -> memref<1x1024xf32, #tpu.memory_space<vmem>>
        %swap3A_604 = tpu.memref_squeeze %swap3A_603 : memref<1x1024xf32, #tpu.memory_space<vmem>> -> memref<1024xf32, #tpu.memory_space<vmem>>
        %swap3A_605 = arith.index_cast %mul3A_563 : i32 to index
        %swap3A_606 = tpu.vector_load %swap3A_604[%swap3A_605] {strides = array<i32>} : memref<1024xf32, #tpu.memory_space<vmem>>, vector<16xf32>,
        %swap3A_607 = vector.shape_cast %swap3A_606 : vector<16xf32> to vector<16xf32>
        %swap3A_608 = vector.shape_cast %add3A_597 : vector<16xf32> to vector<16xf32>
        tpu.vector_store %swap3A_604[%swap3A_605], %swap3A_608 {strides = array<i32>} : memref<1024xf32, #tpu.memory_space<vmem>>, vector<16xf32>,
        %scan3A_609 = arith.constant 3 : i32
        %scan3A_610 = arith.addi %scan3A_452, %scan3A_609 : i32
        %mul3A_611 = arith.constant 1 : i32
        %mul3A_612 = arith.muli %scan3A_610, %mul3A_611 : i32
        %add3A_613 = arith.constant 0 : i32
        %add3A_614 = arith.addi %add3A_613, %mul3A_612 : i32
        %mul3A_615 = arith.constant 16 : i32
        %mul3A_616 = arith.muli %add3A_614, %mul3A_615 : i32
        %get3A_617 = arith.constant 0 : i32
        %get3A_618 = arith.constant 0 : i32
        %get3A_619 = tpu.memref_slice %arg15[%scan3A_444, %get3A_617, %get3A_618] : memref<2x16x1024xf32, #tpu.memory_space<vmem>> -> memref<1x16x1024xf32, #tpu.memory_space<vmem>>
        %get3A_620 = tpu.memref_squeeze %get3A_619 : memref<1x16x1024xf32, #tpu.memory_space<vmem>> -> memref<16x1024xf32, #tpu.memory_space<vmem>>
        %get3A_621 = arith.constant 0 : i32
        %get3A_622 = tpu.memref_slice %get3A_620[%add3A_432, %get3A_621] : memref<16x1024xf32, #tpu.memory_space<vmem>> -> memref<1x1024xf32, #tpu.memory_space<vmem>>
        %get3A_623 = tpu.memref_squeeze %get3A_622 : memref<1x1024xf32, #tpu.memory_space<vmem>> -> memref<1024xf32, #tpu.memory_space<vmem>>
        %get3A_624 = arith.index_cast %mul3A_616 : i32 to index
        %get3A_625 = tpu.vector_load %get3A_623[%get3A_624] {strides = array<i32>} : memref<1024xf32, #tpu.memory_space<vmem>>, vector<16xf32>,
        %get3A_626 = vector.shape_cast %get3A_625 : vector<16xf32> to vector<16xf32>
        %get3A_627 = arith.constant 0 : i32
        %get3A_628 = arith.constant 0 : i32
        %get3A_629 = tpu.memref_slice %arg13[%scan3A_445, %get3A_627, %get3A_628] : memref<2x16x1024xf32, #tpu.memory_space<vmem>> -> memref<1x16x1024xf32, #tpu.memory_space<vmem>>
        %get3A_630 = tpu.memref_squeeze %get3A_629 : memref<1x16x1024xf32, #tpu.memory_space<vmem>> -> memref<16x1024xf32, #tpu.memory_space<vmem>>
        %get3A_631 = arith.constant 0 : i32
        %get3A_632 = tpu.memref_slice %get3A_630[%add3A_432, %get3A_631] : memref<16x1024xf32, #tpu.memory_space<vmem>> -> memref<1x1024xf32, #tpu.memory_space<vmem>>
        %get3A_633 = tpu.memref_squeeze %get3A_632 : memref<1x1024xf32, #tpu.memory_space<vmem>> -> memref<1024xf32, #tpu.memory_space<vmem>>
        %get3A_634 = arith.index_cast %mul3A_616 : i32 to index
        %get3A_635 = tpu.vector_load %get3A_633[%get3A_634] {strides = array<i32>} : memref<1024xf32, #tpu.memory_space<vmem>>, vector<16xf32>,
        %get3A_636 = vector.shape_cast %get3A_635 : vector<16xf32> to vector<16xf32>
        %mul3A_637 = arith.mulf %get3A_437, %get3A_636 : vector<16xf32>
        %add3A_638 = arith.addf %get3A_626, %mul3A_637 : vector<16xf32>
        %get3A_639 = arith.constant 0 : i32
        %get3A_640 = arith.constant 0 : i32
        %get3A_641 = tpu.memref_slice %arg14[%scan3A_446, %get3A_639, %get3A_640] : memref<2x16x1024xf32, #tpu.memory_space<vmem>> -> memref<1x16x1024xf32, #tpu.memory_space<vmem>>
        %get3A_642 = tpu.memref_squeeze %get3A_641 : memref<1x16x1024xf32, #tpu.memory_space<vmem>> -> memref<16x1024xf32, #tpu.memory_space<vmem>>
        %get3A_643 = arith.constant 0 : i32
        %get3A_644 = tpu.memref_slice %get3A_642[%add3A_432, %get3A_643] : memref<16x1024xf32, #tpu.memory_space<vmem>> -> memref<1x1024xf32, #tpu.memory_space<vmem>>
        %get3A_645 = tpu.memref_squeeze %get3A_644 : memref<1x1024xf32, #tpu.memory_space<vmem>> -> memref<1024xf32, #tpu.memory_space<vmem>>
        %get3A_646 = arith.index_cast %mul3A_616 : i32 to index
        %get3A_647 = tpu.vector_load %get3A_645[%get3A_646] {strides = array<i32>} : memref<1024xf32, #tpu.memory_space<vmem>>, vector<16xf32>,
        %get3A_648 = vector.shape_cast %get3A_647 : vector<16xf32> to vector<16xf32>
        %mul3A_649 = arith.mulf %get3A_443, %get3A_648 : vector<16xf32>
        %add3A_650 = arith.addf %add3A_638, %mul3A_649 : vector<16xf32>
        %swap3A_651 = arith.constant 0 : i32
        %swap3A_652 = arith.constant 0 : i32
        %swap3A_653 = tpu.memref_slice %arg15[%scan3A_444, %swap3A_651, %swap3A_652] : memref<2x16x1024xf32, #tpu.memory_space<vmem>> -> memref<1x16x1024xf32, #tpu.memory_space<vmem>>
        %swap3A_654 = tpu.memref_squeeze %swap3A_653 : memref<1x16x1024xf32, #tpu.memory_space<vmem>> -> memref<16x1024xf32, #tpu.memory_space<vmem>>
        %swap3A_655 = arith.constant 0 : i32
        %swap3A_656 = tpu.memref_slice %swap3A_654[%add3A_432, %swap3A_655] : memref<16x1024xf32, #tpu.memory_space<vmem>> -> memref<1x1024xf32, #tpu.memory_space<vmem>>
        %swap3A_657 = tpu.memref_squeeze %swap3A_656 : memref<1x1024xf32, #tpu.memory_space<vmem>> -> memref<1024xf32, #tpu.memory_space<vmem>>
        %swap3A_658 = arith.index_cast %mul3A_616 : i32 to index
        %swap3A_659 = tpu.vector_load %swap3A_657[%swap3A_658] {strides = array<i32>} : memref<1024xf32, #tpu.memory_space<vmem>>, vector<16xf32>,
        %swap3A_660 = vector.shape_cast %swap3A_659 : vector<16xf32> to vector<16xf32>
        %swap3A_661 = vector.shape_cast %add3A_650 : vector<16xf32> to vector<16xf32>
        tpu.vector_store %swap3A_657[%swap3A_658], %swap3A_661 {strides = array<i32>} : memref<1024xf32, #tpu.memory_space<vmem>>, vector<16xf32>,
        %scan3A_662 = arith.constant 4 : i32
        %scan3A_663 = arith.addi %scan3A_452, %scan3A_662 : i32
        %mul3A_664 = arith.constant 1 : i32
        %mul3A_665 = arith.muli %scan3A_663, %mul3A_664 : i32
        %add3A_666 = arith.constant 0 : i32
        %add3A_667 = arith.addi %add3A_666, %mul3A_665 : i32
        %mul3A_668 = arith.constant 16 : i32
        %mul3A_669 = arith.muli %add3A_667, %mul3A_668 : i32
        %get3A_670 = arith.constant 0 : i32
        %get3A_671 = arith.constant 0 : i32
        %get3A_672 = tpu.memref_slice %arg15[%scan3A_444, %get3A_670, %get3A_671] : memref<2x16x1024xf32, #tpu.memory_space<vmem>> -> memref<1x16x1024xf32, #tpu.memory_space<vmem>>
        %get3A_673 = tpu.memref_squeeze %get3A_672 : memref<1x16x1024xf32, #tpu.memory_space<vmem>> -> memref<16x1024xf32, #tpu.memory_space<vmem>>
        %get3A_674 = arith.constant 0 : i32
        %get3A_675 = tpu.memref_slice %get3A_673[%add3A_432, %get3A_674] : memref<16x1024xf32, #tpu.memory_space<vmem>> -> memref<1x1024xf32, #tpu.memory_space<vmem>>
        %get3A_676 = tpu.memref_squeeze %get3A_675 : memref<1x1024xf32, #tpu.memory_space<vmem>> -> memref<1024xf32, #tpu.memory_space<vmem>>
        %get3A_677 = arith.index_cast %mul3A_669 : i32 to index
        %get3A_678 = tpu.vector_load %get3A_676[%get3A_677] {strides = array<i32>} : memref<1024xf32, #tpu.memory_space<vmem>>, vector<16xf32>,
        %get3A_679 = vector.shape_cast %get3A_678 : vector<16xf32> to vector<16xf32>
        %get3A_680 = arith.constant 0 : i32
        %get3A_681 = arith.constant 0 : i32
        %get3A_682 = tpu.memref_slice %arg13[%scan3A_445, %get3A_680, %get3A_681] : memref<2x16x1024xf32, #tpu.memory_space<vmem>> -> memref<1x16x1024xf32, #tpu.memory_space<vmem>>
        %get3A_683 = tpu.memref_squeeze %get3A_682 : memref<1x16x1024xf32, #tpu.memory_space<vmem>> -> memref<16x1024xf32, #tpu.memory_space<vmem>>
        %get3A_684 = arith.constant 0 : i32
        %get3A_685 = tpu.memref_slice %get3A_683[%add3A_432, %get3A_684] : memref<16x1024xf32, #tpu.memory_space<vmem>> -> memref<1x1024xf32, #tpu.memory_space<vmem>>
        %get3A_686 = tpu.memref_squeeze %get3A_685 : memref<1x1024xf32, #tpu.memory_space<vmem>> -> memref<1024xf32, #tpu.memory_space<vmem>>
        %get3A_687 = arith.index_cast %mul3A_669 : i32 to index
        %get3A_688 = tpu.vector_load %get3A_686[%get3A_687] {strides = array<i32>} : memref<1024xf32, #tpu.memory_space<vmem>>, vector<16xf32>,
        %get3A_689 = vector.shape_cast %get3A_688 : vector<16xf32> to vector<16xf32>
        %mul3A_690 = arith.mulf %get3A_437, %get3A_689 : vector<16xf32>
        %add3A_691 = arith.addf %get3A_679, %mul3A_690 : vector<16xf32>
        %get3A_692 = arith.constant 0 : i32
        %get3A_693 = arith.constant 0 : i32
        %get3A_694 = tpu.memref_slice %arg14[%scan3A_446, %get3A_692, %get3A_693] : memref<2x16x1024xf32, #tpu.memory_space<vmem>> -> memref<1x16x1024xf32, #tpu.memory_space<vmem>>
        %get3A_695 = tpu.memref_squeeze %get3A_694 : memref<1x16x1024xf32, #tpu.memory_space<vmem>> -> memref<16x1024xf32, #tpu.memory_space<vmem>>
        %get3A_696 = arith.constant 0 : i32
        %get3A_697 = tpu.memref_slice %get3A_695[%add3A_432, %get3A_696] : memref<16x1024xf32, #tpu.memory_space<vmem>> -> memref<1x1024xf32, #tpu.memory_space<vmem>>
        %get3A_698 = tpu.memref_squeeze %get3A_697 : memref<1x1024xf32, #tpu.memory_space<vmem>> -> memref<1024xf32, #tpu.memory_space<vmem>>
        %get3A_699 = arith.index_cast %mul3A_669 : i32 to index
        %get3A_700 = tpu.vector_load %get3A_698[%get3A_699] {strides = array<i32>} : memref<1024xf32, #tpu.memory_space<vmem>>, vector<16xf32>,
        %get3A_701 = vector.shape_cast %get3A_700 : vector<16xf32> to vector<16xf32>
        %mul3A_702 = arith.mulf %get3A_443, %get3A_701 : vector<16xf32>
        %add3A_703 = arith.addf %add3A_691, %mul3A_702 : vector<16xf32>
        %swap3A_704 = arith.constant 0 : i32
        %swap3A_705 = arith.constant 0 : i32
        %swap3A_706 = tpu.memref_slice %arg15[%scan3A_444, %swap3A_704, %swap3A_705] : memref<2x16x1024xf32, #tpu.memory_space<vmem>> -> memref<1x16x1024xf32, #tpu.memory_space<vmem>>
        %swap3A_707 = tpu.memref_squeeze %swap3A_706 : memref<1x16x1024xf32, #tpu.memory_space<vmem>> -> memref<16x1024xf32, #tpu.memory_space<vmem>>
        %swap3A_708 = arith.constant 0 : i32
        %swap3A_709 = tpu.memref_slice %swap3A_707[%add3A_432, %swap3A_708] : memref<16x1024xf32, #tpu.memory_space<vmem>> -> memref<1x1024xf32, #tpu.memory_space<vmem>>
        %swap3A_710 = tpu.memref_squeeze %swap3A_709 : memref<1x1024xf32, #tpu.memory_space<vmem>> -> memref<1024xf32, #tpu.memory_space<vmem>>
        %swap3A_711 = arith.index_cast %mul3A_669 : i32 to index
        %swap3A_712 = tpu.vector_load %swap3A_710[%swap3A_711] {strides = array<i32>} : memref<1024xf32, #tpu.memory_space<vmem>>, vector<16xf32>,
        %swap3A_713 = vector.shape_cast %swap3A_712 : vector<16xf32> to vector<16xf32>
        %swap3A_714 = vector.shape_cast %add3A_703 : vector<16xf32> to vector<16xf32>
        tpu.vector_store %swap3A_710[%swap3A_711], %swap3A_714 {strides = array<i32>} : memref<1024xf32, #tpu.memory_space<vmem>>, vector<16xf32>,
        %scan3A_715 = arith.constant 5 : i32
        %scan3A_716 = arith.addi %scan3A_452, %scan3A_715 : i32
        %mul3A_717 = arith.constant 1 : i32
        %mul3A_718 = arith.muli %scan3A_716, %mul3A_717 : i32
        %add3A_719 = arith.constant 0 : i32
        %add3A_720 = arith.addi %add3A_719, %mul3A_718 : i32
        %mul3A_721 = arith.constant 16 : i32
        %mul3A_722 = arith.muli %add3A_720, %mul3A_721 : i32
        %get3A_723 = arith.constant 0 : i32
        %get3A_724 = arith.constant 0 : i32
        %get3A_725 = tpu.memref_slice %arg15[%scan3A_444, %get3A_723, %get3A_724] : memref<2x16x1024xf32, #tpu.memory_space<vmem>> -> memref<1x16x1024xf32, #tpu.memory_space<vmem>>
        %get3A_726 = tpu.memref_squeeze %get3A_725 : memref<1x16x1024xf32, #tpu.memory_space<vmem>> -> memref<16x1024xf32, #tpu.memory_space<vmem>>
        %get3A_727 = arith.constant 0 : i32
        %get3A_728 = tpu.memref_slice %get3A_726[%add3A_432, %get3A_727] : memref<16x1024xf32, #tpu.memory_space<vmem>> -> memref<1x1024xf32, #tpu.memory_space<vmem>>
        %get3A_729 = tpu.memref_squeeze %get3A_728 : memref<1x1024xf32, #tpu.memory_space<vmem>> -> memref<1024xf32, #tpu.memory_space<vmem>>
        %get3A_730 = arith.index_cast %mul3A_722 : i32 to index
        %get3A_731 = tpu.vector_load %get3A_729[%get3A_730] {strides = array<i32>} : memref<1024xf32, #tpu.memory_space<vmem>>, vector<16xf32>,
        %get3A_732 = vector.shape_cast %get3A_731 : vector<16xf32> to vector<16xf32>
        %get3A_733 = arith.constant 0 : i32
        %get3A_734 = arith.constant 0 : i32
        %get3A_735 = tpu.memref_slice %arg13[%scan3A_445, %get3A_733, %get3A_734] : memref<2x16x1024xf32, #tpu.memory_space<vmem>> -> memref<1x16x1024xf32, #tpu.memory_space<vmem>>
        %get3A_736 = tpu.memref_squeeze %get3A_735 : memref<1x16x1024xf32, #tpu.memory_space<vmem>> -> memref<16x1024xf32, #tpu.memory_space<vmem>>
        %get3A_737 = arith.constant 0 : i32
        %get3A_738 = tpu.memref_slice %get3A_736[%add3A_432, %get3A_737] : memref<16x1024xf32, #tpu.memory_space<vmem>> -> memref<1x1024xf32, #tpu.memory_space<vmem>>
        %get3A_739 = tpu.memref_squeeze %get3A_738 : memref<1x1024xf32, #tpu.memory_space<vmem>> -> memref<1024xf32, #tpu.memory_space<vmem>>
        %get3A_740 = arith.index_cast %mul3A_722 : i32 to index
        %get3A_741 = tpu.vector_load %get3A_739[%get3A_740] {strides = array<i32>} : memref<1024xf32, #tpu.memory_space<vmem>>, vector<16xf32>,
        %get3A_742 = vector.shape_cast %get3A_741 : vector<16xf32> to vector<16xf32>
        %mul3A_743 = arith.mulf %get3A_437, %get3A_742 : vector<16xf32>
        %add3A_744 = arith.addf %get3A_732, %mul3A_743 : vector<16xf32>
        %get3A_745 = arith.constant 0 : i32
        %get3A_746 = arith.constant 0 : i32
        %get3A_747 = tpu.memref_slice %arg14[%scan3A_446, %get3A_745, %get3A_746] : memref<2x16x1024xf32, #tpu.memory_space<vmem>> -> memref<1x16x1024xf32, #tpu.memory_space<vmem>>
        %get3A_748 = tpu.memref_squeeze %get3A_747 : memref<1x16x1024xf32, #tpu.memory_space<vmem>> -> memref<16x1024xf32, #tpu.memory_space<vmem>>
        %get3A_749 = arith.constant 0 : i32
        %get3A_750 = tpu.memref_slice %get3A_748[%add3A_432, %get3A_749] : memref<16x1024xf32, #tpu.memory_space<vmem>> -> memref<1x1024xf32, #tpu.memory_space<vmem>>
        %get3A_751 = tpu.memref_squeeze %get3A_750 : memref<1x1024xf32, #tpu.memory_space<vmem>> -> memref<1024xf32, #tpu.memory_space<vmem>>
        %get3A_752 = arith.index_cast %mul3A_722 : i32 to index
        %get3A_753 = tpu.vector_load %get3A_751[%get3A_752] {strides = array<i32>} : memref<1024xf32, #tpu.memory_space<vmem>>, vector<16xf32>,
        %get3A_754 = vector.shape_cast %get3A_753 : vector<16xf32> to vector<16xf32>
        %mul3A_755 = arith.mulf %get3A_443, %get3A_754 : vector<16xf32>
        %add3A_756 = arith.addf %add3A_744, %mul3A_755 : vector<16xf32>
        %swap3A_757 = arith.constant 0 : i32
        %swap3A_758 = arith.constant 0 : i32
        %swap3A_759 = tpu.memref_slice %arg15[%scan3A_444, %swap3A_757, %swap3A_758] : memref<2x16x1024xf32, #tpu.memory_space<vmem>> -> memref<1x16x1024xf32, #tpu.memory_space<vmem>>
        %swap3A_760 = tpu.memref_squeeze %swap3A_759 : memref<1x16x1024xf32, #tpu.memory_space<vmem>> -> memref<16x1024xf32, #tpu.memory_space<vmem>>
        %swap3A_761 = arith.constant 0 : i32
        %swap3A_762 = tpu.memref_slice %swap3A_760[%add3A_432, %swap3A_761] : memref<16x1024xf32, #tpu.memory_space<vmem>> -> memref<1x1024xf32, #tpu.memory_space<vmem>>
        %swap3A_763 = tpu.memref_squeeze %swap3A_762 : memref<1x1024xf32, #tpu.memory_space<vmem>> -> memref<1024xf32, #tpu.memory_space<vmem>>
        %swap3A_764 = arith.index_cast %mul3A_722 : i32 to index
        %swap3A_765 = tpu.vector_load %swap3A_763[%swap3A_764] {strides = array<i32>} : memref<1024xf32, #tpu.memory_space<vmem>>, vector<16xf32>,
        %swap3A_766 = vector.shape_cast %swap3A_765 : vector<16xf32> to vector<16xf32>
        %swap3A_767 = vector.shape_cast %add3A_756 : vector<16xf32> to vector<16xf32>
        tpu.vector_store %swap3A_763[%swap3A_764], %swap3A_767 {strides = array<i32>} : memref<1024xf32, #tpu.memory_space<vmem>>, vector<16xf32>,
        %scan3A_768 = arith.constant 6 : i32
        %scan3A_769 = arith.addi %scan3A_452, %scan3A_768 : i32
        %mul3A_770 = arith.constant 1 : i32
        %mul3A_771 = arith.muli %scan3A_769, %mul3A_770 : i32
        %add3A_772 = arith.constant 0 : i32
        %add3A_773 = arith.addi %add3A_772, %mul3A_771 : i32
        %mul3A_774 = arith.constant 16 : i32
        %mul3A_775 = arith.muli %add3A_773, %mul3A_774 : i32
        %get3A_776 = arith.constant 0 : i32
        %get3A_777 = arith.constant 0 : i32
        %get3A_778 = tpu.memref_slice %arg15[%scan3A_444, %get3A_776, %get3A_777] : memref<2x16x1024xf32, #tpu.memory_space<vmem>> -> memref<1x16x1024xf32, #tpu.memory_space<vmem>>
        %get3A_779 = tpu.memref_squeeze %get3A_778 : memref<1x16x1024xf32, #tpu.memory_space<vmem>> -> memref<16x1024xf32, #tpu.memory_space<vmem>>
        %get3A_780 = arith.constant 0 : i32
        %get3A_781 = tpu.memref_slice %get3A_779[%add3A_432, %get3A_780] : memref<16x1024xf32, #tpu.memory_space<vmem>> -> memref<1x1024xf32, #tpu.memory_space<vmem>>
        %get3A_782 = tpu.memref_squeeze %get3A_781 : memref<1x1024xf32, #tpu.memory_space<vmem>> -> memref<1024xf32, #tpu.memory_space<vmem>>
        %get3A_783 = arith.index_cast %mul3A_775 : i32 to index
        %get3A_784 = tpu.vector_load %get3A_782[%get3A_783] {strides = array<i32>} : memref<1024xf32, #tpu.memory_space<vmem>>, vector<16xf32>,
        %get3A_785 = vector.shape_cast %get3A_784 : vector<16xf32> to vector<16xf32>
        %get3A_786 = arith.constant 0 : i32
        %get3A_787 = arith.constant 0 : i32
        %get3A_788 = tpu.memref_slice %arg13[%scan3A_445, %get3A_786, %get3A_787] : memref<2x16x1024xf32, #tpu.memory_space<vmem>> -> memref<1x16x1024xf32, #tpu.memory_space<vmem>>
        %get3A_789 = tpu.memref_squeeze %get3A_788 : memref<1x16x1024xf32, #tpu.memory_space<vmem>> -> memref<16x1024xf32, #tpu.memory_space<vmem>>
        %get3A_790 = arith.constant 0 : i32
        %get3A_791 = tpu.memref_slice %get3A_789[%add3A_432, %get3A_790] : memref<16x1024xf32, #tpu.memory_space<vmem>> -> memref<1x1024xf32, #tpu.memory_space<vmem>>
        %get3A_792 = tpu.memref_squeeze %get3A_791 : memref<1x1024xf32, #tpu.memory_space<vmem>> -> memref<1024xf32, #tpu.memory_space<vmem>>
        %get3A_793 = arith.index_cast %mul3A_775 : i32 to index
        %get3A_794 = tpu.vector_load %get3A_792[%get3A_793] {strides = array<i32>} : memref<1024xf32, #tpu.memory_space<vmem>>, vector<16xf32>,
        %get3A_795 = vector.shape_cast %get3A_794 : vector<16xf32> to vector<16xf32>
        %mul3A_796 = arith.mulf %get3A_437, %get3A_795 : vector<16xf32>
        %add3A_797 = arith.addf %get3A_785, %mul3A_796 : vector<16xf32>
        %get3A_798 = arith.constant 0 : i32
        %get3A_799 = arith.constant 0 : i32
        %get3A_800 = tpu.memref_slice %arg14[%scan3A_446, %get3A_798, %get3A_799] : memref<2x16x1024xf32, #tpu.memory_space<vmem>> -> memref<1x16x1024xf32, #tpu.memory_space<vmem>>
        %get3A_801 = tpu.memref_squeeze %get3A_800 : memref<1x16x1024xf32, #tpu.memory_space<vmem>> -> memref<16x1024xf32, #tpu.memory_space<vmem>>
        %get3A_802 = arith.constant 0 : i32
        %get3A_803 = tpu.memref_slice %get3A_801[%add3A_432, %get3A_802] : memref<16x1024xf32, #tpu.memory_space<vmem>> -> memref<1x1024xf32, #tpu.memory_space<vmem>>
        %get3A_804 = tpu.memref_squeeze %get3A_803 : memref<1x1024xf32, #tpu.memory_space<vmem>> -> memref<1024xf32, #tpu.memory_space<vmem>>
        %get3A_805 = arith.index_cast %mul3A_775 : i32 to index
        %get3A_806 = tpu.vector_load %get3A_804[%get3A_805] {strides = array<i32>} : memref<1024xf32, #tpu.memory_space<vmem>>, vector<16xf32>,
        %get3A_807 = vector.shape_cast %get3A_806 : vector<16xf32> to vector<16xf32>
        %mul3A_808 = arith.mulf %get3A_443, %get3A_807 : vector<16xf32>
        %add3A_809 = arith.addf %add3A_797, %mul3A_808 : vector<16xf32>
        %swap3A_810 = arith.constant 0 : i32
        %swap3A_811 = arith.constant 0 : i32
        %swap3A_812 = tpu.memref_slice %arg15[%scan3A_444, %swap3A_810, %swap3A_811] : memref<2x16x1024xf32, #tpu.memory_space<vmem>> -> memref<1x16x1024xf32, #tpu.memory_space<vmem>>
        %swap3A_813 = tpu.memref_squeeze %swap3A_812 : memref<1x16x1024xf32, #tpu.memory_space<vmem>> -> memref<16x1024xf32, #tpu.memory_space<vmem>>
        %swap3A_814 = arith.constant 0 : i32
        %swap3A_815 = tpu.memref_slice %swap3A_813[%add3A_432, %swap3A_814] : memref<16x1024xf32, #tpu.memory_space<vmem>> -> memref<1x1024xf32, #tpu.memory_space<vmem>>
        %swap3A_816 = tpu.memref_squeeze %swap3A_815 : memref<1x1024xf32, #tpu.memory_space<vmem>> -> memref<1024xf32, #tpu.memory_space<vmem>>
        %swap3A_817 = arith.index_cast %mul3A_775 : i32 to index
        %swap3A_818 = tpu.vector_load %swap3A_816[%swap3A_817] {strides = array<i32>} : memref<1024xf32, #tpu.memory_space<vmem>>, vector<16xf32>,
        %swap3A_819 = vector.shape_cast %swap3A_818 : vector<16xf32> to vector<16xf32>
        %swap3A_820 = vector.shape_cast %add3A_809 : vector<16xf32> to vector<16xf32>
        tpu.vector_store %swap3A_816[%swap3A_817], %swap3A_820 {strides = array<i32>} : memref<1024xf32, #tpu.memory_space<vmem>>, vector<16xf32>,
        %scan3A_821 = arith.constant 7 : i32
        %scan3A_822 = arith.addi %scan3A_452, %scan3A_821 : i32
        %mul3A_823 = arith.constant 1 : i32
        %mul3A_824 = arith.muli %scan3A_822, %mul3A_823 : i32
        %add3A_825 = arith.constant 0 : i32
        %add3A_826 = arith.addi %add3A_825, %mul3A_824 : i32
        %mul3A_827 = arith.constant 16 : i32
        %mul3A_828 = arith.muli %add3A_826, %mul3A_827 : i32
        %get3A_829 = arith.constant 0 : i32
        %get3A_830 = arith.constant 0 : i32
        %get3A_831 = tpu.memref_slice %arg15[%scan3A_444, %get3A_829, %get3A_830] : memref<2x16x1024xf32, #tpu.memory_space<vmem>> -> memref<1x16x1024xf32, #tpu.memory_space<vmem>>
        %get3A_832 = tpu.memref_squeeze %get3A_831 : memref<1x16x1024xf32, #tpu.memory_space<vmem>> -> memref<16x1024xf32, #tpu.memory_space<vmem>>
        %get3A_833 = arith.constant 0 : i32
        %get3A_834 = tpu.memref_slice %get3A_832[%add3A_432, %get3A_833] : memref<16x1024xf32, #tpu.memory_space<vmem>> -> memref<1x1024xf32, #tpu.memory_space<vmem>>
        %get3A_835 = tpu.memref_squeeze %get3A_834 : memref<1x1024xf32, #tpu.memory_space<vmem>> -> memref<1024xf32, #tpu.memory_space<vmem>>
        %get3A_836 = arith.index_cast %mul3A_828 : i32 to index
        %get3A_837 = tpu.vector_load %get3A_835[%get3A_836] {strides = array<i32>} : memref<1024xf32, #tpu.memory_space<vmem>>, vector<16xf32>,
        %get3A_838 = vector.shape_cast %get3A_837 : vector<16xf32> to vector<16xf32>
        %get3A_839 = arith.constant 0 : i32
        %get3A_840 = arith.constant 0 : i32
        %get3A_841 = tpu.memref_slice %arg13[%scan3A_445, %get3A_839, %get3A_840] : memref<2x16x1024xf32, #tpu.memory_space<vmem>> -> memref<1x16x1024xf32, #tpu.memory_space<vmem>>
        %get3A_842 = tpu.memref_squeeze %get3A_841 : memref<1x16x1024xf32, #tpu.memory_space<vmem>> -> memref<16x1024xf32, #tpu.memory_space<vmem>>
        %get3A_843 = arith.constant 0 : i32
        %get3A_844 = tpu.memref_slice %get3A_842[%add3A_432, %get3A_843] : memref<16x1024xf32, #tpu.memory_space<vmem>> -> memref<1x1024xf32, #tpu.memory_space<vmem>>
        %get3A_845 = tpu.memref_squeeze %get3A_844 : memref<1x1024xf32, #tpu.memory_space<vmem>> -> memref<1024xf32, #tpu.memory_space<vmem>>
        %get3A_846 = arith.index_cast %mul3A_828 : i32 to index
        %get3A_847 = tpu.vector_load %get3A_845[%get3A_846] {strides = array<i32>} : memref<1024xf32, #tpu.memory_space<vmem>>, vector<16xf32>,
        %get3A_848 = vector.shape_cast %get3A_847 : vector<16xf32> to vector<16xf32>
        %mul3A_849 = arith.mulf %get3A_437, %get3A_848 : vector<16xf32>
        %add3A_850 = arith.addf %get3A_838, %mul3A_849 : vector<16xf32>
        %get3A_851 = arith.constant 0 : i32
        %get3A_852 = arith.constant 0 : i32
        %get3A_853 = tpu.memref_slice %arg14[%scan3A_446, %get3A_851, %get3A_852] : memref<2x16x1024xf32, #tpu.memory_space<vmem>> -> memref<1x16x1024xf32, #tpu.memory_space<vmem>>
        %get3A_854 = tpu.memref_squeeze %get3A_853 : memref<1x16x1024xf32, #tpu.memory_space<vmem>> -> memref<16x1024xf32, #tpu.memory_space<vmem>>
        %get3A_855 = arith.constant 0 : i32
        %get3A_856 = tpu.memref_slice %get3A_854[%add3A_432, %get3A_855] : memref<16x1024xf32, #tpu.memory_space<vmem>> -> memref<1x1024xf32, #tpu.memory_space<vmem>>
        %get3A_857 = tpu.memref_squeeze %get3A_856 : memref<1x1024xf32, #tpu.memory_space<vmem>> -> memref<1024xf32, #tpu.memory_space<vmem>>
        %get3A_858 = arith.index_cast %mul3A_828 : i32 to index
        %get3A_859 = tpu.vector_load %get3A_857[%get3A_858] {strides = array<i32>} : memref<1024xf32, #tpu.memory_space<vmem>>, vector<16xf32>,
        %get3A_860 = vector.shape_cast %get3A_859 : vector<16xf32> to vector<16xf32>
        %mul3A_861 = arith.mulf %get3A_443, %get3A_860 : vector<16xf32>
        %add3A_862 = arith.addf %add3A_850, %mul3A_861 : vector<16xf32>
        %swap3A_863 = arith.constant 0 : i32
        %swap3A_864 = arith.constant 0 : i32
        %swap3A_865 = tpu.memref_slice %arg15[%scan3A_444, %swap3A_863, %swap3A_864] : memref<2x16x1024xf32, #tpu.memory_space<vmem>> -> memref<1x16x1024xf32, #tpu.memory_space<vmem>>
        %swap3A_866 = tpu.memref_squeeze %swap3A_865 : memref<1x16x1024xf32, #tpu.memory_space<vmem>> -> memref<16x1024xf32, #tpu.memory_space<vmem>>
        %swap3A_867 = arith.constant 0 : i32
        %swap3A_868 = tpu.memref_slice %swap3A_866[%add3A_432, %swap3A_867] : memref<16x1024xf32, #tpu.memory_space<vmem>> -> memref<1x1024xf32, #tpu.memory_space<vmem>>
        %swap3A_869 = tpu.memref_squeeze %swap3A_868 : memref<1x1024xf32, #tpu.memory_space<vmem>> -> memref<1024xf32, #tpu.memory_space<vmem>>
        %swap3A_870 = arith.index_cast %mul3A_828 : i32 to index
        %swap3A_871 = tpu.vector_load %swap3A_869[%swap3A_870] {strides = array<i32>} : memref<1024xf32, #tpu.memory_space<vmem>>, vector<16xf32>,
        %swap3A_872 = vector.shape_cast %swap3A_871 : vector<16xf32> to vector<16xf32>
        %swap3A_873 = vector.shape_cast %add3A_862 : vector<16xf32> to vector<16xf32>
        tpu.vector_store %swap3A_869[%swap3A_870], %swap3A_873 {strides = array<i32>} : memref<1024xf32, #tpu.memory_space<vmem>>, vector<16xf32>,
      }
      %scan3A_451 = arith.constant 64 : i32
    }
    %scan3A_386 = arith.constant 16 : i32
    %add3A_387 = arith.constant 48 : i32
    %add3A_388 = arith.addi %mul3A_2, %add3A_387 : i32
    %dma_start3A_389 = arith.constant 1 : i32
    %dma_start3A_390 = arith.constant 0 : i32
    %dma_start3A_391 = arith.constant 0 : i32
    %dma_start3A_392 = tpu.memref_slice %arg15[%dma_start3A_389, %dma_start3A_390, %dma_start3A_391] : memref<2x16x1024xf32, #tpu.memory_space<vmem>> -> memref<1x16x1024xf32, #tpu.memory_space<vmem>>
    %dma_start3A_393 = tpu.memref_squeeze %dma_start3A_392 : memref<1x16x1024xf32, #tpu.memory_space<vmem>> -> memref<16x1024xf32, #tpu.memory_space<vmem>>
    %dma_start3A_394 = arith.constant 0 : i32
    %dma_start3A_395 = tpu.memref_slice %arg8[%add3A_388, %dma_start3A_394] : memref<2048x1024xf32, #tpu.memory_space<hbm>> -> memref<16x1024xf32, #tpu.memory_space<hbm>>
    %dma_start3A_396 = arith.constant 0 : i32
    %dma_start3A_397 = tpu.memref_slice %arg8[%add3A_388, %dma_start3A_396] : memref<2048x1024xf32, #tpu.memory_space<hbm>> -> memref<16x1024xf32, #tpu.memory_space<hbm>>
    %dma_start3A_398 = arith.constant 0 : i32
    %dma_start3A_399 = arith.constant 0 : i32
    %dma_start3A_400 = tpu.memref_slice %arg15[%dma_start3A_389, %dma_start3A_398, %dma_start3A_399] : memref<2x16x1024xf32, #tpu.memory_space<vmem>> -> memref<1x16x1024xf32, #tpu.memory_space<vmem>>
    %dma_start3A_401 = tpu.memref_squeeze %dma_start3A_400 : memref<1x16x1024xf32, #tpu.memory_space<vmem>> -> memref<16x1024xf32, #tpu.memory_space<vmem>>
    tpu.enqueue_dma source(%dma_start3A_401 : memref<16x1024xf32, #tpu.memory_space<vmem>>) target(%dma_start3A_397 : memref<16x1024xf32, #tpu.memory_space<hbm>>) target_semaphore(%arg19 : memref<!tpu.dma_semaphore, #tpu.memory_space<semaphore_mem>>)
    %dma_wait3A_402 = arith.constant 1 : i32
    %dma_wait3A_403 = arith.constant 0 : i32
    %dma_wait3A_404 = arith.constant 0 : i32
    %dma_wait3A_405 = tpu.memref_slice %arg15[%dma_wait3A_402, %dma_wait3A_403, %dma_wait3A_404] : memref<2x16x1024xf32, #tpu.memory_space<vmem>> -> memref<1x16x1024xf32, #tpu.memory_space<vmem>>
    %dma_wait3A_406 = tpu.memref_squeeze %dma_wait3A_405 : memref<1x16x1024xf32, #tpu.memory_space<vmem>> -> memref<16x1024xf32, #tpu.memory_space<vmem>>
    %dma_wait3A_407 = arith.constant 0 : i32
    %dma_wait3A_408 = tpu.memref_slice %arg8[%mul3A_2, %dma_wait3A_407] : memref<2048x1024xf32, #tpu.memory_space<hbm>> -> memref<16x1024xf32, #tpu.memory_space<hbm>>
    %dma_wait3A_409 = arith.constant 0 : i32
    %dma_wait3A_410 = tpu.memref_slice %arg8[%mul3A_2, %dma_wait3A_409] : memref<2048x1024xf32, #tpu.memory_space<hbm>> -> memref<16x1024xf32, #tpu.memory_space<hbm>>
    %dma_wait3A_411 = arith.constant 0 : i32
    %dma_wait3A_412 = arith.constant 0 : i32
    %dma_wait3A_413 = tpu.memref_slice %arg15[%dma_wait3A_402, %dma_wait3A_411, %dma_wait3A_412] : memref<2x16x1024xf32, #tpu.memory_space<vmem>> -> memref<1x16x1024xf32, #tpu.memory_space<vmem>>
    %dma_wait3A_414 = tpu.memref_squeeze %dma_wait3A_413 : memref<1x16x1024xf32, #tpu.memory_space<vmem>> -> memref<16x1024xf32, #tpu.memory_space<vmem>>
    tpu.wait_dma2 semaphore(%arg19 : memref<!tpu.dma_semaphore, #tpu.memory_space<semaphore_mem>>) src(%dma_wait3A_414 : memref<16x1024xf32, #tpu.memory_space<vmem>>) dst(%dma_wait3A_410 : memref<16x1024xf32, #tpu.memory_space<hbm>>)
    %dma_wait3A_415 = arith.constant 0 : i32
    %dma_wait3A_416 = arith.constant 0 : i32
    %dma_wait3A_417 = arith.constant 0 : i32
    %dma_wait3A_418 = tpu.memref_slice %arg15[%dma_wait3A_415, %dma_wait3A_416, %dma_wait3A_417] : memref<2x16x1024xf32, #tpu.memory_space<vmem>> -> memref<1x16x1024xf32, #tpu.memory_space<vmem>>
    %dma_wait3A_419 = tpu.memref_squeeze %dma_wait3A_418 : memref<1x16x1024xf32, #tpu.memory_space<vmem>> -> memref<16x1024xf32, #tpu.memory_space<vmem>>
    %dma_wait3A_420 = arith.constant 0 : i32
    %dma_wait3A_421 = tpu.memref_slice %arg8[%mul3A_2, %dma_wait3A_420] : memref<2048x1024xf32, #tpu.memory_space<hbm>> -> memref<16x1024xf32, #tpu.memory_space<hbm>>
    %dma_wait3A_422 = arith.constant 0 : i32
    %dma_wait3A_423 = tpu.memref_slice %arg8[%mul3A_2, %dma_wait3A_422] : memref<2048x1024xf32, #tpu.memory_space<hbm>> -> memref<16x1024xf32, #tpu.memory_space<hbm>>
    %dma_wait3A_424 = arith.constant 0 : i32
    %dma_wait3A_425 = arith.constant 0 : i32
    %dma_wait3A_426 = tpu.memref_slice %arg15[%dma_wait3A_415, %dma_wait3A_424, %dma_wait3A_425] : memref<2x16x1024xf32, #tpu.memory_space<vmem>> -> memref<1x16x1024xf32, #tpu.memory_space<vmem>>
    %dma_wait3A_427 = tpu.memref_squeeze %dma_wait3A_426 : memref<1x16x1024xf32, #tpu.memory_space<vmem>> -> memref<16x1024xf32, #tpu.memory_space<vmem>>
    tpu.wait_dma2 semaphore(%arg18 : memref<!tpu.dma_semaphore, #tpu.memory_space<semaphore_mem>>) src(%dma_wait3A_427 : memref<16x1024xf32, #tpu.memory_space<vmem>>) dst(%dma_wait3A_423 : memref<16x1024xf32, #tpu.memory_space<hbm>>)
    return
  }
}

#map = affine_map<(d0, d1) -> (0, 0)>
module attributes {stable_mosaic.version = 14 : i64} {
  func.func @_dispatch_body(%arg0: i32, %arg1: i32, %arg2: memref<2048x1024xf32, #tpu.memory_space<hbm>>, %arg3: memref<32x64xi32, #tpu.memory_space<hbm>>, %arg4: memref<32x64xi32, #tpu.memory_space<hbm>>, %arg5: memref<6144x1024xf32, #tpu.memory_space<hbm>>, %arg6: memref<64xi32, #tpu.memory_space<vmem>>, %arg7: memref<64xi32, #tpu.memory_space<vmem>>, %arg8: memref<64x1024xf32, #tpu.memory_space<vmem>>, %arg9: memref<!tpu.dma_semaphore, #tpu.memory_space<semaphore_mem>>, %arg10: memref<!tpu.dma_semaphore, #tpu.memory_space<semaphore_mem>>) attributes {dimension_semantics = [#tpu.dimension_semantics<core_parallel>, #tpu.dimension_semantics<subcore_parallel>], iteration_bounds = array<i64: 2, 16>, scalar_prefetch = 0 : i64, scratch_operands = 5 : i64, tpu.core_type = #tpu.core_type<sc_vector_subcore>, window_params = [{transform_indices = #map}, {transform_indices = #map}, {transform_indices = #map}, {transform_indices = #map}]} {
    %mul3A = arith.constant 2 : i32
    %mul3A_0 = arith.muli %arg1, %mul3A : i32
    %add3A = arith.addi %mul3A_0, %arg0 : i32
    %mul3A_1 = arith.constant 64 : i32
    %mul3A_2 = arith.muli %add3A, %mul3A_1 : i32
    "tpu.region"() ({
      %run_scoped3A = tpu.sem_alloc : memref<!tpu.dma_semaphore, #tpu.memory_space<semaphore_mem>>
      %dma_start3A_13 = arith.constant 0 : i32
      %dma_start3A_14 = tpu.memref_slice %arg3[%add3A, %dma_start3A_13] : memref<32x64xi32, #tpu.memory_space<hbm>> -> memref<1x64xi32, #tpu.memory_space<hbm>>
      %dma_start3A_15 = tpu.memref_squeeze %dma_start3A_14 : memref<1x64xi32, #tpu.memory_space<hbm>> -> memref<64xi32, #tpu.memory_space<hbm>>
      %dma_start3A_16 = arith.constant 0 : i32
      %dma_start3A_17 = tpu.memref_slice %arg3[%add3A, %dma_start3A_16] : memref<32x64xi32, #tpu.memory_space<hbm>> -> memref<1x64xi32, #tpu.memory_space<hbm>>
      %dma_start3A_18 = tpu.memref_squeeze %dma_start3A_17 : memref<1x64xi32, #tpu.memory_space<hbm>> -> memref<64xi32, #tpu.memory_space<hbm>>
      tpu.enqueue_dma source(%dma_start3A_18 : memref<64xi32, #tpu.memory_space<hbm>>) target(%arg6 : memref<64xi32, #tpu.memory_space<vmem>>) target_semaphore(%run_scoped3A : memref<!tpu.dma_semaphore, #tpu.memory_space<semaphore_mem>>)
      %dma_wait3A_19 = arith.constant 0 : i32
      %dma_wait3A_20 = tpu.memref_slice %arg3[%add3A, %dma_wait3A_19] : memref<32x64xi32, #tpu.memory_space<hbm>> -> memref<1x64xi32, #tpu.memory_space<hbm>>
      %dma_wait3A_21 = tpu.memref_squeeze %dma_wait3A_20 : memref<1x64xi32, #tpu.memory_space<hbm>> -> memref<64xi32, #tpu.memory_space<hbm>>
      %dma_wait3A_22 = arith.constant 0 : i32
      %dma_wait3A_23 = tpu.memref_slice %arg3[%add3A, %dma_wait3A_22] : memref<32x64xi32, #tpu.memory_space<hbm>> -> memref<1x64xi32, #tpu.memory_space<hbm>>
      %dma_wait3A_24 = tpu.memref_squeeze %dma_wait3A_23 : memref<1x64xi32, #tpu.memory_space<hbm>> -> memref<64xi32, #tpu.memory_space<hbm>>
      tpu.wait_dma2 semaphore(%run_scoped3A : memref<!tpu.dma_semaphore, #tpu.memory_space<semaphore_mem>>) src(%dma_wait3A_24 : memref<64xi32, #tpu.memory_space<hbm>>) dst(%arg6 : memref<64xi32, #tpu.memory_space<vmem>>)
      tpu.yield
    }) : () -> ()
    "tpu.region"() ({
      %run_scoped3A = tpu.sem_alloc : memref<!tpu.dma_semaphore, #tpu.memory_space<semaphore_mem>>
      %dma_start3A_13 = arith.constant 0 : i32
      %dma_start3A_14 = tpu.memref_slice %arg4[%add3A, %dma_start3A_13] : memref<32x64xi32, #tpu.memory_space<hbm>> -> memref<1x64xi32, #tpu.memory_space<hbm>>
      %dma_start3A_15 = tpu.memref_squeeze %dma_start3A_14 : memref<1x64xi32, #tpu.memory_space<hbm>> -> memref<64xi32, #tpu.memory_space<hbm>>
      %dma_start3A_16 = arith.constant 0 : i32
      %dma_start3A_17 = tpu.memref_slice %arg4[%add3A, %dma_start3A_16] : memref<32x64xi32, #tpu.memory_space<hbm>> -> memref<1x64xi32, #tpu.memory_space<hbm>>
      %dma_start3A_18 = tpu.memref_squeeze %dma_start3A_17 : memref<1x64xi32, #tpu.memory_space<hbm>> -> memref<64xi32, #tpu.memory_space<hbm>>
      tpu.enqueue_dma source(%dma_start3A_18 : memref<64xi32, #tpu.memory_space<hbm>>) target(%arg7 : memref<64xi32, #tpu.memory_space<vmem>>) target_semaphore(%run_scoped3A : memref<!tpu.dma_semaphore, #tpu.memory_space<semaphore_mem>>)
      %dma_wait3A_19 = arith.constant 0 : i32
      %dma_wait3A_20 = tpu.memref_slice %arg4[%add3A, %dma_wait3A_19] : memref<32x64xi32, #tpu.memory_space<hbm>> -> memref<1x64xi32, #tpu.memory_space<hbm>>
      %dma_wait3A_21 = tpu.memref_squeeze %dma_wait3A_20 : memref<1x64xi32, #tpu.memory_space<hbm>> -> memref<64xi32, #tpu.memory_space<hbm>>
      %dma_wait3A_22 = arith.constant 0 : i32
      %dma_wait3A_23 = tpu.memref_slice %arg4[%add3A, %dma_wait3A_22] : memref<32x64xi32, #tpu.memory_space<hbm>> -> memref<1x64xi32, #tpu.memory_space<hbm>>
      %dma_wait3A_24 = tpu.memref_squeeze %dma_wait3A_23 : memref<1x64xi32, #tpu.memory_space<hbm>> -> memref<64xi32, #tpu.memory_space<hbm>>
      tpu.wait_dma2 semaphore(%run_scoped3A : memref<!tpu.dma_semaphore, #tpu.memory_space<semaphore_mem>>) src(%dma_wait3A_24 : memref<64xi32, #tpu.memory_space<hbm>>) dst(%arg7 : memref<64xi32, #tpu.memory_space<vmem>>)
      tpu.yield
    }) : () -> ()
    "tpu.region"() ({
      %run_scoped3A = tpu.sem_alloc : memref<!tpu.dma_semaphore, #tpu.memory_space<semaphore_mem>>
      %dma_start3A_13 = arith.constant 0 : i32
      %dma_start3A_14 = tpu.memref_slice %arg2[%mul3A_2, %dma_start3A_13] : memref<2048x1024xf32, #tpu.memory_space<hbm>> -> memref<64x1024xf32, #tpu.memory_space<hbm>>
      %dma_start3A_15 = arith.constant 0 : i32
      %dma_start3A_16 = tpu.memref_slice %arg2[%mul3A_2, %dma_start3A_15] : memref<2048x1024xf32, #tpu.memory_space<hbm>> -> memref<64x1024xf32, #tpu.memory_space<hbm>>
      tpu.enqueue_dma source(%dma_start3A_16 : memref<64x1024xf32, #tpu.memory_space<hbm>>) target(%arg8 : memref<64x1024xf32, #tpu.memory_space<vmem>>) target_semaphore(%run_scoped3A : memref<!tpu.dma_semaphore, #tpu.memory_space<semaphore_mem>>)
      %dma_wait3A_17 = arith.constant 0 : i32
      %dma_wait3A_18 = tpu.memref_slice %arg2[%mul3A_2, %dma_wait3A_17] : memref<2048x1024xf32, #tpu.memory_space<hbm>> -> memref<64x1024xf32, #tpu.memory_space<hbm>>
      %dma_wait3A_19 = arith.constant 0 : i32
      %dma_wait3A_20 = tpu.memref_slice %arg2[%mul3A_2, %dma_wait3A_19] : memref<2048x1024xf32, #tpu.memory_space<hbm>> -> memref<64x1024xf32, #tpu.memory_space<hbm>>
      tpu.wait_dma2 semaphore(%run_scoped3A : memref<!tpu.dma_semaphore, #tpu.memory_space<semaphore_mem>>) src(%dma_wait3A_20 : memref<64x1024xf32, #tpu.memory_space<hbm>>) dst(%arg8 : memref<64x1024xf32, #tpu.memory_space<vmem>>)
      tpu.yield
    }) : () -> ()
    %dma_start3A = arith.constant 0 : i32
    %dma_start3A_3 = arith.constant 0 : i32
    %dma_start3A_4 = tpu.memref_slice %arg5[%dma_start3A, %dma_start3A_3] : memref<6144x1024xf32, #tpu.memory_space<hbm>> -> memref<6144x1024xf32, #tpu.memory_space<hbm>>
    tpu.enqueue_indirect_dma source(%arg8 : memref<64x1024xf32, #tpu.memory_space<vmem>>) target(%dma_start3A_4 : memref<6144x1024xf32, #tpu.memory_space<hbm>>) offsets(%arg6 : memref<64xi32, #tpu.memory_space<vmem>>) semaphore(%arg9 : memref<!tpu.dma_semaphore, #tpu.memory_space<semaphore_mem>>)
    %dma_start3A_5 = arith.constant 0 : i32
    %dma_start3A_6 = arith.constant 0 : i32
    %dma_start3A_7 = tpu.memref_slice %arg5[%dma_start3A_5, %dma_start3A_6] : memref<6144x1024xf32, #tpu.memory_space<hbm>> -> memref<6144x1024xf32, #tpu.memory_space<hbm>>
    tpu.enqueue_indirect_dma source(%arg8 : memref<64x1024xf32, #tpu.memory_space<vmem>>) target(%dma_start3A_7 : memref<6144x1024xf32, #tpu.memory_space<hbm>>) offsets(%arg7 : memref<64xi32, #tpu.memory_space<vmem>>) semaphore(%arg10 : memref<!tpu.dma_semaphore, #tpu.memory_space<semaphore_mem>>)
    %dma_wait3A = arith.constant 0 : i32
    %dma_wait3A_8 = arith.constant 0 : i32
    %dma_wait3A_9 = tpu.memref_slice %arg5[%dma_wait3A, %dma_wait3A_8] : memref<6144x1024xf32, #tpu.memory_space<hbm>> -> memref<6144x1024xf32, #tpu.memory_space<hbm>>
    tpu.wait_indirect_dma semaphore(%arg9 : memref<!tpu.dma_semaphore, #tpu.memory_space<semaphore_mem>>) src(%arg8 : memref<64x1024xf32, #tpu.memory_space<vmem>>) dst(%dma_wait3A_9 : memref<6144x1024xf32, #tpu.memory_space<hbm>>)
    %dma_wait3A_10 = arith.constant 0 : i32
    %dma_wait3A_11 = arith.constant 0 : i32
    %dma_wait3A_12 = tpu.memref_slice %arg5[%dma_wait3A_10, %dma_wait3A_11] : memref<6144x1024xf32, #tpu.memory_space<hbm>> -> memref<6144x1024xf32, #tpu.memory_space<hbm>>
    tpu.wait_indirect_dma semaphore(%arg10 : memref<!tpu.dma_semaphore, #tpu.memory_space<semaphore_mem>>) src(%arg8 : memref<64x1024xf32, #tpu.memory_space<vmem>>) dst(%dma_wait3A_12 : memref<6144x1024xf32, #tpu.memory_space<hbm>>)
    return
  }
}

module attributes {stable_mosaic.version = 14 : i64} {
  func.func @_routing_body(%arg0: memref<2048x1024xf32, #tpu.memory_space<vmem>>, %arg1: memref<16x1024xf32, #tpu.memory_space<vmem>>, %arg2: memref<1x16xf32, #tpu.memory_space<vmem>>, %arg3: memref<2048x1xi32, #tpu.memory_space<vmem>>, %arg4: memref<2048x1xi32, #tpu.memory_space<vmem>>, %arg5: memref<2048x16xf32, #tpu.memory_space<vmem>>, %arg6: memref<2048x16xf32, #tpu.memory_space<vmem>>, %arg7: memref<1x64xi32, #tpu.memory_space<vmem>>) attributes {dimension_semantics = [], scalar_prefetch = 0 : i64, scratch_operands = 0 : i64, tpu.core_type = #tpu.core_type<tc>} {
    %get3A = arith.constant 0 : index
    %get3A_0 = arith.constant 0 : index
    %get3A_1 = vector.load %arg0[%get3A, %get3A_0] : memref<2048x1024xf32, #tpu.memory_space<vmem>>, vector<2048x1024xf32>
    %get3A_2 = arith.constant 0 : index
    %get3A_3 = arith.constant 0 : index
    %get3A_4 = vector.load %arg1[%get3A_2, %get3A_3] : memref<16x1024xf32, #tpu.memory_space<vmem>>, vector<16x1024xf32>
    %transpose3A = tpu.transpose %get3A_4, [1, 0] : vector<16x1024xf32> -> vector<1024x16xf32>
    %dot_general3A = arith.constant dense<0.000000e+00> : vector<2048x16xf32>
    %dot_general3A_5 = tpu.matmul %get3A_1, %transpose3A, %dot_general3A {dimension_numbers = #tpu.dot_dimension_numbers<[1], [0], [0], [1], [0, 0, 1, 1], [], []>, transpose_lhs_hint = false} : vector<2048x1024xf32>, vector<1024x16xf32>, vector<2048x16xf32> -> vector<2048x16xf32>
    %logistic3A = arith.negf %dot_general3A_5 : vector<2048x16xf32>
    %logistic3A_6 = math.exp %logistic3A : vector<2048x16xf32>
    %logistic3A_7 = arith.constant 1.000000e+00 : f32
    %logistic3A_8 = vector.broadcast %logistic3A_7 : f32 to vector<2048x16xf32>
    %logistic3A_9 = arith.addf %logistic3A_8, %logistic3A_6 : vector<2048x16xf32>
    %logistic3A_10 = arith.divf %logistic3A_8, %logistic3A_9 : vector<2048x16xf32>
    %get3A_11 = arith.constant 0 : index
    %get3A_12 = arith.constant 0 : index
    %get3A_13 = vector.load %arg2[%get3A_11, %get3A_12] : memref<1x16xf32, #tpu.memory_space<vmem>>, vector<1x16xf32>
    %add3A = vector.broadcast %get3A_13 : vector<1x16xf32> to vector<2048x16xf32>
    %add3A_14 = arith.addf %logistic3A_10, %add3A : vector<2048x16xf32>
    %iota3A = tpu.iota {dimensions = array<i32: 1>} : vector<2048x16xi32>
    %lt3A = arith.constant 8 : i32
    %lt3A_15 = vector.broadcast %lt3A : i32 to vector<2048x16xi32>
    %lt3A_16 = arith.cmpi slt, %iota3A, %lt3A_15 : vector<2048x16xi32>
    %jit3A = arith.constant -1.000000e+30 : f32
    %broadcast_in_dim3A = vector.broadcast %jit3A : f32 to vector<2048x16xf32>
    %select_n3A = arith.select %lt3A_16, %add3A_14, %broadcast_in_dim3A : vector<2048x16xi1>, vector<2048x16xf32>
    %reduce_max3A = arith.constant dense<0xFF800000> : vector<2048xf32>
    %reduce_max3A_17 = vector.multi_reduction <maximumf>, %select_n3A, %reduce_max3A [1] : vector<2048x16xf32> to vector<2048xf32>
    %broadcast_in_dim3A_18 = vector.shape_cast %reduce_max3A_17 : vector<2048xf32> to vector<2048x1xf32>
    %eq3A = vector.broadcast %broadcast_in_dim3A_18 : vector<2048x1xf32> to vector<2048x16xf32>
    %eq3A_19 = arith.cmpf oeq, %select_n3A, %eq3A : vector<2048x16xf32>
    %jit3A_20 = arith.constant 99 : i32
    %broadcast_in_dim3A_21 = vector.broadcast %jit3A_20 : i32 to vector<2048x16xi32>
    %select_n3A_22 = arith.select %eq3A_19, %iota3A, %broadcast_in_dim3A_21 : vector<2048x16xi1>, vector<2048x16xi32>
    %reduce_min3A = arith.constant dense<2147483647> : vector<2048xi32>
    %reduce_min3A_23 = vector.multi_reduction <minsi>, %select_n3A_22, %reduce_min3A [1] : vector<2048x16xi32> to vector<2048xi32>
    %broadcast_in_dim3A_24 = vector.shape_cast %reduce_min3A_23 : vector<2048xi32> to vector<2048x1xi32>
    %eq3A_25 = vector.broadcast %broadcast_in_dim3A_24 : vector<2048x1xi32> to vector<2048x16xi32>
    %eq3A_26 = arith.cmpi eq, %iota3A, %eq3A_25 : vector<2048x16xi32>
    %jit3A_27 = arith.constant -1.000000e+30 : f32
    %broadcast_in_dim3A_28 = vector.broadcast %jit3A_27 : f32 to vector<2048x16xf32>
    %select_n3A_29 = arith.select %eq3A_26, %broadcast_in_dim3A_28, %select_n3A : vector<2048x16xi1>, vector<2048x16xf32>
    %reduce_max3A_30 = arith.constant dense<0xFF800000> : vector<2048xf32>
    %reduce_max3A_31 = vector.multi_reduction <maximumf>, %select_n3A_29, %reduce_max3A_30 [1] : vector<2048x16xf32> to vector<2048xf32>
    %broadcast_in_dim3A_32 = vector.shape_cast %reduce_max3A_31 : vector<2048xf32> to vector<2048x1xf32>
    %eq3A_33 = vector.broadcast %broadcast_in_dim3A_32 : vector<2048x1xf32> to vector<2048x16xf32>
    %eq3A_34 = arith.cmpf oeq, %select_n3A_29, %eq3A_33 : vector<2048x16xf32>
    %jit3A_35 = arith.constant 99 : i32
    %broadcast_in_dim3A_36 = vector.broadcast %jit3A_35 : i32 to vector<2048x16xi32>
    %select_n3A_37 = arith.select %eq3A_34, %iota3A, %broadcast_in_dim3A_36 : vector<2048x16xi1>, vector<2048x16xi32>
    %reduce_min3A_38 = arith.constant dense<2147483647> : vector<2048xi32>
    %reduce_min3A_39 = vector.multi_reduction <minsi>, %select_n3A_37, %reduce_min3A_38 [1] : vector<2048x16xi32> to vector<2048xi32>
    %broadcast_in_dim3A_40 = vector.shape_cast %reduce_min3A_39 : vector<2048xi32> to vector<2048x1xi32>
    %eq3A_41 = vector.broadcast %broadcast_in_dim3A_40 : vector<2048x1xi32> to vector<2048x16xi32>
    %eq3A_42 = arith.cmpi eq, %iota3A, %eq3A_41 : vector<2048x16xi32>
    %add3A_43 = arith.addf %broadcast_in_dim3A_18, %broadcast_in_dim3A_32 : vector<2048x1xf32>
    %jit3A_44 = arith.constant 9.99999993E-9 : f32
    %max3A = vector.broadcast %jit3A_44 : f32 to vector<2048x1xf32>
    %max3A_45 = arith.maximumf %max3A, %add3A_43 : vector<2048x1xf32>
    %or3A = arith.ori %eq3A_26, %eq3A_42 : vector<2048x16xi1>
    %jit3A_46 = arith.constant 1.000000e+00 : f32
    %jit3A_47 = arith.constant 0.000000e+00 : f32
    %broadcast_in_dim3A_48 = vector.broadcast %jit3A_46 : f32 to vector<2048x16xf32>
    %broadcast_in_dim3A_49 = vector.broadcast %jit3A_47 : f32 to vector<2048x16xf32>
    %select_n3A_50 = arith.select %or3A, %broadcast_in_dim3A_48, %broadcast_in_dim3A_49 : vector<2048x16xi1>, vector<2048x16xf32>
    %iota3A_51 = tpu.iota {dimensions = array<i32: 0>} : vector<2048x2048xi32>
    %iota3A_52 = tpu.iota {dimensions = array<i32: 1>} : vector<2048x2048xi32>
    %lt3A_53 = arith.cmpi slt, %iota3A_52, %iota3A_51 : vector<2048x2048xi32>
    %jit3A_54 = arith.constant 1.000000e+00 : f32
    %jit3A_55 = arith.constant 0.000000e+00 : f32
    %broadcast_in_dim3A_56 = vector.broadcast %jit3A_54 : f32 to vector<2048x2048xf32>
    %broadcast_in_dim3A_57 = vector.broadcast %jit3A_55 : f32 to vector<2048x2048xf32>
    %select_n3A_58 = arith.select %lt3A_53, %broadcast_in_dim3A_56, %broadcast_in_dim3A_57 : vector<2048x2048xi1>, vector<2048x2048xf32>
    %dot_general3A_59 = arith.constant dense<0.000000e+00> : vector<2048x16xf32>
    %dot_general3A_60 = tpu.matmul %select_n3A_58, %select_n3A_50, %dot_general3A_59 {dimension_numbers = #tpu.dot_dimension_numbers<[1], [0], [0], [1], [0, 0, 1, 1], [], []>, transpose_lhs_hint = false} : vector<2048x2048xf32>, vector<2048x16xf32>, vector<2048x16xf32> -> vector<2048x16xf32>
    %reduce_sum3A = arith.constant dense<0.000000e+00> : vector<16xf32>
    %reduce_sum3A_61 = vector.multi_reduction <add>, %select_n3A_50, %reduce_sum3A [0] : vector<2048x16xf32> to vector<16xf32>
    %broadcast_in_dim3A_62 = vector.shape_cast %reduce_sum3A_61 : vector<16xf32> to vector<1x16xf32>
    %add3A_63 = arith.constant 2.550000e+02 : f32
    %add3A_64 = vector.broadcast %add3A_63 : f32 to vector<1x16xf32>
    %add3A_65 = arith.addf %broadcast_in_dim3A_62, %add3A_64 : vector<1x16xf32>
    %div3A = arith.constant 2.560000e+02 : f32
    %div3A_66 = vector.broadcast %div3A : f32 to vector<1x16xf32>
    %div3A_67 = arith.divf %add3A_65, %div3A_66 : vector<1x16xf32>
    %floor3A = math.floor %div3A_67 : vector<1x16xf32>
    %iota3A_68 = tpu.iota {dimensions = array<i32: 0>} : vector<16x16xi32>
    %iota3A_69 = tpu.iota {dimensions = array<i32: 1>} : vector<16x16xi32>
    %lt3A_70 = arith.cmpi slt, %iota3A_68, %iota3A_69 : vector<16x16xi32>
    %jit3A_71 = arith.constant 1.000000e+00 : f32
    %jit3A_72 = arith.constant 0.000000e+00 : f32
    %broadcast_in_dim3A_73 = vector.broadcast %jit3A_71 : f32 to vector<16x16xf32>
    %broadcast_in_dim3A_74 = vector.broadcast %jit3A_72 : f32 to vector<16x16xf32>
    %select_n3A_75 = arith.select %lt3A_70, %broadcast_in_dim3A_73, %broadcast_in_dim3A_74 : vector<16x16xi1>, vector<16x16xf32>
    %dot_general3A_76 = arith.constant dense<0.000000e+00> : vector<1x16xf32>
    %dot_general3A_77 = tpu.matmul %floor3A, %select_n3A_75, %dot_general3A_76 {dimension_numbers = #tpu.dot_dimension_numbers<[1], [0], [0], [1], [0, 0, 1, 1], [], []>, transpose_lhs_hint = false} : vector<1x16xf32>, vector<16x16xf32>, vector<1x16xf32> -> vector<1x16xf32>
    %mul3A = arith.constant 2.560000e+02 : f32
    %mul3A_78 = vector.broadcast %mul3A : f32 to vector<1x16xf32>
    %mul3A_79 = arith.mulf %mul3A_78, %dot_general3A_77 : vector<1x16xf32>
    %add3A_80 = vector.broadcast %mul3A_79 : vector<1x16xf32> to vector<2048x16xf32>
    %add3A_81 = arith.addf %add3A_80, %dot_general3A_60 : vector<2048x16xf32>
    %jit3A_82 = arith.constant 0.000000e+00 : f32
    %broadcast_in_dim3A_83 = vector.broadcast %jit3A_82 : f32 to vector<2048x16xf32>
    %select_n3A_84 = arith.select %eq3A_26, %add3A_81, %broadcast_in_dim3A_83 : vector<2048x16xi1>, vector<2048x16xf32>
    %reduce_sum3A_85 = arith.constant dense<0.000000e+00> : vector<2048xf32>
    %reduce_sum3A_86 = vector.multi_reduction <add>, %select_n3A_84, %reduce_sum3A_85 [1] : vector<2048x16xf32> to vector<2048xf32>
    %broadcast_in_dim3A_87 = vector.shape_cast %reduce_sum3A_86 : vector<2048xf32> to vector<2048x1xf32>
    %jit3A_88 = arith.constant 0.000000e+00 : f32
    %broadcast_in_dim3A_89 = vector.broadcast %jit3A_88 : f32 to vector<2048x16xf32>
    %select_n3A_90 = arith.select %eq3A_42, %add3A_81, %broadcast_in_dim3A_89 : vector<2048x16xi1>, vector<2048x16xf32>
    %reduce_sum3A_91 = arith.constant dense<0.000000e+00> : vector<2048xf32>
    %reduce_sum3A_92 = vector.multi_reduction <add>, %select_n3A_90, %reduce_sum3A_91 [1] : vector<2048x16xf32> to vector<2048xf32>
    %broadcast_in_dim3A_93 = vector.shape_cast %reduce_sum3A_92 : vector<2048xf32> to vector<2048x1xf32>
    %convert_element_type3A = arith.fptosi %broadcast_in_dim3A_87 : vector<2048x1xf32> to vector<2048x1xi32>
    %swap3A = arith.constant 0 : index
    %swap3A_94 = arith.constant 0 : index
    %swap3A_95 = vector.load %arg3[%swap3A, %swap3A_94] : memref<2048x1xi32, #tpu.memory_space<vmem>>, vector<2048x1xi32>
    tpu.vector_store %arg3[%swap3A, %swap3A_94], %convert_element_type3A {strides = array<i32>} : memref<2048x1xi32, #tpu.memory_space<vmem>>, vector<2048x1xi32>,
    %convert_element_type3A_96 = arith.fptosi %broadcast_in_dim3A_93 : vector<2048x1xf32> to vector<2048x1xi32>
    %swap3A_97 = arith.constant 0 : index
    %swap3A_98 = arith.constant 0 : index
    %swap3A_99 = vector.load %arg4[%swap3A_97, %swap3A_98] : memref<2048x1xi32, #tpu.memory_space<vmem>>, vector<2048x1xi32>
    tpu.vector_store %arg4[%swap3A_97, %swap3A_98], %convert_element_type3A_96 {strides = array<i32>} : memref<2048x1xi32, #tpu.memory_space<vmem>>, vector<2048x1xi32>,
    %div3A_100 = arith.divf %broadcast_in_dim3A_18, %max3A_45 : vector<2048x1xf32>
    %broadcast_in_dim3A_101 = vector.shape_cast %div3A_100 : vector<2048x1xf32> to vector<2048x1xf32>
    %broadcast_in_dim3A_102 = vector.broadcast %broadcast_in_dim3A_101 : vector<2048x1xf32> to vector<2048x16xf32>
    %swap3A_103 = arith.constant 0 : index
    %swap3A_104 = arith.constant 0 : index
    %swap3A_105 = vector.load %arg5[%swap3A_103, %swap3A_104] : memref<2048x16xf32, #tpu.memory_space<vmem>>, vector<2048x16xf32>
    tpu.vector_store %arg5[%swap3A_103, %swap3A_104], %broadcast_in_dim3A_102 {strides = array<i32>} : memref<2048x16xf32, #tpu.memory_space<vmem>>, vector<2048x16xf32>,
    %div3A_106 = arith.divf %broadcast_in_dim3A_32, %max3A_45 : vector<2048x1xf32>
    %broadcast_in_dim3A_107 = vector.shape_cast %div3A_106 : vector<2048x1xf32> to vector<2048x1xf32>
    %broadcast_in_dim3A_108 = vector.broadcast %broadcast_in_dim3A_107 : vector<2048x1xf32> to vector<2048x16xf32>
    %swap3A_109 = arith.constant 0 : index
    %swap3A_110 = arith.constant 0 : index
    %swap3A_111 = vector.load %arg6[%swap3A_109, %swap3A_110] : memref<2048x16xf32, #tpu.memory_space<vmem>>, vector<2048x16xf32>
    tpu.vector_store %arg6[%swap3A_109, %swap3A_110], %broadcast_in_dim3A_108 {strides = array<i32>} : memref<2048x16xf32, #tpu.memory_space<vmem>>, vector<2048x16xf32>,
    %eq3A_112 = arith.cmpi eq, %iota3A_68, %iota3A_69 : vector<16x16xi32>
    %jit3A_113 = arith.constant 1.000000e+00 : f32
    %jit3A_114 = arith.constant 0.000000e+00 : f32
    %broadcast_in_dim3A_115 = vector.broadcast %jit3A_113 : f32 to vector<16x16xf32>
    %broadcast_in_dim3A_116 = vector.broadcast %jit3A_114 : f32 to vector<16x16xf32>
    %select_n3A_117 = arith.select %eq3A_112, %broadcast_in_dim3A_115, %broadcast_in_dim3A_116 : vector<16x16xi1>, vector<16x16xf32>
    %broadcast_in_dim3A_118 = vector.shape_cast %dot_general3A_77 : vector<1x16xf32> to vector<1x16xf32>
    %broadcast_in_dim3A_119 = vector.broadcast %broadcast_in_dim3A_118 : vector<1x16xf32> to vector<16x16xf32>
    %mul3A_120 = arith.mulf %broadcast_in_dim3A_119, %select_n3A_117 : vector<16x16xf32>
    %reduce_sum3A_121 = arith.constant dense<0.000000e+00> : vector<16xf32>
    %reduce_sum3A_122 = vector.multi_reduction <add>, %mul3A_120, %reduce_sum3A_121 [1] : vector<16x16xf32> to vector<16xf32>
    %broadcast_in_dim3A_123 = vector.shape_cast %reduce_sum3A_122 : vector<16xf32> to vector<16x1xf32>
    %iota3A_124 = tpu.iota {dimensions = array<i32: 1>} : vector<16x64xi32>
    %convert_element_type3A_125 = arith.sitofp %iota3A_124 : vector<16x64xi32> to vector<16x64xf32>
    %ge3A = vector.broadcast %broadcast_in_dim3A_123 : vector<16x1xf32> to vector<16x64xf32>
    %ge3A_126 = arith.cmpf oge, %convert_element_type3A_125, %ge3A : vector<16x64xf32>
    %jit3A_127 = arith.constant 1.000000e+00 : f32
    %jit3A_128 = arith.constant 0.000000e+00 : f32
    %broadcast_in_dim3A_129 = vector.broadcast %jit3A_127 : f32 to vector<16x64xf32>
    %broadcast_in_dim3A_130 = vector.broadcast %jit3A_128 : f32 to vector<16x64xf32>
    %select_n3A_131 = arith.select %ge3A_126, %broadcast_in_dim3A_129, %broadcast_in_dim3A_130 : vector<16x64xi1>, vector<16x64xf32>
    %reduce_sum3A_132 = arith.constant dense<0.000000e+00> : vector<64xf32>
    %reduce_sum3A_133 = vector.multi_reduction <add>, %select_n3A_131, %reduce_sum3A_132 [0] : vector<16x64xf32> to vector<64xf32>
    %broadcast_in_dim3A_134 = vector.shape_cast %reduce_sum3A_133 : vector<64xf32> to vector<1x64xf32>
    %sub3A = arith.constant 1.000000e+00 : f32
    %sub3A_135 = vector.broadcast %sub3A : f32 to vector<1x64xf32>
    %sub3A_136 = arith.subf %broadcast_in_dim3A_134, %sub3A_135 : vector<1x64xf32>
    %jit3A_137 = arith.constant 0.000000e+00 : f32
    %jit3A_138 = arith.constant 7.000000e+00 : f32
    %max3A_139 = vector.broadcast %jit3A_137 : f32 to vector<1x64xf32>
    %max3A_140 = arith.maximumf %max3A_139, %sub3A_136 : vector<1x64xf32>
    %min3A = vector.broadcast %jit3A_138 : f32 to vector<1x64xf32>
    %min3A_141 = arith.minimumf %min3A, %max3A_140 : vector<1x64xf32>
    %iota3A_142 = tpu.iota {dimensions = array<i32: 1>} : vector<1x64xi32>
    %ge3A_143 = arith.constant 24 : i32
    %ge3A_144 = vector.broadcast %ge3A_143 : i32 to vector<1x64xi32>
    %ge3A_145 = arith.cmpi sge, %iota3A_142, %ge3A_144 : vector<1x64xi32>
    %jit3A_146 = arith.constant 8.000000e+00 : f32
    %broadcast_in_dim3A_147 = vector.broadcast %jit3A_146 : f32 to vector<1x64xf32>
    %select_n3A_148 = arith.select %ge3A_145, %broadcast_in_dim3A_147, %min3A_141 : vector<1x64xi1>, vector<1x64xf32>
    %convert_element_type3A_149 = arith.fptosi %select_n3A_148 : vector<1x64xf32> to vector<1x64xi32>
    %swap3A_150 = arith.constant 0 : index
    %swap3A_151 = arith.constant 0 : index
    %swap3A_152 = vector.load %arg7[%swap3A_150, %swap3A_151] : memref<1x64xi32, #tpu.memory_space<vmem>>, vector<1x64xi32>
    tpu.vector_store %arg7[%swap3A_150, %swap3A_151], %convert_element_type3A_149 {strides = array<i32>} : memref<1x64xi32, #tpu.memory_space<vmem>>, vector<1x64xi32>,
    return
  }
}

module attributes {stable_mosaic.version = 14 : i64} {
  func.func @_shared_body(%arg0: i32, %arg1: memref<512x1024xf32, #tpu.memory_space<vmem>>, %arg2: memref<1024x1024xf32, #tpu.memory_space<vmem>>, %arg3: memref<1x1024xf32, #tpu.memory_space<vmem>>, %arg4: memref<1024x1024xf32, #tpu.memory_space<vmem>>, %arg5: memref<1x1024xf32, #tpu.memory_space<vmem>>, %arg6: memref<512x1024xf32, #tpu.memory_space<vmem>>, %arg7: memref<1024x1024xbf16, #tpu.memory_space<vmem>>, %arg8: memref<1024x1024xbf16, #tpu.memory_space<vmem>>) attributes {dimension_semantics = [#tpu.dimension_semantics<arbitrary>], iteration_bounds = array<i64: 4>, scalar_prefetch = 0 : i64, scratch_operands = 2 : i64, tpu.core_type = #tpu.core_type<tc>, window_params = [{transform_indices = @transform_0, window_bounds = array<i64: 512, 1024>}, {pipeline_mode = #tpu.pipeline_mode<synchronous>, transform_indices = @transform_1, window_bounds = array<i64: 1024, 1024>}, {pipeline_mode = #tpu.pipeline_mode<synchronous>, transform_indices = @transform_2, window_bounds = array<i64: 1, 1024>}, {pipeline_mode = #tpu.pipeline_mode<synchronous>, transform_indices = @transform_3, window_bounds = array<i64: 1024, 1024>}, {pipeline_mode = #tpu.pipeline_mode<synchronous>, transform_indices = @transform_4, window_bounds = array<i64: 1, 1024>}, {transform_indices = @transform_5, window_bounds = array<i64: 512, 1024>}]} {
    %eq3A = arith.constant 0 : i32
    %eq3A_0 = arith.cmpi eq, %arg0, %eq3A : i32
    %convert_element_type3A = arith.extui %eq3A_0 : i1 to i32
    %cond3A = arith.constant 0 : i32
    %cond3A_1 = arith.cmpi ne, %convert_element_type3A, %cond3A : i32
    scf.if %cond3A_1 {
      %get3A_29 = arith.constant 0 : index
      %get3A_30 = arith.constant 0 : index
      %get3A_31 = vector.load %arg2[%get3A_29, %get3A_30] : memref<1024x1024xf32, #tpu.memory_space<vmem>>, vector<1024x1024xf32>
      %convert_element_type3A_32 = arith.truncf %get3A_31 : vector<1024x1024xf32> to vector<1024x1024xbf16>
      %swap3A_33 = arith.constant 0 : index
      %swap3A_34 = arith.constant 0 : index
      %swap3A_35 = vector.load %arg7[%swap3A_33, %swap3A_34] : memref<1024x1024xbf16, #tpu.memory_space<vmem>>, vector<1024x1024xbf16>
      tpu.vector_store %arg7[%swap3A_33, %swap3A_34], %convert_element_type3A_32 {strides = array<i32>} : memref<1024x1024xbf16, #tpu.memory_space<vmem>>, vector<1024x1024xbf16>,
      %get3A_36 = arith.constant 0 : index
      %get3A_37 = arith.constant 0 : index
      %get3A_38 = vector.load %arg4[%get3A_36, %get3A_37] : memref<1024x1024xf32, #tpu.memory_space<vmem>>, vector<1024x1024xf32>
      %convert_element_type3A_39 = arith.truncf %get3A_38 : vector<1024x1024xf32> to vector<1024x1024xbf16>
      %swap3A_40 = arith.constant 0 : index
      %swap3A_41 = arith.constant 0 : index
      %swap3A_42 = vector.load %arg8[%swap3A_40, %swap3A_41] : memref<1024x1024xbf16, #tpu.memory_space<vmem>>, vector<1024x1024xbf16>
      tpu.vector_store %arg8[%swap3A_40, %swap3A_41], %convert_element_type3A_39 {strides = array<i32>} : memref<1024x1024xbf16, #tpu.memory_space<vmem>>, vector<1024x1024xbf16>,
    } else {
    }
    %get3A = arith.constant 0 : index
    %get3A_2 = arith.constant 0 : index
    %get3A_3 = vector.load %arg1[%get3A, %get3A_2] : memref<512x1024xf32, #tpu.memory_space<vmem>>, vector<512x1024xf32>
    %convert_element_type3A_4 = arith.truncf %get3A_3 : vector<512x1024xf32> to vector<512x1024xbf16>
    %get3A_5 = arith.constant 0 : index
    %get3A_6 = arith.constant 0 : index
    %get3A_7 = vector.load %arg7[%get3A_5, %get3A_6] : memref<1024x1024xbf16, #tpu.memory_space<vmem>>, vector<1024x1024xbf16>
    %dot_general3A = arith.constant dense<0.000000e+00> : vector<512x1024xf32>
    %dot_general3A_8 = tpu.matmul %convert_element_type3A_4, %get3A_7, %dot_general3A {dimension_numbers = #tpu.dot_dimension_numbers<[1], [0], [0], [1], [0, 0, 1, 1], [], []>, transpose_lhs_hint = false} : vector<512x1024xbf16>, vector<1024x1024xbf16>, vector<512x1024xf32> -> vector<512x1024xf32>
    %get3A_9 = arith.constant 0 : index
    %get3A_10 = arith.constant 0 : index
    %get3A_11 = vector.load %arg3[%get3A_9, %get3A_10] : memref<1x1024xf32, #tpu.memory_space<vmem>>, vector<1x1024xf32>
    %add3A = vector.broadcast %get3A_11 : vector<1x1024xf32> to vector<512x1024xf32>
    %add3A_12 = arith.addf %dot_general3A_8, %add3A : vector<512x1024xf32>
    %max3A = arith.constant 0.000000e+00 : f32
    %max3A_13 = vector.broadcast %max3A : f32 to vector<512x1024xf32>
    %max3A_14 = arith.maximumf %add3A_12, %max3A_13 : vector<512x1024xf32>
    %convert_element_type3A_15 = arith.truncf %max3A_14 : vector<512x1024xf32> to vector<512x1024xbf16>
    %get3A_16 = arith.constant 0 : index
    %get3A_17 = arith.constant 0 : index
    %get3A_18 = vector.load %arg8[%get3A_16, %get3A_17] : memref<1024x1024xbf16, #tpu.memory_space<vmem>>, vector<1024x1024xbf16>
    %dot_general3A_19 = arith.constant dense<0.000000e+00> : vector<512x1024xf32>
    %dot_general3A_20 = tpu.matmul %convert_element_type3A_15, %get3A_18, %dot_general3A_19 {dimension_numbers = #tpu.dot_dimension_numbers<[1], [0], [0], [1], [0, 0, 1, 1], [], []>, transpose_lhs_hint = false} : vector<512x1024xbf16>, vector<1024x1024xbf16>, vector<512x1024xf32> -> vector<512x1024xf32>
    %get3A_21 = arith.constant 0 : index
    %get3A_22 = arith.constant 0 : index
    %get3A_23 = vector.load %arg5[%get3A_21, %get3A_22] : memref<1x1024xf32, #tpu.memory_space<vmem>>, vector<1x1024xf32>
    %add3A_24 = vector.broadcast %get3A_23 : vector<1x1024xf32> to vector<512x1024xf32>
    %add3A_25 = arith.addf %dot_general3A_20, %add3A_24 : vector<512x1024xf32>
    %add3A_26 = arith.addf %get3A_3, %add3A_25 : vector<512x1024xf32>
    %swap3A = arith.constant 0 : index
    %swap3A_27 = arith.constant 0 : index
    %swap3A_28 = vector.load %arg6[%swap3A, %swap3A_27] : memref<512x1024xf32, #tpu.memory_space<vmem>>, vector<512x1024xf32>
    tpu.vector_store %arg6[%swap3A, %swap3A_27], %add3A_26 {strides = array<i32>} : memref<512x1024xf32, #tpu.memory_space<vmem>>, vector<512x1024xf32>,
    return
  }
  func.func @transform_0(%arg0: i32) -> (i32, i32) {
    %c0_i32 = arith.constant 0 : i32
    %c0_i32_0 = arith.constant 0 : i32
    return %arg0, %c0_i32 : i32, i32
  }
  func.func @transform_1(%arg0: i32) -> (i32, i32) {
    %c0_i32 = arith.constant 0 : i32
    %c0_i32_0 = arith.constant 0 : i32
    %c0_i32_1 = arith.constant 0 : i32
    return %c0_i32, %c0_i32_0 : i32, i32
  }
  func.func @transform_2(%arg0: i32) -> (i32, i32) {
    %c0_i32 = arith.constant 0 : i32
    %c0_i32_0 = arith.constant 0 : i32
    %c0_i32_1 = arith.constant 0 : i32
    return %c0_i32, %c0_i32_0 : i32, i32
  }
  func.func @transform_3(%arg0: i32) -> (i32, i32) {
    %c0_i32 = arith.constant 0 : i32
    %c0_i32_0 = arith.constant 0 : i32
    %c0_i32_1 = arith.constant 0 : i32
    return %c0_i32, %c0_i32_0 : i32, i32
  }
  func.func @transform_4(%arg0: i32) -> (i32, i32) {
    %c0_i32 = arith.constant 0 : i32
    %c0_i32_0 = arith.constant 0 : i32
    %c0_i32_1 = arith.constant 0 : i32
    return %c0_i32, %c0_i32_0 : i32, i32
  }
  func.func @transform_5(%arg0: i32) -> (i32, i32) {
    %c0_i32 = arith.constant 0 : i32
    %c0_i32_0 = arith.constant 0 : i32
    return %arg0, %c0_i32 : i32, i32
  }
}

module attributes {stable_mosaic.version = 14 : i64} {
  func.func @_ffn_body(%arg0: i32, %arg1: memref<64xi32, #tpu.memory_space<smem>>, %arg2: memref<256x1024xf32, #tpu.memory_space<vmem>>, %arg3: memref<1x1024x1024xf32, #tpu.memory_space<vmem>>, %arg4: memref<1x1x1024xf32, #tpu.memory_space<vmem>>, %arg5: memref<1x1024x1024xf32, #tpu.memory_space<vmem>>, %arg6: memref<1x1x1024xf32, #tpu.memory_space<vmem>>, %arg7: memref<256x1024xf32, #tpu.memory_space<vmem>>, %arg8: memref<1024x1024xbf16, #tpu.memory_space<vmem>>, %arg9: memref<1024x1024xbf16, #tpu.memory_space<vmem>>) attributes {dimension_semantics = [#tpu.dimension_semantics<arbitrary>], iteration_bounds = array<i64: 24>, scalar_prefetch = 1 : i64, scratch_operands = 2 : i64, tpu.core_type = #tpu.core_type<tc>, window_params = [{transform_indices = @transform_0, window_bounds = array<i64: 256, 1024>}, {transform_indices = @transform_1, window_bounds = array<i64: 1, 1024, 1024>}, {transform_indices = @transform_2, window_bounds = array<i64: 1, 1, 1024>}, {transform_indices = @transform_3, window_bounds = array<i64: 1, 1024, 1024>}, {transform_indices = @transform_4, window_bounds = array<i64: 1, 1, 1024>}, {transform_indices = @transform_5, window_bounds = array<i64: 256, 1024>}]} {
    %eq3A = arith.constant 0 : i32
    %eq3A_0 = arith.cmpi eq, %arg0, %eq3A : i32
    %get3A = arith.index_cast %arg0 : i32 to index
    %get3A_1 = memref.load %arg1[%get3A] : memref<64xi32, #tpu.memory_space<smem>>
    %sub3A = arith.constant 1 : i32
    %sub3A_2 = arith.subi %arg0, %sub3A : i32
    %max3A = arith.constant 0 : i32
    %max3A_3 = arith.maxsi %sub3A_2, %max3A : i32
    %get3A_4 = arith.index_cast %max3A_3 : i32 to index
    %get3A_5 = memref.load %arg1[%get3A_4] : memref<64xi32, #tpu.memory_space<smem>>
    %ne3A = arith.cmpi ne, %get3A_1, %get3A_5 : i32
    %or3A = arith.ori %eq3A_0, %ne3A : i1
    %convert_element_type3A = arith.extui %or3A : i1 to i32
    %cond3A = arith.constant 0 : i32
    %cond3A_6 = arith.cmpi ne, %convert_element_type3A, %cond3A : i32
    scf.if %cond3A_6 {
      %get3A_40 = arith.constant 0 : index
      %get3A_41 = arith.constant 0 : index
      %get3A_42 = arith.constant 0 : index
      %get3A_43 = vector.load %arg3[%get3A_40, %get3A_41, %get3A_42] : memref<1x1024x1024xf32, #tpu.memory_space<vmem>>, vector<1x1024x1024xf32>
      %get3A_44 = vector.shape_cast %get3A_43 : vector<1x1024x1024xf32> to vector<1024x1024xf32>
      %convert_element_type3A_45 = arith.truncf %get3A_44 : vector<1024x1024xf32> to vector<1024x1024xbf16>
      %swap3A_46 = arith.constant 0 : index
      %swap3A_47 = arith.constant 0 : index
      %swap3A_48 = vector.load %arg8[%swap3A_46, %swap3A_47] : memref<1024x1024xbf16, #tpu.memory_space<vmem>>, vector<1024x1024xbf16>
      tpu.vector_store %arg8[%swap3A_46, %swap3A_47], %convert_element_type3A_45 {strides = array<i32>} : memref<1024x1024xbf16, #tpu.memory_space<vmem>>, vector<1024x1024xbf16>,
      %get3A_49 = arith.constant 0 : index
      %get3A_50 = arith.constant 0 : index
      %get3A_51 = arith.constant 0 : index
      %get3A_52 = vector.load %arg5[%get3A_49, %get3A_50, %get3A_51] : memref<1x1024x1024xf32, #tpu.memory_space<vmem>>, vector<1x1024x1024xf32>
      %get3A_53 = vector.shape_cast %get3A_52 : vector<1x1024x1024xf32> to vector<1024x1024xf32>
      %convert_element_type3A_54 = arith.truncf %get3A_53 : vector<1024x1024xf32> to vector<1024x1024xbf16>
      %swap3A_55 = arith.constant 0 : index
      %swap3A_56 = arith.constant 0 : index
      %swap3A_57 = vector.load %arg9[%swap3A_55, %swap3A_56] : memref<1024x1024xbf16, #tpu.memory_space<vmem>>, vector<1024x1024xbf16>
      tpu.vector_store %arg9[%swap3A_55, %swap3A_56], %convert_element_type3A_54 {strides = array<i32>} : memref<1024x1024xbf16, #tpu.memory_space<vmem>>, vector<1024x1024xbf16>,
    } else {
    }
    %get3A_7 = arith.constant 0 : index
    %get3A_8 = arith.constant 0 : index
    %get3A_9 = vector.load %arg2[%get3A_7, %get3A_8] : memref<256x1024xf32, #tpu.memory_space<vmem>>, vector<256x1024xf32>
    %convert_element_type3A_10 = arith.truncf %get3A_9 : vector<256x1024xf32> to vector<256x1024xbf16>
    %get3A_11 = arith.constant 0 : index
    %get3A_12 = arith.constant 0 : index
    %get3A_13 = vector.load %arg8[%get3A_11, %get3A_12] : memref<1024x1024xbf16, #tpu.memory_space<vmem>>, vector<1024x1024xbf16>
    %dot_general3A = arith.constant dense<0.000000e+00> : vector<256x1024xf32>
    %dot_general3A_14 = tpu.matmul %convert_element_type3A_10, %get3A_13, %dot_general3A {dimension_numbers = #tpu.dot_dimension_numbers<[1], [0], [0], [1], [0, 0, 1, 1], [], []>, transpose_lhs_hint = false} : vector<256x1024xbf16>, vector<1024x1024xbf16>, vector<256x1024xf32> -> vector<256x1024xf32>
    %get3A_15 = arith.constant 0 : index
    %get3A_16 = arith.constant 0 : index
    %get3A_17 = arith.constant 0 : index
    %get3A_18 = vector.load %arg4[%get3A_15, %get3A_16, %get3A_17] : memref<1x1x1024xf32, #tpu.memory_space<vmem>>, vector<1x1x1024xf32>
    %get3A_19 = vector.shape_cast %get3A_18 : vector<1x1x1024xf32> to vector<1024xf32>
    %broadcast_in_dim3A = vector.shape_cast %get3A_19 : vector<1024xf32> to vector<1x1024xf32>
    %add3A = vector.broadcast %broadcast_in_dim3A : vector<1x1024xf32> to vector<256x1024xf32>
    %add3A_20 = arith.addf %dot_general3A_14, %add3A : vector<256x1024xf32>
    %max3A_21 = arith.constant 0.000000e+00 : f32
    %max3A_22 = vector.broadcast %max3A_21 : f32 to vector<256x1024xf32>
    %max3A_23 = arith.maximumf %add3A_20, %max3A_22 : vector<256x1024xf32>
    %convert_element_type3A_24 = arith.truncf %max3A_23 : vector<256x1024xf32> to vector<256x1024xbf16>
    %get3A_25 = arith.constant 0 : index
    %get3A_26 = arith.constant 0 : index
    %get3A_27 = vector.load %arg9[%get3A_25, %get3A_26] : memref<1024x1024xbf16, #tpu.memory_space<vmem>>, vector<1024x1024xbf16>
    %dot_general3A_28 = arith.constant dense<0.000000e+00> : vector<256x1024xf32>
    %dot_general3A_29 = tpu.matmul %convert_element_type3A_24, %get3A_27, %dot_general3A_28 {dimension_numbers = #tpu.dot_dimension_numbers<[1], [0], [0], [1], [0, 0, 1, 1], [], []>, transpose_lhs_hint = false} : vector<256x1024xbf16>, vector<1024x1024xbf16>, vector<256x1024xf32> -> vector<256x1024xf32>
    %get3A_30 = arith.constant 0 : index
    %get3A_31 = arith.constant 0 : index
    %get3A_32 = arith.constant 0 : index
    %get3A_33 = vector.load %arg6[%get3A_30, %get3A_31, %get3A_32] : memref<1x1x1024xf32, #tpu.memory_space<vmem>>, vector<1x1x1024xf32>
    %get3A_34 = vector.shape_cast %get3A_33 : vector<1x1x1024xf32> to vector<1024xf32>
    %broadcast_in_dim3A_35 = vector.shape_cast %get3A_34 : vector<1024xf32> to vector<1x1024xf32>
    %add3A_36 = vector.broadcast %broadcast_in_dim3A_35 : vector<1x1024xf32> to vector<256x1024xf32>
    %add3A_37 = arith.addf %dot_general3A_29, %add3A_36 : vector<256x1024xf32>
    %swap3A = arith.constant 0 : index
    %swap3A_38 = arith.constant 0 : index
    %swap3A_39 = vector.load %arg7[%swap3A, %swap3A_38] : memref<256x1024xf32, #tpu.memory_space<vmem>>, vector<256x1024xf32>
    tpu.vector_store %arg7[%swap3A, %swap3A_38], %add3A_37 {strides = array<i32>} : memref<256x1024xf32, #tpu.memory_space<vmem>>, vector<256x1024xf32>,
    return
  }
  func.func @transform_0(%arg0: i32, %arg1: memref<64xi32, #tpu.memory_space<smem>>) -> (i32, i32) {
    %c0_i32 = arith.constant 0 : i32
    %c0_i32_0 = arith.constant 0 : i32
    return %arg0, %c0_i32 : i32, i32
  }
  func.func @transform_1(%arg0: i32, %arg1: memref<64xi32, #tpu.memory_space<smem>>) -> (i32, i32, i32) {
    %get3A = arith.index_cast %arg0 : i32 to index
    %get3A_0 = memref.load %arg1[%get3A] : memref<64xi32, #tpu.memory_space<smem>>
    %c0_i32 = arith.constant 0 : i32
    %c0_i32_1 = arith.constant 0 : i32
    %c0_i32_2 = arith.constant 0 : i32
    return %get3A_0, %c0_i32, %c0_i32_1 : i32, i32, i32
  }
  func.func @transform_2(%arg0: i32, %arg1: memref<64xi32, #tpu.memory_space<smem>>) -> (i32, i32, i32) {
    %get3A = arith.index_cast %arg0 : i32 to index
    %get3A_0 = memref.load %arg1[%get3A] : memref<64xi32, #tpu.memory_space<smem>>
    %c0_i32 = arith.constant 0 : i32
    %c0_i32_1 = arith.constant 0 : i32
    %c0_i32_2 = arith.constant 0 : i32
    return %get3A_0, %c0_i32, %c0_i32_1 : i32, i32, i32
  }
  func.func @transform_3(%arg0: i32, %arg1: memref<64xi32, #tpu.memory_space<smem>>) -> (i32, i32, i32) {
    %get3A = arith.index_cast %arg0 : i32 to index
    %get3A_0 = memref.load %arg1[%get3A] : memref<64xi32, #tpu.memory_space<smem>>
    %c0_i32 = arith.constant 0 : i32
    %c0_i32_1 = arith.constant 0 : i32
    %c0_i32_2 = arith.constant 0 : i32
    return %get3A_0, %c0_i32, %c0_i32_1 : i32, i32, i32
  }
  func.func @transform_4(%arg0: i32, %arg1: memref<64xi32, #tpu.memory_space<smem>>) -> (i32, i32, i32) {
    %get3A = arith.index_cast %arg0 : i32 to index
    %get3A_0 = memref.load %arg1[%get3A] : memref<64xi32, #tpu.memory_space<smem>>
    %c0_i32 = arith.constant 0 : i32
    %c0_i32_1 = arith.constant 0 : i32
    %c0_i32_2 = arith.constant 0 : i32
    return %get3A_0, %c0_i32, %c0_i32_1 : i32, i32, i32
  }
  func.func @transform_5(%arg0: i32, %arg1: memref<64xi32, #tpu.memory_space<smem>>) -> (i32, i32) {
    %c0_i32 = arith.constant 0 : i32
    %c0_i32_0 = arith.constant 0 : i32
    return %arg0, %c0_i32 : i32, i32
  }
}

</mosaic_0001>

<sc_bundles>
// kernel: kernel.10.cloned.1.call-start
scs
__scs_entry_jumppad:
0x0: {  	(pc) =	sbr.rel $0x88, $3  }
0x1: {  	(tag) =	ssettag $0x0;
	lr =	simm.s32 $0x1  }
0x2: {  	[smem:$0x3F96] =	sst lr;
	_ =	strace $0xD0000000  }
0x3: {  	_ = 	snop  }
0x4: {  	_ = 	snop  }
0x5: {  	_ = 	snop  }
0x6: {  	_ = 	snop  }
0x7: {  	_ = 	snop  }
__scs_overlays_trampoline_lowered:
0x8: {  	[smem:$0x3FA5] =	sst s0  }
0x9: {  	[smem:$0x3FA6] =	sst s1  }
0xa: {  	[smem:$0x3FA7] =	sst s2  }
0xb: {  	[smem:$0x3FA8] =	sst s3  }
0xc: {  	[smem:$0x3FA9] =	sst s4  }
0xd: {  	[smem:$0x3FAA] =	sst s5  }
0xe: {  	[smem:$0x3FAB] =	sst s6  }
0xf: {  	[smem:$0x3FAC] =	sst s7  }
0x10: {  	[smem:$0x3FAD] =	sst s8  }
0x11: {  	[smem:$0x3FAE] =	sst s9;
	s0 =	simm.s32 @!p0 $0x0  }
0x12: {  	s1 =	sld [smem:$0x3F94];
	s0 =	simm.s32 @p0 $0x1  }
0x13: {  	[smem:$0x3FAF] =	sst s0;
	s0 =	simm.s32 @!p1 $0x0  }
0x14: {  	s2 =	sld [smem:$0x3F93];
	s0 =	simm.s32 @p1 $0x1  }
0x15: {  	[smem:$0x3FB0] =	sst s0;
	s0 =	simm.s32 @!p2 $0x0  }
0x16: {  	s3 =	sld [smem:$0x3FDB];
	s0 =	simm.s32 @p2 $0x1  }
0x17: {  	s4 =	simm.s32 $0x1BF5;
	[smem:$0x3FB2] =	sst s0  }
0x18: {  	s0 =	sld [smem:$0x3F95];
	_ =	swait.ge [sflag:s4], $0x0  }
0x19: {  	s7 =	sld [smem:$0x3F96]  }
0x1a: {  	s8 =	sadd.s32 $0xFFFFE003, lr  }
0x1b: {  	s9 =	sadd.s32 $0xFFFFFEF7, lr;
	s5 =	simm.s32 $0xFFFFFFFF;
	p2 =	slt.u32 s8, $0xFFFFF086  }
0x1c: {  	p1 =	slt.u32 s9, $0xF7A;
	s5 =	simm.s32 @!p2 $0x0  }
0x1d: {  	s5 =	simm.s32 @p1 $0x1;
	p0 =	seq.s32 s7, s2  }
0x1e: {  	s7 =	smul.u32 @!p0 $0xF7A, s2;
	p2 =	seq.s32 @!p0 s5, $0x0  }
0x1f: {  	s9 =	smul.u32 $0xF7A, s1;
	s8 =	simm.s32 @!p0 $0x1BF5;
	p2 =	por !p2, p0  }
0x20: {  	[sflag:s8] =	ssyncset.s32 @!p0 $0xFFFFF086;
	s6 =	sadd.s32 @!p0 s3, s7;
	s7 =	simm.s32 @!p0 $0x108  }
0x21: {  	s3 =	sadd.s32 s3, s9;
	s6 =	sadd.s32 @!p0 $0x88, s6;
	s7 =	simm.s32 @p2 $0x1082  }
0x22: {  	[simem:s7], [sflag:s8] =	dma.local @!p0 [hbm:s6], $0xF7A  }
0x23: {  	s9 =	sor.u32 $0xD0000000, s2;
	s6 =	simm.s32 $0x108;
	_ =	swait.ge @!p0 [sflag:s8], $0x0  }
0x24: {  	s3 =	sadd.s32 $0x88, s3;
	s6 =	simm.s32 @!p1 $0x1082;
	[sflag:s4] =	ssyncset.s32 $0xFFFFF086  }
0x25: {  	[simem:s6], [sflag:s4] =	dma.local [hbm:s3], $0xF7A  }
0x26: {  	[smem:$0x3F96] =	sst s1;
	(tag) =	ssettag s2;
	_ =	strace s9  }
0x27: {  	s1 =	sld [smem:$0x3FA6]  }
0x28: {  	s2 =	sld [smem:$0x3FA7]  }
0x29: {  	s4 =	sld [smem:$0x3FA9]  }
0x2a: {  	p0 =	seq.s32 s5, $0x0;
	s5 =	sld [smem:$0x3FAA]  }
0x2b: {  	s6 =	sld [smem:$0x3FAB]  }
0x2c: {  	s7 =	sld [smem:$0x3FAC]  }
0x2d: {  	s3 =	simm.s32 $0x108;
	s8 =	sld [smem:$0x3FAD]  }
0x2e: {  	s3 =	simm.s32 @!p0 $0x1082;
	s9 =	sld [smem:$0x3FAE]  }
0x2f: {  	lr =	sadd.s32 s0, s3;
	s0 =	sld [smem:$0x3FA5]  }
0x30: {  	s3 =	sld [smem:$0x3FA8]  }
0x31: {  	[smem:$0x3FB1] =	sst s10  }
0x32: {  	s10 =	sld [smem:$0x3FAF];
	_ =	sdelay $0x3  }
0x33: {  	p0 =	seq.s32 s10, $0x1;
	s10 =	sld [smem:$0x3FB1];
	_ =	sdelay $0x3  }
0x34: {  	[smem:$0x3FB1] =	sst s10  }
0x35: {  	s10 =	sld [smem:$0x3FB0];
	_ =	sdelay $0x3  }
0x36: {  	p1 =	seq.s32 s10, $0x1;
	s10 =	sld [smem:$0x3FB1];
	_ =	sdelay $0x3  }
0x37: {  	[smem:$0x3FB1] =	sst s10  }
0x38: {  	s10 =	sld [smem:$0x3FB2]  }
0x39: {  	_ = 	snop;
	(pc) =	sbr.ind lr, $3  }
0x3a: {  	_ = 	snop  }
0x3b: {  	_ = 	snop  }
0x3c: {  	p2 =	seq.s32 s10, $0x1;
	s10 =	sld [smem:$0x3FB1]  }
0x3d: {  	_ =	shalt  }
0x3e: {  	_ =	shalt  }
0x3f: {  	_ =	shalt  }
0x40: {  	_ =	shalt  }
0x41: {  	_ =	shalt  }
0x42: {  	_ =	shalt  }
0x43: {  	_ =	shalt  }
0x44: {  	_ =	shalt  }
0x45: {  	_ =	shalt  }
0x46: {  	_ =	shalt  }
0x47: {  	_ =	shalt  }
0x48: {  	_ =	shalt  }
0x49: {  	_ =	shalt  }
0x4a: {  	_ =	shalt  }
0x4b: {  	_ =	shalt  }
0x4c: {  	_ =	shalt  }
0x4d: {  	_ =	shalt  }
0x4e: {  	_ =	shalt  }
0x4f: {  	_ =	shalt  }
0x50: {  	_ =	shalt  }
0x51: {  	_ =	shalt  }
0x52: {  	_ =	shalt  }
0x53: {  	_ =	shalt  }
0x54: {  	_ =	shalt  }
0x55: {  	_ =	shalt  }
0x56: {  	_ =	shalt  }
0x57: {  	_ =	shalt  }
0x58: {  	_ =	shalt  }
0x59: {  	_ =	shalt  }
0x5a: {  	_ =	shalt  }
0x5b: {  	_ =	shalt  }
0x5c: {  	_ =	shalt  }
0x5d: {  	_ =	shalt  }
0x5e: {  	_ =	shalt  }
0x5f: {  	_ =	shalt  }
0x60: {  	_ =	shalt  }
0x61: {  	_ =	shalt  }
0x62: {  	_ =	shalt  }
0x63: {  	_ =	shalt  }
0x64: {  	_ =	shalt  }
0x65: {  	_ =	shalt  }
0x66: {  	_ =	shalt  }
0x67: {  	_ =	shalt  }
0x68: {  	_ =	shalt  }
0x69: {  	_ =	shalt  }
0x6a: {  	_ =	shalt  }
0x6b: {  	_ =	shalt  }
0x6c: {  	_ =	shalt  }
0x6d: {  	_ =	shalt  }
0x6e: {  	_ =	shalt  }
0x6f: {  	_ =	shalt  }
0x70: {  	_ =	shalt  }
0x71: {  	_ =	shalt  }
0x72: {  	_ =	shalt  }
0x73: {  	_ =	shalt  }
0x74: {  	_ =	shalt  }
0x75: {  	_ =	shalt  }
0x76: {  	_ =	shalt  }
0x77: {  	_ =	shalt  }
0x78: {  	_ =	shalt  }
0x79: {  	_ =	shalt  }
0x7a: {  	_ =	shalt  }
0x7b: {  	_ =	shalt  }
0x7c: {  	_ =	shalt  }
0x7d: {  	_ =	shalt  }
0x7e: {  	_ =	shalt  }
0x7f: {  	_ =	shalt  }
0x80: {  	_ =	shalt  }
0x81: {  	_ =	shalt  }
0x82: {  	_ =	shalt  }
0x83: {  	_ =	shalt  }
0x84: {  	_ =	shalt  }
0x85: {  	_ =	shalt  }
0x86: {  	_ =	shalt  }
0x87: {  	_ =	shalt  }
.Lfunc_end0:
.L_simem_size_0:
called_computation.1_lowered:
.L_overlay_start_0:
0x88: {  	s2 =	sld [smem:$0x3FD9]  }
0x89: {  	s3 =	sld [smem:$0x3FFE];
	_ =	sdelay $0x1  }
0x8a: {  	s1 =	srdreg.scid  }
0x8b: {  	s0 =	sand.u32 $0x1, s1  }
0x8c: {  	s17 =	sshll.u32 s0, $0xA;
	s2 =	sadd.s32 s3, s2  }
0x8d: {  	s2 =	sadd.s32 s2, s17  }
0x8e: {  	[smem:$0x3FBD] =	sst s2  }
0x8f: {  	_ = 	snop  }
0x90: {  	s2 =	sld [smem:$0x3FD0];
	(tm) =	ssettm $0x1  }
0x91: {  	s18 =	sld [smem:$0x3FFB];
	_ =	sdelay $0x3  }
0x92: {  	_ =	strace s18  }
0x93: {  	s3 =	sld [smem:$0x3FFC];
	_ =	sdelay $0x3  }
0x94: {  	_ =	strace s3  }
0x95: {  	s3 =	sld [smem:$0x3FFD];
	_ =	sdelay $0x3  }
0x96: {  	_ =	strace s3  }
0x97: {  	_ =	strace $0x8FFFFFFF  }
0x98: {  	s19 =	sld [smem:$0x3FDB];
	_ =	sdelay $0x1  }
0x99: {  	s4 =	simm.s32 $_scs_section_size  }
0x9a: {  	s5 =	simm.s32 $_size__tile_overlayer_lowered;
	s6 =	simm.s32 $_tile_overlayer_lowered  }
0x9b: {  	s22 =	simm.s32 $0x1BFF;
	s21 =	sshll.u32 s6, $0x1;
	s3 =	sadd.s32 s4, s19  }
0x9c: {  	s7 =	simm.s32 $0x0;
	s20 =	sshll.u32 s5, $0x1;
	s5 =	sadd.s32 s21, s3  }
0x9d: {  	[timem:s7], [sflag:s22] =	dma.local [hbm:s5], s20  }
0x9e: {  	_ =	swait.ge [sflag:s22], s20  }
0x9f: {  	s4 =	ssub.s32 $0x0, s20;
	[sflag:s22] =	ssyncset.done $0x0  }
0xa0: {  	[sflag:s22] =	ssyncadd.s32 s4;
	_ =	sdelay $0x1  }
0xa1: {  	s23 =	simm.s32 $0x1B8B  }
0xa2: {  	_ =	swait.ge [sflag:s23], $0x1  }
0xa3: {  	[sflag:s23] =	ssyncset.done $0x0  }
0xa4: {  	s25 =	simm.s32 $0x1B8E;
	s24 =	sld [smem:$0x3FFE];
	[sflag:s23] =	ssyncadd.s32 $0xFFFFFFFF  }
0xa5: {  	s26 =	simm.s32 $execute0_lowered;
	[smem:$0x3FD2] =	sst s25  }
0xa6: {  	s5 =	sshll.u32 s26, $0x1;
	_ =	strace $0x80000049;
	[dreg:$0x1] =	wrdreg $0xFFFFFFFF  }
0xa7: {  	s28 =	simm.s32 $_size_execute0_lowered;
	s3 =	sadd.s32 s3, s5;
	[dreg:$0x0] =	wrdreg $0x0  }
0xa8: {  	s5 =	sshll.u32 s28, $0x1;
	[dreg:$0x2] =	wrdreg s3  }
0xa9: {  	[dreg:$0x3] =	wrdreg s5  }
0xaa: {  	[dreg:$0x4] =	wrdreg $0xC0  }
0xab: {  	_ =	task [dreg:s7], $0x5FFFF  }
0xac: {  	[dreg:$0x1] =	wrdreg $0xFFFFFFFF  }
0xad: {  	[dreg:$0x0] =	wrdreg $0x60  }
0xae: {  	[dreg:$0x2] =	wrdreg s24  }
0xaf: {  	[dreg:$0x3] =	wrdreg s2  }
0xb0: {  	[dreg:$0x4] =	wrdreg $0x9  }
0xb1: {  	_ =	task.clear_ibuf [dreg:s7], $0x5FFFF;
	_ =	strace $0x90000049  }
0xb2: {  	s29 =	simm.s32 $0x9;
	_ =	strace $0x8000004B  }
0xb3: {  	_ =	swait.ge [sflag:s29], $0x1  }
0xb4: {  	[sflag:s29] =	ssyncadd.s32 $0xFFFFFFFF  }
0xb5: {  	_ =	strace $0x9000004B  }
0xb6: {  	_ =	sfence  }
0xb7: {  	s30 =	sld [smem:$0x0];
	_ =	sdelay $0x2  }
0xb8: {  	s31 =	sshll.u32 s1, $0xD;
	s1 =	sshrl.u32 s1, $0x2  }
0xb9: {  	s3 =	sand.u32 $0x4000, s31;
	s1 =	sadd.s32 s1, s30  }
0xba: {  	s0 =	sor.u32 s3, s0;
	s1 =	sshll.u32 s1, $0x11  }
0xbb: {  	s0 =	sor.u32 s1, s0  }
0xbc: {  	s0 =	sadd.s32 $0x8F2B, s0  }
0xbd: {  	[sflag:s0] =	ssyncadd.remote.s32 $0x1  }
0xbe: {  	_ =	sfence.sel $0xFFFF  }
0xbf: {  	[dreg:$0x0] =	wrdreg $0xFFFFFFFF;
	(pc) =	sbr.abs _section_cstart, $3  }
0xc0: {  	[dreg:$0x1] =	wrdreg $0xFFFFFFFF  }
0xc1: {  	_ =	task.clear_ibuf [dreg:s7], $0x2FFFF;
	_ =	strace $0x9FFFFFFF  }
0xc2: {  	(tm) =	ssettm $0x7FFFFFFF  }
0xc3: {  	_ =	shalt  }
tec
execute0_lowered:
.L_overlay_start_1:
0x0: {  	(tag) =	ssettag $0x1  }
0x1: {  	s0 =	rddreg [dreg:$0x0]  }
0x2: {  	s1 =	rddreg [dreg:$0x1]  }
0x3: {  	s2 =	simm.s32 $0x0;
	s4 =	srdreg.scid;
	s5 =	stileid.u32  }
0x4: {  	s31 =	simm.s32 $0xB100;
	s12 =	simm.s32 $0xB900;
	s13 =	simm.s32 $0x11100  }
0x5: {  	s14 =	simm.s32 $0x12100;
	s15 =	simm.s32 $0x13900;
	s16 =	simm.s32 $0x1  }
0x6: {  	s17 =	simm.s32 $0x2;
	[smem:$0x7FF] =	sst s2;
	s3 =	sadd.s32 $0x111200, s0  }
0x7: {  	s4 =	sand.u32 $0x1, s4;
	s5 =	sshll.u32 s5, $0x1;
	s7 =	sadd.s32 $0xD1200, s0  }
0x8: {  	_ =	strace $0x8000004A;
	s5 =	sor.u32 s4, s5;
	s4 =	ssub.s32 $0x2, s4  }
0x9: {  	s6 =	sshll.u32 s5, $0x4;
	s8 =	sshll.u32 s5, $0xA;
	s9 =	sshrl.u32 s4, $0x1  }
0xa: {  	s5 =	sshll.u32 s5, $0xD;
	s6 =	sadd.s32 s6, s0;
	s10 =	sadd.s32 s8, s0  }
0xb: {  	s4 =	ssub.s32 s4, s9;
	s8 =	sadd.s32 $0x111400, s0;
	s22 =	sadd.s32 s7, s5  }
0xc: {  	s21 =	sor.u32 $0x800, s5;
	s11 =	sadd.s32 s1, s5;
	[dreg:$0x7] =	wrdreg s22  }
0xd: {  	s24 =	sor.u32 $0x1000, s5;
	s18 =	sadd.s32 $0x10E00, s6;
	[dreg:$0x9] =	wrdreg s11  }
0xe: {  	s5 =	sor.u32 $0x1800, s5;
	s6 =	sadd.s32 $0x11000, s6;
	[dreg:$0x3] =	wrdreg s18  }
0xf: {  	s19 =	sadd.s32 $0xE00, s10;
	s20 =	sadd.s32 $0x8E00, s10;
	[dreg:$0x4] =	wrdreg s6  }
0x10: {  	s10 =	sadd.s32 $0x111500, s0;
	s23 =	sadd.s32 s7, s21;
	[dreg:$0x5] =	wrdreg s19  }
0x11: {  	s25 =	sadd.s32 s7, s24;
	s26 =	sadd.s32 s7, s5;
	[dreg:$0x6] =	wrdreg s20  }
0x12: {  	s28 =	sadd.s32 s1, s24;
	s29 =	sadd.s32 s1, s5;
	[dreg:$0x8] =	wrdreg s23  }
0x13: {  	s30 =	smax.u32 s4, $0x1;
	s11 =	simm.s32 $0xA900;
	[dreg:$0xa] =	wrdreg s25  }
0x14: {  	s22 =	simm.s32 $0x12900;
	s4 =	simm.s32 $0x18100;
	[dreg:$0xc] =	wrdreg s26  }
0x15: {  	s5 =	simm.s32 $0x3;
	s7 =	simm.s32 $0x4;
	[dreg:$0xd] =	wrdreg s28  }
0x16: {  	s6 =	sadd.s32 $0x111300, s0;
	s0 =	sadd.s32 s1, s21;
	[dreg:$0xe] =	wrdreg s29  }
0x17: {  	v2 =	vlaneseq.u32;
	[dreg:$0xf] =	wrdreg s30;
	s20 =	simm.s32 $0x5;
	s25 =	simm.s32 $0x14100  }
0x18: {  	vm0 =	vmmov $0xffff;
	v1 =	vshrl.u32 v2, $0x3;
	s1 =	simm.s32 $0x10900;
	s21 =	simm.s32 $0x11900;
	s23 =	simm.s32 $0x13100  }
0x19: {  	v0 =	vand.u32 $0x7, v2;
	v2 =	vor.u32 $0x8, v2;
	v1 =	vmul.u32 $0x8, v1;
	s18 =	simm.s32 $0x0;
	[dreg:$0xb] =	wrdreg s0;
	s0 =	simm.s32 $0x10100  }
.LBB2_1:
0x1a: {  	s9 =	rddreg [dreg:$0x3]  }
0x1b: {  	[tilespmem:s2], [sflag:$0x5] =	stream.linear.gather [hbm4b:s9+s2], $0x80, $0x38;
	[tilespmem:$0x1C100] =	vst v63  }
0x1c: {  	_ =	swait.ge [sflag:s20], $0x80  }
0x1d: {  	[sflag:s20] =	ssyncset.done $0x0  }
0x1e: {  	s19 =	simm.s32 $0x80;
	s24 =	rddreg [dreg:$0x4];
	[sflag:s20] =	ssyncadd.s32 $0xFFFFFF80  }
0x1f: {  	[tilespmem:s19], [sflag:$0x5] =	stream.linear.gather [hbm4b:s24+s2], $0x80, $0x38;
	[tilespmem:$0x1C100] =	vst v63  }
0x20: {  	_ =	swait.ge [sflag:s20], $0x80  }
0x21: {  	[sflag:s20] =	ssyncset.done $0x0  }
0x22: {  	s28 =	simm.s32 $0x100;
	s26 =	rddreg [dreg:$0x5];
	[sflag:s20] =	ssyncadd.s32 $0xFFFFFF80  }
0x23: {  	[tilespmem:s28], [sflag:$0x5] =	stream.linear.gather [hbm4b:s26+s2], $0x2000, $0x38;
	[tilespmem:$0x1C100] =	vst v63  }
0x24: {  	_ =	swait.ge [sflag:s20], $0x2000  }
0x25: {  	[sflag:s20] =	ssyncset.done $0x0  }
0x26: {  	s30 =	simm.s32 $0x2100;
	s29 =	rddreg [dreg:$0x6];
	[sflag:s20] =	ssyncadd.s32 $0xFFFFE000  }
0x27: {  	[tilespmem:s30], [sflag:$0x5] =	stream.linear.gather [hbm4b:s29+s2], $0x2000, $0x38;
	[tilespmem:$0x1C100] =	vst v63  }
0x28: {  	_ =	swait.ge [sflag:s20], $0x2000  }
0x29: {  	[sflag:s20] =	ssyncset.done $0x0  }
0x2a: {  	[sflag:s20] =	ssyncadd.s32 $0xFFFFE000  }
0x2b: {  	v3 =	vld [tilespmem:$0x0];
	_ =	sdelay $0x4  }
0x2c: {  	v4 =	vshll.u32 v3, $0x3  }
0x2d: {  	v3 =	vand.u32 $0x7, v3;
	v4 =	vand.u32 $0xFFFFFFC0, v4  }
0x2e: {  	v3 =	vor.u32 v3, v4  }
0x2f: {  	v4 =	vperm.xlane v3, v0;
	_ =	sdelay $0x1  }
0x30: {  	v4 =	vadd.s32 v1, v4;
	_ =	sdelay $0x3  }
0x31: {  	s24 =	simm.s32 $0x4100  }
0x32: {  	[tilespmem:s24], [sflag:$0x1] =	stream.indirect_vreg.gather [hbm4b:s3+s2], $0x80, v4, vm0, $0xb8;
	[tilespmem:$0x1C100] =	vst v63  }
0x33: {  	s26 =	simm.s32 $0x4900;
	v3 =	vperm.xlane v3, v2  }
0x34: {  	[tilespmem:s26], [sflag:$0x1] =	stream.indirect_vreg.gather [hbm4b:s6+s2], $0x80, v4, vm0, $0xb8;
	[tilespmem:$0x1C100] =	vst v63  }
0x35: {  	s28 =	simm.s32 $0x5100;
	v3 =	vadd.s32 v1, v3  }
0x36: {  	[tilespmem:s28], [sflag:$0x1] =	stream.indirect_vreg.gather [hbm4b:s8+s2], $0x80, v4, vm0, $0xb8;
	[tilespmem:$0x1C100] =	vst v63  }
0x37: {  	s29 =	simm.s32 $0x5900  }
0x38: {  	[tilespmem:s29], [sflag:$0x1] =	stream.indirect_vreg.gather [hbm4b:s10+s2], $0x80, v4, vm0, $0xb8;
	[tilespmem:$0x1C100] =	vst v63  }
0x39: {  	s30 =	simm.s32 $0x6100  }
0x3a: {  	[tilespmem:s30], [sflag:$0x1] =	stream.indirect_vreg.gather [hbm4b:s3+s2], $0x80, v3, vm0, $0xb8;
	[tilespmem:$0x1C100] =	vst v63  }
0x3b: {  	s19 =	simm.s32 $0x6900  }
0x3c: {  	[tilespmem:s19], [sflag:$0x1] =	stream.indirect_vreg.gather [hbm4b:s6+s2], $0x80, v3, vm0, $0xb8;
	[tilespmem:$0x1C100] =	vst v63  }
0x3d: {  	s24 =	simm.s32 $0x7100  }
0x3e: {  	[tilespmem:s24], [sflag:$0x1] =	stream.indirect_vreg.gather [hbm4b:s8+s2], $0x80, v3, vm0, $0xb8;
	[tilespmem:$0x1C100] =	vst v63  }
0x3f: {  	s26 =	simm.s32 $0x7900  }
0x40: {  	[tilespmem:s26], [sflag:$0x1] =	stream.indirect_vreg.gather [hbm4b:s10+s2], $0x80, v3, vm0, $0xb8;
	[tilespmem:$0x1C100] =	vst v63  }
0x41: {  	v3 =	vld [tilespmem:$0x80];
	_ =	sdelay $0x4  }
0x42: {  	v61 =	vshll.u32 v3, $0x3  }
0x43: {  	v3 =	vand.u32 $0x7, v3;
	v4 =	vand.u32 $0xFFFFFFC0, v61  }
0x44: {  	v3 =	vor.u32 v3, v4  }
0x45: {  	v4 =	vperm.xlane v3, v0;
	_ =	sdelay $0x1  }
0x46: {  	v4 =	vadd.s32 v1, v4;
	_ =	sdelay $0x3  }
0x47: {  	s28 =	simm.s32 $0xC100  }
0x48: {  	[tilespmem:s28], [sflag:$0x1] =	stream.indirect_vreg.gather [hbm4b:s3+s2], $0x80, v4, vm0, $0xb8;
	[tilespmem:$0x1C100] =	vst v63  }
0x49: {  	s29 =	simm.s32 $0xC900;
	v3 =	vperm.xlane v3, v2  }
0x4a: {  	[tilespmem:s29], [sflag:$0x1] =	stream.indirect_vreg.gather [hbm4b:s6+s2], $0x80, v4, vm0, $0xb8;
	[tilespmem:$0x1C100] =	vst v63  }
0x4b: {  	s30 =	simm.s32 $0xD100;
	v3 =	vadd.s32 v1, v3  }
0x4c: {  	[tilespmem:s30], [sflag:$0x1] =	stream.indirect_vreg.gather [hbm4b:s8+s2], $0x80, v4, vm0, $0xb8;
	[tilespmem:$0x1C100] =	vst v63  }
0x4d: {  	s19 =	simm.s32 $0xD900  }
0x4e: {  	[tilespmem:s19], [sflag:$0x1] =	stream.indirect_vreg.gather [hbm4b:s10+s2], $0x80, v4, vm0, $0xb8;
	[tilespmem:$0x1C100] =	vst v63  }
0x4f: {  	s24 =	simm.s32 $0xE100  }
0x50: {  	[tilespmem:s24], [sflag:$0x1] =	stream.indirect_vreg.gather [hbm4b:s3+s2], $0x80, v3, vm0, $0xb8;
	[tilespmem:$0x1C100] =	vst v63  }
0x51: {  	s26 =	simm.s32 $0xE900  }
0x52: {  	[tilespmem:s26], [sflag:$0x1] =	stream.indirect_vreg.gather [hbm4b:s6+s2], $0x80, v3, vm0, $0xb8;
	[tilespmem:$0x1C100] =	vst v63  }
0x53: {  	s28 =	simm.s32 $0xF100  }
0x54: {  	[tilespmem:s28], [sflag:$0x1] =	stream.indirect_vreg.gather [hbm4b:s8+s2], $0x80, v3, vm0, $0xb8;
	[tilespmem:$0x1C100] =	vst v63  }
0x55: {  	s29 =	simm.s32 $0xF900  }
0x56: {  	[tilespmem:s29], [sflag:$0x1] =	stream.indirect_vreg.gather [hbm4b:s10+s2], $0x80, v3, vm0, $0xb8;
	[tilespmem:$0x1C100] =	vst v63  }
0x57: {  	s30 =	rddreg [dreg:$0x7]  }
0x58: {  	[tilespmem:s25], [sflag:$0x1] =	stream.linear.gather [hbm4b:s30+s2], $0x4000, $0x38;
	[tilespmem:$0x1C100] =	vst v63  }
0x59: {  	v3 =	vld [tilespmem:$0x10];
	_ =	sdelay $0x4  }
0x5a: {  	v62 =	vshll.u32 v3, $0x3  }
0x5b: {  	v3 =	vand.u32 $0x7, v3;
	v4 =	vand.u32 $0xFFFFFFC0, v62  }
0x5c: {  	v3 =	vor.u32 v3, v4  }
0x5d: {  	v4 =	vperm.xlane v3, v0;
	_ =	sdelay $0x1  }
0x5e: {  	v4 =	vadd.s32 v1, v4;
	_ =	sdelay $0x3  }
0x5f: {  	s19 =	simm.s32 $0x8100  }
0x60: {  	[tilespmem:s19], [sflag:$0x2] =	stream.indirect_vreg.gather [hbm4b:s3+s2], $0x80, v4, vm0, $0xb8;
	[tilespmem:$0x1C100] =	vst v63  }
0x61: {  	s24 =	simm.s32 $0x8900;
	v3 =	vperm.xlane v3, v2  }
0x62: {  	[tilespmem:s24], [sflag:$0x2] =	stream.indirect_vreg.gather [hbm4b:s6+s2], $0x80, v4, vm0, $0xb8;
	[tilespmem:$0x1C100] =	vst v63  }
0x63: {  	s26 =	simm.s32 $0x9100;
	v3 =	vadd.s32 v1, v3  }
0x64: {  	[tilespmem:s26], [sflag:$0x2] =	stream.indirect_vreg.gather [hbm4b:s8+s2], $0x80, v4, vm0, $0xb8;
	[tilespmem:$0x1C100] =	vst v63  }
0x65: {  	s28 =	simm.s32 $0x9900  }
0x66: {  	[tilespmem:s28], [sflag:$0x2] =	stream.indirect_vreg.gather [hbm4b:s10+s2], $0x80, v4, vm0, $0xb8;
	[tilespmem:$0x1C100] =	vst v63  }
0x67: {  	s29 =	simm.s32 $0xA100  }
0x68: {  	[tilespmem:s29], [sflag:$0x2] =	stream.indirect_vreg.gather [hbm4b:s3+s2], $0x80, v3, vm0, $0xb8;
	[tilespmem:$0x1C100] =	vst v63  }
0x69: {  	_ = 	snop  }
0x6a: {  	[tilespmem:s11], [sflag:$0x2] =	stream.indirect_vreg.gather [hbm4b:s6+s2], $0x80, v3, vm0, $0xb8;
	[tilespmem:$0x1C100] =	vst v63  }
0x6b: {  	_ = 	snop  }
0x6c: {  	[tilespmem:s31], [sflag:$0x2] =	stream.indirect_vreg.gather [hbm4b:s8+s2], $0x80, v3, vm0, $0xb8;
	[tilespmem:$0x1C100] =	vst v63  }
0x6d: {  	_ = 	snop  }
0x6e: {  	[tilespmem:s12], [sflag:$0x2] =	stream.indirect_vreg.gather [hbm4b:s10+s2], $0x80, v3, vm0, $0xb8;
	[tilespmem:$0x1C100] =	vst v63  }
0x6f: {  	v3 =	vld [tilespmem:$0x90];
	_ =	sdelay $0x4  }
0x70: {  	v63 =	vshll.u32 v3, $0x3  }
0x71: {  	v3 =	vand.u32 $0x7, v3;
	v4 =	vand.u32 $0xFFFFFFC0, v63  }
0x72: {  	v3 =	vor.u32 v3, v4  }
0x73: {  	v4 =	vperm.xlane v3, v0;
	_ =	sdelay $0x1  }
0x74: {  	v4 =	vadd.s32 v1, v4;
	_ =	sdelay $0x4  }
0x75: {  	[tilespmem:s0], [sflag:$0x2] =	stream.indirect_vreg.gather [hbm4b:s3+s2], $0x80, v4, vm0, $0xb8;
	[tilespmem:$0x1C100] =	vst v63  }
0x76: {  	v3 =	vperm.xlane v3, v2  }
0x77: {  	[tilespmem:s1], [sflag:$0x2] =	stream.indirect_vreg.gather [hbm4b:s6+s2], $0x80, v4, vm0, $0xb8;
	[tilespmem:$0x1C100] =	vst v63  }
0x78: {  	v3 =	vadd.s32 v1, v3  }
0x79: {  	[tilespmem:s13], [sflag:$0x2] =	stream.indirect_vreg.gather [hbm4b:s8+s2], $0x80, v4, vm0, $0xb8;
	[tilespmem:$0x1C100] =	vst v63  }
0x7a: {  	_ = 	snop  }
0x7b: {  	[tilespmem:s21], [sflag:$0x2] =	stream.indirect_vreg.gather [hbm4b:s10+s2], $0x80, v4, vm0, $0xb8;
	[tilespmem:$0x1C100] =	vst v63  }
0x7c: {  	_ = 	snop  }
0x7d: {  	[tilespmem:s14], [sflag:$0x2] =	stream.indirect_vreg.gather [hbm4b:s3+s2], $0x80, v3, vm0, $0xb8;
	[tilespmem:$0x1C100] =	vst v63  }
0x7e: {  	_ = 	snop  }
0x7f: {  	[tilespmem:s22], [sflag:$0x2] =	stream.indirect_vreg.gather [hbm4b:s6+s2], $0x80, v3, vm0, $0xb8;
	[tilespmem:$0x1C100] =	vst v63  }
0x80: {  	_ = 	snop  }
0x81: {  	[tilespmem:s23], [sflag:$0x2] =	stream.indirect_vreg.gather [hbm4b:s8+s2], $0x80, v3, vm0, $0xb8;
	[tilespmem:$0x1C100] =	vst v63  }
0x82: {  	_ = 	snop  }
0x83: {  	[tilespmem:s15], [sflag:$0x2] =	stream.indirect_vreg.gather [hbm4b:s10+s2], $0x80, v3, vm0, $0xb8;
	[tilespmem:$0x1C100] =	vst v63  }
0x84: {  	s30 =	rddreg [dreg:$0x8]  }
0x85: {  	[tilespmem:s4], [sflag:$0x2] =	stream.linear.gather [hbm4b:s30+s2], $0x4000, $0x38;
	[tilespmem:$0x1C100] =	vst v63  }
0x86: {  	_ =	swait.ge [sflag:s16], $0x4000  }
0x87: {  	[sflag:s16] =	ssyncset.done $0x0  }
0x88: {  	[sflag:s16] =	ssyncadd.s32 $0xFFFFC000  }
0x89: {  	_ =	swait.ge [sflag:s16], $0x4000  }
0x8a: {  	[sflag:s16] =	ssyncset.done $0x0  }
0x8b: {  	[sflag:s16] =	ssyncadd.s32 $0xFFFFC000  }
0x8c: {  	_ =	swait.ge [sflag:s16], $0x4000  }
0x8d: {  	s19 =	simm.s32 $0x0;
	[sflag:s16] =	ssyncset.done $0x0  }
0x8e: {  	s24 =	simm.s32 $0x0;
	s26 =	simm.s32 $0x0;
	[sflag:s16] =	ssyncadd.s32 $0xFFFFC000  }
.LBB2_2:
0x8f: {  	s9 =	sshll.u32 s24, $0x2;
	s28 =	sand.u32 $0x7, s19  }
0x90: {  	s9 =	sand.u32 $0xFFFF8000, s9;
	s28 =	sshll.u32 s28, $0x9  }
0x91: {  	s29 =	sshll.u32 s26, $0x7;
	s9 =	sor.u32 s28, s9  }
0x92: {  	v3 =	vld [tilespmem:s29+$0x100];
	s30 =	sshrl.u32 s9, $0x2  }
0x93: {  	v4 =	vld [tilespmem:s29+$0x2100];
	s28 =	sadd.s32 $0x4140, s30  }
0x94: {  	s9 =	sadd.s32 $0x14140, s30;
	v5 =	vld [tilespmem:s28+$0xFFFFFFC0]  }
0x95: {  	s30 =	sadd.s32 $0xC140, s30;
	v6 =	vld [tilespmem:s9+$0xFFFFFFC0]  }
0x96: {  	v7 =	vld [tilespmem:s30+$0xFFFFFFC0];
	_ =	sdelay $0x2  }
0x97: {  	v5 =	vmul.f32 v5, v3;
	_ =	sdelay $0x1  }
0x98: {  	v5 =	vadd.f32 v5, v6;
	v6 =	vmul.f32 v7, v4;
	_ =	sdelay $0x1  }
0x99: {  	v5 =	vadd.f32 v6, v5;
	_ =	sdelay $0x1  }
0x9a: {  	[tilespmem:s9+$0xFFFFFFC0] =	vst v5  }
0x9b: {  	v5 =	vld [tilespmem:s28+$0xFFFFFFD0]  }
0x9c: {  	v6 =	vld [tilespmem:s9+$0xFFFFFFD0]  }
0x9d: {  	v7 =	vld [tilespmem:s30+$0xFFFFFFD0];
	_ =	sdelay $0x2  }
0x9e: {  	v5 =	vmul.f32 v5, v3;
	_ =	sdelay $0x1  }
0x9f: {  	v5 =	vadd.f32 v5, v6;
	v6 =	vmul.f32 v7, v4;
	_ =	sdelay $0x1  }
0xa0: {  	v5 =	vadd.f32 v6, v5;
	_ =	sdelay $0x1  }
0xa1: {  	[tilespmem:s9+$0xFFFFFFD0] =	vst v5  }
0xa2: {  	v5 =	vld [tilespmem:s28+$0xFFFFFFE0]  }
0xa3: {  	v6 =	vld [tilespmem:s9+$0xFFFFFFE0]  }
0xa4: {  	v7 =	vld [tilespmem:s30+$0xFFFFFFE0];
	_ =	sdelay $0x2  }
0xa5: {  	v5 =	vmul.f32 v5, v3;
	_ =	sdelay $0x1  }
0xa6: {  	v5 =	vadd.f32 v5, v6;
	v6 =	vmul.f32 v7, v4;
	_ =	sdelay $0x1  }
0xa7: {  	v5 =	vadd.f32 v6, v5;
	_ =	sdelay $0x1  }
0xa8: {  	[tilespmem:s9+$0xFFFFFFE0] =	vst v5  }
0xa9: {  	v5 =	vld [tilespmem:s28+$0xFFFFFFF0]  }
0xaa: {  	v6 =	vld [tilespmem:s9+$0xFFFFFFF0]  }
0xab: {  	v7 =	vld [tilespmem:s30+$0xFFFFFFF0];
	_ =	sdelay $0x2  }
0xac: {  	v5 =	vmul.f32 v5, v3;
	_ =	sdelay $0x1  }
0xad: {  	v5 =	vadd.f32 v5, v6;
	v6 =	vmul.f32 v7, v4;
	_ =	sdelay $0x1  }
0xae: {  	v5 =	vadd.f32 v6, v5;
	_ =	sdelay $0x1  }
0xaf: {  	[tilespmem:s9+$0xFFFFFFF0] =	vst v5  }
0xb0: {  	v5 =	vld [tilespmem:s28+$0x0]  }
0xb1: {  	v6 =	vld [tilespmem:s9+$0x0]  }
0xb2: {  	v7 =	vld [tilespmem:s30+$0x0];
	_ =	sdelay $0x2  }
0xb3: {  	v5 =	vmul.f32 v5, v3;
	_ =	sdelay $0x1  }
0xb4: {  	v5 =	vadd.f32 v5, v6;
	v6 =	vmul.f32 v7, v4;
	_ =	sdelay $0x1  }
0xb5: {  	v5 =	vadd.f32 v6, v5;
	_ =	sdelay $0x1  }
0xb6: {  	[tilespmem:s9+$0x0] =	vst v5  }
0xb7: {  	v5 =	vld [tilespmem:s28+$0x10]  }
0xb8: {  	v7 =	vld [tilespmem:s9+$0x10]  }
0xb9: {  	v6 =	vld [tilespmem:s30+$0x10];
	_ =	sdelay $0x2  }
0xba: {  	v5 =	vmul.f32 v5, v3;
	_ =	sdelay $0x1  }
0xbb: {  	v6 =	vmul.f32 v6, v4;
	v5 =	vadd.f32 v5, v7;
	_ =	sdelay $0x1  }
0xbc: {  	v5 =	vadd.f32 v6, v5;
	_ =	sdelay $0x1  }
0xbd: {  	[tilespmem:s9+$0x10] =	vst v5  }
0xbe: {  	v5 =	vld [tilespmem:s28+$0x20]  }
0xbf: {  	v7 =	vld [tilespmem:s9+$0x20]  }
0xc0: {  	v6 =	vld [tilespmem:s30+$0x20];
	_ =	sdelay $0x2  }
0xc1: {  	v5 =	vmul.f32 v5, v3;
	_ =	sdelay $0x1  }
0xc2: {  	v6 =	vmul.f32 v6, v4;
	v5 =	vadd.f32 v5, v7;
	_ =	sdelay $0x1  }
0xc3: {  	v5 =	vadd.f32 v6, v5;
	_ =	sdelay $0x1  }
0xc4: {  	[tilespmem:s9+$0x20] =	vst v5  }
0xc5: {  	v5 =	vld [tilespmem:s28+$0x30]  }
0xc6: {  	v7 =	vld [tilespmem:s9+$0x30]  }
0xc7: {  	v6 =	vld [tilespmem:s30+$0x30];
	_ =	sdelay $0x2  }
0xc8: {  	v5 =	vmul.f32 v5, v3;
	_ =	sdelay $0x1  }
0xc9: {  	v6 =	vmul.f32 v6, v4;
	v5 =	vadd.f32 v5, v7;
	_ =	sdelay $0x1  }
0xca: {  	v5 =	vadd.f32 v6, v5  }
0xcb: {  	s29 =	simm.s32 $0x0;
	s30 =	sadd.s32 $0x400, s30  }
.LBB2_3:
0xcc: {  	s29 =	sadd.s32 $0x8, s29;
	[tilespmem:s9+$0x30] =	vst v5;
	s9 =	sadd.s32 $0x400, s9;
	s28 =	sadd.s32 $0x400, s28  }
0xcd: {  	v5 =	vld [tilespmem:s28+$0xFFFFFFC0];
	p0 =	slt.u32 s29, $0x38  }
0xce: {  	v6 =	vld [tilespmem:s9+$0xFFFFFFC0]  }
0xcf: {  	v7 =	vld [tilespmem:s30+$0xFFFFFFC0];
	_ =	sdelay $0x2  }
0xd0: {  	v5 =	vmul.f32 v5, v3;
	_ =	sdelay $0x1  }
0xd1: {  	v5 =	vadd.f32 v5, v6;
	v6 =	vmul.f32 v7, v4;
	_ =	sdelay $0x1  }
0xd2: {  	v5 =	vadd.f32 v6, v5;
	_ =	sdelay $0x1  }
0xd3: {  	[tilespmem:s9+$0xFFFFFFC0] =	vst v5  }
0xd4: {  	v5 =	vld [tilespmem:s28+$0xFFFFFFD0]  }
0xd5: {  	v6 =	vld [tilespmem:s9+$0xFFFFFFD0]  }
0xd6: {  	v7 =	vld [tilespmem:s30+$0xFFFFFFD0];
	_ =	sdelay $0x2  }
0xd7: {  	v5 =	vmul.f32 v5, v3;
	_ =	sdelay $0x1  }
0xd8: {  	v5 =	vadd.f32 v5, v6;
	v6 =	vmul.f32 v7, v4;
	_ =	sdelay $0x1  }
0xd9: {  	v5 =	vadd.f32 v6, v5;
	_ =	sdelay $0x1  }
0xda: {  	[tilespmem:s9+$0xFFFFFFD0] =	vst v5  }
0xdb: {  	v5 =	vld [tilespmem:s28+$0xFFFFFFE0]  }
0xdc: {  	v6 =	vld [tilespmem:s9+$0xFFFFFFE0]  }
0xdd: {  	v7 =	vld [tilespmem:s30+$0xFFFFFFE0];
	_ =	sdelay $0x2  }
0xde: {  	v5 =	vmul.f32 v5, v3;
	_ =	sdelay $0x1  }
0xdf: {  	v5 =	vadd.f32 v5, v6;
	v6 =	vmul.f32 v7, v4;
	_ =	sdelay $0x1  }
0xe0: {  	v5 =	vadd.f32 v6, v5;
	_ =	sdelay $0x1  }
0xe1: {  	[tilespmem:s9+$0xFFFFFFE0] =	vst v5  }
0xe2: {  	v5 =	vld [tilespmem:s28+$0xFFFFFFF0]  }
0xe3: {  	v6 =	vld [tilespmem:s9+$0xFFFFFFF0]  }
0xe4: {  	v7 =	vld [tilespmem:s30+$0xFFFFFFF0];
	_ =	sdelay $0x2  }
0xe5: {  	v5 =	vmul.f32 v5, v3;
	_ =	sdelay $0x1  }
0xe6: {  	v5 =	vadd.f32 v5, v6;
	v6 =	vmul.f32 v7, v4;
	_ =	sdelay $0x1  }
0xe7: {  	v5 =	vadd.f32 v6, v5;
	_ =	sdelay $0x1  }
0xe8: {  	[tilespmem:s9+$0xFFFFFFF0] =	vst v5  }
0xe9: {  	v5 =	vld [tilespmem:s28+$0x0]  }
0xea: {  	v6 =	vld [tilespmem:s9+$0x0]  }
0xeb: {  	v7 =	vld [tilespmem:s30+$0x0];
	_ =	sdelay $0x2  }
0xec: {  	v5 =	vmul.f32 v5, v3;
	_ =	sdelay $0x1  }
0xed: {  	v5 =	vadd.f32 v5, v6;
	v6 =	vmul.f32 v7, v4;
	_ =	sdelay $0x1  }
0xee: {  	v5 =	vadd.f32 v6, v5;
	_ =	sdelay $0x1  }
0xef: {  	[tilespmem:s9+$0x0] =	vst v5  }
0xf0: {  	v5 =	vld [tilespmem:s28+$0x10]  }
0xf1: {  	v6 =	vld [tilespmem:s30+$0x10]  }
0xf2: {  	v7 =	vld [tilespmem:s9+$0x10];
	_ =	sdelay $0x2  }
0xf3: {  	v5 =	vmul.f32 v5, v3;
	_ =	sdelay $0x1  }
0xf4: {  	v6 =	vmul.f32 v6, v4;
	v5 =	vadd.f32 v5, v7;
	_ =	sdelay $0x1  }
0xf5: {  	v5 =	vadd.f32 v6, v5;
	_ =	sdelay $0x1  }
0xf6: {  	[tilespmem:s9+$0x10] =	vst v5  }
0xf7: {  	v5 =	vld [tilespmem:s28+$0x20]  }
0xf8: {  	v6 =	vld [tilespmem:s30+$0x20]  }
0xf9: {  	v7 =	vld [tilespmem:s9+$0x20];
	_ =	sdelay $0x2  }
0xfa: {  	v5 =	vmul.f32 v5, v3;
	_ =	sdelay $0x1  }
0xfb: {  	v6 =	vmul.f32 v6, v4;
	v5 =	vadd.f32 v5, v7;
	_ =	sdelay $0x1  }
0xfc: {  	v5 =	vadd.f32 v6, v5;
	_ =	sdelay $0x1  }
0xfd: {  	[tilespmem:s9+$0x20] =	vst v5  }
0xfe: {  	v5 =	vld [tilespmem:s28+$0x30]  }
0xff: {  	v6 =	vld [tilespmem:s30+$0x30]  }
0x100: {  	v7 =	vld [tilespmem:s9+$0x30];
	_ =	sdelay $0x2  }
0x101: {  	v5 =	vmul.f32 v5, v3  }
.Ltmp0:
0x102: {  	(pc) =	sbr.rel @p0 .LBB2_3-.Ltmp0, $3  }
0x103: {  	v6 =	vmul.f32 v6, v4;
	v5 =	vadd.f32 v5, v7;
	_ =	sdelay $0x1  }
0x104: {  	v5 =	vadd.f32 v6, v5  }
0x105: {  	s30 =	sadd.s32 $0x400, s30  }
0x106: {  	s26 =	sadd.s32 $0x1, s26  }
0x107: {  	p0 =	sne.s32 s26, $0x10  }
.Ltmp1:
0x108: {  	_ = 	snop;
	(pc) =	sbr.rel @p0 .LBB2_2-.Ltmp1, $2  }
0x109: {  	_ =	sdelay $0x2  }
0x10a: {  	[tilespmem:s9+$0x30] =	vst v5;
	s24 =	sadd.s32 $0x400, s24;
	s19 =	sadd.s32 $0x1, s19  }
0x10b: {  	s24 =	simm.s32 $0x0;
	s9 =	rddreg [dreg:$0x9]  }
0x10c: {  	[hbm4b:s9+s24] =	stream.linear.scatter [tilespmem:s25], [sflag:$0x3], $0x4000, $0x38;
	[tilespmem:$0x1C100] =	vst v63  }
0x10d: {  	_ =	swait.ge [sflag:s5], $0x4000  }
0x10e: {  	[sflag:s5] =	ssyncset.done $0x0  }
0x10f: {  	[sflag:s5] =	ssyncadd.s32 $0xFFFFC000  }
0x110: {  	v3 =	vld [tilespmem:$0x20];
	_ =	sdelay $0x4  }
0x111: {  	v4 =	vshll.u32 v3, $0x3  }
0x112: {  	v3 =	vand.u32 $0x7, v3;
	v4 =	vand.u32 $0xFFFFFFC0, v4  }
0x113: {  	v3 =	vor.u32 v3, v4  }
0x114: {  	v4 =	vperm.xlane v3, v0;
	_ =	sdelay $0x1  }
0x115: {  	v4 =	vadd.s32 v1, v4;
	_ =	sdelay $0x3  }
0x116: {  	s29 =	simm.s32 $0x4100  }
0x117: {  	[tilespmem:s29], [sflag:$0x1] =	stream.indirect_vreg.gather [hbm4b:s3+s24], $0x80, v4, vm0, $0xb8;
	[tilespmem:$0x1C100] =	vst v63  }
0x118: {  	s30 =	simm.s32 $0x4900;
	v3 =	vperm.xlane v3, v2  }
0x119: {  	[tilespmem:s30], [sflag:$0x1] =	stream.indirect_vreg.gather [hbm4b:s6+s24], $0x80, v4, vm0, $0xb8;
	[tilespmem:$0x1C100] =	vst v63  }
0x11a: {  	s19 =	simm.s32 $0x5100;
	v3 =	vadd.s32 v1, v3  }
0x11b: {  	[tilespmem:s19], [sflag:$0x1] =	stream.indirect_vreg.gather [hbm4b:s8+s24], $0x80, v4, vm0, $0xb8;
	[tilespmem:$0x1C100] =	vst v63  }
0x11c: {  	s26 =	simm.s32 $0x5900  }
0x11d: {  	[tilespmem:s26], [sflag:$0x1] =	stream.indirect_vreg.gather [hbm4b:s10+s24], $0x80, v4, vm0, $0xb8;
	[tilespmem:$0x1C100] =	vst v63  }
0x11e: {  	s28 =	simm.s32 $0x6100  }
0x11f: {  	[tilespmem:s28], [sflag:$0x1] =	stream.indirect_vreg.gather [hbm4b:s3+s24], $0x80, v3, vm0, $0xb8;
	[tilespmem:$0x1C100] =	vst v63  }
0x120: {  	s29 =	simm.s32 $0x6900  }
0x121: {  	[tilespmem:s29], [sflag:$0x1] =	stream.indirect_vreg.gather [hbm4b:s6+s24], $0x80, v3, vm0, $0xb8;
	[tilespmem:$0x1C100] =	vst v63  }
0x122: {  	s30 =	simm.s32 $0x7100  }
0x123: {  	[tilespmem:s30], [sflag:$0x1] =	stream.indirect_vreg.gather [hbm4b:s8+s24], $0x80, v3, vm0, $0xb8;
	[tilespmem:$0x1C100] =	vst v63  }
0x124: {  	s19 =	simm.s32 $0x7900  }
0x125: {  	[tilespmem:s19], [sflag:$0x1] =	stream.indirect_vreg.gather [hbm4b:s10+s24], $0x80, v3, vm0, $0xb8;
	[tilespmem:$0x1C100] =	vst v63  }
0x126: {  	v3 =	vld [tilespmem:$0xA0];
	_ =	sdelay $0x4  }
0x127: {  	v63 =	vshll.u32 v3, $0x3  }
0x128: {  	v3 =	vand.u32 $0x7, v3;
	v4 =	vand.u32 $0xFFFFFFC0, v63  }
0x129: {  	v3 =	vor.u32 v3, v4  }
0x12a: {  	v4 =	vperm.xlane v3, v0;
	_ =	sdelay $0x1  }
0x12b: {  	v4 =	vadd.s32 v1, v4;
	_ =	sdelay $0x3  }
0x12c: {  	s26 =	simm.s32 $0xC100  }
0x12d: {  	[tilespmem:s26], [sflag:$0x1] =	stream.indirect_vreg.gather [hbm4b:s3+s24], $0x80, v4, vm0, $0xb8;
	[tilespmem:$0x1C100] =	vst v63  }
0x12e: {  	s28 =	simm.s32 $0xC900;
	v3 =	vperm.xlane v3, v2  }
0x12f: {  	[tilespmem:s28], [sflag:$0x1] =	stream.indirect_vreg.gather [hbm4b:s6+s24], $0x80, v4, vm0, $0xb8;
	[tilespmem:$0x1C100] =	vst v63  }
0x130: {  	s29 =	simm.s32 $0xD100;
	v3 =	vadd.s32 v1, v3  }
0x131: {  	[tilespmem:s29], [sflag:$0x1] =	stream.indirect_vreg.gather [hbm4b:s8+s24], $0x80, v4, vm0, $0xb8;
	[tilespmem:$0x1C100] =	vst v63  }
0x132: {  	s30 =	simm.s32 $0xD900  }
0x133: {  	[tilespmem:s30], [sflag:$0x1] =	stream.indirect_vreg.gather [hbm4b:s10+s24], $0x80, v4, vm0, $0xb8;
	[tilespmem:$0x1C100] =	vst v63  }
0x134: {  	s19 =	simm.s32 $0xE100  }
0x135: {  	[tilespmem:s19], [sflag:$0x1] =	stream.indirect_vreg.gather [hbm4b:s3+s24], $0x80, v3, vm0, $0xb8;
	[tilespmem:$0x1C100] =	vst v63  }
0x136: {  	s26 =	simm.s32 $0xE900  }
0x137: {  	[tilespmem:s26], [sflag:$0x1] =	stream.indirect_vreg.gather [hbm4b:s6+s24], $0x80, v3, vm0, $0xb8;
	[tilespmem:$0x1C100] =	vst v63  }
0x138: {  	s28 =	simm.s32 $0xF100  }
0x139: {  	[tilespmem:s28], [sflag:$0x1] =	stream.indirect_vreg.gather [hbm4b:s8+s24], $0x80, v3, vm0, $0xb8;
	[tilespmem:$0x1C100] =	vst v63  }
0x13a: {  	s29 =	simm.s32 $0xF900  }
0x13b: {  	[tilespmem:s29], [sflag:$0x1] =	stream.indirect_vreg.gather [hbm4b:s10+s24], $0x80, v3, vm0, $0xb8;
	[tilespmem:$0x1C100] =	vst v63  }
0x13c: {  	s30 =	rddreg [dreg:$0xa]  }
0x13d: {  	[tilespmem:s25], [sflag:$0x1] =	stream.linear.gather [hbm4b:s30+s24], $0x4000, $0x38;
	[tilespmem:$0x1C100] =	vst v63  }
0x13e: {  	_ =	swait.ge [sflag:s17], $0x4000  }
0x13f: {  	[sflag:s17] =	ssyncset.done $0x0  }
0x140: {  	[sflag:s17] =	ssyncadd.s32 $0xFFFFC000  }
0x141: {  	_ =	swait.ge [sflag:s17], $0x4000  }
0x142: {  	[sflag:s17] =	ssyncset.done $0x0  }
0x143: {  	[sflag:s17] =	ssyncadd.s32 $0xFFFFC000  }
0x144: {  	_ =	swait.ge [sflag:s17], $0x4000  }
0x145: {  	[sflag:s17] =	ssyncset.done $0x0  }
0x146: {  	s19 =	simm.s32 $0x0;
	s26 =	simm.s32 $0x0;
	[sflag:s17] =	ssyncadd.s32 $0xFFFFC000  }
.LBB2_6:
0x147: {  	s9 =	sand.u32 $0x7, s19  }
0x148: {  	s9 =	sshll.u32 s9, $0x9  }
0x149: {  	s9 =	sshrl.u32 s9, $0x2  }
0x14a: {  	v3 =	vmov s9;
	_ =	sdelay $0x1  }
0x14b: {  	s9 =	sshll.u32 s26, $0x7  }
0x14c: {  	s29 =	sand.u32 $0x3FFFE000, s24;
	v4 =	vld [tilespmem:s9+$0x900]  }
0x14d: {  	s28 =	sadd.s32 $0x4100, s29;
	v5 =	vld [tilespmem:s9+$0x2900]  }
0x14e: {  	s9 =	sadd.s32 $0x14100, s29;
	v6 =	vld.idx.msk [tilespmem:v3+s28+$0x4000 ss:$0x1], $0xffff  }
0x14f: {  	s30 =	sadd.s32 $0xC100, s29;
	v7 =	vld.idx.msk [tilespmem:v3+s9+$0x4000 ss:$0x1], $0xffff  }
0x150: {  	v8 =	vld.idx.msk [tilespmem:v3+s30+$0x4000 ss:$0x1], $0xffff;
	_ =	sdelay $0x2  }
0x151: {  	v6 =	vmul.f32 v6, v4;
	_ =	sdelay $0x1  }
0x152: {  	v6 =	vadd.f32 v6, v7;
	v7 =	vmul.f32 v8, v5;
	_ =	sdelay $0x1  }
0x153: {  	v6 =	vadd.f32 v7, v6;
	_ =	sdelay $0x1  }
0x154: {  	[tilespmem:v3+s9+$0x4000 ss:$0x1] =	vst.idx.msk $0xffff, v6  }
0x155: {  	v6 =	vld.idx.msk [tilespmem:v3+s28+$0x4010 ss:$0x1], $0xffff  }
0x156: {  	v7 =	vld.idx.msk [tilespmem:v3+s30+$0x4010 ss:$0x1], $0xffff  }
0x157: {  	v8 =	vld.idx.msk [tilespmem:v3+s9+$0x4010 ss:$0x1], $0xffff;
	_ =	sdelay $0x2  }
0x158: {  	v6 =	vmul.f32 v6, v4;
	_ =	sdelay $0x1  }
0x159: {  	v7 =	vmul.f32 v7, v5;
	v6 =	vadd.f32 v6, v8;
	_ =	sdelay $0x1  }
0x15a: {  	v6 =	vadd.f32 v7, v6;
	_ =	sdelay $0x1  }
0x15b: {  	[tilespmem:v3+s9+$0x4010 ss:$0x1] =	vst.idx.msk $0xffff, v6  }
0x15c: {  	v6 =	vld.idx.msk [tilespmem:v3+s28+$0x4020 ss:$0x1], $0xffff  }
0x15d: {  	v7 =	vld.idx.msk [tilespmem:v3+s30+$0x4020 ss:$0x1], $0xffff  }
0x15e: {  	v8 =	vld.idx.msk [tilespmem:v3+s9+$0x4020 ss:$0x1], $0xffff;
	_ =	sdelay $0x2  }
0x15f: {  	v6 =	vmul.f32 v6, v4;
	_ =	sdelay $0x1  }
0x160: {  	v7 =	vmul.f32 v7, v5;
	v6 =	vadd.f32 v6, v8;
	_ =	sdelay $0x1  }
0x161: {  	v6 =	vadd.f32 v7, v6;
	_ =	sdelay $0x1  }
0x162: {  	[tilespmem:v3+s9+$0x4020 ss:$0x1] =	vst.idx.msk $0xffff, v6  }
0x163: {  	v6 =	vld.idx.msk [tilespmem:v3+s28+$0x4030 ss:$0x1], $0xffff  }
0x164: {  	v7 =	vld.idx.msk [tilespmem:v3+s30+$0x4030 ss:$0x1], $0xffff  }
0x165: {  	v8 =	vld.idx.msk [tilespmem:v3+s9+$0x4030 ss:$0x1], $0xffff;
	_ =	sdelay $0x2  }
0x166: {  	v6 =	vmul.f32 v6, v4;
	_ =	sdelay $0x1  }
0x167: {  	v7 =	vmul.f32 v7, v5;
	v6 =	vadd.f32 v6, v8;
	_ =	sdelay $0x1  }
0x168: {  	v6 =	vadd.f32 v7, v6;
	_ =	sdelay $0x1  }
0x169: {  	[tilespmem:v3+s9+$0x4030 ss:$0x1] =	vst.idx.msk $0xffff, v6  }
0x16a: {  	v6 =	vld.idx.msk [tilespmem:v3+s28+$0x4040 ss:$0x1], $0xffff  }
0x16b: {  	v7 =	vld.idx.msk [tilespmem:v3+s30+$0x4040 ss:$0x1], $0xffff  }
0x16c: {  	v8 =	vld.idx.msk [tilespmem:v3+s9+$0x4040 ss:$0x1], $0xffff;
	_ =	sdelay $0x2  }
0x16d: {  	v6 =	vmul.f32 v6, v4;
	_ =	sdelay $0x1  }
0x16e: {  	v7 =	vmul.f32 v7, v5;
	v6 =	vadd.f32 v6, v8;
	_ =	sdelay $0x1  }
0x16f: {  	v6 =	vadd.f32 v7, v6;
	_ =	sdelay $0x1  }
0x170: {  	[tilespmem:v3+s9+$0x4040 ss:$0x1] =	vst.idx.msk $0xffff, v6  }
0x171: {  	v6 =	vld.idx.msk [tilespmem:v3+s28+$0x4050 ss:$0x1], $0xffff  }
0x172: {  	v7 =	vld.idx.msk [tilespmem:v3+s30+$0x4050 ss:$0x1], $0xffff  }
0x173: {  	v8 =	vld.idx.msk [tilespmem:v3+s9+$0x4050 ss:$0x1], $0xffff;
	_ =	sdelay $0x2  }
0x174: {  	v6 =	vmul.f32 v6, v4;
	_ =	sdelay $0x1  }
0x175: {  	v7 =	vmul.f32 v7, v5;
	v6 =	vadd.f32 v6, v8;
	_ =	sdelay $0x1  }
0x176: {  	v6 =	vadd.f32 v7, v6;
	_ =	sdelay $0x1  }
0x177: {  	[tilespmem:v3+s9+$0x4050 ss:$0x1] =	vst.idx.msk $0xffff, v6  }
0x178: {  	v6 =	vld.idx.msk [tilespmem:v3+s28+$0x4060 ss:$0x1], $0xffff  }
0x179: {  	v7 =	vld.idx.msk [tilespmem:v3+s9+$0x4060 ss:$0x1], $0xffff  }
0x17a: {  	v8 =	vld.idx.msk [tilespmem:v3+s30+$0x4060 ss:$0x1], $0xffff;
	_ =	sdelay $0x2  }
0x17b: {  	v6 =	vmul.f32 v6, v4;
	_ =	sdelay $0x1  }
0x17c: {  	v6 =	vadd.f32 v6, v7;
	v7 =	vmul.f32 v8, v5;
	_ =	sdelay $0x1  }
0x17d: {  	v6 =	vadd.f32 v7, v6;
	_ =	sdelay $0x1  }
0x17e: {  	[tilespmem:v3+s9+$0x4060 ss:$0x1] =	vst.idx.msk $0xffff, v6  }
0x17f: {  	v6 =	vld.idx.msk [tilespmem:v3+s28+$0x4070 ss:$0x1], $0xffff  }
0x180: {  	v7 =	vld.idx.msk [tilespmem:v3+s9+$0x4070 ss:$0x1], $0xffff  }
0x181: {  	v8 =	vld.idx.msk [tilespmem:v3+s30+$0x4070 ss:$0x1], $0xffff;
	_ =	sdelay $0x2  }
0x182: {  	v6 =	vmul.f32 v6, v4;
	_ =	sdelay $0x1  }
0x183: {  	v6 =	vadd.f32 v6, v7;
	v7 =	vmul.f32 v8, v5;
	_ =	sdelay $0x1  }
0x184: {  	v6 =	vadd.f32 v7, v6  }
0x185: {  	s29 =	simm.s32 $0x0;
	s30 =	sadd.s32 $0x400, s30  }
.LBB2_7:
0x186: {  	s29 =	sadd.s32 $0x8, s29;
	[tilespmem:v3+s9+$0x4070 ss:$0x1] =	vst.idx.msk $0xffff, v6;
	s9 =	sadd.s32 $0x400, s9;
	s28 =	sadd.s32 $0x400, s28  }
0x187: {  	v6 =	vld.idx.msk [tilespmem:v3+s28+$0x4000 ss:$0x1], $0xffff;
	p0 =	slt.u32 s29, $0x38  }
0x188: {  	v7 =	vld.idx.msk [tilespmem:v3+s9+$0x4000 ss:$0x1], $0xffff  }
0x189: {  	v8 =	vld.idx.msk [tilespmem:v3+s30+$0x4000 ss:$0x1], $0xffff;
	_ =	sdelay $0x3  }
0x18a: {  	v6 =	vmul.f32 v6, v4;
	_ =	sdelay $0x1  }
0x18b: {  	v6 =	vadd.f32 v6, v7;
	v7 =	vmul.f32 v8, v5;
	_ =	sdelay $0x1  }
0x18c: {  	v6 =	vadd.f32 v7, v6;
	_ =	sdelay $0x1  }
0x18d: {  	[tilespmem:v3+s9+$0x4000 ss:$0x1] =	vst.idx.msk $0xffff, v6  }
0x18e: {  	v6 =	vld.idx.msk [tilespmem:v3+s28+$0x4010 ss:$0x1], $0xffff  }
0x18f: {  	v7 =	vld.idx.msk [tilespmem:v3+s30+$0x4010 ss:$0x1], $0xffff  }
0x190: {  	v8 =	vld.idx.msk [tilespmem:v3+s9+$0x4010 ss:$0x1], $0xffff;
	_ =	sdelay $0x3  }
0x191: {  	v6 =	vmul.f32 v6, v4;
	_ =	sdelay $0x1  }
0x192: {  	v7 =	vmul.f32 v7, v5;
	v6 =	vadd.f32 v6, v8;
	_ =	sdelay $0x1  }
0x193: {  	v6 =	vadd.f32 v7, v6;
	_ =	sdelay $0x1  }
0x194: {  	[tilespmem:v3+s9+$0x4010 ss:$0x1] =	vst.idx.msk $0xffff, v6  }
0x195: {  	v6 =	vld.idx.msk [tilespmem:v3+s28+$0x4020 ss:$0x1], $0xffff  }
0x196: {  	v7 =	vld.idx.msk [tilespmem:v3+s30+$0x4020 ss:$0x1], $0xffff  }
0x197: {  	v8 =	vld.idx.msk [tilespmem:v3+s9+$0x4020 ss:$0x1], $0xffff;
	_ =	sdelay $0x3  }
0x198: {  	v6 =	vmul.f32 v6, v4;
	_ =	sdelay $0x1  }
0x199: {  	v7 =	vmul.f32 v7, v5;
	v6 =	vadd.f32 v6, v8;
	_ =	sdelay $0x1  }
0x19a: {  	v6 =	vadd.f32 v7, v6;
	_ =	sdelay $0x1  }
0x19b: {  	[tilespmem:v3+s9+$0x4020 ss:$0x1] =	vst.idx.msk $0xffff, v6  }
0x19c: {  	v6 =	vld.idx.msk [tilespmem:v3+s28+$0x4030 ss:$0x1], $0xffff  }
0x19d: {  	v7 =	vld.idx.msk [tilespmem:v3+s30+$0x4030 ss:$0x1], $0xffff  }
0x19e: {  	v8 =	vld.idx.msk [tilespmem:v3+s9+$0x4030 ss:$0x1], $0xffff;
	_ =	sdelay $0x3  }
0x19f: {  	v6 =	vmul.f32 v6, v4;
	_ =	sdelay $0x1  }
0x1a0: {  	v7 =	vmul.f32 v7, v5;
	v6 =	vadd.f32 v6, v8;
	_ =	sdelay $0x1  }
0x1a1: {  	v6 =	vadd.f32 v7, v6;
	_ =	sdelay $0x1  }
0x1a2: {  	[tilespmem:v3+s9+$0x4030 ss:$0x1] =	vst.idx.msk $0xffff, v6  }
0x1a3: {  	v6 =	vld.idx.msk [tilespmem:v3+s28+$0x4040 ss:$0x1], $0xffff  }
0x1a4: {  	v7 =	vld.idx.msk [tilespmem:v3+s30+$0x4040 ss:$0x1], $0xffff  }
0x1a5: {  	v8 =	vld.idx.msk [tilespmem:v3+s9+$0x4040 ss:$0x1], $0xffff;
	_ =	sdelay $0x3  }
0x1a6: {  	v6 =	vmul.f32 v6, v4;
	_ =	sdelay $0x1  }
0x1a7: {  	v7 =	vmul.f32 v7, v5;
	v6 =	vadd.f32 v6, v8;
	_ =	sdelay $0x1  }
0x1a8: {  	v6 =	vadd.f32 v7, v6;
	_ =	sdelay $0x1  }
0x1a9: {  	[tilespmem:v3+s9+$0x4040 ss:$0x1] =	vst.idx.msk $0xffff, v6  }
0x1aa: {  	v6 =	vld.idx.msk [tilespmem:v3+s28+$0x4050 ss:$0x1], $0xffff  }
0x1ab: {  	v7 =	vld.idx.msk [tilespmem:v3+s30+$0x4050 ss:$0x1], $0xffff  }
0x1ac: {  	v8 =	vld.idx.msk [tilespmem:v3+s9+$0x4050 ss:$0x1], $0xffff;
	_ =	sdelay $0x3  }
0x1ad: {  	v6 =	vmul.f32 v6, v4;
	_ =	sdelay $0x1  }
0x1ae: {  	v7 =	vmul.f32 v7, v5;
	v6 =	vadd.f32 v6, v8;
	_ =	sdelay $0x1  }
0x1af: {  	v6 =	vadd.f32 v7, v6;
	_ =	sdelay $0x1  }
0x1b0: {  	[tilespmem:v3+s9+$0x4050 ss:$0x1] =	vst.idx.msk $0xffff, v6  }
0x1b1: {  	v6 =	vld.idx.msk [tilespmem:v3+s28+$0x4060 ss:$0x1], $0xffff  }
0x1b2: {  	v7 =	vld.idx.msk [tilespmem:v3+s9+$0x4060 ss:$0x1], $0xffff  }
0x1b3: {  	v8 =	vld.idx.msk [tilespmem:v3+s30+$0x4060 ss:$0x1], $0xffff;
	_ =	sdelay $0x3  }
0x1b4: {  	v6 =	vmul.f32 v6, v4;
	_ =	sdelay $0x1  }
0x1b5: {  	v6 =	vadd.f32 v6, v7;
	v7 =	vmul.f32 v8, v5;
	_ =	sdelay $0x1  }
0x1b6: {  	v6 =	vadd.f32 v7, v6;
	_ =	sdelay $0x1  }
0x1b7: {  	[tilespmem:v3+s9+$0x4060 ss:$0x1] =	vst.idx.msk $0xffff, v6  }
0x1b8: {  	v6 =	vld.idx.msk [tilespmem:v3+s28+$0x4070 ss:$0x1], $0xffff  }
0x1b9: {  	v7 =	vld.idx.msk [tilespmem:v3+s9+$0x4070 ss:$0x1], $0xffff  }
0x1ba: {  	v8 =	vld.idx.msk [tilespmem:v3+s30+$0x4070 ss:$0x1], $0xffff;
	_ =	sdelay $0x3  }
0x1bb: {  	v6 =	vmul.f32 v6, v4  }
.Ltmp2:
0x1bc: {  	(pc) =	sbr.rel @p0 .LBB2_7-.Ltmp2, $3  }
0x1bd: {  	v6 =	vadd.f32 v6, v7;
	v7 =	vmul.f32 v8, v5;
	_ =	sdelay $0x1  }
0x1be: {  	v6 =	vadd.f32 v7, v6  }
0x1bf: {  	s30 =	sadd.s32 $0x400, s30  }
0x1c0: {  	s26 =	sadd.s32 $0x1, s26  }
0x1c1: {  	p0 =	sne.s32 s26, $0x10  }
.Ltmp3:
0x1c2: {  	_ = 	snop;
	(pc) =	sbr.rel @p0 .LBB2_6-.Ltmp3, $2  }
0x1c3: {  	_ =	sdelay $0x2  }
0x1c4: {  	[tilespmem:v3+s9+$0x4070 ss:$0x1] =	vst.idx.msk $0xffff, v6;
	s19 =	sadd.s32 $0x1, s19;
	s24 =	sadd.s32 $0x400, s24  }
0x1c5: {  	s24 =	simm.s32 $0x0;
	s9 =	rddreg [dreg:$0xb]  }
0x1c6: {  	[hbm4b:s9+s24] =	stream.linear.scatter [tilespmem:s4], [sflag:$0x4], $0x4000, $0x38;
	[tilespmem:$0x1C100] =	vst v63  }
0x1c7: {  	_ =	swait.ge [sflag:s7], $0x4000  }
0x1c8: {  	[sflag:s7] =	ssyncset.done $0x0  }
0x1c9: {  	[sflag:s7] =	ssyncadd.s32 $0xFFFFC000  }
0x1ca: {  	v3 =	vld [tilespmem:$0x30];
	_ =	sdelay $0x4  }
0x1cb: {  	v4 =	vshll.u32 v3, $0x3  }
0x1cc: {  	v3 =	vand.u32 $0x7, v3;
	v4 =	vand.u32 $0xFFFFFFC0, v4  }
0x1cd: {  	v3 =	vor.u32 v3, v4  }
0x1ce: {  	v4 =	vperm.xlane v3, v0;
	_ =	sdelay $0x1  }
0x1cf: {  	v4 =	vadd.s32 v1, v4;
	_ =	sdelay $0x3  }
0x1d0: {  	s30 =	simm.s32 $0x8100  }
0x1d1: {  	[tilespmem:s30], [sflag:$0x2] =	stream.indirect_vreg.gather [hbm4b:s3+s24], $0x80, v4, vm0, $0xb8;
	[tilespmem:$0x1C100] =	vst v63  }
0x1d2: {  	s19 =	simm.s32 $0x8900;
	v3 =	vperm.xlane v3, v2  }
0x1d3: {  	[tilespmem:s19], [sflag:$0x2] =	stream.indirect_vreg.gather [hbm4b:s6+s24], $0x80, v4, vm0, $0xb8;
	[tilespmem:$0x1C100] =	vst v63  }
0x1d4: {  	s26 =	simm.s32 $0x9100;
	v3 =	vadd.s32 v1, v3  }
0x1d5: {  	[tilespmem:s26], [sflag:$0x2] =	stream.indirect_vreg.gather [hbm4b:s8+s24], $0x80, v4, vm0, $0xb8;
	[tilespmem:$0x1C100] =	vst v63  }
0x1d6: {  	s28 =	simm.s32 $0x9900  }
0x1d7: {  	[tilespmem:s28], [sflag:$0x2] =	stream.indirect_vreg.gather [hbm4b:s10+s24], $0x80, v4, vm0, $0xb8;
	[tilespmem:$0x1C100] =	vst v63  }
0x1d8: {  	s29 =	simm.s32 $0xA100  }
0x1d9: {  	[tilespmem:s29], [sflag:$0x2] =	stream.indirect_vreg.gather [hbm4b:s3+s24], $0x80, v3, vm0, $0xb8;
	[tilespmem:$0x1C100] =	vst v63  }
0x1da: {  	_ = 	snop  }
0x1db: {  	[tilespmem:s11], [sflag:$0x2] =	stream.indirect_vreg.gather [hbm4b:s6+s24], $0x80, v3, vm0, $0xb8;
	[tilespmem:$0x1C100] =	vst v63  }
0x1dc: {  	_ = 	snop  }
0x1dd: {  	[tilespmem:s31], [sflag:$0x2] =	stream.indirect_vreg.gather [hbm4b:s8+s24], $0x80, v3, vm0, $0xb8;
	[tilespmem:$0x1C100] =	vst v63  }
0x1de: {  	_ = 	snop  }
0x1df: {  	[tilespmem:s12], [sflag:$0x2] =	stream.indirect_vreg.gather [hbm4b:s10+s24], $0x80, v3, vm0, $0xb8;
	[tilespmem:$0x1C100] =	vst v63  }
0x1e0: {  	v3 =	vld [tilespmem:$0xB0];
	_ =	sdelay $0x4  }
0x1e1: {  	v63 =	vshll.u32 v3, $0x3  }
0x1e2: {  	v3 =	vand.u32 $0x7, v3;
	v4 =	vand.u32 $0xFFFFFFC0, v63  }
0x1e3: {  	v3 =	vor.u32 v3, v4  }
0x1e4: {  	v4 =	vperm.xlane v3, v0;
	_ =	sdelay $0x1  }
0x1e5: {  	v4 =	vadd.s32 v1, v4;
	_ =	sdelay $0x4  }
0x1e6: {  	[tilespmem:s0], [sflag:$0x2] =	stream.indirect_vreg.gather [hbm4b:s3+s24], $0x80, v4, vm0, $0xb8;
	[tilespmem:$0x1C100] =	vst v63  }
0x1e7: {  	v3 =	vperm.xlane v3, v2  }
0x1e8: {  	[tilespmem:s1], [sflag:$0x2] =	stream.indirect_vreg.gather [hbm4b:s6+s24], $0x80, v4, vm0, $0xb8;
	[tilespmem:$0x1C100] =	vst v63  }
0x1e9: {  	v3 =	vadd.s32 v1, v3  }
0x1ea: {  	[tilespmem:s13], [sflag:$0x2] =	stream.indirect_vreg.gather [hbm4b:s8+s24], $0x80, v4, vm0, $0xb8;
	[tilespmem:$0x1C100] =	vst v63  }
0x1eb: {  	_ = 	snop  }
0x1ec: {  	[tilespmem:s21], [sflag:$0x2] =	stream.indirect_vreg.gather [hbm4b:s10+s24], $0x80, v4, vm0, $0xb8;
	[tilespmem:$0x1C100] =	vst v63  }
0x1ed: {  	_ = 	snop  }
0x1ee: {  	[tilespmem:s14], [sflag:$0x2] =	stream.indirect_vreg.gather [hbm4b:s3+s24], $0x80, v3, vm0, $0xb8;
	[tilespmem:$0x1C100] =	vst v63  }
0x1ef: {  	_ = 	snop  }
0x1f0: {  	[tilespmem:s22], [sflag:$0x2] =	stream.indirect_vreg.gather [hbm4b:s6+s24], $0x80, v3, vm0, $0xb8;
	[tilespmem:$0x1C100] =	vst v63  }
0x1f1: {  	_ = 	snop  }
0x1f2: {  	[tilespmem:s23], [sflag:$0x2] =	stream.indirect_vreg.gather [hbm4b:s8+s24], $0x80, v3, vm0, $0xb8;
	[tilespmem:$0x1C100] =	vst v63  }
0x1f3: {  	_ = 	snop  }
0x1f4: {  	[tilespmem:s15], [sflag:$0x2] =	stream.indirect_vreg.gather [hbm4b:s10+s24], $0x80, v3, vm0, $0xb8;
	[tilespmem:$0x1C100] =	vst v63  }
0x1f5: {  	s30 =	rddreg [dreg:$0xc]  }
0x1f6: {  	[tilespmem:s4], [sflag:$0x2] =	stream.linear.gather [hbm4b:s30+s24], $0x4000, $0x38;
	[tilespmem:$0x1C100] =	vst v63  }
0x1f7: {  	_ =	swait.ge [sflag:s16], $0x4000  }
0x1f8: {  	[sflag:s16] =	ssyncset.done $0x0  }
0x1f9: {  	[sflag:s16] =	ssyncadd.s32 $0xFFFFC000  }
0x1fa: {  	_ =	swait.ge [sflag:s16], $0x4000  }
0x1fb: {  	[sflag:s16] =	ssyncset.done $0x0  }
0x1fc: {  	[sflag:s16] =	ssyncadd.s32 $0xFFFFC000  }
0x1fd: {  	_ =	swait.ge [sflag:s16], $0x4000  }
0x1fe: {  	[sflag:s16] =	ssyncset.done $0x0  }
0x1ff: {  	s19 =	simm.s32 $0x0;
	s26 =	simm.s32 $0x0;
	[sflag:s16] =	ssyncadd.s32 $0xFFFFC000  }
.LBB2_10:
0x200: {  	s9 =	sshll.u32 s19, $0x2;
	s28 =	sand.u32 $0x7, s24  }
0x201: {  	s9 =	sand.u32 $0xFFFF8000, s9;
	s28 =	sshll.u32 s28, $0x9  }
0x202: {  	s29 =	sshll.u32 s26, $0x7;
	s9 =	sor.u32 s28, s9  }
0x203: {  	v3 =	vld [tilespmem:s29+$0x1100];
	s30 =	sshrl.u32 s9, $0x2  }
0x204: {  	v4 =	vld [tilespmem:s29+$0x3100];
	s28 =	sadd.s32 $0x4140, s30  }
0x205: {  	s9 =	sadd.s32 $0x14140, s30;
	v5 =	vld [tilespmem:s28+$0xFFFFFFC0]  }
0x206: {  	s30 =	sadd.s32 $0xC140, s30;
	v6 =	vld [tilespmem:s9+$0xFFFFFFC0]  }
0x207: {  	v7 =	vld [tilespmem:s30+$0xFFFFFFC0];
	_ =	sdelay $0x2  }
0x208: {  	v5 =	vmul.f32 v5, v3;
	_ =	sdelay $0x1  }
0x209: {  	v5 =	vadd.f32 v5, v6;
	v6 =	vmul.f32 v7, v4;
	_ =	sdelay $0x1  }
0x20a: {  	v5 =	vadd.f32 v6, v5;
	_ =	sdelay $0x1  }
0x20b: {  	[tilespmem:s9+$0xFFFFFFC0] =	vst v5  }
0x20c: {  	v5 =	vld [tilespmem:s28+$0xFFFFFFD0]  }
0x20d: {  	v6 =	vld [tilespmem:s9+$0xFFFFFFD0]  }
0x20e: {  	v7 =	vld [tilespmem:s30+$0xFFFFFFD0];
	_ =	sdelay $0x2  }
0x20f: {  	v5 =	vmul.f32 v5, v3;
	_ =	sdelay $0x1  }
0x210: {  	v5 =	vadd.f32 v5, v6;
	v6 =	vmul.f32 v7, v4;
	_ =	sdelay $0x1  }
0x211: {  	v5 =	vadd.f32 v6, v5;
	_ =	sdelay $0x1  }
0x212: {  	[tilespmem:s9+$0xFFFFFFD0] =	vst v5  }
0x213: {  	v5 =	vld [tilespmem:s28+$0xFFFFFFE0]  }
0x214: {  	v6 =	vld [tilespmem:s9+$0xFFFFFFE0]  }
0x215: {  	v7 =	vld [tilespmem:s30+$0xFFFFFFE0];
	_ =	sdelay $0x2  }
0x216: {  	v5 =	vmul.f32 v5, v3;
	_ =	sdelay $0x1  }
0x217: {  	v5 =	vadd.f32 v5, v6;
	v6 =	vmul.f32 v7, v4;
	_ =	sdelay $0x1  }
0x218: {  	v5 =	vadd.f32 v6, v5;
	_ =	sdelay $0x1  }
0x219: {  	[tilespmem:s9+$0xFFFFFFE0] =	vst v5  }
0x21a: {  	v5 =	vld [tilespmem:s28+$0xFFFFFFF0]  }
0x21b: {  	v6 =	vld [tilespmem:s9+$0xFFFFFFF0]  }
0x21c: {  	v7 =	vld [tilespmem:s30+$0xFFFFFFF0];
	_ =	sdelay $0x2  }
0x21d: {  	v5 =	vmul.f32 v5, v3;
	_ =	sdelay $0x1  }
0x21e: {  	v5 =	vadd.f32 v5, v6;
	v6 =	vmul.f32 v7, v4;
	_ =	sdelay $0x1  }
0x21f: {  	v5 =	vadd.f32 v6, v5;
	_ =	sdelay $0x1  }
0x220: {  	[tilespmem:s9+$0xFFFFFFF0] =	vst v5  }
0x221: {  	v5 =	vld [tilespmem:s28+$0x0]  }
0x222: {  	v6 =	vld [tilespmem:s9+$0x0]  }
0x223: {  	v7 =	vld [tilespmem:s30+$0x0];
	_ =	sdelay $0x2  }
0x224: {  	v5 =	vmul.f32 v5, v3;
	_ =	sdelay $0x1  }
0x225: {  	v5 =	vadd.f32 v5, v6;
	v6 =	vmul.f32 v7, v4;
	_ =	sdelay $0x1  }
0x226: {  	v5 =	vadd.f32 v6, v5;
	_ =	sdelay $0x1  }
0x227: {  	[tilespmem:s9+$0x0] =	vst v5  }
0x228: {  	v5 =	vld [tilespmem:s28+$0x10]  }
0x229: {  	v7 =	vld [tilespmem:s9+$0x10]  }
0x22a: {  	v6 =	vld [tilespmem:s30+$0x10];
	_ =	sdelay $0x2  }
0x22b: {  	v5 =	vmul.f32 v5, v3;
	_ =	sdelay $0x1  }
0x22c: {  	v6 =	vmul.f32 v6, v4;
	v5 =	vadd.f32 v5, v7;
	_ =	sdelay $0x1  }
0x22d: {  	v5 =	vadd.f32 v6, v5;
	_ =	sdelay $0x1  }
0x22e: {  	[tilespmem:s9+$0x10] =	vst v5  }
0x22f: {  	v5 =	vld [tilespmem:s28+$0x20]  }
0x230: {  	v7 =	vld [tilespmem:s9+$0x20]  }
0x231: {  	v6 =	vld [tilespmem:s30+$0x20];
	_ =	sdelay $0x2  }
0x232: {  	v5 =	vmul.f32 v5, v3;
	_ =	sdelay $0x1  }
0x233: {  	v6 =	vmul.f32 v6, v4;
	v5 =	vadd.f32 v5, v7;
	_ =	sdelay $0x1  }
0x234: {  	v5 =	vadd.f32 v6, v5;
	_ =	sdelay $0x1  }
0x235: {  	[tilespmem:s9+$0x20] =	vst v5  }
0x236: {  	v5 =	vld [tilespmem:s28+$0x30]  }
0x237: {  	v7 =	vld [tilespmem:s9+$0x30]  }
0x238: {  	v6 =	vld [tilespmem:s30+$0x30];
	_ =	sdelay $0x2  }
0x239: {  	v5 =	vmul.f32 v5, v3;
	_ =	sdelay $0x1  }
0x23a: {  	v6 =	vmul.f32 v6, v4;
	v5 =	vadd.f32 v5, v7;
	_ =	sdelay $0x1  }
0x23b: {  	v5 =	vadd.f32 v6, v5  }
0x23c: {  	s29 =	simm.s32 $0x0;
	s30 =	sadd.s32 $0x400, s30  }
.LBB2_11:
0x23d: {  	s29 =	sadd.s32 $0x8, s29;
	[tilespmem:s9+$0x30] =	vst v5;
	s9 =	sadd.s32 $0x400, s9;
	s28 =	sadd.s32 $0x400, s28  }
0x23e: {  	v5 =	vld [tilespmem:s28+$0xFFFFFFC0];
	p0 =	slt.u32 s29, $0x38  }
0x23f: {  	v6 =	vld [tilespmem:s9+$0xFFFFFFC0]  }
0x240: {  	v7 =	vld [tilespmem:s30+$0xFFFFFFC0];
	_ =	sdelay $0x2  }
0x241: {  	v5 =	vmul.f32 v5, v3;
	_ =	sdelay $0x1  }
0x242: {  	v5 =	vadd.f32 v5, v6;
	v6 =	vmul.f32 v7, v4;
	_ =	sdelay $0x1  }
0x243: {  	v5 =	vadd.f32 v6, v5;
	_ =	sdelay $0x1  }
0x244: {  	[tilespmem:s9+$0xFFFFFFC0] =	vst v5  }
0x245: {  	v5 =	vld [tilespmem:s28+$0xFFFFFFD0]  }
0x246: {  	v6 =	vld [tilespmem:s9+$0xFFFFFFD0]  }
0x247: {  	v7 =	vld [tilespmem:s30+$0xFFFFFFD0];
	_ =	sdelay $0x2  }
0x248: {  	v5 =	vmul.f32 v5, v3;
	_ =	sdelay $0x1  }
0x249: {  	v5 =	vadd.f32 v5, v6;
	v6 =	vmul.f32 v7, v4;
	_ =	sdelay $0x1  }
0x24a: {  	v5 =	vadd.f32 v6, v5;
	_ =	sdelay $0x1  }
0x24b: {  	[tilespmem:s9+$0xFFFFFFD0] =	vst v5  }
0x24c: {  	v5 =	vld [tilespmem:s28+$0xFFFFFFE0]  }
0x24d: {  	v6 =	vld [tilespmem:s9+$0xFFFFFFE0]  }
0x24e: {  	v7 =	vld [tilespmem:s30+$0xFFFFFFE0];
	_ =	sdelay $0x2  }
0x24f: {  	v5 =	vmul.f32 v5, v3;
	_ =	sdelay $0x1  }
0x250: {  	v5 =	vadd.f32 v5, v6;
	v6 =	vmul.f32 v7, v4;
	_ =	sdelay $0x1  }
0x251: {  	v5 =	vadd.f32 v6, v5;
	_ =	sdelay $0x1  }
0x252: {  	[tilespmem:s9+$0xFFFFFFE0] =	vst v5  }
0x253: {  	v5 =	vld [tilespmem:s28+$0xFFFFFFF0]  }
0x254: {  	v6 =	vld [tilespmem:s9+$0xFFFFFFF0]  }
0x255: {  	v7 =	vld [tilespmem:s30+$0xFFFFFFF0];
	_ =	sdelay $0x2  }
0x256: {  	v5 =	vmul.f32 v5, v3;
	_ =	sdelay $0x1  }
0x257: {  	v5 =	vadd.f32 v5, v6;
	v6 =	vmul.f32 v7, v4;
	_ =	sdelay $0x1  }
0x258: {  	v5 =	vadd.f32 v6, v5;
	_ =	sdelay $0x1  }
0x259: {  	[tilespmem:s9+$0xFFFFFFF0] =	vst v5  }
0x25a: {  	v5 =	vld [tilespmem:s28+$0x0]  }
0x25b: {  	v6 =	vld [tilespmem:s9+$0x0]  }
0x25c: {  	v7 =	vld [tilespmem:s30+$0x0];
	_ =	sdelay $0x2  }
0x25d: {  	v5 =	vmul.f32 v5, v3;
	_ =	sdelay $0x1  }
0x25e: {  	v5 =	vadd.f32 v5, v6;
	v6 =	vmul.f32 v7, v4;
	_ =	sdelay $0x1  }
0x25f: {  	v5 =	vadd.f32 v6, v5;
	_ =	sdelay $0x1  }
0x260: {  	[tilespmem:s9+$0x0] =	vst v5  }
0x261: {  	v5 =	vld [tilespmem:s28+$0x10]  }
0x262: {  	v6 =	vld [tilespmem:s30+$0x10]  }
0x263: {  	v7 =	vld [tilespmem:s9+$0x10];
	_ =	sdelay $0x2  }
0x264: {  	v5 =	vmul.f32 v5, v3;
	_ =	sdelay $0x1  }
0x265: {  	v6 =	vmul.f32 v6, v4;
	v5 =	vadd.f32 v5, v7;
	_ =	sdelay $0x1  }
0x266: {  	v5 =	vadd.f32 v6, v5;
	_ =	sdelay $0x1  }
0x267: {  	[tilespmem:s9+$0x10] =	vst v5  }
0x268: {  	v5 =	vld [tilespmem:s28+$0x20]  }
0x269: {  	v6 =	vld [tilespmem:s30+$0x20]  }
0x26a: {  	v7 =	vld [tilespmem:s9+$0x20];
	_ =	sdelay $0x2  }
0x26b: {  	v5 =	vmul.f32 v5, v3;
	_ =	sdelay $0x1  }
0x26c: {  	v6 =	vmul.f32 v6, v4;
	v5 =	vadd.f32 v5, v7;
	_ =	sdelay $0x1  }
0x26d: {  	v5 =	vadd.f32 v6, v5;
	_ =	sdelay $0x1  }
0x26e: {  	[tilespmem:s9+$0x20] =	vst v5  }
0x26f: {  	v5 =	vld [tilespmem:s28+$0x30]  }
0x270: {  	v6 =	vld [tilespmem:s30+$0x30]  }
0x271: {  	v7 =	vld [tilespmem:s9+$0x30];
	_ =	sdelay $0x2  }
0x272: {  	v5 =	vmul.f32 v5, v3  }
.Ltmp4:
0x273: {  	(pc) =	sbr.rel @p0 .LBB2_11-.Ltmp4, $3  }
0x274: {  	v6 =	vmul.f32 v6, v4;
	v5 =	vadd.f32 v5, v7;
	_ =	sdelay $0x1  }
0x275: {  	v5 =	vadd.f32 v6, v5  }
0x276: {  	s30 =	sadd.s32 $0x400, s30  }
0x277: {  	s26 =	sadd.s32 $0x1, s26  }
0x278: {  	p0 =	sne.s32 s26, $0x10  }
.Ltmp5:
0x279: {  	_ = 	snop;
	(pc) =	sbr.rel @p0 .LBB2_10-.Ltmp5, $2  }
0x27a: {  	_ =	sdelay $0x2  }
0x27b: {  	[tilespmem:s9+$0x30] =	vst v5;
	s19 =	sadd.s32 $0x400, s19;
	s24 =	sadd.s32 $0x1, s24  }
0x27c: {  	s24 =	simm.s32 $0x0;
	s9 =	rddreg [dreg:$0xd]  }
0x27d: {  	[hbm4b:s9+s24] =	stream.linear.scatter [tilespmem:s25], [sflag:$0x3], $0x4000, $0x38;
	[tilespmem:$0x1C100] =	vst v63  }
0x27e: {  	_ =	swait.ge [sflag:s17], $0x4000  }
0x27f: {  	[sflag:s17] =	ssyncset.done $0x0  }
0x280: {  	[sflag:s17] =	ssyncadd.s32 $0xFFFFC000  }
0x281: {  	_ =	swait.ge [sflag:s17], $0x4000  }
0x282: {  	[sflag:s17] =	ssyncset.done $0x0  }
0x283: {  	[sflag:s17] =	ssyncadd.s32 $0xFFFFC000  }
0x284: {  	_ =	swait.ge [sflag:s17], $0x4000  }
0x285: {  	[sflag:s17] =	ssyncset.done $0x0  }
0x286: {  	s19 =	simm.s32 $0x0;
	s26 =	simm.s32 $0x0;
	[sflag:s17] =	ssyncadd.s32 $0xFFFFC000  }
.LBB2_14:
0x287: {  	s9 =	sand.u32 $0x7, s19  }
0x288: {  	s9 =	sshll.u32 s9, $0x9  }
0x289: {  	s9 =	sshrl.u32 s9, $0x2  }
0x28a: {  	v3 =	vmov s9;
	_ =	sdelay $0x1  }
0x28b: {  	s9 =	sshll.u32 s26, $0x7  }
0x28c: {  	s29 =	sand.u32 $0x3FFFE000, s24;
	v4 =	vld [tilespmem:s9+$0x1900]  }
0x28d: {  	s28 =	sadd.s32 $0x4100, s29;
	v5 =	vld [tilespmem:s9+$0x3900]  }
0x28e: {  	s9 =	sadd.s32 $0x14100, s29;
	v6 =	vld.idx.msk [tilespmem:v3+s28+$0x4000 ss:$0x1], $0xffff  }
0x28f: {  	s30 =	sadd.s32 $0xC100, s29;
	v7 =	vld.idx.msk [tilespmem:v3+s9+$0x4000 ss:$0x1], $0xffff  }
0x290: {  	v8 =	vld.idx.msk [tilespmem:v3+s30+$0x4000 ss:$0x1], $0xffff;
	_ =	sdelay $0x2  }
0x291: {  	v6 =	vmul.f32 v6, v4;
	_ =	sdelay $0x1  }
0x292: {  	v6 =	vadd.f32 v6, v7;
	v7 =	vmul.f32 v8, v5;
	_ =	sdelay $0x1  }
0x293: {  	v6 =	vadd.f32 v7, v6;
	_ =	sdelay $0x1  }
0x294: {  	[tilespmem:v3+s9+$0x4000 ss:$0x1] =	vst.idx.msk $0xffff, v6  }
0x295: {  	v6 =	vld.idx.msk [tilespmem:v3+s28+$0x4010 ss:$0x1], $0xffff  }
0x296: {  	v7 =	vld.idx.msk [tilespmem:v3+s30+$0x4010 ss:$0x1], $0xffff  }
0x297: {  	v8 =	vld.idx.msk [tilespmem:v3+s9+$0x4010 ss:$0x1], $0xffff;
	_ =	sdelay $0x2  }
0x298: {  	v6 =	vmul.f32 v6, v4;
	_ =	sdelay $0x1  }
0x299: {  	v7 =	vmul.f32 v7, v5;
	v6 =	vadd.f32 v6, v8;
	_ =	sdelay $0x1  }
0x29a: {  	v6 =	vadd.f32 v7, v6;
	_ =	sdelay $0x1  }
0x29b: {  	[tilespmem:v3+s9+$0x4010 ss:$0x1] =	vst.idx.msk $0xffff, v6  }
0x29c: {  	v6 =	vld.idx.msk [tilespmem:v3+s28+$0x4020 ss:$0x1], $0xffff  }
0x29d: {  	v7 =	vld.idx.msk [tilespmem:v3+s30+$0x4020 ss:$0x1], $0xffff  }
0x29e: {  	v8 =	vld.idx.msk [tilespmem:v3+s9+$0x4020 ss:$0x1], $0xffff;
	_ =	sdelay $0x2  }
0x29f: {  	v6 =	vmul.f32 v6, v4;
	_ =	sdelay $0x1  }
0x2a0: {  	v7 =	vmul.f32 v7, v5;
	v6 =	vadd.f32 v6, v8;
	_ =	sdelay $0x1  }
0x2a1: {  	v6 =	vadd.f32 v7, v6;
	_ =	sdelay $0x1  }
0x2a2: {  	[tilespmem:v3+s9+$0x4020 ss:$0x1] =	vst.idx.msk $0xffff, v6  }
0x2a3: {  	v6 =	vld.idx.msk [tilespmem:v3+s28+$0x4030 ss:$0x1], $0xffff  }
0x2a4: {  	v7 =	vld.idx.msk [tilespmem:v3+s30+$0x4030 ss:$0x1], $0xffff  }
0x2a5: {  	v8 =	vld.idx.msk [tilespmem:v3+s9+$0x4030 ss:$0x1], $0xffff;
	_ =	sdelay $0x2  }
0x2a6: {  	v6 =	vmul.f32 v6, v4;
	_ =	sdelay $0x1  }
0x2a7: {  	v7 =	vmul.f32 v7, v5;
	v6 =	vadd.f32 v6, v8;
	_ =	sdelay $0x1  }
0x2a8: {  	v6 =	vadd.f32 v7, v6;
	_ =	sdelay $0x1  }
0x2a9: {  	[tilespmem:v3+s9+$0x4030 ss:$0x1] =	vst.idx.msk $0xffff, v6  }
0x2aa: {  	v6 =	vld.idx.msk [tilespmem:v3+s28+$0x4040 ss:$0x1], $0xffff  }
0x2ab: {  	v7 =	vld.idx.msk [tilespmem:v3+s30+$0x4040 ss:$0x1], $0xffff  }
0x2ac: {  	v8 =	vld.idx.msk [tilespmem:v3+s9+$0x4040 ss:$0x1], $0xffff;
	_ =	sdelay $0x2  }
0x2ad: {  	v6 =	vmul.f32 v6, v4;
	_ =	sdelay $0x1  }
0x2ae: {  	v7 =	vmul.f32 v7, v5;
	v6 =	vadd.f32 v6, v8;
	_ =	sdelay $0x1  }
0x2af: {  	v6 =	vadd.f32 v7, v6;
	_ =	sdelay $0x1  }
0x2b0: {  	[tilespmem:v3+s9+$0x4040 ss:$0x1] =	vst.idx.msk $0xffff, v6  }
0x2b1: {  	v6 =	vld.idx.msk [tilespmem:v3+s28+$0x4050 ss:$0x1], $0xffff  }
0x2b2: {  	v7 =	vld.idx.msk [tilespmem:v3+s30+$0x4050 ss:$0x1], $0xffff  }
0x2b3: {  	v8 =	vld.idx.msk [tilespmem:v3+s9+$0x4050 ss:$0x1], $0xffff;
	_ =	sdelay $0x2  }
0x2b4: {  	v6 =	vmul.f32 v6, v4;
	_ =	sdelay $0x1  }
0x2b5: {  	v7 =	vmul.f32 v7, v5;
	v6 =	vadd.f32 v6, v8;
	_ =	sdelay $0x1  }
0x2b6: {  	v6 =	vadd.f32 v7, v6;
	_ =	sdelay $0x1  }
0x2b7: {  	[tilespmem:v3+s9+$0x4050 ss:$0x1] =	vst.idx.msk $0xffff, v6  }
0x2b8: {  	v6 =	vld.idx.msk [tilespmem:v3+s28+$0x4060 ss:$0x1], $0xffff  }
0x2b9: {  	v7 =	vld.idx.msk [tilespmem:v3+s9+$0x4060 ss:$0x1], $0xffff  }
0x2ba: {  	v8 =	vld.idx.msk [tilespmem:v3+s30+$0x4060 ss:$0x1], $0xffff;
	_ =	sdelay $0x2  }
0x2bb: {  	v6 =	vmul.f32 v6, v4;
	_ =	sdelay $0x1  }
0x2bc: {  	v6 =	vadd.f32 v6, v7;
	v7 =	vmul.f32 v8, v5;
	_ =	sdelay $0x1  }
0x2bd: {  	v6 =	vadd.f32 v7, v6;
	_ =	sdelay $0x1  }
0x2be: {  	[tilespmem:v3+s9+$0x4060 ss:$0x1] =	vst.idx.msk $0xffff, v6  }
0x2bf: {  	v6 =	vld.idx.msk [tilespmem:v3+s28+$0x4070 ss:$0x1], $0xffff  }
0x2c0: {  	v7 =	vld.idx.msk [tilespmem:v3+s9+$0x4070 ss:$0x1], $0xffff  }
0x2c1: {  	v8 =	vld.idx.msk [tilespmem:v3+s30+$0x4070 ss:$0x1], $0xffff;
	_ =	sdelay $0x2  }
0x2c2: {  	v6 =	vmul.f32 v6, v4;
	_ =	sdelay $0x1  }
0x2c3: {  	v6 =	vadd.f32 v6, v7;
	v7 =	vmul.f32 v8, v5;
	_ =	sdelay $0x1  }
0x2c4: {  	v6 =	vadd.f32 v7, v6  }
0x2c5: {  	s29 =	simm.s32 $0x0;
	s30 =	sadd.s32 $0x400, s30  }
.LBB2_15:
0x2c6: {  	s29 =	sadd.s32 $0x8, s29;
	[tilespmem:v3+s9+$0x4070 ss:$0x1] =	vst.idx.msk $0xffff, v6;
	s9 =	sadd.s32 $0x400, s9;
	s28 =	sadd.s32 $0x400, s28  }
0x2c7: {  	v6 =	vld.idx.msk [tilespmem:v3+s28+$0x4000 ss:$0x1], $0xffff;
	p0 =	slt.u32 s29, $0x38  }
0x2c8: {  	v7 =	vld.idx.msk [tilespmem:v3+s9+$0x4000 ss:$0x1], $0xffff  }
0x2c9: {  	v8 =	vld.idx.msk [tilespmem:v3+s30+$0x4000 ss:$0x1], $0xffff;
	_ =	sdelay $0x3  }
0x2ca: {  	v6 =	vmul.f32 v6, v4;
	_ =	sdelay $0x1  }
0x2cb: {  	v6 =	vadd.f32 v6, v7;
	v7 =	vmul.f32 v8, v5;
	_ =	sdelay $0x1  }
0x2cc: {  	v6 =	vadd.f32 v7, v6;
	_ =	sdelay $0x1  }
0x2cd: {  	[tilespmem:v3+s9+$0x4000 ss:$0x1] =	vst.idx.msk $0xffff, v6  }
0x2ce: {  	v6 =	vld.idx.msk [tilespmem:v3+s28+$0x4010 ss:$0x1], $0xffff  }
0x2cf: {  	v7 =	vld.idx.msk [tilespmem:v3+s30+$0x4010 ss:$0x1], $0xffff  }
0x2d0: {  	v8 =	vld.idx.msk [tilespmem:v3+s9+$0x4010 ss:$0x1], $0xffff;
	_ =	sdelay $0x3  }
0x2d1: {  	v6 =	vmul.f32 v6, v4;
	_ =	sdelay $0x1  }
0x2d2: {  	v7 =	vmul.f32 v7, v5;
	v6 =	vadd.f32 v6, v8;
	_ =	sdelay $0x1  }
0x2d3: {  	v6 =	vadd.f32 v7, v6;
	_ =	sdelay $0x1  }
0x2d4: {  	[tilespmem:v3+s9+$0x4010 ss:$0x1] =	vst.idx.msk $0xffff, v6  }
0x2d5: {  	v6 =	vld.idx.msk [tilespmem:v3+s28+$0x4020 ss:$0x1], $0xffff  }
0x2d6: {  	v7 =	vld.idx.msk [tilespmem:v3+s30+$0x4020 ss:$0x1], $0xffff  }
0x2d7: {  	v8 =	vld.idx.msk [tilespmem:v3+s9+$0x4020 ss:$0x1], $0xffff;
	_ =	sdelay $0x3  }
0x2d8: {  	v6 =	vmul.f32 v6, v4;
	_ =	sdelay $0x1  }
0x2d9: {  	v7 =	vmul.f32 v7, v5;
	v6 =	vadd.f32 v6, v8;
	_ =	sdelay $0x1  }
0x2da: {  	v6 =	vadd.f32 v7, v6;
	_ =	sdelay $0x1  }
0x2db: {  	[tilespmem:v3+s9+$0x4020 ss:$0x1] =	vst.idx.msk $0xffff, v6  }
0x2dc: {  	v6 =	vld.idx.msk [tilespmem:v3+s28+$0x4030 ss:$0x1], $0xffff  }
0x2dd: {  	v7 =	vld.idx.msk [tilespmem:v3+s30+$0x4030 ss:$0x1], $0xffff  }
0x2de: {  	v8 =	vld.idx.msk [tilespmem:v3+s9+$0x4030 ss:$0x1], $0xffff;
	_ =	sdelay $0x3  }
0x2df: {  	v6 =	vmul.f32 v6, v4;
	_ =	sdelay $0x1  }
0x2e0: {  	v7 =	vmul.f32 v7, v5;
	v6 =	vadd.f32 v6, v8;
	_ =	sdelay $0x1  }
0x2e1: {  	v6 =	vadd.f32 v7, v6;
	_ =	sdelay $0x1  }
0x2e2: {  	[tilespmem:v3+s9+$0x4030 ss:$0x1] =	vst.idx.msk $0xffff, v6  }
0x2e3: {  	v6 =	vld.idx.msk [tilespmem:v3+s28+$0x4040 ss:$0x1], $0xffff  }
0x2e4: {  	v7 =	vld.idx.msk [tilespmem:v3+s30+$0x4040 ss:$0x1], $0xffff  }
0x2e5: {  	v8 =	vld.idx.msk [tilespmem:v3+s9+$0x4040 ss:$0x1], $0xffff;
	_ =	sdelay $0x3  }
0x2e6: {  	v6 =	vmul.f32 v6, v4;
	_ =	sdelay $0x1  }
0x2e7: {  	v7 =	vmul.f32 v7, v5;
	v6 =	vadd.f32 v6, v8;
	_ =	sdelay $0x1  }
0x2e8: {  	v6 =	vadd.f32 v7, v6;
	_ =	sdelay $0x1  }
0x2e9: {  	[tilespmem:v3+s9+$0x4040 ss:$0x1] =	vst.idx.msk $0xffff, v6  }
0x2ea: {  	v6 =	vld.idx.msk [tilespmem:v3+s28+$0x4050 ss:$0x1], $0xffff  }
0x2eb: {  	v7 =	vld.idx.msk [tilespmem:v3+s30+$0x4050 ss:$0x1], $0xffff  }
0x2ec: {  	v8 =	vld.idx.msk [tilespmem:v3+s9+$0x4050 ss:$0x1], $0xffff;
	_ =	sdelay $0x3  }
0x2ed: {  	v6 =	vmul.f32 v6, v4;
	_ =	sdelay $0x1  }
0x2ee: {  	v7 =	vmul.f32 v7, v5;
	v6 =	vadd.f32 v6, v8;
	_ =	sdelay $0x1  }
0x2ef: {  	v6 =	vadd.f32 v7, v6;
	_ =	sdelay $0x1  }
0x2f0: {  	[tilespmem:v3+s9+$0x4050 ss:$0x1] =	vst.idx.msk $0xffff, v6  }
0x2f1: {  	v6 =	vld.idx.msk [tilespmem:v3+s28+$0x4060 ss:$0x1], $0xffff  }
0x2f2: {  	v7 =	vld.idx.msk [tilespmem:v3+s9+$0x4060 ss:$0x1], $0xffff  }
0x2f3: {  	v8 =	vld.idx.msk [tilespmem:v3+s30+$0x4060 ss:$0x1], $0xffff;
	_ =	sdelay $0x3  }
0x2f4: {  	v6 =	vmul.f32 v6, v4;
	_ =	sdelay $0x1  }
0x2f5: {  	v6 =	vadd.f32 v6, v7;
	v7 =	vmul.f32 v8, v5;
	_ =	sdelay $0x1  }
0x2f6: {  	v6 =	vadd.f32 v7, v6;
	_ =	sdelay $0x1  }
0x2f7: {  	[tilespmem:v3+s9+$0x4060 ss:$0x1] =	vst.idx.msk $0xffff, v6  }
0x2f8: {  	v6 =	vld.idx.msk [tilespmem:v3+s28+$0x4070 ss:$0x1], $0xffff  }
0x2f9: {  	v7 =	vld.idx.msk [tilespmem:v3+s9+$0x4070 ss:$0x1], $0xffff  }
0x2fa: {  	v8 =	vld.idx.msk [tilespmem:v3+s30+$0x4070 ss:$0x1], $0xffff;
	_ =	sdelay $0x3  }
0x2fb: {  	v6 =	vmul.f32 v6, v4  }
.Ltmp6:
0x2fc: {  	(pc) =	sbr.rel @p0 .LBB2_15-.Ltmp6, $3  }
0x2fd: {  	v6 =	vadd.f32 v6, v7;
	v7 =	vmul.f32 v8, v5;
	_ =	sdelay $0x1  }
0x2fe: {  	v6 =	vadd.f32 v7, v6  }
0x2ff: {  	s30 =	sadd.s32 $0x400, s30  }
0x300: {  	s26 =	sadd.s32 $0x1, s26  }
0x301: {  	p0 =	sne.s32 s26, $0x10  }
.Ltmp7:
0x302: {  	_ = 	snop;
	(pc) =	sbr.rel @p0 .LBB2_14-.Ltmp7, $2  }
0x303: {  	_ =	sdelay $0x2  }
0x304: {  	[tilespmem:v3+s9+$0x4070 ss:$0x1] =	vst.idx.msk $0xffff, v6;
	s19 =	sadd.s32 $0x1, s19;
	s24 =	sadd.s32 $0x400, s24  }
0x305: {  	s9 =	rddreg [dreg:$0xe]  }
0x306: {  	[hbm4b:s9+s2] =	stream.linear.scatter [tilespmem:s4], [sflag:$0x4], $0x4000, $0x38;
	[tilespmem:$0x1C100] =	vst v63  }
0x307: {  	_ =	swait.ge [sflag:s7], $0x4000  }
0x308: {  	[sflag:s7] =	ssyncset.done $0x0  }
0x309: {  	[sflag:s7] =	ssyncadd.s32 $0xFFFFC000  }
0x30a: {  	_ =	swait.ge [sflag:s5], $0x4000  }
0x30b: {  	s18 =	sadd.s32 $0x1, s18;
	s30 =	rddreg [dreg:$0xf]  }
0x30c: {  	p0 =	sne.s32 s18, s30  }
.Ltmp8:
0x30d: {  	_ = 	snop;
	(pc) =	sbr.rel @p0 .LBB2_1-.Ltmp8, $3  }
0x30e: {  	_ =	sdelay $0x1  }
0x30f: {  	[sflag:s5] =	ssyncset.done $0x0  }
0x310: {  	[sflag:s5] =	ssyncadd.s32 $0xFFFFC000  }
0x311: {  	_ =	sfence.sel $0x180000  }
0x312: {  	[bflag:$0x0] =	sbarrier.arrive $0xFFFF  }
0x313: {  	_ =	strace $0x9000004A  }
0x314: {  	s0 =	stileid.u32;
	[bflag:$0x2] =	sbarrier.arrive $0xFFFF  }
0x315: {  	p0 =	sne.s32 s0, $0x0;
	s0 =	rddreg [dreg:$0x2]  }
0x316: {  	s0 =	sadd.s32 @!p0 $0x100000, s0  }
0x317: {  	[sflag:s0] =	ssyncadd.tile.s32 @!p0 $0x1;
	_ =	shalt  }
.Lfunc_end2:
_tile_overlayer_lowered:
.L_overlay_start_2:
0x318: {  	(tag) =	ssettag $0x2  }
0x319: {  	s0 =	rddreg [dreg:$0x0];
	s2 =	stileid.u32  }
0x31a: {  	s1 =	rddreg [dreg:$0x1];
	p0 =	sne.s32 s2, $0x0  }
0x31b: {  	s3 =	rddreg [dreg:$0x2];
	[bflag:$0x3] =	sbarrier.arrive $0xFFFF;
	s2 =	simm.s32 @!p0 $0x1C05  }
0x31c: {  	[timem:s3], [sflag:s2] =	dma.local @!p0 [hbm:s0], s1  }
0x31d: {  	s0 =	simm.s32 @!p0 $0x5  }
0x31e: {  	_ =	swait.ge @!p0 [sflag:s0], s1  }
0x31f: {  	s1 =	ssub.s32 @!p0 $0x0, s1;
	[sflag:s0] =	ssyncset.done @!p0 $0x0  }
0x320: {  	[sflag:s0] =	ssyncadd.s32 @!p0 s1  }
0x321: {  	[bflag:$0x3] =	sbarrier.arrive $0xFFFF  }
0x322: {  	_ =	shalt  }

// kernel: kernel.7.cloned.1.call-start
scs
__scs_entry_jumppad:
0x0: {  	(pc) =	sbr.rel $0x88, $3  }
0x1: {  	(tag) =	ssettag $0x0;
	lr =	simm.s32 $0x1  }
0x2: {  	[smem:$0x3F96] =	sst lr;
	_ =	strace $0xD0000000  }
0x3: {  	_ = 	snop  }
0x4: {  	_ = 	snop  }
0x5: {  	_ = 	snop  }
0x6: {  	_ = 	snop  }
0x7: {  	_ = 	snop  }
__scs_overlays_trampoline_lowered:
0x8: {  	[smem:$0x3FA5] =	sst s0  }
0x9: {  	[smem:$0x3FA6] =	sst s1  }
0xa: {  	[smem:$0x3FA7] =	sst s2  }
0xb: {  	[smem:$0x3FA8] =	sst s3  }
0xc: {  	[smem:$0x3FA9] =	sst s4  }
0xd: {  	[smem:$0x3FAA] =	sst s5  }
0xe: {  	[smem:$0x3FAB] =	sst s6  }
0xf: {  	[smem:$0x3FAC] =	sst s7  }
0x10: {  	[smem:$0x3FAD] =	sst s8  }
0x11: {  	[smem:$0x3FAE] =	sst s9;
	s0 =	simm.s32 @!p0 $0x0  }
0x12: {  	s1 =	sld [smem:$0x3F94];
	s0 =	simm.s32 @p0 $0x1  }
0x13: {  	[smem:$0x3FAF] =	sst s0;
	s0 =	simm.s32 @!p1 $0x0  }
0x14: {  	s2 =	sld [smem:$0x3F93];
	s0 =	simm.s32 @p1 $0x1  }
0x15: {  	[smem:$0x3FB0] =	sst s0;
	s0 =	simm.s32 @!p2 $0x0  }
0x16: {  	s3 =	sld [smem:$0x3FDB];
	s0 =	simm.s32 @p2 $0x1  }
0x17: {  	s4 =	simm.s32 $0x1BF5;
	[smem:$0x3FB2] =	sst s0  }
0x18: {  	s0 =	sld [smem:$0x3F95];
	_ =	swait.ge [sflag:s4], $0x0  }
0x19: {  	s7 =	sld [smem:$0x3F96]  }
0x1a: {  	s8 =	sadd.s32 $0xFFFFE003, lr  }
0x1b: {  	s9 =	sadd.s32 $0xFFFFFEF7, lr;
	s5 =	simm.s32 $0xFFFFFFFF;
	p2 =	slt.u32 s8, $0xFFFFF086  }
0x1c: {  	p1 =	slt.u32 s9, $0xF7A;
	s5 =	simm.s32 @!p2 $0x0  }
0x1d: {  	s5 =	simm.s32 @p1 $0x1;
	p0 =	seq.s32 s7, s2  }
0x1e: {  	s7 =	smul.u32 @!p0 $0xF7A, s2;
	p2 =	seq.s32 @!p0 s5, $0x0  }
0x1f: {  	s9 =	smul.u32 $0xF7A, s1;
	s8 =	simm.s32 @!p0 $0x1BF5;
	p2 =	por !p2, p0  }
0x20: {  	[sflag:s8] =	ssyncset.s32 @!p0 $0xFFFFF086;
	s6 =	sadd.s32 @!p0 s3, s7;
	s7 =	simm.s32 @!p0 $0x108  }
0x21: {  	s3 =	sadd.s32 s3, s9;
	s6 =	sadd.s32 @!p0 $0x88, s6;
	s7 =	simm.s32 @p2 $0x1082  }
0x22: {  	[simem:s7], [sflag:s8] =	dma.local @!p0 [hbm:s6], $0xF7A  }
0x23: {  	s9 =	sor.u32 $0xD0000000, s2;
	s6 =	simm.s32 $0x108;
	_ =	swait.ge @!p0 [sflag:s8], $0x0  }
0x24: {  	s3 =	sadd.s32 $0x88, s3;
	s6 =	simm.s32 @!p1 $0x1082;
	[sflag:s4] =	ssyncset.s32 $0xFFFFF086  }
0x25: {  	[simem:s6], [sflag:s4] =	dma.local [hbm:s3], $0xF7A  }
0x26: {  	[smem:$0x3F96] =	sst s1;
	(tag) =	ssettag s2;
	_ =	strace s9  }
0x27: {  	s1 =	sld [smem:$0x3FA6]  }
0x28: {  	s2 =	sld [smem:$0x3FA7]  }
0x29: {  	s4 =	sld [smem:$0x3FA9]  }
0x2a: {  	p0 =	seq.s32 s5, $0x0;
	s5 =	sld [smem:$0x3FAA]  }
0x2b: {  	s6 =	sld [smem:$0x3FAB]  }
0x2c: {  	s7 =	sld [smem:$0x3FAC]  }
0x2d: {  	s3 =	simm.s32 $0x108;
	s8 =	sld [smem:$0x3FAD]  }
0x2e: {  	s3 =	simm.s32 @!p0 $0x1082;
	s9 =	sld [smem:$0x3FAE]  }
0x2f: {  	lr =	sadd.s32 s0, s3;
	s0 =	sld [smem:$0x3FA5]  }
0x30: {  	s3 =	sld [smem:$0x3FA8]  }
0x31: {  	[smem:$0x3FB1] =	sst s10  }
0x32: {  	s10 =	sld [smem:$0x3FAF];
	_ =	sdelay $0x3  }
0x33: {  	p0 =	seq.s32 s10, $0x1;
	s10 =	sld [smem:$0x3FB1];
	_ =	sdelay $0x3  }
0x34: {  	[smem:$0x3FB1] =	sst s10  }
0x35: {  	s10 =	sld [smem:$0x3FB0];
	_ =	sdelay $0x3  }
0x36: {  	p1 =	seq.s32 s10, $0x1;
	s10 =	sld [smem:$0x3FB1];
	_ =	sdelay $0x3  }
0x37: {  	[smem:$0x3FB1] =	sst s10  }
0x38: {  	s10 =	sld [smem:$0x3FB2]  }
0x39: {  	_ = 	snop;
	(pc) =	sbr.ind lr, $3  }
0x3a: {  	_ = 	snop  }
0x3b: {  	_ = 	snop  }
0x3c: {  	p2 =	seq.s32 s10, $0x1;
	s10 =	sld [smem:$0x3FB1]  }
0x3d: {  	_ =	shalt  }
0x3e: {  	_ =	shalt  }
0x3f: {  	_ =	shalt  }
0x40: {  	_ =	shalt  }
0x41: {  	_ =	shalt  }
0x42: {  	_ =	shalt  }
0x43: {  	_ =	shalt  }
0x44: {  	_ =	shalt  }
0x45: {  	_ =	shalt  }
0x46: {  	_ =	shalt  }
0x47: {  	_ =	shalt  }
0x48: {  	_ =	shalt  }
0x49: {  	_ =	shalt  }
0x4a: {  	_ =	shalt  }
0x4b: {  	_ =	shalt  }
0x4c: {  	_ =	shalt  }
0x4d: {  	_ =	shalt  }
0x4e: {  	_ =	shalt  }
0x4f: {  	_ =	shalt  }
0x50: {  	_ =	shalt  }
0x51: {  	_ =	shalt  }
0x52: {  	_ =	shalt  }
0x53: {  	_ =	shalt  }
0x54: {  	_ =	shalt  }
0x55: {  	_ =	shalt  }
0x56: {  	_ =	shalt  }
0x57: {  	_ =	shalt  }
0x58: {  	_ =	shalt  }
0x59: {  	_ =	shalt  }
0x5a: {  	_ =	shalt  }
0x5b: {  	_ =	shalt  }
0x5c: {  	_ =	shalt  }
0x5d: {  	_ =	shalt  }
0x5e: {  	_ =	shalt  }
0x5f: {  	_ =	shalt  }
0x60: {  	_ =	shalt  }
0x61: {  	_ =	shalt  }
0x62: {  	_ =	shalt  }
0x63: {  	_ =	shalt  }
0x64: {  	_ =	shalt  }
0x65: {  	_ =	shalt  }
0x66: {  	_ =	shalt  }
0x67: {  	_ =	shalt  }
0x68: {  	_ =	shalt  }
0x69: {  	_ =	shalt  }
0x6a: {  	_ =	shalt  }
0x6b: {  	_ =	shalt  }
0x6c: {  	_ =	shalt  }
0x6d: {  	_ =	shalt  }
0x6e: {  	_ =	shalt  }
0x6f: {  	_ =	shalt  }
0x70: {  	_ =	shalt  }
0x71: {  	_ =	shalt  }
0x72: {  	_ =	shalt  }
0x73: {  	_ =	shalt  }
0x74: {  	_ =	shalt  }
0x75: {  	_ =	shalt  }
0x76: {  	_ =	shalt  }
0x77: {  	_ =	shalt  }
0x78: {  	_ =	shalt  }
0x79: {  	_ =	shalt  }
0x7a: {  	_ =	shalt  }
0x7b: {  	_ =	shalt  }
0x7c: {  	_ =	shalt  }
0x7d: {  	_ =	shalt  }
0x7e: {  	_ =	shalt  }
0x7f: {  	_ =	shalt  }
0x80: {  	_ =	shalt  }
0x81: {  	_ =	shalt  }
0x82: {  	_ =	shalt  }
0x83: {  	_ =	shalt  }
0x84: {  	_ =	shalt  }
0x85: {  	_ =	shalt  }
0x86: {  	_ =	shalt  }
0x87: {  	_ =	shalt  }
.Lfunc_end0:
.L_simem_size_0:
called_computation_lowered:
.L_overlay_start_0:
0x88: {  	s2 =	sld [smem:$0x3FD9]  }
0x89: {  	s3 =	sld [smem:$0x3FFE];
	_ =	sdelay $0x1  }
0x8a: {  	s1 =	srdreg.scid  }
0x8b: {  	s0 =	sand.u32 $0x1, s1  }
0x8c: {  	s17 =	sshll.u32 s0, $0xA;
	s2 =	sadd.s32 s3, s2  }
0x8d: {  	s2 =	sadd.s32 s2, s17  }
0x8e: {  	[smem:$0x3FBD] =	sst s2  }
0x8f: {  	_ = 	snop  }
0x90: {  	s2 =	sld [smem:$0x3FC9];
	(tm) =	ssettm $0x1  }
0x91: {  	s18 =	sld [smem:$0x3FFB];
	_ =	sdelay $0x3  }
0x92: {  	_ =	strace s18  }
0x93: {  	s3 =	sld [smem:$0x3FFC];
	_ =	sdelay $0x3  }
0x94: {  	_ =	strace s3  }
0x95: {  	s3 =	sld [smem:$0x3FFD];
	_ =	sdelay $0x3  }
0x96: {  	_ =	strace s3  }
0x97: {  	_ =	strace $0x8FFFFFFF  }
0x98: {  	s19 =	sld [smem:$0x3FDB];
	_ =	sdelay $0x1  }
0x99: {  	s4 =	simm.s32 $_scs_section_size  }
0x9a: {  	s5 =	simm.s32 $_size__tile_overlayer_lowered;
	s6 =	simm.s32 $_tile_overlayer_lowered  }
0x9b: {  	s22 =	simm.s32 $0x1BFF;
	s21 =	sshll.u32 s6, $0x1;
	s3 =	sadd.s32 s4, s19  }
0x9c: {  	s7 =	simm.s32 $0x0;
	s20 =	sshll.u32 s5, $0x1;
	s5 =	sadd.s32 s21, s3  }
0x9d: {  	[timem:s7], [sflag:s22] =	dma.local [hbm:s5], s20  }
0x9e: {  	_ =	swait.ge [sflag:s22], s20  }
0x9f: {  	s4 =	ssub.s32 $0x0, s20;
	[sflag:s22] =	ssyncset.done $0x0  }
0xa0: {  	[sflag:s22] =	ssyncadd.s32 s4;
	_ =	sdelay $0x1  }
0xa1: {  	s23 =	simm.s32 $0x1B8B  }
0xa2: {  	_ =	swait.ge [sflag:s23], $0x1  }
0xa3: {  	[sflag:s23] =	ssyncset.done $0x0  }
0xa4: {  	s25 =	simm.s32 $0x1B8E;
	s24 =	sld [smem:$0x3FFE];
	[sflag:s23] =	ssyncadd.s32 $0xFFFFFFFF  }
0xa5: {  	s26 =	simm.s32 $execute0_lowered;
	[smem:$0x3FD2] =	sst s25  }
0xa6: {  	s5 =	sshll.u32 s26, $0x1;
	_ =	strace $0x80000046;
	[dreg:$0x1] =	wrdreg $0xFFFFFFFF  }
0xa7: {  	s28 =	simm.s32 $_size_execute0_lowered;
	s3 =	sadd.s32 s3, s5;
	[dreg:$0x0] =	wrdreg $0x0  }
0xa8: {  	s5 =	sshll.u32 s28, $0x1;
	[dreg:$0x2] =	wrdreg s3  }
0xa9: {  	[dreg:$0x3] =	wrdreg s5  }
0xaa: {  	[dreg:$0x4] =	wrdreg $0xC0  }
0xab: {  	_ =	task [dreg:s7], $0x5FFFF  }
0xac: {  	[dreg:$0x1] =	wrdreg $0xFFFFFFFF  }
0xad: {  	[dreg:$0x0] =	wrdreg $0x60  }
0xae: {  	[dreg:$0x2] =	wrdreg s2  }
0xaf: {  	[dreg:$0x3] =	wrdreg s24  }
0xb0: {  	[dreg:$0x4] =	wrdreg $0x9  }
0xb1: {  	_ =	task.clear_ibuf [dreg:s7], $0x5FFFF;
	_ =	strace $0x90000046  }
0xb2: {  	s29 =	simm.s32 $0x9;
	_ =	strace $0x80000048  }
0xb3: {  	_ =	swait.ge [sflag:s29], $0x1  }
0xb4: {  	[sflag:s29] =	ssyncadd.s32 $0xFFFFFFFF  }
0xb5: {  	_ =	strace $0x90000048  }
0xb6: {  	_ =	sfence  }
0xb7: {  	s30 =	sld [smem:$0x0];
	_ =	sdelay $0x2  }
0xb8: {  	s31 =	sshll.u32 s1, $0xD;
	s1 =	sshrl.u32 s1, $0x2  }
0xb9: {  	s3 =	sand.u32 $0x4000, s31;
	s1 =	sadd.s32 s1, s30  }
0xba: {  	s0 =	sor.u32 s3, s0;
	s1 =	sshll.u32 s1, $0x11  }
0xbb: {  	s0 =	sor.u32 s1, s0  }
0xbc: {  	s0 =	sadd.s32 $0x8F2B, s0  }
0xbd: {  	[sflag:s0] =	ssyncadd.remote.s32 $0x1  }
0xbe: {  	_ =	sfence.sel $0xFFFF  }
0xbf: {  	[dreg:$0x0] =	wrdreg $0xFFFFFFFF;
	(pc) =	sbr.abs _section_cstart, $3  }
0xc0: {  	[dreg:$0x1] =	wrdreg $0xFFFFFFFF  }
0xc1: {  	_ =	task.clear_ibuf [dreg:s7], $0x2FFFF;
	_ =	strace $0x9FFFFFFF  }
0xc2: {  	(tm) =	ssettm $0x7FFFFFFF  }
0xc3: {  	_ =	shalt  }
tec
execute0_lowered:
.L_overlay_start_1:
0x0: {  	(tag) =	ssettag $0x1  }
0x1: {  	s0 =	rddreg [dreg:$0x0];
	s1 =	srdreg.scid  }
0x2: {  	s2 =	stileid.u32;
	s6 =	rddreg [dreg:$0x1];
	s26 =	simm.s32 $0x80  }
0x3: {  	s18 =	simm.s32 $0x100;
	s22 =	simm.s32 $0x1900;
	s23 =	simm.s32 $0x2100  }
0x4: {  	s24 =	simm.s32 $0x2900;
	s25 =	simm.s32 $0x3100;
	s28 =	simm.s32 $0x4100  }
0x5: {  	s29 =	simm.s32 $0x4900;
	s30 =	simm.s32 $0x5100;
	s31 =	simm.s32 $0x5900  }
0x6: {  	s10 =	simm.s32 $0x7100;
	s11 =	simm.s32 $0x7900;
	s12 =	simm.s32 $0x8100  }
0x7: {  	s13 =	simm.s32 $0x8900;
	s14 =	simm.s32 $0x9100;
	s15 =	simm.s32 $0x9900  }
0x8: {  	s16 =	simm.s32 $0xA100;
	s17 =	simm.s32 $0xA900;
	s9 =	simm.s32 $0xB100  }
0x9: {  	s1 =	sand.u32 $0x1, s1;
	s3 =	sshll.u32 s2, $0x1;
	s2 =	simm.s32 $0x0  }
0xa: {  	s19 =	simm.s32 $0xB900;
	s4 =	sor.u32 s1, s3;
	[smem:$0x7FF] =	sst s2  }
0xb: {  	s1 =	ssub.s32 $0x2, s1;
	s3 =	sshll.u32 s4, $0x4;
	_ =	strace $0x80000047  }
0xc: {  	s7 =	sshrl.u32 s1, $0x1;
	s4 =	sshll.u32 s4, $0xD;
	[dreg:$0x6] =	wrdreg s26  }
0xd: {  	s26 =	simm.s32 $0x3900;
	s5 =	sadd.s32 s3, s6;
	s0 =	sadd.s32 s0, s4  }
0xe: {  	s3 =	sadd.s32 $0x11200, s6;
	s8 =	sadd.s32 $0x10E00, s5;
	[dreg:$0x5] =	wrdreg s0  }
0xf: {  	v2 =	vlaneseq.u32;
	s1 =	ssub.s32 s1, s7;
	s5 =	sadd.s32 $0x11000, s5;
	[dreg:$0x3] =	wrdreg s8  }
0x10: {  	vm0 =	vmmov $0xffff;
	v1 =	vshrl.u32 v2, $0x3;
	s4 =	sadd.s32 $0x11300, s6;
	s7 =	smax.u32 s1, $0x1;
	[dreg:$0x4] =	wrdreg s5  }
0x11: {  	v0 =	vand.u32 $0x7, v2;
	v2 =	vor.u32 $0x8, v2;
	v1 =	vmul.u32 $0x8, v1;
	s5 =	sadd.s32 $0x11400, s6;
	s6 =	sadd.s32 $0x11500, s6;
	s8 =	simm.s32 $0x3  }
.LBB2_1:
0x12: {  	s20 =	rddreg [dreg:$0x3]  }
0x13: {  	[tilespmem:s2], [sflag:$0x3] =	stream.linear.gather [hbm4b:s20+s2], $0x80, $0x38;
	[tilespmem:$0x10100] =	vst v63  }
0x14: {  	_ =	swait.ge [sflag:s8], $0x80  }
0x15: {  	s0 =	rddreg [dreg:$0x4];
	[sflag:s8] =	ssyncset.done $0x0  }
0x16: {  	s21 =	rddreg [dreg:$0x6];
	[sflag:s8] =	ssyncadd.s32 $0xFFFFFF80  }
0x17: {  	[tilespmem:s21], [sflag:$0x3] =	stream.linear.gather [hbm4b:s0+s2], $0x80, $0x38;
	[tilespmem:$0x10100] =	vst v63  }
0x18: {  	_ =	swait.ge [sflag:s8], $0x80  }
0x19: {  	[sflag:s8] =	ssyncset.done $0x0  }
0x1a: {  	s1 =	rddreg [dreg:$0x5];
	[sflag:s8] =	ssyncadd.s32 $0xFFFFFF80  }
0x1b: {  	[tilespmem:s18], [sflag:$0x3] =	stream.linear.gather [hbm4b:s1+s2], $0x10000, $0x38;
	[tilespmem:$0x10100] =	vst v63  }
0x1c: {  	_ =	swait.ge [sflag:s8], $0x10000  }
0x1d: {  	[sflag:s8] =	ssyncset.done $0x0  }
0x1e: {  	[sflag:s8] =	ssyncadd.s32 $0xFFFF0000  }
0x1f: {  	v3 =	vld [tilespmem:$0x0];
	_ =	sdelay $0x4  }
0x20: {  	v4 =	vshll.u32 v3, $0x3  }
0x21: {  	v3 =	vand.u32 $0x7, v3;
	v4 =	vand.u32 $0xFFFFFFC0, v4  }
0x22: {  	v3 =	vor.u32 v3, v4  }
0x23: {  	v4 =	vperm.xlane v3, v0;
	_ =	sdelay $0x1  }
0x24: {  	v4 =	vadd.s32 v1, v4;
	_ =	sdelay $0x4  }
0x25: {  	[hbm4b:s3+s2] =	stream.indirect_vreg.scatter [tilespmem:s18], [sflag:$0x1], $0x80, v4, vm0, $0xb8;
	[tilespmem:$0x10100] =	vst v63  }
0x26: {  	s20 =	simm.s32 $0x900;
	v3 =	vperm.xlane v3, v2  }
0x27: {  	[hbm4b:s4+s2] =	stream.indirect_vreg.scatter [tilespmem:s20], [sflag:$0x1], $0x80, v4, vm0, $0xb8;
	[tilespmem:$0x10100] =	vst v63  }
0x28: {  	s21 =	simm.s32 $0x1100;
	v3 =	vadd.s32 v1, v3  }
0x29: {  	[hbm4b:s5+s2] =	stream.indirect_vreg.scatter [tilespmem:s21], [sflag:$0x1], $0x80, v4, vm0, $0xb8;
	[tilespmem:$0x10100] =	vst v63  }
0x2a: {  	_ = 	snop  }
0x2b: {  	[hbm4b:s6+s2] =	stream.indirect_vreg.scatter [tilespmem:s22], [sflag:$0x1], $0x80, v4, vm0, $0xb8;
	[tilespmem:$0x10100] =	vst v63  }
0x2c: {  	_ = 	snop  }
0x2d: {  	[hbm4b:s3+s2] =	stream.indirect_vreg.scatter [tilespmem:s23], [sflag:$0x1], $0x80, v3, vm0, $0xb8;
	[tilespmem:$0x10100] =	vst v63  }
0x2e: {  	_ = 	snop  }
0x2f: {  	[hbm4b:s4+s2] =	stream.indirect_vreg.scatter [tilespmem:s24], [sflag:$0x1], $0x80, v3, vm0, $0xb8;
	[tilespmem:$0x10100] =	vst v63  }
0x30: {  	_ = 	snop  }
0x31: {  	[hbm4b:s5+s2] =	stream.indirect_vreg.scatter [tilespmem:s25], [sflag:$0x1], $0x80, v3, vm0, $0xb8;
	[tilespmem:$0x10100] =	vst v63  }
0x32: {  	_ = 	snop  }
0x33: {  	[hbm4b:s6+s2] =	stream.indirect_vreg.scatter [tilespmem:s26], [sflag:$0x1], $0x80, v3, vm0, $0xb8;
	[tilespmem:$0x10100] =	vst v63  }
0x34: {  	v3 =	vld [tilespmem:$0x10];
	_ =	sdelay $0x4  }
0x35: {  	v57 =	vshll.u32 v3, $0x3  }
0x36: {  	v3 =	vand.u32 $0x7, v3;
	v4 =	vand.u32 $0xFFFFFFC0, v57  }
0x37: {  	v3 =	vor.u32 v3, v4  }
0x38: {  	v4 =	vperm.xlane v3, v0;
	_ =	sdelay $0x1  }
0x39: {  	v4 =	vadd.s32 v1, v4;
	_ =	sdelay $0x4  }
0x3a: {  	[hbm4b:s3+s2] =	stream.indirect_vreg.scatter [tilespmem:s28], [sflag:$0x1], $0x80, v4, vm0, $0xb8;
	[tilespmem:$0x10100] =	vst v63  }
0x3b: {  	v3 =	vperm.xlane v3, v2  }
0x3c: {  	[hbm4b:s4+s2] =	stream.indirect_vreg.scatter [tilespmem:s29], [sflag:$0x1], $0x80, v4, vm0, $0xb8;
	[tilespmem:$0x10100] =	vst v63  }
0x3d: {  	v3 =	vadd.s32 v1, v3  }
0x3e: {  	[hbm4b:s5+s2] =	stream.indirect_vreg.scatter [tilespmem:s30], [sflag:$0x1], $0x80, v4, vm0, $0xb8;
	[tilespmem:$0x10100] =	vst v63  }
0x3f: {  	_ = 	snop  }
0x40: {  	[hbm4b:s6+s2] =	stream.indirect_vreg.scatter [tilespmem:s31], [sflag:$0x1], $0x80, v4, vm0, $0xb8;
	[tilespmem:$0x10100] =	vst v63  }
0x41: {  	s1 =	simm.s32 $0x6100  }
0x42: {  	[hbm4b:s3+s2] =	stream.indirect_vreg.scatter [tilespmem:s1], [sflag:$0x1], $0x80, v3, vm0, $0xb8;
	[tilespmem:$0x10100] =	vst v63  }
0x43: {  	s0 =	simm.s32 $0x6900  }
0x44: {  	[hbm4b:s4+s2] =	stream.indirect_vreg.scatter [tilespmem:s0], [sflag:$0x1], $0x80, v3, vm0, $0xb8;
	[tilespmem:$0x10100] =	vst v63  }
0x45: {  	_ = 	snop  }
0x46: {  	[hbm4b:s5+s2] =	stream.indirect_vreg.scatter [tilespmem:s10], [sflag:$0x1], $0x80, v3, vm0, $0xb8;
	[tilespmem:$0x10100] =	vst v63  }
0x47: {  	_ = 	snop  }
0x48: {  	[hbm4b:s6+s2] =	stream.indirect_vreg.scatter [tilespmem:s11], [sflag:$0x1], $0x80, v3, vm0, $0xb8;
	[tilespmem:$0x10100] =	vst v63  }
0x49: {  	v3 =	vld [tilespmem:$0x20];
	_ =	sdelay $0x4  }
0x4a: {  	v58 =	vshll.u32 v3, $0x3  }
0x4b: {  	v3 =	vand.u32 $0x7, v3;
	v4 =	vand.u32 $0xFFFFFFC0, v58  }
0x4c: {  	v3 =	vor.u32 v3, v4  }
0x4d: {  	v4 =	vperm.xlane v3, v0;
	_ =	sdelay $0x1  }
0x4e: {  	v4 =	vadd.s32 v1, v4;
	_ =	sdelay $0x4  }
0x4f: {  	[hbm4b:s3+s2] =	stream.indirect_vreg.scatter [tilespmem:s12], [sflag:$0x1], $0x80, v4, vm0, $0xb8;
	[tilespmem:$0x10100] =	vst v63  }
0x50: {  	v3 =	vperm.xlane v3, v2  }
0x51: {  	[hbm4b:s4+s2] =	stream.indirect_vreg.scatter [tilespmem:s13], [sflag:$0x1], $0x80, v4, vm0, $0xb8;
	[tilespmem:$0x10100] =	vst v63  }
0x52: {  	v3 =	vadd.s32 v1, v3  }
0x53: {  	[hbm4b:s5+s2] =	stream.indirect_vreg.scatter [tilespmem:s14], [sflag:$0x1], $0x80, v4, vm0, $0xb8;
	[tilespmem:$0x10100] =	vst v63  }
0x54: {  	_ = 	snop  }
0x55: {  	[hbm4b:s6+s2] =	stream.indirect_vreg.scatter [tilespmem:s15], [sflag:$0x1], $0x80, v4, vm0, $0xb8;
	[tilespmem:$0x10100] =	vst v63  }
0x56: {  	_ = 	snop  }
0x57: {  	[hbm4b:s3+s2] =	stream.indirect_vreg.scatter [tilespmem:s16], [sflag:$0x1], $0x80, v3, vm0, $0xb8;
	[tilespmem:$0x10100] =	vst v63  }
0x58: {  	_ = 	snop  }
0x59: {  	[hbm4b:s4+s2] =	stream.indirect_vreg.scatter [tilespmem:s17], [sflag:$0x1], $0x80, v3, vm0, $0xb8;
	[tilespmem:$0x10100] =	vst v63  }
0x5a: {  	_ = 	snop  }
0x5b: {  	[hbm4b:s5+s2] =	stream.indirect_vreg.scatter [tilespmem:s9], [sflag:$0x1], $0x80, v3, vm0, $0xb8;
	[tilespmem:$0x10100] =	vst v63  }
0x5c: {  	_ = 	snop  }
0x5d: {  	[hbm4b:s6+s2] =	stream.indirect_vreg.scatter [tilespmem:s19], [sflag:$0x1], $0x80, v3, vm0, $0xb8;
	[tilespmem:$0x10100] =	vst v63  }
0x5e: {  	v3 =	vld [tilespmem:$0x30];
	_ =	sdelay $0x4  }
0x5f: {  	v59 =	vshll.u32 v3, $0x3  }
0x60: {  	v3 =	vand.u32 $0x7, v3;
	v4 =	vand.u32 $0xFFFFFFC0, v59  }
0x61: {  	v3 =	vor.u32 v3, v4  }
0x62: {  	v4 =	vperm.xlane v3, v0;
	_ =	sdelay $0x1  }
0x63: {  	v4 =	vadd.s32 v1, v4;
	_ =	sdelay $0x3  }
0x64: {  	s0 =	simm.s32 $0xC100  }
0x65: {  	[hbm4b:s3+s2] =	stream.indirect_vreg.scatter [tilespmem:s0], [sflag:$0x1], $0x80, v4, vm0, $0xb8;
	[tilespmem:$0x10100] =	vst v63  }
0x66: {  	v3 =	vperm.xlane v3, v2;
	s0 =	simm.s32 $0xC900  }
0x67: {  	[hbm4b:s4+s2] =	stream.indirect_vreg.scatter [tilespmem:s0], [sflag:$0x1], $0x80, v4, vm0, $0xb8;
	[tilespmem:$0x10100] =	vst v63  }
0x68: {  	v3 =	vadd.s32 v1, v3;
	s0 =	simm.s32 $0xD100  }
0x69: {  	[hbm4b:s5+s2] =	stream.indirect_vreg.scatter [tilespmem:s0], [sflag:$0x1], $0x80, v4, vm0, $0xb8;
	[tilespmem:$0x10100] =	vst v63  }
0x6a: {  	s0 =	simm.s32 $0xD900  }
0x6b: {  	[hbm4b:s6+s2] =	stream.indirect_vreg.scatter [tilespmem:s0], [sflag:$0x1], $0x80, v4, vm0, $0xb8;
	[tilespmem:$0x10100] =	vst v63  }
0x6c: {  	s0 =	simm.s32 $0xE100  }
0x6d: {  	[hbm4b:s3+s2] =	stream.indirect_vreg.scatter [tilespmem:s0], [sflag:$0x1], $0x80, v3, vm0, $0xb8;
	[tilespmem:$0x10100] =	vst v63  }
0x6e: {  	s0 =	simm.s32 $0xE900  }
0x6f: {  	[hbm4b:s4+s2] =	stream.indirect_vreg.scatter [tilespmem:s0], [sflag:$0x1], $0x80, v3, vm0, $0xb8;
	[tilespmem:$0x10100] =	vst v63  }
0x70: {  	s0 =	simm.s32 $0xF100  }
0x71: {  	[hbm4b:s5+s2] =	stream.indirect_vreg.scatter [tilespmem:s0], [sflag:$0x1], $0x80, v3, vm0, $0xb8;
	[tilespmem:$0x10100] =	vst v63  }
0x72: {  	s0 =	simm.s32 $0xF900  }
0x73: {  	[hbm4b:s6+s2] =	stream.indirect_vreg.scatter [tilespmem:s0], [sflag:$0x1], $0x80, v3, vm0, $0xb8;
	[tilespmem:$0x10100] =	vst v63  }
0x74: {  	v3 =	vld [tilespmem:$0x80];
	_ =	sdelay $0x4  }
0x75: {  	v60 =	vshll.u32 v3, $0x3  }
0x76: {  	v3 =	vand.u32 $0x7, v3;
	v4 =	vand.u32 $0xFFFFFFC0, v60  }
0x77: {  	v3 =	vor.u32 v3, v4  }
0x78: {  	v4 =	vperm.xlane v3, v0;
	_ =	sdelay $0x1  }
0x79: {  	v4 =	vadd.s32 v1, v4;
	_ =	sdelay $0x4  }
0x7a: {  	[hbm4b:s3+s2] =	stream.indirect_vreg.scatter [tilespmem:s18], [sflag:$0x2], $0x80, v4, vm0, $0xb8;
	[tilespmem:$0x10100] =	vst v63  }
0x7b: {  	v3 =	vperm.xlane v3, v2  }
0x7c: {  	[hbm4b:s4+s2] =	stream.indirect_vreg.scatter [tilespmem:s20], [sflag:$0x2], $0x80, v4, vm0, $0xb8;
	[tilespmem:$0x10100] =	vst v63  }
0x7d: {  	v3 =	vadd.s32 v1, v3  }
0x7e: {  	[hbm4b:s5+s2] =	stream.indirect_vreg.scatter [tilespmem:s21], [sflag:$0x2], $0x80, v4, vm0, $0xb8;
	[tilespmem:$0x10100] =	vst v63  }
0x7f: {  	_ = 	snop  }
0x80: {  	[hbm4b:s6+s2] =	stream.indirect_vreg.scatter [tilespmem:s22], [sflag:$0x2], $0x80, v4, vm0, $0xb8;
	[tilespmem:$0x10100] =	vst v63  }
0x81: {  	_ = 	snop  }
0x82: {  	[hbm4b:s3+s2] =	stream.indirect_vreg.scatter [tilespmem:s23], [sflag:$0x2], $0x80, v3, vm0, $0xb8;
	[tilespmem:$0x10100] =	vst v63  }
0x83: {  	_ = 	snop  }
0x84: {  	[hbm4b:s4+s2] =	stream.indirect_vreg.scatter [tilespmem:s24], [sflag:$0x2], $0x80, v3, vm0, $0xb8;
	[tilespmem:$0x10100] =	vst v63  }
0x85: {  	_ = 	snop  }
0x86: {  	[hbm4b:s5+s2] =	stream.indirect_vreg.scatter [tilespmem:s25], [sflag:$0x2], $0x80, v3, vm0, $0xb8;
	[tilespmem:$0x10100] =	vst v63  }
0x87: {  	_ = 	snop  }
0x88: {  	[hbm4b:s6+s2] =	stream.indirect_vreg.scatter [tilespmem:s26], [sflag:$0x2], $0x80, v3, vm0, $0xb8;
	[tilespmem:$0x10100] =	vst v63  }
0x89: {  	v3 =	vld [tilespmem:$0x90];
	_ =	sdelay $0x4  }
0x8a: {  	v61 =	vshll.u32 v3, $0x3  }
0x8b: {  	v3 =	vand.u32 $0x7, v3;
	v4 =	vand.u32 $0xFFFFFFC0, v61  }
0x8c: {  	v3 =	vor.u32 v3, v4  }
0x8d: {  	v4 =	vperm.xlane v3, v0;
	_ =	sdelay $0x1  }
0x8e: {  	v4 =	vadd.s32 v1, v4;
	_ =	sdelay $0x4  }
0x8f: {  	[hbm4b:s3+s2] =	stream.indirect_vreg.scatter [tilespmem:s28], [sflag:$0x2], $0x80, v4, vm0, $0xb8;
	[tilespmem:$0x10100] =	vst v63  }
0x90: {  	v3 =	vperm.xlane v3, v2  }
0x91: {  	[hbm4b:s4+s2] =	stream.indirect_vreg.scatter [tilespmem:s29], [sflag:$0x2], $0x80, v4, vm0, $0xb8;
	[tilespmem:$0x10100] =	vst v63  }
0x92: {  	v3 =	vadd.s32 v1, v3  }
0x93: {  	[hbm4b:s5+s2] =	stream.indirect_vreg.scatter [tilespmem:s30], [sflag:$0x2], $0x80, v4, vm0, $0xb8;
	[tilespmem:$0x10100] =	vst v63  }
0x94: {  	_ = 	snop  }
0x95: {  	[hbm4b:s6+s2] =	stream.indirect_vreg.scatter [tilespmem:s31], [sflag:$0x2], $0x80, v4, vm0, $0xb8;
	[tilespmem:$0x10100] =	vst v63  }
0x96: {  	_ = 	snop  }
0x97: {  	[hbm4b:s3+s2] =	stream.indirect_vreg.scatter [tilespmem:s1], [sflag:$0x2], $0x80, v3, vm0, $0xb8;
	[tilespmem:$0x10100] =	vst v63  }
0x98: {  	s20 =	simm.s32 $0x6900  }
0x99: {  	[hbm4b:s4+s2] =	stream.indirect_vreg.scatter [tilespmem:s20], [sflag:$0x2], $0x80, v3, vm0, $0xb8;
	[tilespmem:$0x10100] =	vst v63  }
0x9a: {  	_ = 	snop  }
0x9b: {  	[hbm4b:s5+s2] =	stream.indirect_vreg.scatter [tilespmem:s10], [sflag:$0x2], $0x80, v3, vm0, $0xb8;
	[tilespmem:$0x10100] =	vst v63  }
0x9c: {  	_ = 	snop  }
0x9d: {  	[hbm4b:s6+s2] =	stream.indirect_vreg.scatter [tilespmem:s11], [sflag:$0x2], $0x80, v3, vm0, $0xb8;
	[tilespmem:$0x10100] =	vst v63  }
0x9e: {  	v3 =	vld [tilespmem:$0xA0];
	_ =	sdelay $0x4  }
0x9f: {  	v62 =	vshll.u32 v3, $0x3  }
0xa0: {  	v3 =	vand.u32 $0x7, v3;
	v4 =	vand.u32 $0xFFFFFFC0, v62  }
0xa1: {  	v3 =	vor.u32 v3, v4  }
0xa2: {  	v4 =	vperm.xlane v3, v0;
	_ =	sdelay $0x1  }
0xa3: {  	v4 =	vadd.s32 v1, v4;
	_ =	sdelay $0x4  }
0xa4: {  	[hbm4b:s3+s2] =	stream.indirect_vreg.scatter [tilespmem:s12], [sflag:$0x2], $0x80, v4, vm0, $0xb8;
	[tilespmem:$0x10100] =	vst v63  }
0xa5: {  	v3 =	vperm.xlane v3, v2  }
0xa6: {  	[hbm4b:s4+s2] =	stream.indirect_vreg.scatter [tilespmem:s13], [sflag:$0x2], $0x80, v4, vm0, $0xb8;
	[tilespmem:$0x10100] =	vst v63  }
0xa7: {  	v3 =	vadd.s32 v1, v3  }
0xa8: {  	[hbm4b:s5+s2] =	stream.indirect_vreg.scatter [tilespmem:s14], [sflag:$0x2], $0x80, v4, vm0, $0xb8;
	[tilespmem:$0x10100] =	vst v63  }
0xa9: {  	_ = 	snop  }
0xaa: {  	[hbm4b:s6+s2] =	stream.indirect_vreg.scatter [tilespmem:s15], [sflag:$0x2], $0x80, v4, vm0, $0xb8;
	[tilespmem:$0x10100] =	vst v63  }
0xab: {  	_ = 	snop  }
0xac: {  	[hbm4b:s3+s2] =	stream.indirect_vreg.scatter [tilespmem:s16], [sflag:$0x2], $0x80, v3, vm0, $0xb8;
	[tilespmem:$0x10100] =	vst v63  }
0xad: {  	_ = 	snop  }
0xae: {  	[hbm4b:s4+s2] =	stream.indirect_vreg.scatter [tilespmem:s17], [sflag:$0x2], $0x80, v3, vm0, $0xb8;
	[tilespmem:$0x10100] =	vst v63  }
0xaf: {  	_ = 	snop  }
0xb0: {  	[hbm4b:s5+s2] =	stream.indirect_vreg.scatter [tilespmem:s9], [sflag:$0x2], $0x80, v3, vm0, $0xb8;
	[tilespmem:$0x10100] =	vst v63  }
0xb1: {  	_ = 	snop  }
0xb2: {  	[hbm4b:s6+s2] =	stream.indirect_vreg.scatter [tilespmem:s19], [sflag:$0x2], $0x80, v3, vm0, $0xb8;
	[tilespmem:$0x10100] =	vst v63  }
0xb3: {  	v3 =	vld [tilespmem:$0xB0];
	_ =	sdelay $0x4  }
0xb4: {  	v63 =	vshll.u32 v3, $0x3  }
0xb5: {  	v3 =	vand.u32 $0x7, v3;
	v4 =	vand.u32 $0xFFFFFFC0, v63  }
0xb6: {  	v3 =	vor.u32 v3, v4  }
0xb7: {  	v4 =	vperm.xlane v3, v0;
	_ =	sdelay $0x1  }
0xb8: {  	v4 =	vadd.s32 v1, v4;
	_ =	sdelay $0x3  }
0xb9: {  	s21 =	simm.s32 $0xC100  }
0xba: {  	[hbm4b:s3+s2] =	stream.indirect_vreg.scatter [tilespmem:s21], [sflag:$0x2], $0x80, v4, vm0, $0xb8;
	[tilespmem:$0x10100] =	vst v63  }
0xbb: {  	s20 =	simm.s32 $0xC900;
	v3 =	vperm.xlane v3, v2  }
0xbc: {  	[hbm4b:s4+s2] =	stream.indirect_vreg.scatter [tilespmem:s20], [sflag:$0x2], $0x80, v4, vm0, $0xb8;
	[tilespmem:$0x10100] =	vst v63  }
0xbd: {  	v3 =	vadd.s32 v1, v3;
	s21 =	simm.s32 $0xD100  }
0xbe: {  	[hbm4b:s5+s2] =	stream.indirect_vreg.scatter [tilespmem:s21], [sflag:$0x2], $0x80, v4, vm0, $0xb8;
	[tilespmem:$0x10100] =	vst v63  }
0xbf: {  	s20 =	simm.s32 $0xD900  }
0xc0: {  	[hbm4b:s6+s2] =	stream.indirect_vreg.scatter [tilespmem:s20], [sflag:$0x2], $0x80, v4, vm0, $0xb8;
	[tilespmem:$0x10100] =	vst v63  }
0xc1: {  	s21 =	simm.s32 $0xE100  }
0xc2: {  	[hbm4b:s3+s2] =	stream.indirect_vreg.scatter [tilespmem:s21], [sflag:$0x2], $0x80, v3, vm0, $0xb8;
	[tilespmem:$0x10100] =	vst v63  }
0xc3: {  	s20 =	simm.s32 $0xE900  }
0xc4: {  	[hbm4b:s4+s2] =	stream.indirect_vreg.scatter [tilespmem:s20], [sflag:$0x2], $0x80, v3, vm0, $0xb8;
	[tilespmem:$0x10100] =	vst v63  }
0xc5: {  	s21 =	simm.s32 $0xF100  }
0xc6: {  	[hbm4b:s5+s2] =	stream.indirect_vreg.scatter [tilespmem:s21], [sflag:$0x2], $0x80, v3, vm0, $0xb8;
	[tilespmem:$0x10100] =	vst v63  }
0xc7: {  	s20 =	simm.s32 $0x1  }
0xc8: {  	[hbm4b:s6+s2] =	stream.indirect_vreg.scatter [tilespmem:s0], [sflag:$0x2], $0x80, v3, vm0, $0xb8;
	[tilespmem:$0x10100] =	vst v63  }
0xc9: {  	p0 =	sne.s32 s7, $0x1;
	_ =	swait.ge [sflag:s20], $0x10000  }
.Ltmp0:
0xca: {  	[sflag:s20] =	ssyncset.done $0x0;
	(pc) =	sbr.rel @p0 .LBB2_1-.Ltmp0, $4  }
0xcb: {  	s21 =	simm.s32 $0x2;
	[sflag:s20] =	ssyncadd.s32 $0xFFFF0000  }
0xcc: {  	_ =	swait.ge [sflag:s21], $0x10000  }
0xcd: {  	[sflag:s21] =	ssyncset.done $0x0  }
0xce: {  	s7 =	sadd.s32 $0xFFFFFFFF, s7;
	[sflag:s21] =	ssyncadd.s32 $0xFFFF0000  }
0xcf: {  	_ =	sfence.sel $0x180000  }
0xd0: {  	[bflag:$0x0] =	sbarrier.arrive $0xFFFF  }
0xd1: {  	_ =	strace $0x90000047  }
0xd2: {  	s0 =	stileid.u32;
	[bflag:$0x2] =	sbarrier.arrive $0xFFFF  }
0xd3: {  	p0 =	sne.s32 s0, $0x0;
	s0 =	rddreg [dreg:$0x2]  }
0xd4: {  	s0 =	sadd.s32 @!p0 $0x100000, s0  }
0xd5: {  	[sflag:s0] =	ssyncadd.tile.s32 @!p0 $0x1;
	_ =	shalt  }
.Lfunc_end2:
_tile_overlayer_lowered:
.L_overlay_start_2:
0xd6: {  	(tag) =	ssettag $0x2  }
0xd7: {  	s0 =	rddreg [dreg:$0x0];
	s2 =	stileid.u32  }
0xd8: {  	s1 =	rddreg [dreg:$0x1];
	p0 =	sne.s32 s2, $0x0  }
0xd9: {  	s3 =	rddreg [dreg:$0x2];
	[bflag:$0x3] =	sbarrier.arrive $0xFFFF;
	s2 =	simm.s32 @!p0 $0x1C03  }
0xda: {  	[timem:s3], [sflag:s2] =	dma.local @!p0 [hbm:s0], s1  }
0xdb: {  	s0 =	simm.s32 @!p0 $0x3  }
0xdc: {  	_ =	swait.ge @!p0 [sflag:s0], s1  }
0xdd: {  	s1 =	ssub.s32 @!p0 $0x0, s1;
	[sflag:s0] =	ssyncset.done @!p0 $0x0  }
0xde: {  	[sflag:s0] =	ssyncadd.s32 @!p0 s1  }
0xdf: {  	[bflag:$0x3] =	sbarrier.arrive $0xFFFF  }
0xe0: {  	_ =	shalt  }

</sc_bundles>
